<compile_context>
chip_gen: v7x
topology: tpu7x:2x2x1
jax: 0.10.2.dev20260603
libtpu: 0.0.44.dev20260713+nightly
codegen_flags: <defaults>
</compile_context>

<pallas_src>
import numpy as np

import jax
import jax.numpy as jnp
from jax import lax
from jax.experimental import pallas as pl
from jax.experimental.pallas import tpu as pltpu
from jax.experimental.pallas import tpu_sc as plsc

NBINS = 100
B, C, H, W = 32, 3, 512, 512
NPIX = H * W
NC, NS = 2, 16
LANES = 16
CROWS = 64
CHUNK = CROWS * W
NCHUNK = H // CROWS
UNROLL = 8
GROUPS = CHUNK // (LANES * UNROLL)

_LO = (0.0, -128.0, -128.0)
_INV = (1.0,
        float(np.float32(1.0) / np.float32(2.55)),
        float(np.float32(1.0) / np.float32(2.55)))
_BS = (1.0, 2.55, 2.55)
_HIST_W = 128
_HSZ = _HIST_W * LANES


def _top2_scan(hist_ref, base):
    def body(b, carry):
        m, am, m2, am2 = carry
        row = hist_ref[pl.ds(base + b * LANES, LANES)]
        t = jnp.sum(row)
        gt = t > m
        gt2 = jnp.logical_and(jnp.logical_not(gt), t > m2)
        m2n = jnp.where(gt, m, jnp.where(gt2, t, m2))
        am2n = jnp.where(gt, am, jnp.where(gt2, b, am2))
        mn = jnp.where(gt, t, m)
        amn = jnp.where(gt, b, am)
        return mn, amn, m2n, am2n

    init = (jnp.int32(-1), jnp.int32(0), jnp.int32(-1), jnp.int32(0))
    _, am, _, am2 = lax.fori_loop(0, NBINS, body, init)
    return am, am2


def _peak_value(bin_idx, lo, bs):
    bc = lax.broadcast_in_dim(bin_idx, (LANES,), ())
    f = bc.astype(jnp.float32)
    return lo + (f + 0.5) * bs


def _sc_body(lab_hbm, peaks_hbm, buf0, buf1, hist, stage, sem0, sem1):
    w = lax.axis_index("s") * NC + lax.axis_index("c")
    liota = lax.iota(jnp.int32, LANES)
    ones = jnp.ones((LANES,), jnp.int32)
    zeros = jnp.zeros((LANES,), jnp.int32)
    bufs = (buf0, buf1)
    sems = (sem0, sem1)

    def zbody(i, _):
        hist[pl.ds(i * LANES, LANES)] = zeros
        return 0
    lax.fori_loop(0, C * _HIST_W, zbody, 0)

    def compute_chunk(bref, c, lo, inv, base):
        @plsc.parallel_loop(0, CHUNK // LANES, 1, unroll=UNROLL)
        def _(i):
            r = i >> 5
            col = (i & 31) * LANES
            v = bref[r, pl.ds(col, LANES)]
            if c == 0:
                t = v
            else:
                t = (v - lo) * inv
            ti = t.astype(jnp.int32)
            ti = jnp.minimum(ti, NBINS - 1)
            addr = base + ti * LANES + liota
            plsc.addupdate_scatter(hist, [addr], ones)

    for c in range(C):
        lo = jnp.float32(_LO[c])
        inv = jnp.float32(_INV[c])
        base = c * _HSZ

        def copy(k):
            return pltpu.make_async_copy(
                lab_hbm.at[w, c, pl.ds(k * CROWS, CROWS)],
                bufs[k % 2], sems[k % 2])

        copy(0).start()
        for k in range(NCHUNK):
            if k + 1 < NCHUNK:
                copy(k + 1).start()
            copy(k).wait()
            compute_chunk(bufs[k % 2], c, lo, inv, base)

    _, amL2 = _top2_scan(hist, 0 * _HSZ)
    amA, _ = _top2_scan(hist, 1 * _HSZ)
    amB, _ = _top2_scan(hist, 2 * _HSZ)
    pkL = _peak_value(amL2, _LO[0], _BS[0])
    pkA = _peak_value(amA, _LO[1], _BS[1])
    pkB = _peak_value(amB, _LO[2], _BS[2])
    out = jnp.where(liota == 0, pkL,
                    jnp.where(liota == 1, pkA,
                              jnp.where(liota == 2, pkB,
                                        jnp.float32(0.0))))
    stage[...] = out
    pltpu.sync_copy(stage, peaks_hbm.at[w])


@jax.jit
def _sc_peaks(lab3):
    mesh = plsc.VectorSubcoreMesh(core_axis_name="c", subcore_axis_name="s",
                                  num_cores=NC, num_subcores=NS)
    return pl.kernel(
        _sc_body,
        out_type=jax.ShapeDtypeStruct((B, LANES), jnp.float32),
        mesh=mesh,
        scratch_types=[
            pltpu.VMEM((CROWS, W), jnp.float32),
            pltpu.VMEM((CROWS, W), jnp.float32),
            pltpu.VMEM((C * _HSZ,), jnp.int32),
            pltpu.VMEM((LANES,), jnp.float32),
            pltpu.SemaphoreType.DMA,
            pltpu.SemaphoreType.DMA,
        ],
        compiler_params=pltpu.CompilerParams(needs_layout_passes=False),
    )(lab3)


def _norm_body(pk_ref, rl_ref, ra_ref, rb_ref, x_ref, out_ref):
    b = pl.program_id(0)
    c = pl.program_id(1)
    pk = pk_ref[b, c]
    refc = jnp.where(c == 0, rl_ref[0], jnp.where(c == 1, ra_ref[0],
                                                  rb_ref[0]))
    den = jnp.where(c == 0, jnp.float32(200.0), jnp.float32(255.0))
    off = jnp.where(c == 0, jnp.float32(0.5), jnp.float32(128.0 / 255.0))
    s = refc / (pk * den)
    out_ref[...] = x_ref[...] * s + off


@jax.jit
def _tc_norm(peaks16, ref_l, ref_a, ref_b, lab):
    return pl.pallas_call(
        _norm_body,
        grid=(B, C),
        in_specs=[
            pl.BlockSpec(memory_space=pltpu.SMEM),
            pl.BlockSpec(memory_space=pltpu.SMEM),
            pl.BlockSpec(memory_space=pltpu.SMEM),
            pl.BlockSpec(memory_space=pltpu.SMEM),
            pl.BlockSpec((1, 1, H, W), lambda b, c: (b, c, 0, 0)),
        ],
        out_specs=pl.BlockSpec((1, 1, H, W), lambda b, c: (b, c, 0, 0)),
        out_shape=jax.ShapeDtypeStruct((B, C, H, W), jnp.float32),
    )(peaks16, ref_l, ref_a, ref_b, lab)


def kernel(lab, ref_l, ref_a, ref_b):
    peaks16 = _sc_peaks(lab)
    return _tc_norm(peaks16, ref_l, ref_a, ref_b, lab)

# --- scband reference (transcript-rebuilt; emitter-appended) ---
"""Pipeline reference for scband-mask-context-50551765074343 (READ-ONLY COPY).

The authoritative reference and input builder live on the scoring server;
editing this copy changes nothing except your own understanding.
"""

import jax, jax.numpy as jnp
import numpy as np

NBINS = 100
RANGE_L = (0.0, 100.0)
RANGE_AB = (-128.0, 127.0)


def _hist(flat, lo, hi, nbins):
    # faithful to torch.histc: values outside [lo, hi] ignored; value == hi goes to last bin
    bin_size = (hi - lo) / nbins
    idx = jnp.floor((flat - lo) / bin_size).astype(jnp.int32)
    idx = jnp.clip(idx, 0, nbins - 1)
    valid = (flat >= lo) & (flat <= hi)
    idx = jnp.where(valid, idx, nbins)
    hist = jnp.bincount(idx, length=nbins + 1)[:nbins]
    return hist.astype(jnp.float32)


def _batch_second_peak(x, rng, nbins):
    # x: [B, H, W]
    B = x.shape[0]
    flat = x.reshape(B, -1)
    hists = jax.vmap(lambda v: _hist(v, rng[0], rng[1], nbins))(flat)
    _, idx = jax.lax.top_k(hists, 2)
    second_bin = idx[:, 1].astype(jnp.float32)
    bin_size = (rng[1] - rng[0]) / nbins
    return rng[0] + (second_bin + 0.5) * bin_size


def _batch_primary_peak(x, rng, nbins):
    B = x.shape[0]
    flat = x.reshape(B, -1)
    hists = jax.vmap(lambda v: _hist(v, rng[0], rng[1], nbins))(flat)
    max_bin = jnp.argmax(hists, axis=1).astype(jnp.float32)
    bin_size = (rng[1] - rng[0]) / nbins
    return rng[0] + (max_bin + 0.5) * bin_size


def setup_inputs(seed: int = 0) -> dict:
    key = jax.random.key(seed)
    k1, k2, k3, k4, k5, k6 = jax.random.split(key, 6)
    B, H, W = 32, 512, 512
    # realistic LAB values (fill=rand scaled to per-channel LAB ranges)
    L = jax.random.uniform(k1, (B, 1, H, W), dtype=jnp.float32, minval=0.0, maxval=100.0)
    A = jax.random.uniform(k2, (B, 1, H, W), dtype=jnp.float32, minval=-128.0, maxval=127.0)
    Bc = jax.random.uniform(k3, (B, 1, H, W), dtype=jnp.float32, minval=-128.0, maxval=127.0)
    lab = jnp.concatenate([L, A, Bc], axis=1)
    # learned reference parameters (torch.rand(1) init)
    ref_l = jax.random.uniform(k4, (1,), dtype=jnp.float32)
    ref_a = jax.random.uniform(k5, (1,), dtype=jnp.float32)
    ref_b = jax.random.uniform(k6, (1,), dtype=jnp.float32)
    return {"lab": lab, "ref_l": ref_l, "ref_a": ref_a, "ref_b": ref_b}


def reference(lab, ref_l, ref_a, ref_b):
    B = lab.shape[0]
    L_chan = lab[:, 0, :, :]
    A_chan = lab[:, 1, :, :]
    B_chan = lab[:, 2, :, :]
    # peaks are detached constants in torch (.item()); use stop_gradient
    peak_L = jax.lax.stop_gradient(_batch_second_peak(L_chan, RANGE_L, NBINS))
    peak_A = jax.lax.stop_gradient(_batch_primary_peak(A_chan, RANGE_AB, NBINS))
    peak_B = jax.lax.stop_gradient(_batch_primary_peak(B_chan, RANGE_AB, NBINS))
    pL = peak_L.reshape(B, 1, 1, 1)
    pA = peak_A.reshape(B, 1, 1, 1)
    pB = peak_B.reshape(B, 1, 1, 1)
    Ln = (L_chan[:, None, :, :] * ref_l / pL + 100.0) / 200.0
    An = (A_chan[:, None, :, :] * ref_a / pA + 128.0) / 255.0
    Bn = (B_chan[:, None, :, :] * ref_b / pB + 128.0) / 255.0
    return jnp.concatenate([Ln, An, Bn], axis=1)

if __name__ == "__main__":
    import jax
    _d = setup_inputs()
    print(jax.jit(kernel)(*tuple(_d.values())))

</pallas_src>

<mosaic_0001>
#map = affine_map<(d0, d1) -> (0, 0, 0, 0)>
#map1 = affine_map<(d0, d1) -> (0, 0)>
module attributes {stable_mosaic.version = 14 : i64} {
  func.func @_sc_body(%arg0: i32, %arg1: i32, %arg2: memref<32x3x512x512xf32, #tpu.memory_space<hbm>>, %arg3: memref<32x16xf32, #tpu.memory_space<hbm>>, %arg4: memref<64x512xf32, #tpu.memory_space<vmem>>, %arg5: memref<64x512xf32, #tpu.memory_space<vmem>>, %arg6: memref<6144xi32, #tpu.memory_space<vmem>>, %arg7: memref<16xf32, #tpu.memory_space<vmem>>, %arg8: memref<!tpu.dma_semaphore, #tpu.memory_space<semaphore_mem>>, %arg9: memref<!tpu.dma_semaphore, #tpu.memory_space<semaphore_mem>>) attributes {dimension_semantics = [#tpu.dimension_semantics<core_parallel>, #tpu.dimension_semantics<subcore_parallel>], iteration_bounds = array<i64: 2, 16>, scalar_prefetch = 0 : i64, scratch_operands = 6 : i64, tpu.core_type = #tpu.core_type<sc_vector_subcore>, window_params = [{transform_indices = #map}, {transform_indices = #map1}]} {
    %mul3A = arith.constant 2 : i32
    %mul3A_0 = arith.muli %arg1, %mul3A : i32
    %add3A = arith.addi %mul3A_0, %arg0 : i32
    %iota3A = tpu.iota {dimensions = array<i32: 0>} : vector<16xi32>
    %broadcast_in_dim3A = arith.constant 1 : i32
    %broadcast_in_dim3A_1 = vector.broadcast %broadcast_in_dim3A : i32 to vector<16xi32>
    %broadcast_in_dim3A_2 = arith.constant 0 : i32
    %broadcast_in_dim3A_3 = vector.broadcast %broadcast_in_dim3A_2 : i32 to vector<16xi32>
    %scan3A = arith.constant 0 : i32
    %scan3A_4 = arith.constant 0 : i32
    %scan3A_5 = arith.constant 384 : i32
    %scan3A_6 = arith.addi %scan3A_4, %scan3A_5 : i32
    %scan3A_7 = arith.constant 1 : i32
    %scan3A_8 = scf.for %scan3A_617 = %scan3A_4 to %scan3A_6 step %scan3A_7 iter_args(%scan3A_618 = %scan3A) -> (i32)  : i32 {
      %mul3A_619 = arith.constant 16 : i32
      %mul3A_620 = arith.muli %scan3A_617, %mul3A_619 : i32
      %swap3A_621 = arith.index_cast %mul3A_620 : i32 to index
      %swap3A_622 = tpu.vector_load %arg6[%swap3A_621] {strides = array<i32>} : memref<6144xi32, #tpu.memory_space<vmem>>, vector<16xi32>,
      tpu.vector_store %arg6[%swap3A_621], %broadcast_in_dim3A_3 {strides = array<i32>} : memref<6144xi32, #tpu.memory_space<vmem>>, vector<16xi32>,
      %scan3A_623 = arith.constant 0 : i32
      scf.yield %scan3A_623 : i32
    }
    %scan3A_9 = arith.constant 384 : i32
    %dma_start3A = arith.constant 0 : i32
    %dma_start3A_10 = arith.constant 0 : i32
    %dma_start3A_11 = arith.constant 0 : i32
    %dma_start3A_12 = tpu.memref_slice %arg2[%add3A, %dma_start3A, %dma_start3A_10, %dma_start3A_11] : memref<32x3x512x512xf32, #tpu.memory_space<hbm>> -> memref<1x1x64x512xf32, #tpu.memory_space<hbm>>
    %dma_start3A_13 = tpu.memref_squeeze %dma_start3A_12 : memref<1x1x64x512xf32, #tpu.memory_space<hbm>> -> memref<64x512xf32, #tpu.memory_space<hbm>>
    %dma_start3A_14 = arith.constant 0 : i32
    %dma_start3A_15 = arith.constant 0 : i32
    %dma_start3A_16 = tpu.memref_slice %arg2[%add3A, %dma_start3A, %dma_start3A_14, %dma_start3A_15] : memref<32x3x512x512xf32, #tpu.memory_space<hbm>> -> memref<1x1x64x512xf32, #tpu.memory_space<hbm>>
    %dma_start3A_17 = tpu.memref_squeeze %dma_start3A_16 : memref<1x1x64x512xf32, #tpu.memory_space<hbm>> -> memref<64x512xf32, #tpu.memory_space<hbm>>
    tpu.enqueue_dma source(%dma_start3A_17 : memref<64x512xf32, #tpu.memory_space<hbm>>) target(%arg4 : memref<64x512xf32, #tpu.memory_space<vmem>>) target_semaphore(%arg8 : memref<!tpu.dma_semaphore, #tpu.memory_space<semaphore_mem>>)
    %dma_start3A_18 = arith.constant 0 : i32
    %dma_start3A_19 = arith.constant 64 : i32
    %dma_start3A_20 = arith.constant 0 : i32
    %dma_start3A_21 = tpu.memref_slice %arg2[%add3A, %dma_start3A_18, %dma_start3A_19, %dma_start3A_20] : memref<32x3x512x512xf32, #tpu.memory_space<hbm>> -> memref<1x1x64x512xf32, #tpu.memory_space<hbm>>
    %dma_start3A_22 = tpu.memref_squeeze %dma_start3A_21 : memref<1x1x64x512xf32, #tpu.memory_space<hbm>> -> memref<64x512xf32, #tpu.memory_space<hbm>>
    %dma_start3A_23 = arith.constant 64 : i32
    %dma_start3A_24 = arith.constant 0 : i32
    %dma_start3A_25 = tpu.memref_slice %arg2[%add3A, %dma_start3A_18, %dma_start3A_23, %dma_start3A_24] : memref<32x3x512x512xf32, #tpu.memory_space<hbm>> -> memref<1x1x64x512xf32, #tpu.memory_space<hbm>>
    %dma_start3A_26 = tpu.memref_squeeze %dma_start3A_25 : memref<1x1x64x512xf32, #tpu.memory_space<hbm>> -> memref<64x512xf32, #tpu.memory_space<hbm>>
    tpu.enqueue_dma source(%dma_start3A_26 : memref<64x512xf32, #tpu.memory_space<hbm>>) target(%arg5 : memref<64x512xf32, #tpu.memory_space<vmem>>) target_semaphore(%arg9 : memref<!tpu.dma_semaphore, #tpu.memory_space<semaphore_mem>>)
    %dma_wait3A = arith.constant 0 : i32
    %dma_wait3A_27 = arith.constant 0 : i32
    %dma_wait3A_28 = arith.constant 0 : i32
    %dma_wait3A_29 = tpu.memref_slice %arg2[%add3A, %dma_wait3A, %dma_wait3A_27, %dma_wait3A_28] : memref<32x3x512x512xf32, #tpu.memory_space<hbm>> -> memref<1x1x64x512xf32, #tpu.memory_space<hbm>>
    %dma_wait3A_30 = tpu.memref_squeeze %dma_wait3A_29 : memref<1x1x64x512xf32, #tpu.memory_space<hbm>> -> memref<64x512xf32, #tpu.memory_space<hbm>>
    %dma_wait3A_31 = arith.constant 0 : i32
    %dma_wait3A_32 = arith.constant 0 : i32
    %dma_wait3A_33 = tpu.memref_slice %arg2[%add3A, %dma_wait3A, %dma_wait3A_31, %dma_wait3A_32] : memref<32x3x512x512xf32, #tpu.memory_space<hbm>> -> memref<1x1x64x512xf32, #tpu.memory_space<hbm>>
    %dma_wait3A_34 = tpu.memref_squeeze %dma_wait3A_33 : memref<1x1x64x512xf32, #tpu.memory_space<hbm>> -> memref<64x512xf32, #tpu.memory_space<hbm>>
    tpu.wait_dma2 semaphore(%arg8 : memref<!tpu.dma_semaphore, #tpu.memory_space<semaphore_mem>>) src(%dma_wait3A_34 : memref<64x512xf32, #tpu.memory_space<hbm>>) dst(%arg4 : memref<64x512xf32, #tpu.memory_space<vmem>>)
    %parallel_loop3A = arith.constant 0 : i32
    %parallel_loop3A_35 = arith.constant 2048 : i32
    %parallel_loop3A_36 = arith.constant 1 : i32
    scf.for %parallel_loop3A_617 = %parallel_loop3A to %parallel_loop3A_35 step %parallel_loop3A_36  : i32 {
      %parallel_loop3A_618 = arith.constant 5 : i32
      %parallel_loop3A_619 = arith.shrsi %parallel_loop3A_617, %parallel_loop3A_618 : i32
      %parallel_loop3A_620 = arith.constant 31 : i32
      %parallel_loop3A_621 = arith.andi %parallel_loop3A_617, %parallel_loop3A_620 : i32
      %parallel_loop3A_622 = arith.constant 16 : i32
      %parallel_loop3A_623 = arith.muli %parallel_loop3A_621, %parallel_loop3A_622 : i32
      %parallel_loop3A_624 = arith.index_cast %parallel_loop3A_619 : i32 to index
      %parallel_loop3A_625 = arith.index_cast %parallel_loop3A_623 : i32 to index
      %parallel_loop3A_626 = tpu.vector_load %arg4[%parallel_loop3A_624, %parallel_loop3A_625] {strides = array<i32>} : memref<64x512xf32, #tpu.memory_space<vmem>>, vector<16xf32>,
      %parallel_loop3A_627 = arith.fptosi %parallel_loop3A_626 : vector<16xf32> to vector<16xi32>
      %parallel_loop3A_628 = arith.constant 99 : i32
      %parallel_loop3A_629 = vector.broadcast %parallel_loop3A_628 : i32 to vector<16xi32>
      %parallel_loop3A_630 = arith.minsi %parallel_loop3A_627, %parallel_loop3A_629 : vector<16xi32>
      %parallel_loop3A_631 = arith.constant 16 : i32
      %parallel_loop3A_632 = vector.broadcast %parallel_loop3A_631 : i32 to vector<16xi32>
      %parallel_loop3A_633 = arith.muli %parallel_loop3A_630, %parallel_loop3A_632 : vector<16xi32>
      %parallel_loop3A_634 = arith.constant 0 : i32
      %parallel_loop3A_635 = vector.broadcast %parallel_loop3A_634 : i32 to vector<16xi32>
      %parallel_loop3A_636 = arith.addi %parallel_loop3A_635, %parallel_loop3A_633 : vector<16xi32>
      %parallel_loop3A_637 = arith.addi %parallel_loop3A_636, %iota3A : vector<16xi32>
      tpu.vector_store_idx %arg6[%parallel_loop3A_637], %broadcast_in_dim3A_1 {add = true} : memref<6144xi32, #tpu.memory_space<vmem>>[vector<16xi32>], vector<16xi32>,
    } {sc.loop_unroll_factor = 8 : i64, sc.parallel_access}
    %dma_start3A_37 = arith.constant 0 : i32
    %dma_start3A_38 = arith.constant 128 : i32
    %dma_start3A_39 = arith.constant 0 : i32
    %dma_start3A_40 = tpu.memref_slice %arg2[%add3A, %dma_start3A_37, %dma_start3A_38, %dma_start3A_39] : memref<32x3x512x512xf32, #tpu.memory_space<hbm>> -> memref<1x1x64x512xf32, #tpu.memory_space<hbm>>
    %dma_start3A_41 = tpu.memref_squeeze %dma_start3A_40 : memref<1x1x64x512xf32, #tpu.memory_space<hbm>> -> memref<64x512xf32, #tpu.memory_space<hbm>>
    %dma_start3A_42 = arith.constant 128 : i32
    %dma_start3A_43 = arith.constant 0 : i32
    %dma_start3A_44 = tpu.memref_slice %arg2[%add3A, %dma_start3A_37, %dma_start3A_42, %dma_start3A_43] : memref<32x3x512x512xf32, #tpu.memory_space<hbm>> -> memref<1x1x64x512xf32, #tpu.memory_space<hbm>>
    %dma_start3A_45 = tpu.memref_squeeze %dma_start3A_44 : memref<1x1x64x512xf32, #tpu.memory_space<hbm>> -> memref<64x512xf32, #tpu.memory_space<hbm>>
    tpu.enqueue_dma source(%dma_start3A_45 : memref<64x512xf32, #tpu.memory_space<hbm>>) target(%arg4 : memref<64x512xf32, #tpu.memory_space<vmem>>) target_semaphore(%arg8 : memref<!tpu.dma_semaphore, #tpu.memory_space<semaphore_mem>>)
    %dma_wait3A_46 = arith.constant 0 : i32
    %dma_wait3A_47 = arith.constant 64 : i32
    %dma_wait3A_48 = arith.constant 0 : i32
    %dma_wait3A_49 = tpu.memref_slice %arg2[%add3A, %dma_wait3A_46, %dma_wait3A_47, %dma_wait3A_48] : memref<32x3x512x512xf32, #tpu.memory_space<hbm>> -> memref<1x1x64x512xf32, #tpu.memory_space<hbm>>
    %dma_wait3A_50 = tpu.memref_squeeze %dma_wait3A_49 : memref<1x1x64x512xf32, #tpu.memory_space<hbm>> -> memref<64x512xf32, #tpu.memory_space<hbm>>
    %dma_wait3A_51 = arith.constant 64 : i32
    %dma_wait3A_52 = arith.constant 0 : i32
    %dma_wait3A_53 = tpu.memref_slice %arg2[%add3A, %dma_wait3A_46, %dma_wait3A_51, %dma_wait3A_52] : memref<32x3x512x512xf32, #tpu.memory_space<hbm>> -> memref<1x1x64x512xf32, #tpu.memory_space<hbm>>
    %dma_wait3A_54 = tpu.memref_squeeze %dma_wait3A_53 : memref<1x1x64x512xf32, #tpu.memory_space<hbm>> -> memref<64x512xf32, #tpu.memory_space<hbm>>
    tpu.wait_dma2 semaphore(%arg9 : memref<!tpu.dma_semaphore, #tpu.memory_space<semaphore_mem>>) src(%dma_wait3A_54 : memref<64x512xf32, #tpu.memory_space<hbm>>) dst(%arg5 : memref<64x512xf32, #tpu.memory_space<vmem>>)
    %parallel_loop3A_55 = arith.constant 0 : i32
    %parallel_loop3A_56 = arith.constant 2048 : i32
    %parallel_loop3A_57 = arith.constant 1 : i32
    scf.for %parallel_loop3A_617 = %parallel_loop3A_55 to %parallel_loop3A_56 step %parallel_loop3A_57  : i32 {
      %parallel_loop3A_618 = arith.constant 5 : i32
      %parallel_loop3A_619 = arith.shrsi %parallel_loop3A_617, %parallel_loop3A_618 : i32
      %parallel_loop3A_620 = arith.constant 31 : i32
      %parallel_loop3A_621 = arith.andi %parallel_loop3A_617, %parallel_loop3A_620 : i32
      %parallel_loop3A_622 = arith.constant 16 : i32
      %parallel_loop3A_623 = arith.muli %parallel_loop3A_621, %parallel_loop3A_622 : i32
      %parallel_loop3A_624 = arith.index_cast %parallel_loop3A_619 : i32 to index
      %parallel_loop3A_625 = arith.index_cast %parallel_loop3A_623 : i32 to index
      %parallel_loop3A_626 = tpu.vector_load %arg5[%parallel_loop3A_624, %parallel_loop3A_625] {strides = array<i32>} : memref<64x512xf32, #tpu.memory_space<vmem>>, vector<16xf32>,
      %parallel_loop3A_627 = arith.fptosi %parallel_loop3A_626 : vector<16xf32> to vector<16xi32>
      %parallel_loop3A_628 = arith.constant 99 : i32
      %parallel_loop3A_629 = vector.broadcast %parallel_loop3A_628 : i32 to vector<16xi32>
      %parallel_loop3A_630 = arith.minsi %parallel_loop3A_627, %parallel_loop3A_629 : vector<16xi32>
      %parallel_loop3A_631 = arith.constant 16 : i32
      %parallel_loop3A_632 = vector.broadcast %parallel_loop3A_631 : i32 to vector<16xi32>
      %parallel_loop3A_633 = arith.muli %parallel_loop3A_630, %parallel_loop3A_632 : vector<16xi32>
      %parallel_loop3A_634 = arith.constant 0 : i32
      %parallel_loop3A_635 = vector.broadcast %parallel_loop3A_634 : i32 to vector<16xi32>
      %parallel_loop3A_636 = arith.addi %parallel_loop3A_635, %parallel_loop3A_633 : vector<16xi32>
      %parallel_loop3A_637 = arith.addi %parallel_loop3A_636, %iota3A : vector<16xi32>
      tpu.vector_store_idx %arg6[%parallel_loop3A_637], %broadcast_in_dim3A_1 {add = true} : memref<6144xi32, #tpu.memory_space<vmem>>[vector<16xi32>], vector<16xi32>,
    } {sc.loop_unroll_factor = 8 : i64, sc.parallel_access}
    %dma_start3A_58 = arith.constant 0 : i32
    %dma_start3A_59 = arith.constant 192 : i32
    %dma_start3A_60 = arith.constant 0 : i32
    %dma_start3A_61 = tpu.memref_slice %arg2[%add3A, %dma_start3A_58, %dma_start3A_59, %dma_start3A_60] : memref<32x3x512x512xf32, #tpu.memory_space<hbm>> -> memref<1x1x64x512xf32, #tpu.memory_space<hbm>>
    %dma_start3A_62 = tpu.memref_squeeze %dma_start3A_61 : memref<1x1x64x512xf32, #tpu.memory_space<hbm>> -> memref<64x512xf32, #tpu.memory_space<hbm>>
    %dma_start3A_63 = arith.constant 192 : i32
    %dma_start3A_64 = arith.constant 0 : i32
    %dma_start3A_65 = tpu.memref_slice %arg2[%add3A, %dma_start3A_58, %dma_start3A_63, %dma_start3A_64] : memref<32x3x512x512xf32, #tpu.memory_space<hbm>> -> memref<1x1x64x512xf32, #tpu.memory_space<hbm>>
    %dma_start3A_66 = tpu.memref_squeeze %dma_start3A_65 : memref<1x1x64x512xf32, #tpu.memory_space<hbm>> -> memref<64x512xf32, #tpu.memory_space<hbm>>
    tpu.enqueue_dma source(%dma_start3A_66 : memref<64x512xf32, #tpu.memory_space<hbm>>) target(%arg5 : memref<64x512xf32, #tpu.memory_space<vmem>>) target_semaphore(%arg9 : memref<!tpu.dma_semaphore, #tpu.memory_space<semaphore_mem>>)
    %dma_wait3A_67 = arith.constant 0 : i32
    %dma_wait3A_68 = arith.constant 128 : i32
    %dma_wait3A_69 = arith.constant 0 : i32
    %dma_wait3A_70 = tpu.memref_slice %arg2[%add3A, %dma_wait3A_67, %dma_wait3A_68, %dma_wait3A_69] : memref<32x3x512x512xf32, #tpu.memory_space<hbm>> -> memref<1x1x64x512xf32, #tpu.memory_space<hbm>>
    %dma_wait3A_71 = tpu.memref_squeeze %dma_wait3A_70 : memref<1x1x64x512xf32, #tpu.memory_space<hbm>> -> memref<64x512xf32, #tpu.memory_space<hbm>>
    %dma_wait3A_72 = arith.constant 128 : i32
    %dma_wait3A_73 = arith.constant 0 : i32
    %dma_wait3A_74 = tpu.memref_slice %arg2[%add3A, %dma_wait3A_67, %dma_wait3A_72, %dma_wait3A_73] : memref<32x3x512x512xf32, #tpu.memory_space<hbm>> -> memref<1x1x64x512xf32, #tpu.memory_space<hbm>>
    %dma_wait3A_75 = tpu.memref_squeeze %dma_wait3A_74 : memref<1x1x64x512xf32, #tpu.memory_space<hbm>> -> memref<64x512xf32, #tpu.memory_space<hbm>>
    tpu.wait_dma2 semaphore(%arg8 : memref<!tpu.dma_semaphore, #tpu.memory_space<semaphore_mem>>) src(%dma_wait3A_75 : memref<64x512xf32, #tpu.memory_space<hbm>>) dst(%arg4 : memref<64x512xf32, #tpu.memory_space<vmem>>)
    %parallel_loop3A_76 = arith.constant 0 : i32
    %parallel_loop3A_77 = arith.constant 2048 : i32
    %parallel_loop3A_78 = arith.constant 1 : i32
    scf.for %parallel_loop3A_617 = %parallel_loop3A_76 to %parallel_loop3A_77 step %parallel_loop3A_78  : i32 {
      %parallel_loop3A_618 = arith.constant 5 : i32
      %parallel_loop3A_619 = arith.shrsi %parallel_loop3A_617, %parallel_loop3A_618 : i32
      %parallel_loop3A_620 = arith.constant 31 : i32
      %parallel_loop3A_621 = arith.andi %parallel_loop3A_617, %parallel_loop3A_620 : i32
      %parallel_loop3A_622 = arith.constant 16 : i32
      %parallel_loop3A_623 = arith.muli %parallel_loop3A_621, %parallel_loop3A_622 : i32
      %parallel_loop3A_624 = arith.index_cast %parallel_loop3A_619 : i32 to index
      %parallel_loop3A_625 = arith.index_cast %parallel_loop3A_623 : i32 to index
      %parallel_loop3A_626 = tpu.vector_load %arg4[%parallel_loop3A_624, %parallel_loop3A_625] {strides = array<i32>} : memref<64x512xf32, #tpu.memory_space<vmem>>, vector<16xf32>,
      %parallel_loop3A_627 = arith.fptosi %parallel_loop3A_626 : vector<16xf32> to vector<16xi32>
      %parallel_loop3A_628 = arith.constant 99 : i32
      %parallel_loop3A_629 = vector.broadcast %parallel_loop3A_628 : i32 to vector<16xi32>
      %parallel_loop3A_630 = arith.minsi %parallel_loop3A_627, %parallel_loop3A_629 : vector<16xi32>
      %parallel_loop3A_631 = arith.constant 16 : i32
      %parallel_loop3A_632 = vector.broadcast %parallel_loop3A_631 : i32 to vector<16xi32>
      %parallel_loop3A_633 = arith.muli %parallel_loop3A_630, %parallel_loop3A_632 : vector<16xi32>
      %parallel_loop3A_634 = arith.constant 0 : i32
      %parallel_loop3A_635 = vector.broadcast %parallel_loop3A_634 : i32 to vector<16xi32>
      %parallel_loop3A_636 = arith.addi %parallel_loop3A_635, %parallel_loop3A_633 : vector<16xi32>
      %parallel_loop3A_637 = arith.addi %parallel_loop3A_636, %iota3A : vector<16xi32>
      tpu.vector_store_idx %arg6[%parallel_loop3A_637], %broadcast_in_dim3A_1 {add = true} : memref<6144xi32, #tpu.memory_space<vmem>>[vector<16xi32>], vector<16xi32>,
    } {sc.loop_unroll_factor = 8 : i64, sc.parallel_access}
    %dma_start3A_79 = arith.constant 0 : i32
    %dma_start3A_80 = arith.constant 256 : i32
    %dma_start3A_81 = arith.constant 0 : i32
    %dma_start3A_82 = tpu.memref_slice %arg2[%add3A, %dma_start3A_79, %dma_start3A_80, %dma_start3A_81] : memref<32x3x512x512xf32, #tpu.memory_space<hbm>> -> memref<1x1x64x512xf32, #tpu.memory_space<hbm>>
    %dma_start3A_83 = tpu.memref_squeeze %dma_start3A_82 : memref<1x1x64x512xf32, #tpu.memory_space<hbm>> -> memref<64x512xf32, #tpu.memory_space<hbm>>
    %dma_start3A_84 = arith.constant 256 : i32
    %dma_start3A_85 = arith.constant 0 : i32
    %dma_start3A_86 = tpu.memref_slice %arg2[%add3A, %dma_start3A_79, %dma_start3A_84, %dma_start3A_85] : memref<32x3x512x512xf32, #tpu.memory_space<hbm>> -> memref<1x1x64x512xf32, #tpu.memory_space<hbm>>
    %dma_start3A_87 = tpu.memref_squeeze %dma_start3A_86 : memref<1x1x64x512xf32, #tpu.memory_space<hbm>> -> memref<64x512xf32, #tpu.memory_space<hbm>>
    tpu.enqueue_dma source(%dma_start3A_87 : memref<64x512xf32, #tpu.memory_space<hbm>>) target(%arg4 : memref<64x512xf32, #tpu.memory_space<vmem>>) target_semaphore(%arg8 : memref<!tpu.dma_semaphore, #tpu.memory_space<semaphore_mem>>)
    %dma_wait3A_88 = arith.constant 0 : i32
    %dma_wait3A_89 = arith.constant 192 : i32
    %dma_wait3A_90 = arith.constant 0 : i32
    %dma_wait3A_91 = tpu.memref_slice %arg2[%add3A, %dma_wait3A_88, %dma_wait3A_89, %dma_wait3A_90] : memref<32x3x512x512xf32, #tpu.memory_space<hbm>> -> memref<1x1x64x512xf32, #tpu.memory_space<hbm>>
    %dma_wait3A_92 = tpu.memref_squeeze %dma_wait3A_91 : memref<1x1x64x512xf32, #tpu.memory_space<hbm>> -> memref<64x512xf32, #tpu.memory_space<hbm>>
    %dma_wait3A_93 = arith.constant 192 : i32
    %dma_wait3A_94 = arith.constant 0 : i32
    %dma_wait3A_95 = tpu.memref_slice %arg2[%add3A, %dma_wait3A_88, %dma_wait3A_93, %dma_wait3A_94] : memref<32x3x512x512xf32, #tpu.memory_space<hbm>> -> memref<1x1x64x512xf32, #tpu.memory_space<hbm>>
    %dma_wait3A_96 = tpu.memref_squeeze %dma_wait3A_95 : memref<1x1x64x512xf32, #tpu.memory_space<hbm>> -> memref<64x512xf32, #tpu.memory_space<hbm>>
    tpu.wait_dma2 semaphore(%arg9 : memref<!tpu.dma_semaphore, #tpu.memory_space<semaphore_mem>>) src(%dma_wait3A_96 : memref<64x512xf32, #tpu.memory_space<hbm>>) dst(%arg5 : memref<64x512xf32, #tpu.memory_space<vmem>>)
    %parallel_loop3A_97 = arith.constant 0 : i32
    %parallel_loop3A_98 = arith.constant 2048 : i32
    %parallel_loop3A_99 = arith.constant 1 : i32
    scf.for %parallel_loop3A_617 = %parallel_loop3A_97 to %parallel_loop3A_98 step %parallel_loop3A_99  : i32 {
      %parallel_loop3A_618 = arith.constant 5 : i32
      %parallel_loop3A_619 = arith.shrsi %parallel_loop3A_617, %parallel_loop3A_618 : i32
      %parallel_loop3A_620 = arith.constant 31 : i32
      %parallel_loop3A_621 = arith.andi %parallel_loop3A_617, %parallel_loop3A_620 : i32
      %parallel_loop3A_622 = arith.constant 16 : i32
      %parallel_loop3A_623 = arith.muli %parallel_loop3A_621, %parallel_loop3A_622 : i32
      %parallel_loop3A_624 = arith.index_cast %parallel_loop3A_619 : i32 to index
      %parallel_loop3A_625 = arith.index_cast %parallel_loop3A_623 : i32 to index
      %parallel_loop3A_626 = tpu.vector_load %arg5[%parallel_loop3A_624, %parallel_loop3A_625] {strides = array<i32>} : memref<64x512xf32, #tpu.memory_space<vmem>>, vector<16xf32>,
      %parallel_loop3A_627 = arith.fptosi %parallel_loop3A_626 : vector<16xf32> to vector<16xi32>
      %parallel_loop3A_628 = arith.constant 99 : i32
      %parallel_loop3A_629 = vector.broadcast %parallel_loop3A_628 : i32 to vector<16xi32>
      %parallel_loop3A_630 = arith.minsi %parallel_loop3A_627, %parallel_loop3A_629 : vector<16xi32>
      %parallel_loop3A_631 = arith.constant 16 : i32
      %parallel_loop3A_632 = vector.broadcast %parallel_loop3A_631 : i32 to vector<16xi32>
      %parallel_loop3A_633 = arith.muli %parallel_loop3A_630, %parallel_loop3A_632 : vector<16xi32>
      %parallel_loop3A_634 = arith.constant 0 : i32
      %parallel_loop3A_635 = vector.broadcast %parallel_loop3A_634 : i32 to vector<16xi32>
      %parallel_loop3A_636 = arith.addi %parallel_loop3A_635, %parallel_loop3A_633 : vector<16xi32>
      %parallel_loop3A_637 = arith.addi %parallel_loop3A_636, %iota3A : vector<16xi32>
      tpu.vector_store_idx %arg6[%parallel_loop3A_637], %broadcast_in_dim3A_1 {add = true} : memref<6144xi32, #tpu.memory_space<vmem>>[vector<16xi32>], vector<16xi32>,
    } {sc.loop_unroll_factor = 8 : i64, sc.parallel_access}
    %dma_start3A_100 = arith.constant 0 : i32
    %dma_start3A_101 = arith.constant 320 : i32
    %dma_start3A_102 = arith.constant 0 : i32
    %dma_start3A_103 = tpu.memref_slice %arg2[%add3A, %dma_start3A_100, %dma_start3A_101, %dma_start3A_102] : memref<32x3x512x512xf32, #tpu.memory_space<hbm>> -> memref<1x1x64x512xf32, #tpu.memory_space<hbm>>
    %dma_start3A_104 = tpu.memref_squeeze %dma_start3A_103 : memref<1x1x64x512xf32, #tpu.memory_space<hbm>> -> memref<64x512xf32, #tpu.memory_space<hbm>>
    %dma_start3A_105 = arith.constant 320 : i32
    %dma_start3A_106 = arith.constant 0 : i32
    %dma_start3A_107 = tpu.memref_slice %arg2[%add3A, %dma_start3A_100, %dma_start3A_105, %dma_start3A_106] : memref<32x3x512x512xf32, #tpu.memory_space<hbm>> -> memref<1x1x64x512xf32, #tpu.memory_space<hbm>>
    %dma_start3A_108 = tpu.memref_squeeze %dma_start3A_107 : memref<1x1x64x512xf32, #tpu.memory_space<hbm>> -> memref<64x512xf32, #tpu.memory_space<hbm>>
    tpu.enqueue_dma source(%dma_start3A_108 : memref<64x512xf32, #tpu.memory_space<hbm>>) target(%arg5 : memref<64x512xf32, #tpu.memory_space<vmem>>) target_semaphore(%arg9 : memref<!tpu.dma_semaphore, #tpu.memory_space<semaphore_mem>>)
    %dma_wait3A_109 = arith.constant 0 : i32
    %dma_wait3A_110 = arith.constant 256 : i32
    %dma_wait3A_111 = arith.constant 0 : i32
    %dma_wait3A_112 = tpu.memref_slice %arg2[%add3A, %dma_wait3A_109, %dma_wait3A_110, %dma_wait3A_111] : memref<32x3x512x512xf32, #tpu.memory_space<hbm>> -> memref<1x1x64x512xf32, #tpu.memory_space<hbm>>
    %dma_wait3A_113 = tpu.memref_squeeze %dma_wait3A_112 : memref<1x1x64x512xf32, #tpu.memory_space<hbm>> -> memref<64x512xf32, #tpu.memory_space<hbm>>
    %dma_wait3A_114 = arith.constant 256 : i32
    %dma_wait3A_115 = arith.constant 0 : i32
    %dma_wait3A_116 = tpu.memref_slice %arg2[%add3A, %dma_wait3A_109, %dma_wait3A_114, %dma_wait3A_115] : memref<32x3x512x512xf32, #tpu.memory_space<hbm>> -> memref<1x1x64x512xf32, #tpu.memory_space<hbm>>
    %dma_wait3A_117 = tpu.memref_squeeze %dma_wait3A_116 : memref<1x1x64x512xf32, #tpu.memory_space<hbm>> -> memref<64x512xf32, #tpu.memory_space<hbm>>
    tpu.wait_dma2 semaphore(%arg8 : memref<!tpu.dma_semaphore, #tpu.memory_space<semaphore_mem>>) src(%dma_wait3A_117 : memref<64x512xf32, #tpu.memory_space<hbm>>) dst(%arg4 : memref<64x512xf32, #tpu.memory_space<vmem>>)
    %parallel_loop3A_118 = arith.constant 0 : i32
    %parallel_loop3A_119 = arith.constant 2048 : i32
    %parallel_loop3A_120 = arith.constant 1 : i32
    scf.for %parallel_loop3A_617 = %parallel_loop3A_118 to %parallel_loop3A_119 step %parallel_loop3A_120  : i32 {
      %parallel_loop3A_618 = arith.constant 5 : i32
      %parallel_loop3A_619 = arith.shrsi %parallel_loop3A_617, %parallel_loop3A_618 : i32
      %parallel_loop3A_620 = arith.constant 31 : i32
      %parallel_loop3A_621 = arith.andi %parallel_loop3A_617, %parallel_loop3A_620 : i32
      %parallel_loop3A_622 = arith.constant 16 : i32
      %parallel_loop3A_623 = arith.muli %parallel_loop3A_621, %parallel_loop3A_622 : i32
      %parallel_loop3A_624 = arith.index_cast %parallel_loop3A_619 : i32 to index
      %parallel_loop3A_625 = arith.index_cast %parallel_loop3A_623 : i32 to index
      %parallel_loop3A_626 = tpu.vector_load %arg4[%parallel_loop3A_624, %parallel_loop3A_625] {strides = array<i32>} : memref<64x512xf32, #tpu.memory_space<vmem>>, vector<16xf32>,
      %parallel_loop3A_627 = arith.fptosi %parallel_loop3A_626 : vector<16xf32> to vector<16xi32>
      %parallel_loop3A_628 = arith.constant 99 : i32
      %parallel_loop3A_629 = vector.broadcast %parallel_loop3A_628 : i32 to vector<16xi32>
      %parallel_loop3A_630 = arith.minsi %parallel_loop3A_627, %parallel_loop3A_629 : vector<16xi32>
      %parallel_loop3A_631 = arith.constant 16 : i32
      %parallel_loop3A_632 = vector.broadcast %parallel_loop3A_631 : i32 to vector<16xi32>
      %parallel_loop3A_633 = arith.muli %parallel_loop3A_630, %parallel_loop3A_632 : vector<16xi32>
      %parallel_loop3A_634 = arith.constant 0 : i32
      %parallel_loop3A_635 = vector.broadcast %parallel_loop3A_634 : i32 to vector<16xi32>
      %parallel_loop3A_636 = arith.addi %parallel_loop3A_635, %parallel_loop3A_633 : vector<16xi32>
      %parallel_loop3A_637 = arith.addi %parallel_loop3A_636, %iota3A : vector<16xi32>
      tpu.vector_store_idx %arg6[%parallel_loop3A_637], %broadcast_in_dim3A_1 {add = true} : memref<6144xi32, #tpu.memory_space<vmem>>[vector<16xi32>], vector<16xi32>,
    } {sc.loop_unroll_factor = 8 : i64, sc.parallel_access}
    %dma_start3A_121 = arith.constant 0 : i32
    %dma_start3A_122 = arith.constant 384 : i32
    %dma_start3A_123 = arith.constant 0 : i32
    %dma_start3A_124 = tpu.memref_slice %arg2[%add3A, %dma_start3A_121, %dma_start3A_122, %dma_start3A_123] : memref<32x3x512x512xf32, #tpu.memory_space<hbm>> -> memref<1x1x64x512xf32, #tpu.memory_space<hbm>>
    %dma_start3A_125 = tpu.memref_squeeze %dma_start3A_124 : memref<1x1x64x512xf32, #tpu.memory_space<hbm>> -> memref<64x512xf32, #tpu.memory_space<hbm>>
    %dma_start3A_126 = arith.constant 384 : i32
    %dma_start3A_127 = arith.constant 0 : i32
    %dma_start3A_128 = tpu.memref_slice %arg2[%add3A, %dma_start3A_121, %dma_start3A_126, %dma_start3A_127] : memref<32x3x512x512xf32, #tpu.memory_space<hbm>> -> memref<1x1x64x512xf32, #tpu.memory_space<hbm>>
    %dma_start3A_129 = tpu.memref_squeeze %dma_start3A_128 : memref<1x1x64x512xf32, #tpu.memory_space<hbm>> -> memref<64x512xf32, #tpu.memory_space<hbm>>
    tpu.enqueue_dma source(%dma_start3A_129 : memref<64x512xf32, #tpu.memory_space<hbm>>) target(%arg4 : memref<64x512xf32, #tpu.memory_space<vmem>>) target_semaphore(%arg8 : memref<!tpu.dma_semaphore, #tpu.memory_space<semaphore_mem>>)
    %dma_wait3A_130 = arith.constant 0 : i32
    %dma_wait3A_131 = arith.constant 320 : i32
    %dma_wait3A_132 = arith.constant 0 : i32
    %dma_wait3A_133 = tpu.memref_slice %arg2[%add3A, %dma_wait3A_130, %dma_wait3A_131, %dma_wait3A_132] : memref<32x3x512x512xf32, #tpu.memory_space<hbm>> -> memref<1x1x64x512xf32, #tpu.memory_space<hbm>>
    %dma_wait3A_134 = tpu.memref_squeeze %dma_wait3A_133 : memref<1x1x64x512xf32, #tpu.memory_space<hbm>> -> memref<64x512xf32, #tpu.memory_space<hbm>>
    %dma_wait3A_135 = arith.constant 320 : i32
    %dma_wait3A_136 = arith.constant 0 : i32
    %dma_wait3A_137 = tpu.memref_slice %arg2[%add3A, %dma_wait3A_130, %dma_wait3A_135, %dma_wait3A_136] : memref<32x3x512x512xf32, #tpu.memory_space<hbm>> -> memref<1x1x64x512xf32, #tpu.memory_space<hbm>>
    %dma_wait3A_138 = tpu.memref_squeeze %dma_wait3A_137 : memref<1x1x64x512xf32, #tpu.memory_space<hbm>> -> memref<64x512xf32, #tpu.memory_space<hbm>>
    tpu.wait_dma2 semaphore(%arg9 : memref<!tpu.dma_semaphore, #tpu.memory_space<semaphore_mem>>) src(%dma_wait3A_138 : memref<64x512xf32, #tpu.memory_space<hbm>>) dst(%arg5 : memref<64x512xf32, #tpu.memory_space<vmem>>)
    %parallel_loop3A_139 = arith.constant 0 : i32
    %parallel_loop3A_140 = arith.constant 2048 : i32
    %parallel_loop3A_141 = arith.constant 1 : i32
    scf.for %parallel_loop3A_617 = %parallel_loop3A_139 to %parallel_loop3A_140 step %parallel_loop3A_141  : i32 {
      %parallel_loop3A_618 = arith.constant 5 : i32
      %parallel_loop3A_619 = arith.shrsi %parallel_loop3A_617, %parallel_loop3A_618 : i32
      %parallel_loop3A_620 = arith.constant 31 : i32
      %parallel_loop3A_621 = arith.andi %parallel_loop3A_617, %parallel_loop3A_620 : i32
      %parallel_loop3A_622 = arith.constant 16 : i32
      %parallel_loop3A_623 = arith.muli %parallel_loop3A_621, %parallel_loop3A_622 : i32
      %parallel_loop3A_624 = arith.index_cast %parallel_loop3A_619 : i32 to index
      %parallel_loop3A_625 = arith.index_cast %parallel_loop3A_623 : i32 to index
      %parallel_loop3A_626 = tpu.vector_load %arg5[%parallel_loop3A_624, %parallel_loop3A_625] {strides = array<i32>} : memref<64x512xf32, #tpu.memory_space<vmem>>, vector<16xf32>,
      %parallel_loop3A_627 = arith.fptosi %parallel_loop3A_626 : vector<16xf32> to vector<16xi32>
      %parallel_loop3A_628 = arith.constant 99 : i32
      %parallel_loop3A_629 = vector.broadcast %parallel_loop3A_628 : i32 to vector<16xi32>
      %parallel_loop3A_630 = arith.minsi %parallel_loop3A_627, %parallel_loop3A_629 : vector<16xi32>
      %parallel_loop3A_631 = arith.constant 16 : i32
      %parallel_loop3A_632 = vector.broadcast %parallel_loop3A_631 : i32 to vector<16xi32>
      %parallel_loop3A_633 = arith.muli %parallel_loop3A_630, %parallel_loop3A_632 : vector<16xi32>
      %parallel_loop3A_634 = arith.constant 0 : i32
      %parallel_loop3A_635 = vector.broadcast %parallel_loop3A_634 : i32 to vector<16xi32>
      %parallel_loop3A_636 = arith.addi %parallel_loop3A_635, %parallel_loop3A_633 : vector<16xi32>
      %parallel_loop3A_637 = arith.addi %parallel_loop3A_636, %iota3A : vector<16xi32>
      tpu.vector_store_idx %arg6[%parallel_loop3A_637], %broadcast_in_dim3A_1 {add = true} : memref<6144xi32, #tpu.memory_space<vmem>>[vector<16xi32>], vector<16xi32>,
    } {sc.loop_unroll_factor = 8 : i64, sc.parallel_access}
    %dma_start3A_142 = arith.constant 0 : i32
    %dma_start3A_143 = arith.constant 448 : i32
    %dma_start3A_144 = arith.constant 0 : i32
    %dma_start3A_145 = tpu.memref_slice %arg2[%add3A, %dma_start3A_142, %dma_start3A_143, %dma_start3A_144] : memref<32x3x512x512xf32, #tpu.memory_space<hbm>> -> memref<1x1x64x512xf32, #tpu.memory_space<hbm>>
    %dma_start3A_146 = tpu.memref_squeeze %dma_start3A_145 : memref<1x1x64x512xf32, #tpu.memory_space<hbm>> -> memref<64x512xf32, #tpu.memory_space<hbm>>
    %dma_start3A_147 = arith.constant 448 : i32
    %dma_start3A_148 = arith.constant 0 : i32
    %dma_start3A_149 = tpu.memref_slice %arg2[%add3A, %dma_start3A_142, %dma_start3A_147, %dma_start3A_148] : memref<32x3x512x512xf32, #tpu.memory_space<hbm>> -> memref<1x1x64x512xf32, #tpu.memory_space<hbm>>
    %dma_start3A_150 = tpu.memref_squeeze %dma_start3A_149 : memref<1x1x64x512xf32, #tpu.memory_space<hbm>> -> memref<64x512xf32, #tpu.memory_space<hbm>>
    tpu.enqueue_dma source(%dma_start3A_150 : memref<64x512xf32, #tpu.memory_space<hbm>>) target(%arg5 : memref<64x512xf32, #tpu.memory_space<vmem>>) target_semaphore(%arg9 : memref<!tpu.dma_semaphore, #tpu.memory_space<semaphore_mem>>)
    %dma_wait3A_151 = arith.constant 0 : i32
    %dma_wait3A_152 = arith.constant 384 : i32
    %dma_wait3A_153 = arith.constant 0 : i32
    %dma_wait3A_154 = tpu.memref_slice %arg2[%add3A, %dma_wait3A_151, %dma_wait3A_152, %dma_wait3A_153] : memref<32x3x512x512xf32, #tpu.memory_space<hbm>> -> memref<1x1x64x512xf32, #tpu.memory_space<hbm>>
    %dma_wait3A_155 = tpu.memref_squeeze %dma_wait3A_154 : memref<1x1x64x512xf32, #tpu.memory_space<hbm>> -> memref<64x512xf32, #tpu.memory_space<hbm>>
    %dma_wait3A_156 = arith.constant 384 : i32
    %dma_wait3A_157 = arith.constant 0 : i32
    %dma_wait3A_158 = tpu.memref_slice %arg2[%add3A, %dma_wait3A_151, %dma_wait3A_156, %dma_wait3A_157] : memref<32x3x512x512xf32, #tpu.memory_space<hbm>> -> memref<1x1x64x512xf32, #tpu.memory_space<hbm>>
    %dma_wait3A_159 = tpu.memref_squeeze %dma_wait3A_158 : memref<1x1x64x512xf32, #tpu.memory_space<hbm>> -> memref<64x512xf32, #tpu.memory_space<hbm>>
    tpu.wait_dma2 semaphore(%arg8 : memref<!tpu.dma_semaphore, #tpu.memory_space<semaphore_mem>>) src(%dma_wait3A_159 : memref<64x512xf32, #tpu.memory_space<hbm>>) dst(%arg4 : memref<64x512xf32, #tpu.memory_space<vmem>>)
    %parallel_loop3A_160 = arith.constant 0 : i32
    %parallel_loop3A_161 = arith.constant 2048 : i32
    %parallel_loop3A_162 = arith.constant 1 : i32
    scf.for %parallel_loop3A_617 = %parallel_loop3A_160 to %parallel_loop3A_161 step %parallel_loop3A_162  : i32 {
      %parallel_loop3A_618 = arith.constant 5 : i32
      %parallel_loop3A_619 = arith.shrsi %parallel_loop3A_617, %parallel_loop3A_618 : i32
      %parallel_loop3A_620 = arith.constant 31 : i32
      %parallel_loop3A_621 = arith.andi %parallel_loop3A_617, %parallel_loop3A_620 : i32
      %parallel_loop3A_622 = arith.constant 16 : i32
      %parallel_loop3A_623 = arith.muli %parallel_loop3A_621, %parallel_loop3A_622 : i32
      %parallel_loop3A_624 = arith.index_cast %parallel_loop3A_619 : i32 to index
      %parallel_loop3A_625 = arith.index_cast %parallel_loop3A_623 : i32 to index
      %parallel_loop3A_626 = tpu.vector_load %arg4[%parallel_loop3A_624, %parallel_loop3A_625] {strides = array<i32>} : memref<64x512xf32, #tpu.memory_space<vmem>>, vector<16xf32>,
      %parallel_loop3A_627 = arith.fptosi %parallel_loop3A_626 : vector<16xf32> to vector<16xi32>
      %parallel_loop3A_628 = arith.constant 99 : i32
      %parallel_loop3A_629 = vector.broadcast %parallel_loop3A_628 : i32 to vector<16xi32>
      %parallel_loop3A_630 = arith.minsi %parallel_loop3A_627, %parallel_loop3A_629 : vector<16xi32>
      %parallel_loop3A_631 = arith.constant 16 : i32
      %parallel_loop3A_632 = vector.broadcast %parallel_loop3A_631 : i32 to vector<16xi32>
      %parallel_loop3A_633 = arith.muli %parallel_loop3A_630, %parallel_loop3A_632 : vector<16xi32>
      %parallel_loop3A_634 = arith.constant 0 : i32
      %parallel_loop3A_635 = vector.broadcast %parallel_loop3A_634 : i32 to vector<16xi32>
      %parallel_loop3A_636 = arith.addi %parallel_loop3A_635, %parallel_loop3A_633 : vector<16xi32>
      %parallel_loop3A_637 = arith.addi %parallel_loop3A_636, %iota3A : vector<16xi32>
      tpu.vector_store_idx %arg6[%parallel_loop3A_637], %broadcast_in_dim3A_1 {add = true} : memref<6144xi32, #tpu.memory_space<vmem>>[vector<16xi32>], vector<16xi32>,
    } {sc.loop_unroll_factor = 8 : i64, sc.parallel_access}
    %dma_wait3A_163 = arith.constant 0 : i32
    %dma_wait3A_164 = arith.constant 448 : i32
    %dma_wait3A_165 = arith.constant 0 : i32
    %dma_wait3A_166 = tpu.memref_slice %arg2[%add3A, %dma_wait3A_163, %dma_wait3A_164, %dma_wait3A_165] : memref<32x3x512x512xf32, #tpu.memory_space<hbm>> -> memref<1x1x64x512xf32, #tpu.memory_space<hbm>>
    %dma_wait3A_167 = tpu.memref_squeeze %dma_wait3A_166 : memref<1x1x64x512xf32, #tpu.memory_space<hbm>> -> memref<64x512xf32, #tpu.memory_space<hbm>>
    %dma_wait3A_168 = arith.constant 448 : i32
    %dma_wait3A_169 = arith.constant 0 : i32
    %dma_wait3A_170 = tpu.memref_slice %arg2[%add3A, %dma_wait3A_163, %dma_wait3A_168, %dma_wait3A_169] : memref<32x3x512x512xf32, #tpu.memory_space<hbm>> -> memref<1x1x64x512xf32, #tpu.memory_space<hbm>>
    %dma_wait3A_171 = tpu.memref_squeeze %dma_wait3A_170 : memref<1x1x64x512xf32, #tpu.memory_space<hbm>> -> memref<64x512xf32, #tpu.memory_space<hbm>>
    tpu.wait_dma2 semaphore(%arg9 : memref<!tpu.dma_semaphore, #tpu.memory_space<semaphore_mem>>) src(%dma_wait3A_171 : memref<64x512xf32, #tpu.memory_space<hbm>>) dst(%arg5 : memref<64x512xf32, #tpu.memory_space<vmem>>)
    %parallel_loop3A_172 = arith.constant 0 : i32
    %parallel_loop3A_173 = arith.constant 2048 : i32
    %parallel_loop3A_174 = arith.constant 1 : i32
    scf.for %parallel_loop3A_617 = %parallel_loop3A_172 to %parallel_loop3A_173 step %parallel_loop3A_174  : i32 {
      %parallel_loop3A_618 = arith.constant 5 : i32
      %parallel_loop3A_619 = arith.shrsi %parallel_loop3A_617, %parallel_loop3A_618 : i32
      %parallel_loop3A_620 = arith.constant 31 : i32
      %parallel_loop3A_621 = arith.andi %parallel_loop3A_617, %parallel_loop3A_620 : i32
      %parallel_loop3A_622 = arith.constant 16 : i32
      %parallel_loop3A_623 = arith.muli %parallel_loop3A_621, %parallel_loop3A_622 : i32
      %parallel_loop3A_624 = arith.index_cast %parallel_loop3A_619 : i32 to index
      %parallel_loop3A_625 = arith.index_cast %parallel_loop3A_623 : i32 to index
      %parallel_loop3A_626 = tpu.vector_load %arg5[%parallel_loop3A_624, %parallel_loop3A_625] {strides = array<i32>} : memref<64x512xf32, #tpu.memory_space<vmem>>, vector<16xf32>,
      %parallel_loop3A_627 = arith.fptosi %parallel_loop3A_626 : vector<16xf32> to vector<16xi32>
      %parallel_loop3A_628 = arith.constant 99 : i32
      %parallel_loop3A_629 = vector.broadcast %parallel_loop3A_628 : i32 to vector<16xi32>
      %parallel_loop3A_630 = arith.minsi %parallel_loop3A_627, %parallel_loop3A_629 : vector<16xi32>
      %parallel_loop3A_631 = arith.constant 16 : i32
      %parallel_loop3A_632 = vector.broadcast %parallel_loop3A_631 : i32 to vector<16xi32>
      %parallel_loop3A_633 = arith.muli %parallel_loop3A_630, %parallel_loop3A_632 : vector<16xi32>
      %parallel_loop3A_634 = arith.constant 0 : i32
      %parallel_loop3A_635 = vector.broadcast %parallel_loop3A_634 : i32 to vector<16xi32>
      %parallel_loop3A_636 = arith.addi %parallel_loop3A_635, %parallel_loop3A_633 : vector<16xi32>
      %parallel_loop3A_637 = arith.addi %parallel_loop3A_636, %iota3A : vector<16xi32>
      tpu.vector_store_idx %arg6[%parallel_loop3A_637], %broadcast_in_dim3A_1 {add = true} : memref<6144xi32, #tpu.memory_space<vmem>>[vector<16xi32>], vector<16xi32>,
    } {sc.loop_unroll_factor = 8 : i64, sc.parallel_access}
    %dma_start3A_175 = arith.constant 1 : i32
    %dma_start3A_176 = arith.constant 0 : i32
    %dma_start3A_177 = arith.constant 0 : i32
    %dma_start3A_178 = tpu.memref_slice %arg2[%add3A, %dma_start3A_175, %dma_start3A_176, %dma_start3A_177] : memref<32x3x512x512xf32, #tpu.memory_space<hbm>> -> memref<1x1x64x512xf32, #tpu.memory_space<hbm>>
    %dma_start3A_179 = tpu.memref_squeeze %dma_start3A_178 : memref<1x1x64x512xf32, #tpu.memory_space<hbm>> -> memref<64x512xf32, #tpu.memory_space<hbm>>
    %dma_start3A_180 = arith.constant 0 : i32
    %dma_start3A_181 = arith.constant 0 : i32
    %dma_start3A_182 = tpu.memref_slice %arg2[%add3A, %dma_start3A_175, %dma_start3A_180, %dma_start3A_181] : memref<32x3x512x512xf32, #tpu.memory_space<hbm>> -> memref<1x1x64x512xf32, #tpu.memory_space<hbm>>
    %dma_start3A_183 = tpu.memref_squeeze %dma_start3A_182 : memref<1x1x64x512xf32, #tpu.memory_space<hbm>> -> memref<64x512xf32, #tpu.memory_space<hbm>>
    tpu.enqueue_dma source(%dma_start3A_183 : memref<64x512xf32, #tpu.memory_space<hbm>>) target(%arg4 : memref<64x512xf32, #tpu.memory_space<vmem>>) target_semaphore(%arg8 : memref<!tpu.dma_semaphore, #tpu.memory_space<semaphore_mem>>)
    %dma_start3A_184 = arith.constant 1 : i32
    %dma_start3A_185 = arith.constant 64 : i32
    %dma_start3A_186 = arith.constant 0 : i32
    %dma_start3A_187 = tpu.memref_slice %arg2[%add3A, %dma_start3A_184, %dma_start3A_185, %dma_start3A_186] : memref<32x3x512x512xf32, #tpu.memory_space<hbm>> -> memref<1x1x64x512xf32, #tpu.memory_space<hbm>>
    %dma_start3A_188 = tpu.memref_squeeze %dma_start3A_187 : memref<1x1x64x512xf32, #tpu.memory_space<hbm>> -> memref<64x512xf32, #tpu.memory_space<hbm>>
    %dma_start3A_189 = arith.constant 64 : i32
    %dma_start3A_190 = arith.constant 0 : i32
    %dma_start3A_191 = tpu.memref_slice %arg2[%add3A, %dma_start3A_184, %dma_start3A_189, %dma_start3A_190] : memref<32x3x512x512xf32, #tpu.memory_space<hbm>> -> memref<1x1x64x512xf32, #tpu.memory_space<hbm>>
    %dma_start3A_192 = tpu.memref_squeeze %dma_start3A_191 : memref<1x1x64x512xf32, #tpu.memory_space<hbm>> -> memref<64x512xf32, #tpu.memory_space<hbm>>
    tpu.enqueue_dma source(%dma_start3A_192 : memref<64x512xf32, #tpu.memory_space<hbm>>) target(%arg5 : memref<64x512xf32, #tpu.memory_space<vmem>>) target_semaphore(%arg9 : memref<!tpu.dma_semaphore, #tpu.memory_space<semaphore_mem>>)
    %dma_wait3A_193 = arith.constant 1 : i32
    %dma_wait3A_194 = arith.constant 0 : i32
    %dma_wait3A_195 = arith.constant 0 : i32
    %dma_wait3A_196 = tpu.memref_slice %arg2[%add3A, %dma_wait3A_193, %dma_wait3A_194, %dma_wait3A_195] : memref<32x3x512x512xf32, #tpu.memory_space<hbm>> -> memref<1x1x64x512xf32, #tpu.memory_space<hbm>>
    %dma_wait3A_197 = tpu.memref_squeeze %dma_wait3A_196 : memref<1x1x64x512xf32, #tpu.memory_space<hbm>> -> memref<64x512xf32, #tpu.memory_space<hbm>>
    %dma_wait3A_198 = arith.constant 0 : i32
    %dma_wait3A_199 = arith.constant 0 : i32
    %dma_wait3A_200 = tpu.memref_slice %arg2[%add3A, %dma_wait3A_193, %dma_wait3A_198, %dma_wait3A_199] : memref<32x3x512x512xf32, #tpu.memory_space<hbm>> -> memref<1x1x64x512xf32, #tpu.memory_space<hbm>>
    %dma_wait3A_201 = tpu.memref_squeeze %dma_wait3A_200 : memref<1x1x64x512xf32, #tpu.memory_space<hbm>> -> memref<64x512xf32, #tpu.memory_space<hbm>>
    tpu.wait_dma2 semaphore(%arg8 : memref<!tpu.dma_semaphore, #tpu.memory_space<semaphore_mem>>) src(%dma_wait3A_201 : memref<64x512xf32, #tpu.memory_space<hbm>>) dst(%arg4 : memref<64x512xf32, #tpu.memory_space<vmem>>)
    %parallel_loop3A_202 = arith.constant 0 : i32
    %parallel_loop3A_203 = arith.constant 2048 : i32
    %parallel_loop3A_204 = arith.constant 1 : i32
    %parallel_loop3A_205 = arith.constant -1.280000e+02 : f32
    %parallel_loop3A_206 = arith.constant 0.392156869 : f32
    scf.for %parallel_loop3A_617 = %parallel_loop3A_202 to %parallel_loop3A_203 step %parallel_loop3A_204  : i32 {
      %parallel_loop3A_618 = arith.constant 5 : i32
      %parallel_loop3A_619 = arith.shrsi %parallel_loop3A_617, %parallel_loop3A_618 : i32
      %parallel_loop3A_620 = arith.constant 31 : i32
      %parallel_loop3A_621 = arith.andi %parallel_loop3A_617, %parallel_loop3A_620 : i32
      %parallel_loop3A_622 = arith.constant 16 : i32
      %parallel_loop3A_623 = arith.muli %parallel_loop3A_621, %parallel_loop3A_622 : i32
      %parallel_loop3A_624 = arith.index_cast %parallel_loop3A_619 : i32 to index
      %parallel_loop3A_625 = arith.index_cast %parallel_loop3A_623 : i32 to index
      %parallel_loop3A_626 = tpu.vector_load %arg4[%parallel_loop3A_624, %parallel_loop3A_625] {strides = array<i32>} : memref<64x512xf32, #tpu.memory_space<vmem>>, vector<16xf32>,
      %parallel_loop3A_627 = vector.broadcast %parallel_loop3A_205 : f32 to vector<16xf32>
      %parallel_loop3A_628 = arith.subf %parallel_loop3A_626, %parallel_loop3A_627 : vector<16xf32>
      %parallel_loop3A_629 = vector.broadcast %parallel_loop3A_206 : f32 to vector<16xf32>
      %parallel_loop3A_630 = arith.mulf %parallel_loop3A_628, %parallel_loop3A_629 : vector<16xf32>
      %parallel_loop3A_631 = arith.fptosi %parallel_loop3A_630 : vector<16xf32> to vector<16xi32>
      %parallel_loop3A_632 = arith.constant 99 : i32
      %parallel_loop3A_633 = vector.broadcast %parallel_loop3A_632 : i32 to vector<16xi32>
      %parallel_loop3A_634 = arith.minsi %parallel_loop3A_631, %parallel_loop3A_633 : vector<16xi32>
      %parallel_loop3A_635 = arith.constant 16 : i32
      %parallel_loop3A_636 = vector.broadcast %parallel_loop3A_635 : i32 to vector<16xi32>
      %parallel_loop3A_637 = arith.muli %parallel_loop3A_634, %parallel_loop3A_636 : vector<16xi32>
      %parallel_loop3A_638 = arith.constant 2048 : i32
      %parallel_loop3A_639 = vector.broadcast %parallel_loop3A_638 : i32 to vector<16xi32>
      %parallel_loop3A_640 = arith.addi %parallel_loop3A_639, %parallel_loop3A_637 : vector<16xi32>
      %parallel_loop3A_641 = arith.addi %parallel_loop3A_640, %iota3A : vector<16xi32>
      tpu.vector_store_idx %arg6[%parallel_loop3A_641], %broadcast_in_dim3A_1 {add = true} : memref<6144xi32, #tpu.memory_space<vmem>>[vector<16xi32>], vector<16xi32>,
    } {sc.loop_unroll_factor = 8 : i64, sc.parallel_access}
    %dma_start3A_207 = arith.constant 1 : i32
    %dma_start3A_208 = arith.constant 128 : i32
    %dma_start3A_209 = arith.constant 0 : i32
    %dma_start3A_210 = tpu.memref_slice %arg2[%add3A, %dma_start3A_207, %dma_start3A_208, %dma_start3A_209] : memref<32x3x512x512xf32, #tpu.memory_space<hbm>> -> memref<1x1x64x512xf32, #tpu.memory_space<hbm>>
    %dma_start3A_211 = tpu.memref_squeeze %dma_start3A_210 : memref<1x1x64x512xf32, #tpu.memory_space<hbm>> -> memref<64x512xf32, #tpu.memory_space<hbm>>
    %dma_start3A_212 = arith.constant 128 : i32
    %dma_start3A_213 = arith.constant 0 : i32
    %dma_start3A_214 = tpu.memref_slice %arg2[%add3A, %dma_start3A_207, %dma_start3A_212, %dma_start3A_213] : memref<32x3x512x512xf32, #tpu.memory_space<hbm>> -> memref<1x1x64x512xf32, #tpu.memory_space<hbm>>
    %dma_start3A_215 = tpu.memref_squeeze %dma_start3A_214 : memref<1x1x64x512xf32, #tpu.memory_space<hbm>> -> memref<64x512xf32, #tpu.memory_space<hbm>>
    tpu.enqueue_dma source(%dma_start3A_215 : memref<64x512xf32, #tpu.memory_space<hbm>>) target(%arg4 : memref<64x512xf32, #tpu.memory_space<vmem>>) target_semaphore(%arg8 : memref<!tpu.dma_semaphore, #tpu.memory_space<semaphore_mem>>)
    %dma_wait3A_216 = arith.constant 1 : i32
    %dma_wait3A_217 = arith.constant 64 : i32
    %dma_wait3A_218 = arith.constant 0 : i32
    %dma_wait3A_219 = tpu.memref_slice %arg2[%add3A, %dma_wait3A_216, %dma_wait3A_217, %dma_wait3A_218] : memref<32x3x512x512xf32, #tpu.memory_space<hbm>> -> memref<1x1x64x512xf32, #tpu.memory_space<hbm>>
    %dma_wait3A_220 = tpu.memref_squeeze %dma_wait3A_219 : memref<1x1x64x512xf32, #tpu.memory_space<hbm>> -> memref<64x512xf32, #tpu.memory_space<hbm>>
    %dma_wait3A_221 = arith.constant 64 : i32
    %dma_wait3A_222 = arith.constant 0 : i32
    %dma_wait3A_223 = tpu.memref_slice %arg2[%add3A, %dma_wait3A_216, %dma_wait3A_221, %dma_wait3A_222] : memref<32x3x512x512xf32, #tpu.memory_space<hbm>> -> memref<1x1x64x512xf32, #tpu.memory_space<hbm>>
    %dma_wait3A_224 = tpu.memref_squeeze %dma_wait3A_223 : memref<1x1x64x512xf32, #tpu.memory_space<hbm>> -> memref<64x512xf32, #tpu.memory_space<hbm>>
    tpu.wait_dma2 semaphore(%arg9 : memref<!tpu.dma_semaphore, #tpu.memory_space<semaphore_mem>>) src(%dma_wait3A_224 : memref<64x512xf32, #tpu.memory_space<hbm>>) dst(%arg5 : memref<64x512xf32, #tpu.memory_space<vmem>>)
    %parallel_loop3A_225 = arith.constant 0 : i32
    %parallel_loop3A_226 = arith.constant 2048 : i32
    %parallel_loop3A_227 = arith.constant 1 : i32
    %parallel_loop3A_228 = arith.constant -1.280000e+02 : f32
    %parallel_loop3A_229 = arith.constant 0.392156869 : f32
    scf.for %parallel_loop3A_617 = %parallel_loop3A_225 to %parallel_loop3A_226 step %parallel_loop3A_227  : i32 {
      %parallel_loop3A_618 = arith.constant 5 : i32
      %parallel_loop3A_619 = arith.shrsi %parallel_loop3A_617, %parallel_loop3A_618 : i32
      %parallel_loop3A_620 = arith.constant 31 : i32
      %parallel_loop3A_621 = arith.andi %parallel_loop3A_617, %parallel_loop3A_620 : i32
      %parallel_loop3A_622 = arith.constant 16 : i32
      %parallel_loop3A_623 = arith.muli %parallel_loop3A_621, %parallel_loop3A_622 : i32
      %parallel_loop3A_624 = arith.index_cast %parallel_loop3A_619 : i32 to index
      %parallel_loop3A_625 = arith.index_cast %parallel_loop3A_623 : i32 to index
      %parallel_loop3A_626 = tpu.vector_load %arg5[%parallel_loop3A_624, %parallel_loop3A_625] {strides = array<i32>} : memref<64x512xf32, #tpu.memory_space<vmem>>, vector<16xf32>,
      %parallel_loop3A_627 = vector.broadcast %parallel_loop3A_228 : f32 to vector<16xf32>
      %parallel_loop3A_628 = arith.subf %parallel_loop3A_626, %parallel_loop3A_627 : vector<16xf32>
      %parallel_loop3A_629 = vector.broadcast %parallel_loop3A_229 : f32 to vector<16xf32>
      %parallel_loop3A_630 = arith.mulf %parallel_loop3A_628, %parallel_loop3A_629 : vector<16xf32>
      %parallel_loop3A_631 = arith.fptosi %parallel_loop3A_630 : vector<16xf32> to vector<16xi32>
      %parallel_loop3A_632 = arith.constant 99 : i32
      %parallel_loop3A_633 = vector.broadcast %parallel_loop3A_632 : i32 to vector<16xi32>
      %parallel_loop3A_634 = arith.minsi %parallel_loop3A_631, %parallel_loop3A_633 : vector<16xi32>
      %parallel_loop3A_635 = arith.constant 16 : i32
      %parallel_loop3A_636 = vector.broadcast %parallel_loop3A_635 : i32 to vector<16xi32>
      %parallel_loop3A_637 = arith.muli %parallel_loop3A_634, %parallel_loop3A_636 : vector<16xi32>
      %parallel_loop3A_638 = arith.constant 2048 : i32
      %parallel_loop3A_639 = vector.broadcast %parallel_loop3A_638 : i32 to vector<16xi32>
      %parallel_loop3A_640 = arith.addi %parallel_loop3A_639, %parallel_loop3A_637 : vector<16xi32>
      %parallel_loop3A_641 = arith.addi %parallel_loop3A_640, %iota3A : vector<16xi32>
      tpu.vector_store_idx %arg6[%parallel_loop3A_641], %broadcast_in_dim3A_1 {add = true} : memref<6144xi32, #tpu.memory_space<vmem>>[vector<16xi32>], vector<16xi32>,
    } {sc.loop_unroll_factor = 8 : i64, sc.parallel_access}
    %dma_start3A_230 = arith.constant 1 : i32
    %dma_start3A_231 = arith.constant 192 : i32
    %dma_start3A_232 = arith.constant 0 : i32
    %dma_start3A_233 = tpu.memref_slice %arg2[%add3A, %dma_start3A_230, %dma_start3A_231, %dma_start3A_232] : memref<32x3x512x512xf32, #tpu.memory_space<hbm>> -> memref<1x1x64x512xf32, #tpu.memory_space<hbm>>
    %dma_start3A_234 = tpu.memref_squeeze %dma_start3A_233 : memref<1x1x64x512xf32, #tpu.memory_space<hbm>> -> memref<64x512xf32, #tpu.memory_space<hbm>>
    %dma_start3A_235 = arith.constant 192 : i32
    %dma_start3A_236 = arith.constant 0 : i32
    %dma_start3A_237 = tpu.memref_slice %arg2[%add3A, %dma_start3A_230, %dma_start3A_235, %dma_start3A_236] : memref<32x3x512x512xf32, #tpu.memory_space<hbm>> -> memref<1x1x64x512xf32, #tpu.memory_space<hbm>>
    %dma_start3A_238 = tpu.memref_squeeze %dma_start3A_237 : memref<1x1x64x512xf32, #tpu.memory_space<hbm>> -> memref<64x512xf32, #tpu.memory_space<hbm>>
    tpu.enqueue_dma source(%dma_start3A_238 : memref<64x512xf32, #tpu.memory_space<hbm>>) target(%arg5 : memref<64x512xf32, #tpu.memory_space<vmem>>) target_semaphore(%arg9 : memref<!tpu.dma_semaphore, #tpu.memory_space<semaphore_mem>>)
    %dma_wait3A_239 = arith.constant 1 : i32
    %dma_wait3A_240 = arith.constant 128 : i32
    %dma_wait3A_241 = arith.constant 0 : i32
    %dma_wait3A_242 = tpu.memref_slice %arg2[%add3A, %dma_wait3A_239, %dma_wait3A_240, %dma_wait3A_241] : memref<32x3x512x512xf32, #tpu.memory_space<hbm>> -> memref<1x1x64x512xf32, #tpu.memory_space<hbm>>
    %dma_wait3A_243 = tpu.memref_squeeze %dma_wait3A_242 : memref<1x1x64x512xf32, #tpu.memory_space<hbm>> -> memref<64x512xf32, #tpu.memory_space<hbm>>
    %dma_wait3A_244 = arith.constant 128 : i32
    %dma_wait3A_245 = arith.constant 0 : i32
    %dma_wait3A_246 = tpu.memref_slice %arg2[%add3A, %dma_wait3A_239, %dma_wait3A_244, %dma_wait3A_245] : memref<32x3x512x512xf32, #tpu.memory_space<hbm>> -> memref<1x1x64x512xf32, #tpu.memory_space<hbm>>
    %dma_wait3A_247 = tpu.memref_squeeze %dma_wait3A_246 : memref<1x1x64x512xf32, #tpu.memory_space<hbm>> -> memref<64x512xf32, #tpu.memory_space<hbm>>
    tpu.wait_dma2 semaphore(%arg8 : memref<!tpu.dma_semaphore, #tpu.memory_space<semaphore_mem>>) src(%dma_wait3A_247 : memref<64x512xf32, #tpu.memory_space<hbm>>) dst(%arg4 : memref<64x512xf32, #tpu.memory_space<vmem>>)
    %parallel_loop3A_248 = arith.constant 0 : i32
    %parallel_loop3A_249 = arith.constant 2048 : i32
    %parallel_loop3A_250 = arith.constant 1 : i32
    %parallel_loop3A_251 = arith.constant -1.280000e+02 : f32
    %parallel_loop3A_252 = arith.constant 0.392156869 : f32
    scf.for %parallel_loop3A_617 = %parallel_loop3A_248 to %parallel_loop3A_249 step %parallel_loop3A_250  : i32 {
      %parallel_loop3A_618 = arith.constant 5 : i32
      %parallel_loop3A_619 = arith.shrsi %parallel_loop3A_617, %parallel_loop3A_618 : i32
      %parallel_loop3A_620 = arith.constant 31 : i32
      %parallel_loop3A_621 = arith.andi %parallel_loop3A_617, %parallel_loop3A_620 : i32
      %parallel_loop3A_622 = arith.constant 16 : i32
      %parallel_loop3A_623 = arith.muli %parallel_loop3A_621, %parallel_loop3A_622 : i32
      %parallel_loop3A_624 = arith.index_cast %parallel_loop3A_619 : i32 to index
      %parallel_loop3A_625 = arith.index_cast %parallel_loop3A_623 : i32 to index
      %parallel_loop3A_626 = tpu.vector_load %arg4[%parallel_loop3A_624, %parallel_loop3A_625] {strides = array<i32>} : memref<64x512xf32, #tpu.memory_space<vmem>>, vector<16xf32>,
      %parallel_loop3A_627 = vector.broadcast %parallel_loop3A_251 : f32 to vector<16xf32>
      %parallel_loop3A_628 = arith.subf %parallel_loop3A_626, %parallel_loop3A_627 : vector<16xf32>
      %parallel_loop3A_629 = vector.broadcast %parallel_loop3A_252 : f32 to vector<16xf32>
      %parallel_loop3A_630 = arith.mulf %parallel_loop3A_628, %parallel_loop3A_629 : vector<16xf32>
      %parallel_loop3A_631 = arith.fptosi %parallel_loop3A_630 : vector<16xf32> to vector<16xi32>
      %parallel_loop3A_632 = arith.constant 99 : i32
      %parallel_loop3A_633 = vector.broadcast %parallel_loop3A_632 : i32 to vector<16xi32>
      %parallel_loop3A_634 = arith.minsi %parallel_loop3A_631, %parallel_loop3A_633 : vector<16xi32>
      %parallel_loop3A_635 = arith.constant 16 : i32
      %parallel_loop3A_636 = vector.broadcast %parallel_loop3A_635 : i32 to vector<16xi32>
      %parallel_loop3A_637 = arith.muli %parallel_loop3A_634, %parallel_loop3A_636 : vector<16xi32>
      %parallel_loop3A_638 = arith.constant 2048 : i32
      %parallel_loop3A_639 = vector.broadcast %parallel_loop3A_638 : i32 to vector<16xi32>
      %parallel_loop3A_640 = arith.addi %parallel_loop3A_639, %parallel_loop3A_637 : vector<16xi32>
      %parallel_loop3A_641 = arith.addi %parallel_loop3A_640, %iota3A : vector<16xi32>
      tpu.vector_store_idx %arg6[%parallel_loop3A_641], %broadcast_in_dim3A_1 {add = true} : memref<6144xi32, #tpu.memory_space<vmem>>[vector<16xi32>], vector<16xi32>,
    } {sc.loop_unroll_factor = 8 : i64, sc.parallel_access}
    %dma_start3A_253 = arith.constant 1 : i32
    %dma_start3A_254 = arith.constant 256 : i32
    %dma_start3A_255 = arith.constant 0 : i32
    %dma_start3A_256 = tpu.memref_slice %arg2[%add3A, %dma_start3A_253, %dma_start3A_254, %dma_start3A_255] : memref<32x3x512x512xf32, #tpu.memory_space<hbm>> -> memref<1x1x64x512xf32, #tpu.memory_space<hbm>>
    %dma_start3A_257 = tpu.memref_squeeze %dma_start3A_256 : memref<1x1x64x512xf32, #tpu.memory_space<hbm>> -> memref<64x512xf32, #tpu.memory_space<hbm>>
    %dma_start3A_258 = arith.constant 256 : i32
    %dma_start3A_259 = arith.constant 0 : i32
    %dma_start3A_260 = tpu.memref_slice %arg2[%add3A, %dma_start3A_253, %dma_start3A_258, %dma_start3A_259] : memref<32x3x512x512xf32, #tpu.memory_space<hbm>> -> memref<1x1x64x512xf32, #tpu.memory_space<hbm>>
    %dma_start3A_261 = tpu.memref_squeeze %dma_start3A_260 : memref<1x1x64x512xf32, #tpu.memory_space<hbm>> -> memref<64x512xf32, #tpu.memory_space<hbm>>
    tpu.enqueue_dma source(%dma_start3A_261 : memref<64x512xf32, #tpu.memory_space<hbm>>) target(%arg4 : memref<64x512xf32, #tpu.memory_space<vmem>>) target_semaphore(%arg8 : memref<!tpu.dma_semaphore, #tpu.memory_space<semaphore_mem>>)
    %dma_wait3A_262 = arith.constant 1 : i32
    %dma_wait3A_263 = arith.constant 192 : i32
    %dma_wait3A_264 = arith.constant 0 : i32
    %dma_wait3A_265 = tpu.memref_slice %arg2[%add3A, %dma_wait3A_262, %dma_wait3A_263, %dma_wait3A_264] : memref<32x3x512x512xf32, #tpu.memory_space<hbm>> -> memref<1x1x64x512xf32, #tpu.memory_space<hbm>>
    %dma_wait3A_266 = tpu.memref_squeeze %dma_wait3A_265 : memref<1x1x64x512xf32, #tpu.memory_space<hbm>> -> memref<64x512xf32, #tpu.memory_space<hbm>>
    %dma_wait3A_267 = arith.constant 192 : i32
    %dma_wait3A_268 = arith.constant 0 : i32
    %dma_wait3A_269 = tpu.memref_slice %arg2[%add3A, %dma_wait3A_262, %dma_wait3A_267, %dma_wait3A_268] : memref<32x3x512x512xf32, #tpu.memory_space<hbm>> -> memref<1x1x64x512xf32, #tpu.memory_space<hbm>>
    %dma_wait3A_270 = tpu.memref_squeeze %dma_wait3A_269 : memref<1x1x64x512xf32, #tpu.memory_space<hbm>> -> memref<64x512xf32, #tpu.memory_space<hbm>>
    tpu.wait_dma2 semaphore(%arg9 : memref<!tpu.dma_semaphore, #tpu.memory_space<semaphore_mem>>) src(%dma_wait3A_270 : memref<64x512xf32, #tpu.memory_space<hbm>>) dst(%arg5 : memref<64x512xf32, #tpu.memory_space<vmem>>)
    %parallel_loop3A_271 = arith.constant 0 : i32
    %parallel_loop3A_272 = arith.constant 2048 : i32
    %parallel_loop3A_273 = arith.constant 1 : i32
    %parallel_loop3A_274 = arith.constant -1.280000e+02 : f32
    %parallel_loop3A_275 = arith.constant 0.392156869 : f32
    scf.for %parallel_loop3A_617 = %parallel_loop3A_271 to %parallel_loop3A_272 step %parallel_loop3A_273  : i32 {
      %parallel_loop3A_618 = arith.constant 5 : i32
      %parallel_loop3A_619 = arith.shrsi %parallel_loop3A_617, %parallel_loop3A_618 : i32
      %parallel_loop3A_620 = arith.constant 31 : i32
      %parallel_loop3A_621 = arith.andi %parallel_loop3A_617, %parallel_loop3A_620 : i32
      %parallel_loop3A_622 = arith.constant 16 : i32
      %parallel_loop3A_623 = arith.muli %parallel_loop3A_621, %parallel_loop3A_622 : i32
      %parallel_loop3A_624 = arith.index_cast %parallel_loop3A_619 : i32 to index
      %parallel_loop3A_625 = arith.index_cast %parallel_loop3A_623 : i32 to index
      %parallel_loop3A_626 = tpu.vector_load %arg5[%parallel_loop3A_624, %parallel_loop3A_625] {strides = array<i32>} : memref<64x512xf32, #tpu.memory_space<vmem>>, vector<16xf32>,
      %parallel_loop3A_627 = vector.broadcast %parallel_loop3A_274 : f32 to vector<16xf32>
      %parallel_loop3A_628 = arith.subf %parallel_loop3A_626, %parallel_loop3A_627 : vector<16xf32>
      %parallel_loop3A_629 = vector.broadcast %parallel_loop3A_275 : f32 to vector<16xf32>
      %parallel_loop3A_630 = arith.mulf %parallel_loop3A_628, %parallel_loop3A_629 : vector<16xf32>
      %parallel_loop3A_631 = arith.fptosi %parallel_loop3A_630 : vector<16xf32> to vector<16xi32>
      %parallel_loop3A_632 = arith.constant 99 : i32
      %parallel_loop3A_633 = vector.broadcast %parallel_loop3A_632 : i32 to vector<16xi32>
      %parallel_loop3A_634 = arith.minsi %parallel_loop3A_631, %parallel_loop3A_633 : vector<16xi32>
      %parallel_loop3A_635 = arith.constant 16 : i32
      %parallel_loop3A_636 = vector.broadcast %parallel_loop3A_635 : i32 to vector<16xi32>
      %parallel_loop3A_637 = arith.muli %parallel_loop3A_634, %parallel_loop3A_636 : vector<16xi32>
      %parallel_loop3A_638 = arith.constant 2048 : i32
      %parallel_loop3A_639 = vector.broadcast %parallel_loop3A_638 : i32 to vector<16xi32>
      %parallel_loop3A_640 = arith.addi %parallel_loop3A_639, %parallel_loop3A_637 : vector<16xi32>
      %parallel_loop3A_641 = arith.addi %parallel_loop3A_640, %iota3A : vector<16xi32>
      tpu.vector_store_idx %arg6[%parallel_loop3A_641], %broadcast_in_dim3A_1 {add = true} : memref<6144xi32, #tpu.memory_space<vmem>>[vector<16xi32>], vector<16xi32>,
    } {sc.loop_unroll_factor = 8 : i64, sc.parallel_access}
    %dma_start3A_276 = arith.constant 1 : i32
    %dma_start3A_277 = arith.constant 320 : i32
    %dma_start3A_278 = arith.constant 0 : i32
    %dma_start3A_279 = tpu.memref_slice %arg2[%add3A, %dma_start3A_276, %dma_start3A_277, %dma_start3A_278] : memref<32x3x512x512xf32, #tpu.memory_space<hbm>> -> memref<1x1x64x512xf32, #tpu.memory_space<hbm>>
    %dma_start3A_280 = tpu.memref_squeeze %dma_start3A_279 : memref<1x1x64x512xf32, #tpu.memory_space<hbm>> -> memref<64x512xf32, #tpu.memory_space<hbm>>
    %dma_start3A_281 = arith.constant 320 : i32
    %dma_start3A_282 = arith.constant 0 : i32
    %dma_start3A_283 = tpu.memref_slice %arg2[%add3A, %dma_start3A_276, %dma_start3A_281, %dma_start3A_282] : memref<32x3x512x512xf32, #tpu.memory_space<hbm>> -> memref<1x1x64x512xf32, #tpu.memory_space<hbm>>
    %dma_start3A_284 = tpu.memref_squeeze %dma_start3A_283 : memref<1x1x64x512xf32, #tpu.memory_space<hbm>> -> memref<64x512xf32, #tpu.memory_space<hbm>>
    tpu.enqueue_dma source(%dma_start3A_284 : memref<64x512xf32, #tpu.memory_space<hbm>>) target(%arg5 : memref<64x512xf32, #tpu.memory_space<vmem>>) target_semaphore(%arg9 : memref<!tpu.dma_semaphore, #tpu.memory_space<semaphore_mem>>)
    %dma_wait3A_285 = arith.constant 1 : i32
    %dma_wait3A_286 = arith.constant 256 : i32
    %dma_wait3A_287 = arith.constant 0 : i32
    %dma_wait3A_288 = tpu.memref_slice %arg2[%add3A, %dma_wait3A_285, %dma_wait3A_286, %dma_wait3A_287] : memref<32x3x512x512xf32, #tpu.memory_space<hbm>> -> memref<1x1x64x512xf32, #tpu.memory_space<hbm>>
    %dma_wait3A_289 = tpu.memref_squeeze %dma_wait3A_288 : memref<1x1x64x512xf32, #tpu.memory_space<hbm>> -> memref<64x512xf32, #tpu.memory_space<hbm>>
    %dma_wait3A_290 = arith.constant 256 : i32
    %dma_wait3A_291 = arith.constant 0 : i32
    %dma_wait3A_292 = tpu.memref_slice %arg2[%add3A, %dma_wait3A_285, %dma_wait3A_290, %dma_wait3A_291] : memref<32x3x512x512xf32, #tpu.memory_space<hbm>> -> memref<1x1x64x512xf32, #tpu.memory_space<hbm>>
    %dma_wait3A_293 = tpu.memref_squeeze %dma_wait3A_292 : memref<1x1x64x512xf32, #tpu.memory_space<hbm>> -> memref<64x512xf32, #tpu.memory_space<hbm>>
    tpu.wait_dma2 semaphore(%arg8 : memref<!tpu.dma_semaphore, #tpu.memory_space<semaphore_mem>>) src(%dma_wait3A_293 : memref<64x512xf32, #tpu.memory_space<hbm>>) dst(%arg4 : memref<64x512xf32, #tpu.memory_space<vmem>>)
    %parallel_loop3A_294 = arith.constant 0 : i32
    %parallel_loop3A_295 = arith.constant 2048 : i32
    %parallel_loop3A_296 = arith.constant 1 : i32
    %parallel_loop3A_297 = arith.constant -1.280000e+02 : f32
    %parallel_loop3A_298 = arith.constant 0.392156869 : f32
    scf.for %parallel_loop3A_617 = %parallel_loop3A_294 to %parallel_loop3A_295 step %parallel_loop3A_296  : i32 {
      %parallel_loop3A_618 = arith.constant 5 : i32
      %parallel_loop3A_619 = arith.shrsi %parallel_loop3A_617, %parallel_loop3A_618 : i32
      %parallel_loop3A_620 = arith.constant 31 : i32
      %parallel_loop3A_621 = arith.andi %parallel_loop3A_617, %parallel_loop3A_620 : i32
      %parallel_loop3A_622 = arith.constant 16 : i32
      %parallel_loop3A_623 = arith.muli %parallel_loop3A_621, %parallel_loop3A_622 : i32
      %parallel_loop3A_624 = arith.index_cast %parallel_loop3A_619 : i32 to index
      %parallel_loop3A_625 = arith.index_cast %parallel_loop3A_623 : i32 to index
      %parallel_loop3A_626 = tpu.vector_load %arg4[%parallel_loop3A_624, %parallel_loop3A_625] {strides = array<i32>} : memref<64x512xf32, #tpu.memory_space<vmem>>, vector<16xf32>,
      %parallel_loop3A_627 = vector.broadcast %parallel_loop3A_297 : f32 to vector<16xf32>
      %parallel_loop3A_628 = arith.subf %parallel_loop3A_626, %parallel_loop3A_627 : vector<16xf32>
      %parallel_loop3A_629 = vector.broadcast %parallel_loop3A_298 : f32 to vector<16xf32>
      %parallel_loop3A_630 = arith.mulf %parallel_loop3A_628, %parallel_loop3A_629 : vector<16xf32>
      %parallel_loop3A_631 = arith.fptosi %parallel_loop3A_630 : vector<16xf32> to vector<16xi32>
      %parallel_loop3A_632 = arith.constant 99 : i32
      %parallel_loop3A_633 = vector.broadcast %parallel_loop3A_632 : i32 to vector<16xi32>
      %parallel_loop3A_634 = arith.minsi %parallel_loop3A_631, %parallel_loop3A_633 : vector<16xi32>
      %parallel_loop3A_635 = arith.constant 16 : i32
      %parallel_loop3A_636 = vector.broadcast %parallel_loop3A_635 : i32 to vector<16xi32>
      %parallel_loop3A_637 = arith.muli %parallel_loop3A_634, %parallel_loop3A_636 : vector<16xi32>
      %parallel_loop3A_638 = arith.constant 2048 : i32
      %parallel_loop3A_639 = vector.broadcast %parallel_loop3A_638 : i32 to vector<16xi32>
      %parallel_loop3A_640 = arith.addi %parallel_loop3A_639, %parallel_loop3A_637 : vector<16xi32>
      %parallel_loop3A_641 = arith.addi %parallel_loop3A_640, %iota3A : vector<16xi32>
      tpu.vector_store_idx %arg6[%parallel_loop3A_641], %broadcast_in_dim3A_1 {add = true} : memref<6144xi32, #tpu.memory_space<vmem>>[vector<16xi32>], vector<16xi32>,
    } {sc.loop_unroll_factor = 8 : i64, sc.parallel_access}
    %dma_start3A_299 = arith.constant 1 : i32
    %dma_start3A_300 = arith.constant 384 : i32
    %dma_start3A_301 = arith.constant 0 : i32
    %dma_start3A_302 = tpu.memref_slice %arg2[%add3A, %dma_start3A_299, %dma_start3A_300, %dma_start3A_301] : memref<32x3x512x512xf32, #tpu.memory_space<hbm>> -> memref<1x1x64x512xf32, #tpu.memory_space<hbm>>
    %dma_start3A_303 = tpu.memref_squeeze %dma_start3A_302 : memref<1x1x64x512xf32, #tpu.memory_space<hbm>> -> memref<64x512xf32, #tpu.memory_space<hbm>>
    %dma_start3A_304 = arith.constant 384 : i32
    %dma_start3A_305 = arith.constant 0 : i32
    %dma_start3A_306 = tpu.memref_slice %arg2[%add3A, %dma_start3A_299, %dma_start3A_304, %dma_start3A_305] : memref<32x3x512x512xf32, #tpu.memory_space<hbm>> -> memref<1x1x64x512xf32, #tpu.memory_space<hbm>>
    %dma_start3A_307 = tpu.memref_squeeze %dma_start3A_306 : memref<1x1x64x512xf32, #tpu.memory_space<hbm>> -> memref<64x512xf32, #tpu.memory_space<hbm>>
    tpu.enqueue_dma source(%dma_start3A_307 : memref<64x512xf32, #tpu.memory_space<hbm>>) target(%arg4 : memref<64x512xf32, #tpu.memory_space<vmem>>) target_semaphore(%arg8 : memref<!tpu.dma_semaphore, #tpu.memory_space<semaphore_mem>>)
    %dma_wait3A_308 = arith.constant 1 : i32
    %dma_wait3A_309 = arith.constant 320 : i32
    %dma_wait3A_310 = arith.constant 0 : i32
    %dma_wait3A_311 = tpu.memref_slice %arg2[%add3A, %dma_wait3A_308, %dma_wait3A_309, %dma_wait3A_310] : memref<32x3x512x512xf32, #tpu.memory_space<hbm>> -> memref<1x1x64x512xf32, #tpu.memory_space<hbm>>
    %dma_wait3A_312 = tpu.memref_squeeze %dma_wait3A_311 : memref<1x1x64x512xf32, #tpu.memory_space<hbm>> -> memref<64x512xf32, #tpu.memory_space<hbm>>
    %dma_wait3A_313 = arith.constant 320 : i32
    %dma_wait3A_314 = arith.constant 0 : i32
    %dma_wait3A_315 = tpu.memref_slice %arg2[%add3A, %dma_wait3A_308, %dma_wait3A_313, %dma_wait3A_314] : memref<32x3x512x512xf32, #tpu.memory_space<hbm>> -> memref<1x1x64x512xf32, #tpu.memory_space<hbm>>
    %dma_wait3A_316 = tpu.memref_squeeze %dma_wait3A_315 : memref<1x1x64x512xf32, #tpu.memory_space<hbm>> -> memref<64x512xf32, #tpu.memory_space<hbm>>
    tpu.wait_dma2 semaphore(%arg9 : memref<!tpu.dma_semaphore, #tpu.memory_space<semaphore_mem>>) src(%dma_wait3A_316 : memref<64x512xf32, #tpu.memory_space<hbm>>) dst(%arg5 : memref<64x512xf32, #tpu.memory_space<vmem>>)
    %parallel_loop3A_317 = arith.constant 0 : i32
    %parallel_loop3A_318 = arith.constant 2048 : i32
    %parallel_loop3A_319 = arith.constant 1 : i32
    %parallel_loop3A_320 = arith.constant -1.280000e+02 : f32
    %parallel_loop3A_321 = arith.constant 0.392156869 : f32
    scf.for %parallel_loop3A_617 = %parallel_loop3A_317 to %parallel_loop3A_318 step %parallel_loop3A_319  : i32 {
      %parallel_loop3A_618 = arith.constant 5 : i32
      %parallel_loop3A_619 = arith.shrsi %parallel_loop3A_617, %parallel_loop3A_618 : i32
      %parallel_loop3A_620 = arith.constant 31 : i32
      %parallel_loop3A_621 = arith.andi %parallel_loop3A_617, %parallel_loop3A_620 : i32
      %parallel_loop3A_622 = arith.constant 16 : i32
      %parallel_loop3A_623 = arith.muli %parallel_loop3A_621, %parallel_loop3A_622 : i32
      %parallel_loop3A_624 = arith.index_cast %parallel_loop3A_619 : i32 to index
      %parallel_loop3A_625 = arith.index_cast %parallel_loop3A_623 : i32 to index
      %parallel_loop3A_626 = tpu.vector_load %arg5[%parallel_loop3A_624, %parallel_loop3A_625] {strides = array<i32>} : memref<64x512xf32, #tpu.memory_space<vmem>>, vector<16xf32>,
      %parallel_loop3A_627 = vector.broadcast %parallel_loop3A_320 : f32 to vector<16xf32>
      %parallel_loop3A_628 = arith.subf %parallel_loop3A_626, %parallel_loop3A_627 : vector<16xf32>
      %parallel_loop3A_629 = vector.broadcast %parallel_loop3A_321 : f32 to vector<16xf32>
      %parallel_loop3A_630 = arith.mulf %parallel_loop3A_628, %parallel_loop3A_629 : vector<16xf32>
      %parallel_loop3A_631 = arith.fptosi %parallel_loop3A_630 : vector<16xf32> to vector<16xi32>
      %parallel_loop3A_632 = arith.constant 99 : i32
      %parallel_loop3A_633 = vector.broadcast %parallel_loop3A_632 : i32 to vector<16xi32>
      %parallel_loop3A_634 = arith.minsi %parallel_loop3A_631, %parallel_loop3A_633 : vector<16xi32>
      %parallel_loop3A_635 = arith.constant 16 : i32
      %parallel_loop3A_636 = vector.broadcast %parallel_loop3A_635 : i32 to vector<16xi32>
      %parallel_loop3A_637 = arith.muli %parallel_loop3A_634, %parallel_loop3A_636 : vector<16xi32>
      %parallel_loop3A_638 = arith.constant 2048 : i32
      %parallel_loop3A_639 = vector.broadcast %parallel_loop3A_638 : i32 to vector<16xi32>
      %parallel_loop3A_640 = arith.addi %parallel_loop3A_639, %parallel_loop3A_637 : vector<16xi32>
      %parallel_loop3A_641 = arith.addi %parallel_loop3A_640, %iota3A : vector<16xi32>
      tpu.vector_store_idx %arg6[%parallel_loop3A_641], %broadcast_in_dim3A_1 {add = true} : memref<6144xi32, #tpu.memory_space<vmem>>[vector<16xi32>], vector<16xi32>,
    } {sc.loop_unroll_factor = 8 : i64, sc.parallel_access}
    %dma_start3A_322 = arith.constant 1 : i32
    %dma_start3A_323 = arith.constant 448 : i32
    %dma_start3A_324 = arith.constant 0 : i32
    %dma_start3A_325 = tpu.memref_slice %arg2[%add3A, %dma_start3A_322, %dma_start3A_323, %dma_start3A_324] : memref<32x3x512x512xf32, #tpu.memory_space<hbm>> -> memref<1x1x64x512xf32, #tpu.memory_space<hbm>>
    %dma_start3A_326 = tpu.memref_squeeze %dma_start3A_325 : memref<1x1x64x512xf32, #tpu.memory_space<hbm>> -> memref<64x512xf32, #tpu.memory_space<hbm>>
    %dma_start3A_327 = arith.constant 448 : i32
    %dma_start3A_328 = arith.constant 0 : i32
    %dma_start3A_329 = tpu.memref_slice %arg2[%add3A, %dma_start3A_322, %dma_start3A_327, %dma_start3A_328] : memref<32x3x512x512xf32, #tpu.memory_space<hbm>> -> memref<1x1x64x512xf32, #tpu.memory_space<hbm>>
    %dma_start3A_330 = tpu.memref_squeeze %dma_start3A_329 : memref<1x1x64x512xf32, #tpu.memory_space<hbm>> -> memref<64x512xf32, #tpu.memory_space<hbm>>
    tpu.enqueue_dma source(%dma_start3A_330 : memref<64x512xf32, #tpu.memory_space<hbm>>) target(%arg5 : memref<64x512xf32, #tpu.memory_space<vmem>>) target_semaphore(%arg9 : memref<!tpu.dma_semaphore, #tpu.memory_space<semaphore_mem>>)
    %dma_wait3A_331 = arith.constant 1 : i32
    %dma_wait3A_332 = arith.constant 384 : i32
    %dma_wait3A_333 = arith.constant 0 : i32
    %dma_wait3A_334 = tpu.memref_slice %arg2[%add3A, %dma_wait3A_331, %dma_wait3A_332, %dma_wait3A_333] : memref<32x3x512x512xf32, #tpu.memory_space<hbm>> -> memref<1x1x64x512xf32, #tpu.memory_space<hbm>>
    %dma_wait3A_335 = tpu.memref_squeeze %dma_wait3A_334 : memref<1x1x64x512xf32, #tpu.memory_space<hbm>> -> memref<64x512xf32, #tpu.memory_space<hbm>>
    %dma_wait3A_336 = arith.constant 384 : i32
    %dma_wait3A_337 = arith.constant 0 : i32
    %dma_wait3A_338 = tpu.memref_slice %arg2[%add3A, %dma_wait3A_331, %dma_wait3A_336, %dma_wait3A_337] : memref<32x3x512x512xf32, #tpu.memory_space<hbm>> -> memref<1x1x64x512xf32, #tpu.memory_space<hbm>>
    %dma_wait3A_339 = tpu.memref_squeeze %dma_wait3A_338 : memref<1x1x64x512xf32, #tpu.memory_space<hbm>> -> memref<64x512xf32, #tpu.memory_space<hbm>>
    tpu.wait_dma2 semaphore(%arg8 : memref<!tpu.dma_semaphore, #tpu.memory_space<semaphore_mem>>) src(%dma_wait3A_339 : memref<64x512xf32, #tpu.memory_space<hbm>>) dst(%arg4 : memref<64x512xf32, #tpu.memory_space<vmem>>)
    %parallel_loop3A_340 = arith.constant 0 : i32
    %parallel_loop3A_341 = arith.constant 2048 : i32
    %parallel_loop3A_342 = arith.constant 1 : i32
    %parallel_loop3A_343 = arith.constant -1.280000e+02 : f32
    %parallel_loop3A_344 = arith.constant 0.392156869 : f32
    scf.for %parallel_loop3A_617 = %parallel_loop3A_340 to %parallel_loop3A_341 step %parallel_loop3A_342  : i32 {
      %parallel_loop3A_618 = arith.constant 5 : i32
      %parallel_loop3A_619 = arith.shrsi %parallel_loop3A_617, %parallel_loop3A_618 : i32
      %parallel_loop3A_620 = arith.constant 31 : i32
      %parallel_loop3A_621 = arith.andi %parallel_loop3A_617, %parallel_loop3A_620 : i32
      %parallel_loop3A_622 = arith.constant 16 : i32
      %parallel_loop3A_623 = arith.muli %parallel_loop3A_621, %parallel_loop3A_622 : i32
      %parallel_loop3A_624 = arith.index_cast %parallel_loop3A_619 : i32 to index
      %parallel_loop3A_625 = arith.index_cast %parallel_loop3A_623 : i32 to index
      %parallel_loop3A_626 = tpu.vector_load %arg4[%parallel_loop3A_624, %parallel_loop3A_625] {strides = array<i32>} : memref<64x512xf32, #tpu.memory_space<vmem>>, vector<16xf32>,
      %parallel_loop3A_627 = vector.broadcast %parallel_loop3A_343 : f32 to vector<16xf32>
      %parallel_loop3A_628 = arith.subf %parallel_loop3A_626, %parallel_loop3A_627 : vector<16xf32>
      %parallel_loop3A_629 = vector.broadcast %parallel_loop3A_344 : f32 to vector<16xf32>
      %parallel_loop3A_630 = arith.mulf %parallel_loop3A_628, %parallel_loop3A_629 : vector<16xf32>
      %parallel_loop3A_631 = arith.fptosi %parallel_loop3A_630 : vector<16xf32> to vector<16xi32>
      %parallel_loop3A_632 = arith.constant 99 : i32
      %parallel_loop3A_633 = vector.broadcast %parallel_loop3A_632 : i32 to vector<16xi32>
      %parallel_loop3A_634 = arith.minsi %parallel_loop3A_631, %parallel_loop3A_633 : vector<16xi32>
      %parallel_loop3A_635 = arith.constant 16 : i32
      %parallel_loop3A_636 = vector.broadcast %parallel_loop3A_635 : i32 to vector<16xi32>
      %parallel_loop3A_637 = arith.muli %parallel_loop3A_634, %parallel_loop3A_636 : vector<16xi32>
      %parallel_loop3A_638 = arith.constant 2048 : i32
      %parallel_loop3A_639 = vector.broadcast %parallel_loop3A_638 : i32 to vector<16xi32>
      %parallel_loop3A_640 = arith.addi %parallel_loop3A_639, %parallel_loop3A_637 : vector<16xi32>
      %parallel_loop3A_641 = arith.addi %parallel_loop3A_640, %iota3A : vector<16xi32>
      tpu.vector_store_idx %arg6[%parallel_loop3A_641], %broadcast_in_dim3A_1 {add = true} : memref<6144xi32, #tpu.memory_space<vmem>>[vector<16xi32>], vector<16xi32>,
    } {sc.loop_unroll_factor = 8 : i64, sc.parallel_access}
    %dma_wait3A_345 = arith.constant 1 : i32
    %dma_wait3A_346 = arith.constant 448 : i32
    %dma_wait3A_347 = arith.constant 0 : i32
    %dma_wait3A_348 = tpu.memref_slice %arg2[%add3A, %dma_wait3A_345, %dma_wait3A_346, %dma_wait3A_347] : memref<32x3x512x512xf32, #tpu.memory_space<hbm>> -> memref<1x1x64x512xf32, #tpu.memory_space<hbm>>
    %dma_wait3A_349 = tpu.memref_squeeze %dma_wait3A_348 : memref<1x1x64x512xf32, #tpu.memory_space<hbm>> -> memref<64x512xf32, #tpu.memory_space<hbm>>
    %dma_wait3A_350 = arith.constant 448 : i32
    %dma_wait3A_351 = arith.constant 0 : i32
    %dma_wait3A_352 = tpu.memref_slice %arg2[%add3A, %dma_wait3A_345, %dma_wait3A_350, %dma_wait3A_351] : memref<32x3x512x512xf32, #tpu.memory_space<hbm>> -> memref<1x1x64x512xf32, #tpu.memory_space<hbm>>
    %dma_wait3A_353 = tpu.memref_squeeze %dma_wait3A_352 : memref<1x1x64x512xf32, #tpu.memory_space<hbm>> -> memref<64x512xf32, #tpu.memory_space<hbm>>
    tpu.wait_dma2 semaphore(%arg9 : memref<!tpu.dma_semaphore, #tpu.memory_space<semaphore_mem>>) src(%dma_wait3A_353 : memref<64x512xf32, #tpu.memory_space<hbm>>) dst(%arg5 : memref<64x512xf32, #tpu.memory_space<vmem>>)
    %parallel_loop3A_354 = arith.constant 0 : i32
    %parallel_loop3A_355 = arith.constant 2048 : i32
    %parallel_loop3A_356 = arith.constant 1 : i32
    %parallel_loop3A_357 = arith.constant -1.280000e+02 : f32
    %parallel_loop3A_358 = arith.constant 0.392156869 : f32
    scf.for %parallel_loop3A_617 = %parallel_loop3A_354 to %parallel_loop3A_355 step %parallel_loop3A_356  : i32 {
      %parallel_loop3A_618 = arith.constant 5 : i32
      %parallel_loop3A_619 = arith.shrsi %parallel_loop3A_617, %parallel_loop3A_618 : i32
      %parallel_loop3A_620 = arith.constant 31 : i32
      %parallel_loop3A_621 = arith.andi %parallel_loop3A_617, %parallel_loop3A_620 : i32
      %parallel_loop3A_622 = arith.constant 16 : i32
      %parallel_loop3A_623 = arith.muli %parallel_loop3A_621, %parallel_loop3A_622 : i32
      %parallel_loop3A_624 = arith.index_cast %parallel_loop3A_619 : i32 to index
      %parallel_loop3A_625 = arith.index_cast %parallel_loop3A_623 : i32 to index
      %parallel_loop3A_626 = tpu.vector_load %arg5[%parallel_loop3A_624, %parallel_loop3A_625] {strides = array<i32>} : memref<64x512xf32, #tpu.memory_space<vmem>>, vector<16xf32>,
      %parallel_loop3A_627 = vector.broadcast %parallel_loop3A_357 : f32 to vector<16xf32>
      %parallel_loop3A_628 = arith.subf %parallel_loop3A_626, %parallel_loop3A_627 : vector<16xf32>
      %parallel_loop3A_629 = vector.broadcast %parallel_loop3A_358 : f32 to vector<16xf32>
      %parallel_loop3A_630 = arith.mulf %parallel_loop3A_628, %parallel_loop3A_629 : vector<16xf32>
      %parallel_loop3A_631 = arith.fptosi %parallel_loop3A_630 : vector<16xf32> to vector<16xi32>
      %parallel_loop3A_632 = arith.constant 99 : i32
      %parallel_loop3A_633 = vector.broadcast %parallel_loop3A_632 : i32 to vector<16xi32>
      %parallel_loop3A_634 = arith.minsi %parallel_loop3A_631, %parallel_loop3A_633 : vector<16xi32>
      %parallel_loop3A_635 = arith.constant 16 : i32
      %parallel_loop3A_636 = vector.broadcast %parallel_loop3A_635 : i32 to vector<16xi32>
      %parallel_loop3A_637 = arith.muli %parallel_loop3A_634, %parallel_loop3A_636 : vector<16xi32>
      %parallel_loop3A_638 = arith.constant 2048 : i32
      %parallel_loop3A_639 = vector.broadcast %parallel_loop3A_638 : i32 to vector<16xi32>
      %parallel_loop3A_640 = arith.addi %parallel_loop3A_639, %parallel_loop3A_637 : vector<16xi32>
      %parallel_loop3A_641 = arith.addi %parallel_loop3A_640, %iota3A : vector<16xi32>
      tpu.vector_store_idx %arg6[%parallel_loop3A_641], %broadcast_in_dim3A_1 {add = true} : memref<6144xi32, #tpu.memory_space<vmem>>[vector<16xi32>], vector<16xi32>,
    } {sc.loop_unroll_factor = 8 : i64, sc.parallel_access}
    %dma_start3A_359 = arith.constant 2 : i32
    %dma_start3A_360 = arith.constant 0 : i32
    %dma_start3A_361 = arith.constant 0 : i32
    %dma_start3A_362 = tpu.memref_slice %arg2[%add3A, %dma_start3A_359, %dma_start3A_360, %dma_start3A_361] : memref<32x3x512x512xf32, #tpu.memory_space<hbm>> -> memref<1x1x64x512xf32, #tpu.memory_space<hbm>>
    %dma_start3A_363 = tpu.memref_squeeze %dma_start3A_362 : memref<1x1x64x512xf32, #tpu.memory_space<hbm>> -> memref<64x512xf32, #tpu.memory_space<hbm>>
    %dma_start3A_364 = arith.constant 0 : i32
    %dma_start3A_365 = arith.constant 0 : i32
    %dma_start3A_366 = tpu.memref_slice %arg2[%add3A, %dma_start3A_359, %dma_start3A_364, %dma_start3A_365] : memref<32x3x512x512xf32, #tpu.memory_space<hbm>> -> memref<1x1x64x512xf32, #tpu.memory_space<hbm>>
    %dma_start3A_367 = tpu.memref_squeeze %dma_start3A_366 : memref<1x1x64x512xf32, #tpu.memory_space<hbm>> -> memref<64x512xf32, #tpu.memory_space<hbm>>
    tpu.enqueue_dma source(%dma_start3A_367 : memref<64x512xf32, #tpu.memory_space<hbm>>) target(%arg4 : memref<64x512xf32, #tpu.memory_space<vmem>>) target_semaphore(%arg8 : memref<!tpu.dma_semaphore, #tpu.memory_space<semaphore_mem>>)
    %dma_start3A_368 = arith.constant 2 : i32
    %dma_start3A_369 = arith.constant 64 : i32
    %dma_start3A_370 = arith.constant 0 : i32
    %dma_start3A_371 = tpu.memref_slice %arg2[%add3A, %dma_start3A_368, %dma_start3A_369, %dma_start3A_370] : memref<32x3x512x512xf32, #tpu.memory_space<hbm>> -> memref<1x1x64x512xf32, #tpu.memory_space<hbm>>
    %dma_start3A_372 = tpu.memref_squeeze %dma_start3A_371 : memref<1x1x64x512xf32, #tpu.memory_space<hbm>> -> memref<64x512xf32, #tpu.memory_space<hbm>>
    %dma_start3A_373 = arith.constant 64 : i32
    %dma_start3A_374 = arith.constant 0 : i32
    %dma_start3A_375 = tpu.memref_slice %arg2[%add3A, %dma_start3A_368, %dma_start3A_373, %dma_start3A_374] : memref<32x3x512x512xf32, #tpu.memory_space<hbm>> -> memref<1x1x64x512xf32, #tpu.memory_space<hbm>>
    %dma_start3A_376 = tpu.memref_squeeze %dma_start3A_375 : memref<1x1x64x512xf32, #tpu.memory_space<hbm>> -> memref<64x512xf32, #tpu.memory_space<hbm>>
    tpu.enqueue_dma source(%dma_start3A_376 : memref<64x512xf32, #tpu.memory_space<hbm>>) target(%arg5 : memref<64x512xf32, #tpu.memory_space<vmem>>) target_semaphore(%arg9 : memref<!tpu.dma_semaphore, #tpu.memory_space<semaphore_mem>>)
    %dma_wait3A_377 = arith.constant 2 : i32
    %dma_wait3A_378 = arith.constant 0 : i32
    %dma_wait3A_379 = arith.constant 0 : i32
    %dma_wait3A_380 = tpu.memref_slice %arg2[%add3A, %dma_wait3A_377, %dma_wait3A_378, %dma_wait3A_379] : memref<32x3x512x512xf32, #tpu.memory_space<hbm>> -> memref<1x1x64x512xf32, #tpu.memory_space<hbm>>
    %dma_wait3A_381 = tpu.memref_squeeze %dma_wait3A_380 : memref<1x1x64x512xf32, #tpu.memory_space<hbm>> -> memref<64x512xf32, #tpu.memory_space<hbm>>
    %dma_wait3A_382 = arith.constant 0 : i32
    %dma_wait3A_383 = arith.constant 0 : i32
    %dma_wait3A_384 = tpu.memref_slice %arg2[%add3A, %dma_wait3A_377, %dma_wait3A_382, %dma_wait3A_383] : memref<32x3x512x512xf32, #tpu.memory_space<hbm>> -> memref<1x1x64x512xf32, #tpu.memory_space<hbm>>
    %dma_wait3A_385 = tpu.memref_squeeze %dma_wait3A_384 : memref<1x1x64x512xf32, #tpu.memory_space<hbm>> -> memref<64x512xf32, #tpu.memory_space<hbm>>
    tpu.wait_dma2 semaphore(%arg8 : memref<!tpu.dma_semaphore, #tpu.memory_space<semaphore_mem>>) src(%dma_wait3A_385 : memref<64x512xf32, #tpu.memory_space<hbm>>) dst(%arg4 : memref<64x512xf32, #tpu.memory_space<vmem>>)
    %parallel_loop3A_386 = arith.constant 0 : i32
    %parallel_loop3A_387 = arith.constant 2048 : i32
    %parallel_loop3A_388 = arith.constant 1 : i32
    %parallel_loop3A_389 = arith.constant -1.280000e+02 : f32
    %parallel_loop3A_390 = arith.constant 0.392156869 : f32
    scf.for %parallel_loop3A_617 = %parallel_loop3A_386 to %parallel_loop3A_387 step %parallel_loop3A_388  : i32 {
      %parallel_loop3A_618 = arith.constant 5 : i32
      %parallel_loop3A_619 = arith.shrsi %parallel_loop3A_617, %parallel_loop3A_618 : i32
      %parallel_loop3A_620 = arith.constant 31 : i32
      %parallel_loop3A_621 = arith.andi %parallel_loop3A_617, %parallel_loop3A_620 : i32
      %parallel_loop3A_622 = arith.constant 16 : i32
      %parallel_loop3A_623 = arith.muli %parallel_loop3A_621, %parallel_loop3A_622 : i32
      %parallel_loop3A_624 = arith.index_cast %parallel_loop3A_619 : i32 to index
      %parallel_loop3A_625 = arith.index_cast %parallel_loop3A_623 : i32 to index
      %parallel_loop3A_626 = tpu.vector_load %arg4[%parallel_loop3A_624, %parallel_loop3A_625] {strides = array<i32>} : memref<64x512xf32, #tpu.memory_space<vmem>>, vector<16xf32>,
      %parallel_loop3A_627 = vector.broadcast %parallel_loop3A_389 : f32 to vector<16xf32>
      %parallel_loop3A_628 = arith.subf %parallel_loop3A_626, %parallel_loop3A_627 : vector<16xf32>
      %parallel_loop3A_629 = vector.broadcast %parallel_loop3A_390 : f32 to vector<16xf32>
      %parallel_loop3A_630 = arith.mulf %parallel_loop3A_628, %parallel_loop3A_629 : vector<16xf32>
      %parallel_loop3A_631 = arith.fptosi %parallel_loop3A_630 : vector<16xf32> to vector<16xi32>
      %parallel_loop3A_632 = arith.constant 99 : i32
      %parallel_loop3A_633 = vector.broadcast %parallel_loop3A_632 : i32 to vector<16xi32>
      %parallel_loop3A_634 = arith.minsi %parallel_loop3A_631, %parallel_loop3A_633 : vector<16xi32>
      %parallel_loop3A_635 = arith.constant 16 : i32
      %parallel_loop3A_636 = vector.broadcast %parallel_loop3A_635 : i32 to vector<16xi32>
      %parallel_loop3A_637 = arith.muli %parallel_loop3A_634, %parallel_loop3A_636 : vector<16xi32>
      %parallel_loop3A_638 = arith.constant 4096 : i32
      %parallel_loop3A_639 = vector.broadcast %parallel_loop3A_638 : i32 to vector<16xi32>
      %parallel_loop3A_640 = arith.addi %parallel_loop3A_639, %parallel_loop3A_637 : vector<16xi32>
      %parallel_loop3A_641 = arith.addi %parallel_loop3A_640, %iota3A : vector<16xi32>
      tpu.vector_store_idx %arg6[%parallel_loop3A_641], %broadcast_in_dim3A_1 {add = true} : memref<6144xi32, #tpu.memory_space<vmem>>[vector<16xi32>], vector<16xi32>,
    } {sc.loop_unroll_factor = 8 : i64, sc.parallel_access}
    %dma_start3A_391 = arith.constant 2 : i32
    %dma_start3A_392 = arith.constant 128 : i32
    %dma_start3A_393 = arith.constant 0 : i32
    %dma_start3A_394 = tpu.memref_slice %arg2[%add3A, %dma_start3A_391, %dma_start3A_392, %dma_start3A_393] : memref<32x3x512x512xf32, #tpu.memory_space<hbm>> -> memref<1x1x64x512xf32, #tpu.memory_space<hbm>>
    %dma_start3A_395 = tpu.memref_squeeze %dma_start3A_394 : memref<1x1x64x512xf32, #tpu.memory_space<hbm>> -> memref<64x512xf32, #tpu.memory_space<hbm>>
    %dma_start3A_396 = arith.constant 128 : i32
    %dma_start3A_397 = arith.constant 0 : i32
    %dma_start3A_398 = tpu.memref_slice %arg2[%add3A, %dma_start3A_391, %dma_start3A_396, %dma_start3A_397] : memref<32x3x512x512xf32, #tpu.memory_space<hbm>> -> memref<1x1x64x512xf32, #tpu.memory_space<hbm>>
    %dma_start3A_399 = tpu.memref_squeeze %dma_start3A_398 : memref<1x1x64x512xf32, #tpu.memory_space<hbm>> -> memref<64x512xf32, #tpu.memory_space<hbm>>
    tpu.enqueue_dma source(%dma_start3A_399 : memref<64x512xf32, #tpu.memory_space<hbm>>) target(%arg4 : memref<64x512xf32, #tpu.memory_space<vmem>>) target_semaphore(%arg8 : memref<!tpu.dma_semaphore, #tpu.memory_space<semaphore_mem>>)
    %dma_wait3A_400 = arith.constant 2 : i32
    %dma_wait3A_401 = arith.constant 64 : i32
    %dma_wait3A_402 = arith.constant 0 : i32
    %dma_wait3A_403 = tpu.memref_slice %arg2[%add3A, %dma_wait3A_400, %dma_wait3A_401, %dma_wait3A_402] : memref<32x3x512x512xf32, #tpu.memory_space<hbm>> -> memref<1x1x64x512xf32, #tpu.memory_space<hbm>>
    %dma_wait3A_404 = tpu.memref_squeeze %dma_wait3A_403 : memref<1x1x64x512xf32, #tpu.memory_space<hbm>> -> memref<64x512xf32, #tpu.memory_space<hbm>>
    %dma_wait3A_405 = arith.constant 64 : i32
    %dma_wait3A_406 = arith.constant 0 : i32
    %dma_wait3A_407 = tpu.memref_slice %arg2[%add3A, %dma_wait3A_400, %dma_wait3A_405, %dma_wait3A_406] : memref<32x3x512x512xf32, #tpu.memory_space<hbm>> -> memref<1x1x64x512xf32, #tpu.memory_space<hbm>>
    %dma_wait3A_408 = tpu.memref_squeeze %dma_wait3A_407 : memref<1x1x64x512xf32, #tpu.memory_space<hbm>> -> memref<64x512xf32, #tpu.memory_space<hbm>>
    tpu.wait_dma2 semaphore(%arg9 : memref<!tpu.dma_semaphore, #tpu.memory_space<semaphore_mem>>) src(%dma_wait3A_408 : memref<64x512xf32, #tpu.memory_space<hbm>>) dst(%arg5 : memref<64x512xf32, #tpu.memory_space<vmem>>)
    %parallel_loop3A_409 = arith.constant 0 : i32
    %parallel_loop3A_410 = arith.constant 2048 : i32
    %parallel_loop3A_411 = arith.constant 1 : i32
    %parallel_loop3A_412 = arith.constant -1.280000e+02 : f32
    %parallel_loop3A_413 = arith.constant 0.392156869 : f32
    scf.for %parallel_loop3A_617 = %parallel_loop3A_409 to %parallel_loop3A_410 step %parallel_loop3A_411  : i32 {
      %parallel_loop3A_618 = arith.constant 5 : i32
      %parallel_loop3A_619 = arith.shrsi %parallel_loop3A_617, %parallel_loop3A_618 : i32
      %parallel_loop3A_620 = arith.constant 31 : i32
      %parallel_loop3A_621 = arith.andi %parallel_loop3A_617, %parallel_loop3A_620 : i32
      %parallel_loop3A_622 = arith.constant 16 : i32
      %parallel_loop3A_623 = arith.muli %parallel_loop3A_621, %parallel_loop3A_622 : i32
      %parallel_loop3A_624 = arith.index_cast %parallel_loop3A_619 : i32 to index
      %parallel_loop3A_625 = arith.index_cast %parallel_loop3A_623 : i32 to index
      %parallel_loop3A_626 = tpu.vector_load %arg5[%parallel_loop3A_624, %parallel_loop3A_625] {strides = array<i32>} : memref<64x512xf32, #tpu.memory_space<vmem>>, vector<16xf32>,
      %parallel_loop3A_627 = vector.broadcast %parallel_loop3A_412 : f32 to vector<16xf32>
      %parallel_loop3A_628 = arith.subf %parallel_loop3A_626, %parallel_loop3A_627 : vector<16xf32>
      %parallel_loop3A_629 = vector.broadcast %parallel_loop3A_413 : f32 to vector<16xf32>
      %parallel_loop3A_630 = arith.mulf %parallel_loop3A_628, %parallel_loop3A_629 : vector<16xf32>
      %parallel_loop3A_631 = arith.fptosi %parallel_loop3A_630 : vector<16xf32> to vector<16xi32>
      %parallel_loop3A_632 = arith.constant 99 : i32
      %parallel_loop3A_633 = vector.broadcast %parallel_loop3A_632 : i32 to vector<16xi32>
      %parallel_loop3A_634 = arith.minsi %parallel_loop3A_631, %parallel_loop3A_633 : vector<16xi32>
      %parallel_loop3A_635 = arith.constant 16 : i32
      %parallel_loop3A_636 = vector.broadcast %parallel_loop3A_635 : i32 to vector<16xi32>
      %parallel_loop3A_637 = arith.muli %parallel_loop3A_634, %parallel_loop3A_636 : vector<16xi32>
      %parallel_loop3A_638 = arith.constant 4096 : i32
      %parallel_loop3A_639 = vector.broadcast %parallel_loop3A_638 : i32 to vector<16xi32>
      %parallel_loop3A_640 = arith.addi %parallel_loop3A_639, %parallel_loop3A_637 : vector<16xi32>
      %parallel_loop3A_641 = arith.addi %parallel_loop3A_640, %iota3A : vector<16xi32>
      tpu.vector_store_idx %arg6[%parallel_loop3A_641], %broadcast_in_dim3A_1 {add = true} : memref<6144xi32, #tpu.memory_space<vmem>>[vector<16xi32>], vector<16xi32>,
    } {sc.loop_unroll_factor = 8 : i64, sc.parallel_access}
    %dma_start3A_414 = arith.constant 2 : i32
    %dma_start3A_415 = arith.constant 192 : i32
    %dma_start3A_416 = arith.constant 0 : i32
    %dma_start3A_417 = tpu.memref_slice %arg2[%add3A, %dma_start3A_414, %dma_start3A_415, %dma_start3A_416] : memref<32x3x512x512xf32, #tpu.memory_space<hbm>> -> memref<1x1x64x512xf32, #tpu.memory_space<hbm>>
    %dma_start3A_418 = tpu.memref_squeeze %dma_start3A_417 : memref<1x1x64x512xf32, #tpu.memory_space<hbm>> -> memref<64x512xf32, #tpu.memory_space<hbm>>
    %dma_start3A_419 = arith.constant 192 : i32
    %dma_start3A_420 = arith.constant 0 : i32
    %dma_start3A_421 = tpu.memref_slice %arg2[%add3A, %dma_start3A_414, %dma_start3A_419, %dma_start3A_420] : memref<32x3x512x512xf32, #tpu.memory_space<hbm>> -> memref<1x1x64x512xf32, #tpu.memory_space<hbm>>
    %dma_start3A_422 = tpu.memref_squeeze %dma_start3A_421 : memref<1x1x64x512xf32, #tpu.memory_space<hbm>> -> memref<64x512xf32, #tpu.memory_space<hbm>>
    tpu.enqueue_dma source(%dma_start3A_422 : memref<64x512xf32, #tpu.memory_space<hbm>>) target(%arg5 : memref<64x512xf32, #tpu.memory_space<vmem>>) target_semaphore(%arg9 : memref<!tpu.dma_semaphore, #tpu.memory_space<semaphore_mem>>)
    %dma_wait3A_423 = arith.constant 2 : i32
    %dma_wait3A_424 = arith.constant 128 : i32
    %dma_wait3A_425 = arith.constant 0 : i32
    %dma_wait3A_426 = tpu.memref_slice %arg2[%add3A, %dma_wait3A_423, %dma_wait3A_424, %dma_wait3A_425] : memref<32x3x512x512xf32, #tpu.memory_space<hbm>> -> memref<1x1x64x512xf32, #tpu.memory_space<hbm>>
    %dma_wait3A_427 = tpu.memref_squeeze %dma_wait3A_426 : memref<1x1x64x512xf32, #tpu.memory_space<hbm>> -> memref<64x512xf32, #tpu.memory_space<hbm>>
    %dma_wait3A_428 = arith.constant 128 : i32
    %dma_wait3A_429 = arith.constant 0 : i32
    %dma_wait3A_430 = tpu.memref_slice %arg2[%add3A, %dma_wait3A_423, %dma_wait3A_428, %dma_wait3A_429] : memref<32x3x512x512xf32, #tpu.memory_space<hbm>> -> memref<1x1x64x512xf32, #tpu.memory_space<hbm>>
    %dma_wait3A_431 = tpu.memref_squeeze %dma_wait3A_430 : memref<1x1x64x512xf32, #tpu.memory_space<hbm>> -> memref<64x512xf32, #tpu.memory_space<hbm>>
    tpu.wait_dma2 semaphore(%arg8 : memref<!tpu.dma_semaphore, #tpu.memory_space<semaphore_mem>>) src(%dma_wait3A_431 : memref<64x512xf32, #tpu.memory_space<hbm>>) dst(%arg4 : memref<64x512xf32, #tpu.memory_space<vmem>>)
    %parallel_loop3A_432 = arith.constant 0 : i32
    %parallel_loop3A_433 = arith.constant 2048 : i32
    %parallel_loop3A_434 = arith.constant 1 : i32
    %parallel_loop3A_435 = arith.constant -1.280000e+02 : f32
    %parallel_loop3A_436 = arith.constant 0.392156869 : f32
    scf.for %parallel_loop3A_617 = %parallel_loop3A_432 to %parallel_loop3A_433 step %parallel_loop3A_434  : i32 {
      %parallel_loop3A_618 = arith.constant 5 : i32
      %parallel_loop3A_619 = arith.shrsi %parallel_loop3A_617, %parallel_loop3A_618 : i32
      %parallel_loop3A_620 = arith.constant 31 : i32
      %parallel_loop3A_621 = arith.andi %parallel_loop3A_617, %parallel_loop3A_620 : i32
      %parallel_loop3A_622 = arith.constant 16 : i32
      %parallel_loop3A_623 = arith.muli %parallel_loop3A_621, %parallel_loop3A_622 : i32
      %parallel_loop3A_624 = arith.index_cast %parallel_loop3A_619 : i32 to index
      %parallel_loop3A_625 = arith.index_cast %parallel_loop3A_623 : i32 to index
      %parallel_loop3A_626 = tpu.vector_load %arg4[%parallel_loop3A_624, %parallel_loop3A_625] {strides = array<i32>} : memref<64x512xf32, #tpu.memory_space<vmem>>, vector<16xf32>,
      %parallel_loop3A_627 = vector.broadcast %parallel_loop3A_435 : f32 to vector<16xf32>
      %parallel_loop3A_628 = arith.subf %parallel_loop3A_626, %parallel_loop3A_627 : vector<16xf32>
      %parallel_loop3A_629 = vector.broadcast %parallel_loop3A_436 : f32 to vector<16xf32>
      %parallel_loop3A_630 = arith.mulf %parallel_loop3A_628, %parallel_loop3A_629 : vector<16xf32>
      %parallel_loop3A_631 = arith.fptosi %parallel_loop3A_630 : vector<16xf32> to vector<16xi32>
      %parallel_loop3A_632 = arith.constant 99 : i32
      %parallel_loop3A_633 = vector.broadcast %parallel_loop3A_632 : i32 to vector<16xi32>
      %parallel_loop3A_634 = arith.minsi %parallel_loop3A_631, %parallel_loop3A_633 : vector<16xi32>
      %parallel_loop3A_635 = arith.constant 16 : i32
      %parallel_loop3A_636 = vector.broadcast %parallel_loop3A_635 : i32 to vector<16xi32>
      %parallel_loop3A_637 = arith.muli %parallel_loop3A_634, %parallel_loop3A_636 : vector<16xi32>
      %parallel_loop3A_638 = arith.constant 4096 : i32
      %parallel_loop3A_639 = vector.broadcast %parallel_loop3A_638 : i32 to vector<16xi32>
      %parallel_loop3A_640 = arith.addi %parallel_loop3A_639, %parallel_loop3A_637 : vector<16xi32>
      %parallel_loop3A_641 = arith.addi %parallel_loop3A_640, %iota3A : vector<16xi32>
      tpu.vector_store_idx %arg6[%parallel_loop3A_641], %broadcast_in_dim3A_1 {add = true} : memref<6144xi32, #tpu.memory_space<vmem>>[vector<16xi32>], vector<16xi32>,
    } {sc.loop_unroll_factor = 8 : i64, sc.parallel_access}
    %dma_start3A_437 = arith.constant 2 : i32
    %dma_start3A_438 = arith.constant 256 : i32
    %dma_start3A_439 = arith.constant 0 : i32
    %dma_start3A_440 = tpu.memref_slice %arg2[%add3A, %dma_start3A_437, %dma_start3A_438, %dma_start3A_439] : memref<32x3x512x512xf32, #tpu.memory_space<hbm>> -> memref<1x1x64x512xf32, #tpu.memory_space<hbm>>
    %dma_start3A_441 = tpu.memref_squeeze %dma_start3A_440 : memref<1x1x64x512xf32, #tpu.memory_space<hbm>> -> memref<64x512xf32, #tpu.memory_space<hbm>>
    %dma_start3A_442 = arith.constant 256 : i32
    %dma_start3A_443 = arith.constant 0 : i32
    %dma_start3A_444 = tpu.memref_slice %arg2[%add3A, %dma_start3A_437, %dma_start3A_442, %dma_start3A_443] : memref<32x3x512x512xf32, #tpu.memory_space<hbm>> -> memref<1x1x64x512xf32, #tpu.memory_space<hbm>>
    %dma_start3A_445 = tpu.memref_squeeze %dma_start3A_444 : memref<1x1x64x512xf32, #tpu.memory_space<hbm>> -> memref<64x512xf32, #tpu.memory_space<hbm>>
    tpu.enqueue_dma source(%dma_start3A_445 : memref<64x512xf32, #tpu.memory_space<hbm>>) target(%arg4 : memref<64x512xf32, #tpu.memory_space<vmem>>) target_semaphore(%arg8 : memref<!tpu.dma_semaphore, #tpu.memory_space<semaphore_mem>>)
    %dma_wait3A_446 = arith.constant 2 : i32
    %dma_wait3A_447 = arith.constant 192 : i32
    %dma_wait3A_448 = arith.constant 0 : i32
    %dma_wait3A_449 = tpu.memref_slice %arg2[%add3A, %dma_wait3A_446, %dma_wait3A_447, %dma_wait3A_448] : memref<32x3x512x512xf32, #tpu.memory_space<hbm>> -> memref<1x1x64x512xf32, #tpu.memory_space<hbm>>
    %dma_wait3A_450 = tpu.memref_squeeze %dma_wait3A_449 : memref<1x1x64x512xf32, #tpu.memory_space<hbm>> -> memref<64x512xf32, #tpu.memory_space<hbm>>
    %dma_wait3A_451 = arith.constant 192 : i32
    %dma_wait3A_452 = arith.constant 0 : i32
    %dma_wait3A_453 = tpu.memref_slice %arg2[%add3A, %dma_wait3A_446, %dma_wait3A_451, %dma_wait3A_452] : memref<32x3x512x512xf32, #tpu.memory_space<hbm>> -> memref<1x1x64x512xf32, #tpu.memory_space<hbm>>
    %dma_wait3A_454 = tpu.memref_squeeze %dma_wait3A_453 : memref<1x1x64x512xf32, #tpu.memory_space<hbm>> -> memref<64x512xf32, #tpu.memory_space<hbm>>
    tpu.wait_dma2 semaphore(%arg9 : memref<!tpu.dma_semaphore, #tpu.memory_space<semaphore_mem>>) src(%dma_wait3A_454 : memref<64x512xf32, #tpu.memory_space<hbm>>) dst(%arg5 : memref<64x512xf32, #tpu.memory_space<vmem>>)
    %parallel_loop3A_455 = arith.constant 0 : i32
    %parallel_loop3A_456 = arith.constant 2048 : i32
    %parallel_loop3A_457 = arith.constant 1 : i32
    %parallel_loop3A_458 = arith.constant -1.280000e+02 : f32
    %parallel_loop3A_459 = arith.constant 0.392156869 : f32
    scf.for %parallel_loop3A_617 = %parallel_loop3A_455 to %parallel_loop3A_456 step %parallel_loop3A_457  : i32 {
      %parallel_loop3A_618 = arith.constant 5 : i32
      %parallel_loop3A_619 = arith.shrsi %parallel_loop3A_617, %parallel_loop3A_618 : i32
      %parallel_loop3A_620 = arith.constant 31 : i32
      %parallel_loop3A_621 = arith.andi %parallel_loop3A_617, %parallel_loop3A_620 : i32
      %parallel_loop3A_622 = arith.constant 16 : i32
      %parallel_loop3A_623 = arith.muli %parallel_loop3A_621, %parallel_loop3A_622 : i32
      %parallel_loop3A_624 = arith.index_cast %parallel_loop3A_619 : i32 to index
      %parallel_loop3A_625 = arith.index_cast %parallel_loop3A_623 : i32 to index
      %parallel_loop3A_626 = tpu.vector_load %arg5[%parallel_loop3A_624, %parallel_loop3A_625] {strides = array<i32>} : memref<64x512xf32, #tpu.memory_space<vmem>>, vector<16xf32>,
      %parallel_loop3A_627 = vector.broadcast %parallel_loop3A_458 : f32 to vector<16xf32>
      %parallel_loop3A_628 = arith.subf %parallel_loop3A_626, %parallel_loop3A_627 : vector<16xf32>
      %parallel_loop3A_629 = vector.broadcast %parallel_loop3A_459 : f32 to vector<16xf32>
      %parallel_loop3A_630 = arith.mulf %parallel_loop3A_628, %parallel_loop3A_629 : vector<16xf32>
      %parallel_loop3A_631 = arith.fptosi %parallel_loop3A_630 : vector<16xf32> to vector<16xi32>
      %parallel_loop3A_632 = arith.constant 99 : i32
      %parallel_loop3A_633 = vector.broadcast %parallel_loop3A_632 : i32 to vector<16xi32>
      %parallel_loop3A_634 = arith.minsi %parallel_loop3A_631, %parallel_loop3A_633 : vector<16xi32>
      %parallel_loop3A_635 = arith.constant 16 : i32
      %parallel_loop3A_636 = vector.broadcast %parallel_loop3A_635 : i32 to vector<16xi32>
      %parallel_loop3A_637 = arith.muli %parallel_loop3A_634, %parallel_loop3A_636 : vector<16xi32>
      %parallel_loop3A_638 = arith.constant 4096 : i32
      %parallel_loop3A_639 = vector.broadcast %parallel_loop3A_638 : i32 to vector<16xi32>
      %parallel_loop3A_640 = arith.addi %parallel_loop3A_639, %parallel_loop3A_637 : vector<16xi32>
      %parallel_loop3A_641 = arith.addi %parallel_loop3A_640, %iota3A : vector<16xi32>
      tpu.vector_store_idx %arg6[%parallel_loop3A_641], %broadcast_in_dim3A_1 {add = true} : memref<6144xi32, #tpu.memory_space<vmem>>[vector<16xi32>], vector<16xi32>,
    } {sc.loop_unroll_factor = 8 : i64, sc.parallel_access}
    %dma_start3A_460 = arith.constant 2 : i32
    %dma_start3A_461 = arith.constant 320 : i32
    %dma_start3A_462 = arith.constant 0 : i32
    %dma_start3A_463 = tpu.memref_slice %arg2[%add3A, %dma_start3A_460, %dma_start3A_461, %dma_start3A_462] : memref<32x3x512x512xf32, #tpu.memory_space<hbm>> -> memref<1x1x64x512xf32, #tpu.memory_space<hbm>>
    %dma_start3A_464 = tpu.memref_squeeze %dma_start3A_463 : memref<1x1x64x512xf32, #tpu.memory_space<hbm>> -> memref<64x512xf32, #tpu.memory_space<hbm>>
    %dma_start3A_465 = arith.constant 320 : i32
    %dma_start3A_466 = arith.constant 0 : i32
    %dma_start3A_467 = tpu.memref_slice %arg2[%add3A, %dma_start3A_460, %dma_start3A_465, %dma_start3A_466] : memref<32x3x512x512xf32, #tpu.memory_space<hbm>> -> memref<1x1x64x512xf32, #tpu.memory_space<hbm>>
    %dma_start3A_468 = tpu.memref_squeeze %dma_start3A_467 : memref<1x1x64x512xf32, #tpu.memory_space<hbm>> -> memref<64x512xf32, #tpu.memory_space<hbm>>
    tpu.enqueue_dma source(%dma_start3A_468 : memref<64x512xf32, #tpu.memory_space<hbm>>) target(%arg5 : memref<64x512xf32, #tpu.memory_space<vmem>>) target_semaphore(%arg9 : memref<!tpu.dma_semaphore, #tpu.memory_space<semaphore_mem>>)
    %dma_wait3A_469 = arith.constant 2 : i32
    %dma_wait3A_470 = arith.constant 256 : i32
    %dma_wait3A_471 = arith.constant 0 : i32
    %dma_wait3A_472 = tpu.memref_slice %arg2[%add3A, %dma_wait3A_469, %dma_wait3A_470, %dma_wait3A_471] : memref<32x3x512x512xf32, #tpu.memory_space<hbm>> -> memref<1x1x64x512xf32, #tpu.memory_space<hbm>>
    %dma_wait3A_473 = tpu.memref_squeeze %dma_wait3A_472 : memref<1x1x64x512xf32, #tpu.memory_space<hbm>> -> memref<64x512xf32, #tpu.memory_space<hbm>>
    %dma_wait3A_474 = arith.constant 256 : i32
    %dma_wait3A_475 = arith.constant 0 : i32
    %dma_wait3A_476 = tpu.memref_slice %arg2[%add3A, %dma_wait3A_469, %dma_wait3A_474, %dma_wait3A_475] : memref<32x3x512x512xf32, #tpu.memory_space<hbm>> -> memref<1x1x64x512xf32, #tpu.memory_space<hbm>>
    %dma_wait3A_477 = tpu.memref_squeeze %dma_wait3A_476 : memref<1x1x64x512xf32, #tpu.memory_space<hbm>> -> memref<64x512xf32, #tpu.memory_space<hbm>>
    tpu.wait_dma2 semaphore(%arg8 : memref<!tpu.dma_semaphore, #tpu.memory_space<semaphore_mem>>) src(%dma_wait3A_477 : memref<64x512xf32, #tpu.memory_space<hbm>>) dst(%arg4 : memref<64x512xf32, #tpu.memory_space<vmem>>)
    %parallel_loop3A_478 = arith.constant 0 : i32
    %parallel_loop3A_479 = arith.constant 2048 : i32
    %parallel_loop3A_480 = arith.constant 1 : i32
    %parallel_loop3A_481 = arith.constant -1.280000e+02 : f32
    %parallel_loop3A_482 = arith.constant 0.392156869 : f32
    scf.for %parallel_loop3A_617 = %parallel_loop3A_478 to %parallel_loop3A_479 step %parallel_loop3A_480  : i32 {
      %parallel_loop3A_618 = arith.constant 5 : i32
      %parallel_loop3A_619 = arith.shrsi %parallel_loop3A_617, %parallel_loop3A_618 : i32
      %parallel_loop3A_620 = arith.constant 31 : i32
      %parallel_loop3A_621 = arith.andi %parallel_loop3A_617, %parallel_loop3A_620 : i32
      %parallel_loop3A_622 = arith.constant 16 : i32
      %parallel_loop3A_623 = arith.muli %parallel_loop3A_621, %parallel_loop3A_622 : i32
      %parallel_loop3A_624 = arith.index_cast %parallel_loop3A_619 : i32 to index
      %parallel_loop3A_625 = arith.index_cast %parallel_loop3A_623 : i32 to index
      %parallel_loop3A_626 = tpu.vector_load %arg4[%parallel_loop3A_624, %parallel_loop3A_625] {strides = array<i32>} : memref<64x512xf32, #tpu.memory_space<vmem>>, vector<16xf32>,
      %parallel_loop3A_627 = vector.broadcast %parallel_loop3A_481 : f32 to vector<16xf32>
      %parallel_loop3A_628 = arith.subf %parallel_loop3A_626, %parallel_loop3A_627 : vector<16xf32>
      %parallel_loop3A_629 = vector.broadcast %parallel_loop3A_482 : f32 to vector<16xf32>
      %parallel_loop3A_630 = arith.mulf %parallel_loop3A_628, %parallel_loop3A_629 : vector<16xf32>
      %parallel_loop3A_631 = arith.fptosi %parallel_loop3A_630 : vector<16xf32> to vector<16xi32>
      %parallel_loop3A_632 = arith.constant 99 : i32
      %parallel_loop3A_633 = vector.broadcast %parallel_loop3A_632 : i32 to vector<16xi32>
      %parallel_loop3A_634 = arith.minsi %parallel_loop3A_631, %parallel_loop3A_633 : vector<16xi32>
      %parallel_loop3A_635 = arith.constant 16 : i32
      %parallel_loop3A_636 = vector.broadcast %parallel_loop3A_635 : i32 to vector<16xi32>
      %parallel_loop3A_637 = arith.muli %parallel_loop3A_634, %parallel_loop3A_636 : vector<16xi32>
      %parallel_loop3A_638 = arith.constant 4096 : i32
      %parallel_loop3A_639 = vector.broadcast %parallel_loop3A_638 : i32 to vector<16xi32>
      %parallel_loop3A_640 = arith.addi %parallel_loop3A_639, %parallel_loop3A_637 : vector<16xi32>
      %parallel_loop3A_641 = arith.addi %parallel_loop3A_640, %iota3A : vector<16xi32>
      tpu.vector_store_idx %arg6[%parallel_loop3A_641], %broadcast_in_dim3A_1 {add = true} : memref<6144xi32, #tpu.memory_space<vmem>>[vector<16xi32>], vector<16xi32>,
    } {sc.loop_unroll_factor = 8 : i64, sc.parallel_access}
    %dma_start3A_483 = arith.constant 2 : i32
    %dma_start3A_484 = arith.constant 384 : i32
    %dma_start3A_485 = arith.constant 0 : i32
    %dma_start3A_486 = tpu.memref_slice %arg2[%add3A, %dma_start3A_483, %dma_start3A_484, %dma_start3A_485] : memref<32x3x512x512xf32, #tpu.memory_space<hbm>> -> memref<1x1x64x512xf32, #tpu.memory_space<hbm>>
    %dma_start3A_487 = tpu.memref_squeeze %dma_start3A_486 : memref<1x1x64x512xf32, #tpu.memory_space<hbm>> -> memref<64x512xf32, #tpu.memory_space<hbm>>
    %dma_start3A_488 = arith.constant 384 : i32
    %dma_start3A_489 = arith.constant 0 : i32
    %dma_start3A_490 = tpu.memref_slice %arg2[%add3A, %dma_start3A_483, %dma_start3A_488, %dma_start3A_489] : memref<32x3x512x512xf32, #tpu.memory_space<hbm>> -> memref<1x1x64x512xf32, #tpu.memory_space<hbm>>
    %dma_start3A_491 = tpu.memref_squeeze %dma_start3A_490 : memref<1x1x64x512xf32, #tpu.memory_space<hbm>> -> memref<64x512xf32, #tpu.memory_space<hbm>>
    tpu.enqueue_dma source(%dma_start3A_491 : memref<64x512xf32, #tpu.memory_space<hbm>>) target(%arg4 : memref<64x512xf32, #tpu.memory_space<vmem>>) target_semaphore(%arg8 : memref<!tpu.dma_semaphore, #tpu.memory_space<semaphore_mem>>)
    %dma_wait3A_492 = arith.constant 2 : i32
    %dma_wait3A_493 = arith.constant 320 : i32
    %dma_wait3A_494 = arith.constant 0 : i32
    %dma_wait3A_495 = tpu.memref_slice %arg2[%add3A, %dma_wait3A_492, %dma_wait3A_493, %dma_wait3A_494] : memref<32x3x512x512xf32, #tpu.memory_space<hbm>> -> memref<1x1x64x512xf32, #tpu.memory_space<hbm>>
    %dma_wait3A_496 = tpu.memref_squeeze %dma_wait3A_495 : memref<1x1x64x512xf32, #tpu.memory_space<hbm>> -> memref<64x512xf32, #tpu.memory_space<hbm>>
    %dma_wait3A_497 = arith.constant 320 : i32
    %dma_wait3A_498 = arith.constant 0 : i32
    %dma_wait3A_499 = tpu.memref_slice %arg2[%add3A, %dma_wait3A_492, %dma_wait3A_497, %dma_wait3A_498] : memref<32x3x512x512xf32, #tpu.memory_space<hbm>> -> memref<1x1x64x512xf32, #tpu.memory_space<hbm>>
    %dma_wait3A_500 = tpu.memref_squeeze %dma_wait3A_499 : memref<1x1x64x512xf32, #tpu.memory_space<hbm>> -> memref<64x512xf32, #tpu.memory_space<hbm>>
    tpu.wait_dma2 semaphore(%arg9 : memref<!tpu.dma_semaphore, #tpu.memory_space<semaphore_mem>>) src(%dma_wait3A_500 : memref<64x512xf32, #tpu.memory_space<hbm>>) dst(%arg5 : memref<64x512xf32, #tpu.memory_space<vmem>>)
    %parallel_loop3A_501 = arith.constant 0 : i32
    %parallel_loop3A_502 = arith.constant 2048 : i32
    %parallel_loop3A_503 = arith.constant 1 : i32
    %parallel_loop3A_504 = arith.constant -1.280000e+02 : f32
    %parallel_loop3A_505 = arith.constant 0.392156869 : f32
    scf.for %parallel_loop3A_617 = %parallel_loop3A_501 to %parallel_loop3A_502 step %parallel_loop3A_503  : i32 {
      %parallel_loop3A_618 = arith.constant 5 : i32
      %parallel_loop3A_619 = arith.shrsi %parallel_loop3A_617, %parallel_loop3A_618 : i32
      %parallel_loop3A_620 = arith.constant 31 : i32
      %parallel_loop3A_621 = arith.andi %parallel_loop3A_617, %parallel_loop3A_620 : i32
      %parallel_loop3A_622 = arith.constant 16 : i32
      %parallel_loop3A_623 = arith.muli %parallel_loop3A_621, %parallel_loop3A_622 : i32
      %parallel_loop3A_624 = arith.index_cast %parallel_loop3A_619 : i32 to index
      %parallel_loop3A_625 = arith.index_cast %parallel_loop3A_623 : i32 to index
      %parallel_loop3A_626 = tpu.vector_load %arg5[%parallel_loop3A_624, %parallel_loop3A_625] {strides = array<i32>} : memref<64x512xf32, #tpu.memory_space<vmem>>, vector<16xf32>,
      %parallel_loop3A_627 = vector.broadcast %parallel_loop3A_504 : f32 to vector<16xf32>
      %parallel_loop3A_628 = arith.subf %parallel_loop3A_626, %parallel_loop3A_627 : vector<16xf32>
      %parallel_loop3A_629 = vector.broadcast %parallel_loop3A_505 : f32 to vector<16xf32>
      %parallel_loop3A_630 = arith.mulf %parallel_loop3A_628, %parallel_loop3A_629 : vector<16xf32>
      %parallel_loop3A_631 = arith.fptosi %parallel_loop3A_630 : vector<16xf32> to vector<16xi32>
      %parallel_loop3A_632 = arith.constant 99 : i32
      %parallel_loop3A_633 = vector.broadcast %parallel_loop3A_632 : i32 to vector<16xi32>
      %parallel_loop3A_634 = arith.minsi %parallel_loop3A_631, %parallel_loop3A_633 : vector<16xi32>
      %parallel_loop3A_635 = arith.constant 16 : i32
      %parallel_loop3A_636 = vector.broadcast %parallel_loop3A_635 : i32 to vector<16xi32>
      %parallel_loop3A_637 = arith.muli %parallel_loop3A_634, %parallel_loop3A_636 : vector<16xi32>
      %parallel_loop3A_638 = arith.constant 4096 : i32
      %parallel_loop3A_639 = vector.broadcast %parallel_loop3A_638 : i32 to vector<16xi32>
      %parallel_loop3A_640 = arith.addi %parallel_loop3A_639, %parallel_loop3A_637 : vector<16xi32>
      %parallel_loop3A_641 = arith.addi %parallel_loop3A_640, %iota3A : vector<16xi32>
      tpu.vector_store_idx %arg6[%parallel_loop3A_641], %broadcast_in_dim3A_1 {add = true} : memref<6144xi32, #tpu.memory_space<vmem>>[vector<16xi32>], vector<16xi32>,
    } {sc.loop_unroll_factor = 8 : i64, sc.parallel_access}
    %dma_start3A_506 = arith.constant 2 : i32
    %dma_start3A_507 = arith.constant 448 : i32
    %dma_start3A_508 = arith.constant 0 : i32
    %dma_start3A_509 = tpu.memref_slice %arg2[%add3A, %dma_start3A_506, %dma_start3A_507, %dma_start3A_508] : memref<32x3x512x512xf32, #tpu.memory_space<hbm>> -> memref<1x1x64x512xf32, #tpu.memory_space<hbm>>
    %dma_start3A_510 = tpu.memref_squeeze %dma_start3A_509 : memref<1x1x64x512xf32, #tpu.memory_space<hbm>> -> memref<64x512xf32, #tpu.memory_space<hbm>>
    %dma_start3A_511 = arith.constant 448 : i32
    %dma_start3A_512 = arith.constant 0 : i32
    %dma_start3A_513 = tpu.memref_slice %arg2[%add3A, %dma_start3A_506, %dma_start3A_511, %dma_start3A_512] : memref<32x3x512x512xf32, #tpu.memory_space<hbm>> -> memref<1x1x64x512xf32, #tpu.memory_space<hbm>>
    %dma_start3A_514 = tpu.memref_squeeze %dma_start3A_513 : memref<1x1x64x512xf32, #tpu.memory_space<hbm>> -> memref<64x512xf32, #tpu.memory_space<hbm>>
    tpu.enqueue_dma source(%dma_start3A_514 : memref<64x512xf32, #tpu.memory_space<hbm>>) target(%arg5 : memref<64x512xf32, #tpu.memory_space<vmem>>) target_semaphore(%arg9 : memref<!tpu.dma_semaphore, #tpu.memory_space<semaphore_mem>>)
    %dma_wait3A_515 = arith.constant 2 : i32
    %dma_wait3A_516 = arith.constant 384 : i32
    %dma_wait3A_517 = arith.constant 0 : i32
    %dma_wait3A_518 = tpu.memref_slice %arg2[%add3A, %dma_wait3A_515, %dma_wait3A_516, %dma_wait3A_517] : memref<32x3x512x512xf32, #tpu.memory_space<hbm>> -> memref<1x1x64x512xf32, #tpu.memory_space<hbm>>
    %dma_wait3A_519 = tpu.memref_squeeze %dma_wait3A_518 : memref<1x1x64x512xf32, #tpu.memory_space<hbm>> -> memref<64x512xf32, #tpu.memory_space<hbm>>
    %dma_wait3A_520 = arith.constant 384 : i32
    %dma_wait3A_521 = arith.constant 0 : i32
    %dma_wait3A_522 = tpu.memref_slice %arg2[%add3A, %dma_wait3A_515, %dma_wait3A_520, %dma_wait3A_521] : memref<32x3x512x512xf32, #tpu.memory_space<hbm>> -> memref<1x1x64x512xf32, #tpu.memory_space<hbm>>
    %dma_wait3A_523 = tpu.memref_squeeze %dma_wait3A_522 : memref<1x1x64x512xf32, #tpu.memory_space<hbm>> -> memref<64x512xf32, #tpu.memory_space<hbm>>
    tpu.wait_dma2 semaphore(%arg8 : memref<!tpu.dma_semaphore, #tpu.memory_space<semaphore_mem>>) src(%dma_wait3A_523 : memref<64x512xf32, #tpu.memory_space<hbm>>) dst(%arg4 : memref<64x512xf32, #tpu.memory_space<vmem>>)
    %parallel_loop3A_524 = arith.constant 0 : i32
    %parallel_loop3A_525 = arith.constant 2048 : i32
    %parallel_loop3A_526 = arith.constant 1 : i32
    %parallel_loop3A_527 = arith.constant -1.280000e+02 : f32
    %parallel_loop3A_528 = arith.constant 0.392156869 : f32
    scf.for %parallel_loop3A_617 = %parallel_loop3A_524 to %parallel_loop3A_525 step %parallel_loop3A_526  : i32 {
      %parallel_loop3A_618 = arith.constant 5 : i32
      %parallel_loop3A_619 = arith.shrsi %parallel_loop3A_617, %parallel_loop3A_618 : i32
      %parallel_loop3A_620 = arith.constant 31 : i32
      %parallel_loop3A_621 = arith.andi %parallel_loop3A_617, %parallel_loop3A_620 : i32
      %parallel_loop3A_622 = arith.constant 16 : i32
      %parallel_loop3A_623 = arith.muli %parallel_loop3A_621, %parallel_loop3A_622 : i32
      %parallel_loop3A_624 = arith.index_cast %parallel_loop3A_619 : i32 to index
      %parallel_loop3A_625 = arith.index_cast %parallel_loop3A_623 : i32 to index
      %parallel_loop3A_626 = tpu.vector_load %arg4[%parallel_loop3A_624, %parallel_loop3A_625] {strides = array<i32>} : memref<64x512xf32, #tpu.memory_space<vmem>>, vector<16xf32>,
      %parallel_loop3A_627 = vector.broadcast %parallel_loop3A_527 : f32 to vector<16xf32>
      %parallel_loop3A_628 = arith.subf %parallel_loop3A_626, %parallel_loop3A_627 : vector<16xf32>
      %parallel_loop3A_629 = vector.broadcast %parallel_loop3A_528 : f32 to vector<16xf32>
      %parallel_loop3A_630 = arith.mulf %parallel_loop3A_628, %parallel_loop3A_629 : vector<16xf32>
      %parallel_loop3A_631 = arith.fptosi %parallel_loop3A_630 : vector<16xf32> to vector<16xi32>
      %parallel_loop3A_632 = arith.constant 99 : i32
      %parallel_loop3A_633 = vector.broadcast %parallel_loop3A_632 : i32 to vector<16xi32>
      %parallel_loop3A_634 = arith.minsi %parallel_loop3A_631, %parallel_loop3A_633 : vector<16xi32>
      %parallel_loop3A_635 = arith.constant 16 : i32
      %parallel_loop3A_636 = vector.broadcast %parallel_loop3A_635 : i32 to vector<16xi32>
      %parallel_loop3A_637 = arith.muli %parallel_loop3A_634, %parallel_loop3A_636 : vector<16xi32>
      %parallel_loop3A_638 = arith.constant 4096 : i32
      %parallel_loop3A_639 = vector.broadcast %parallel_loop3A_638 : i32 to vector<16xi32>
      %parallel_loop3A_640 = arith.addi %parallel_loop3A_639, %parallel_loop3A_637 : vector<16xi32>
      %parallel_loop3A_641 = arith.addi %parallel_loop3A_640, %iota3A : vector<16xi32>
      tpu.vector_store_idx %arg6[%parallel_loop3A_641], %broadcast_in_dim3A_1 {add = true} : memref<6144xi32, #tpu.memory_space<vmem>>[vector<16xi32>], vector<16xi32>,
    } {sc.loop_unroll_factor = 8 : i64, sc.parallel_access}
    %dma_wait3A_529 = arith.constant 2 : i32
    %dma_wait3A_530 = arith.constant 448 : i32
    %dma_wait3A_531 = arith.constant 0 : i32
    %dma_wait3A_532 = tpu.memref_slice %arg2[%add3A, %dma_wait3A_529, %dma_wait3A_530, %dma_wait3A_531] : memref<32x3x512x512xf32, #tpu.memory_space<hbm>> -> memref<1x1x64x512xf32, #tpu.memory_space<hbm>>
    %dma_wait3A_533 = tpu.memref_squeeze %dma_wait3A_532 : memref<1x1x64x512xf32, #tpu.memory_space<hbm>> -> memref<64x512xf32, #tpu.memory_space<hbm>>
    %dma_wait3A_534 = arith.constant 448 : i32
    %dma_wait3A_535 = arith.constant 0 : i32
    %dma_wait3A_536 = tpu.memref_slice %arg2[%add3A, %dma_wait3A_529, %dma_wait3A_534, %dma_wait3A_535] : memref<32x3x512x512xf32, #tpu.memory_space<hbm>> -> memref<1x1x64x512xf32, #tpu.memory_space<hbm>>
    %dma_wait3A_537 = tpu.memref_squeeze %dma_wait3A_536 : memref<1x1x64x512xf32, #tpu.memory_space<hbm>> -> memref<64x512xf32, #tpu.memory_space<hbm>>
    tpu.wait_dma2 semaphore(%arg9 : memref<!tpu.dma_semaphore, #tpu.memory_space<semaphore_mem>>) src(%dma_wait3A_537 : memref<64x512xf32, #tpu.memory_space<hbm>>) dst(%arg5 : memref<64x512xf32, #tpu.memory_space<vmem>>)
    %parallel_loop3A_538 = arith.constant 0 : i32
    %parallel_loop3A_539 = arith.constant 2048 : i32
    %parallel_loop3A_540 = arith.constant 1 : i32
    %parallel_loop3A_541 = arith.constant -1.280000e+02 : f32
    %parallel_loop3A_542 = arith.constant 0.392156869 : f32
    scf.for %parallel_loop3A_617 = %parallel_loop3A_538 to %parallel_loop3A_539 step %parallel_loop3A_540  : i32 {
      %parallel_loop3A_618 = arith.constant 5 : i32
      %parallel_loop3A_619 = arith.shrsi %parallel_loop3A_617, %parallel_loop3A_618 : i32
      %parallel_loop3A_620 = arith.constant 31 : i32
      %parallel_loop3A_621 = arith.andi %parallel_loop3A_617, %parallel_loop3A_620 : i32
      %parallel_loop3A_622 = arith.constant 16 : i32
      %parallel_loop3A_623 = arith.muli %parallel_loop3A_621, %parallel_loop3A_622 : i32
      %parallel_loop3A_624 = arith.index_cast %parallel_loop3A_619 : i32 to index
      %parallel_loop3A_625 = arith.index_cast %parallel_loop3A_623 : i32 to index
      %parallel_loop3A_626 = tpu.vector_load %arg5[%parallel_loop3A_624, %parallel_loop3A_625] {strides = array<i32>} : memref<64x512xf32, #tpu.memory_space<vmem>>, vector<16xf32>,
      %parallel_loop3A_627 = vector.broadcast %parallel_loop3A_541 : f32 to vector<16xf32>
      %parallel_loop3A_628 = arith.subf %parallel_loop3A_626, %parallel_loop3A_627 : vector<16xf32>
      %parallel_loop3A_629 = vector.broadcast %parallel_loop3A_542 : f32 to vector<16xf32>
      %parallel_loop3A_630 = arith.mulf %parallel_loop3A_628, %parallel_loop3A_629 : vector<16xf32>
      %parallel_loop3A_631 = arith.fptosi %parallel_loop3A_630 : vector<16xf32> to vector<16xi32>
      %parallel_loop3A_632 = arith.constant 99 : i32
      %parallel_loop3A_633 = vector.broadcast %parallel_loop3A_632 : i32 to vector<16xi32>
      %parallel_loop3A_634 = arith.minsi %parallel_loop3A_631, %parallel_loop3A_633 : vector<16xi32>
      %parallel_loop3A_635 = arith.constant 16 : i32
      %parallel_loop3A_636 = vector.broadcast %parallel_loop3A_635 : i32 to vector<16xi32>
      %parallel_loop3A_637 = arith.muli %parallel_loop3A_634, %parallel_loop3A_636 : vector<16xi32>
      %parallel_loop3A_638 = arith.constant 4096 : i32
      %parallel_loop3A_639 = vector.broadcast %parallel_loop3A_638 : i32 to vector<16xi32>
      %parallel_loop3A_640 = arith.addi %parallel_loop3A_639, %parallel_loop3A_637 : vector<16xi32>
      %parallel_loop3A_641 = arith.addi %parallel_loop3A_640, %iota3A : vector<16xi32>
      tpu.vector_store_idx %arg6[%parallel_loop3A_641], %broadcast_in_dim3A_1 {add = true} : memref<6144xi32, #tpu.memory_space<vmem>>[vector<16xi32>], vector<16xi32>,
    } {sc.loop_unroll_factor = 8 : i64, sc.parallel_access}
    %scan3A_543 = arith.constant -1 : i32
    %scan3A_544 = arith.constant 0 : i32
    %scan3A_545 = arith.constant -1 : i32
    %scan3A_546 = arith.constant 0 : i32
    %scan3A_547 = arith.constant 0 : i32
    %scan3A_548 = arith.constant 100 : i32
    %scan3A_549 = arith.addi %scan3A_547, %scan3A_548 : i32
    %scan3A_550 = arith.constant 1 : i32
    %scan3A_551:4 = scf.for %scan3A_617 = %scan3A_547 to %scan3A_549 step %scan3A_550 iter_args(%scan3A_618 = %scan3A_543, %scan3A_619 = %scan3A_544, %scan3A_620 = %scan3A_545, %scan3A_621 = %scan3A_546) -> (i32, i32, i32, i32)  : i32 {
      %mul3A_622 = arith.constant 16 : i32
      %mul3A_623 = arith.muli %scan3A_617, %mul3A_622 : i32
      %add3A_624 = arith.constant 0 : i32
      %add3A_625 = arith.addi %add3A_624, %mul3A_623 : i32
      %get3A = arith.index_cast %add3A_625 : i32 to index
      %get3A_626 = tpu.vector_load %arg6[%get3A] {strides = array<i32>} : memref<6144xi32, #tpu.memory_space<vmem>>, vector<16xi32>,
      %reduce_sum3A = arith.constant true
      %reduce_sum3A_627 = vector.broadcast %reduce_sum3A : i1 to vector<16xi1>
      %reduce_sum3A_628 = tpu.scan <sum>, %get3A_626 masked %reduce_sum3A_627 : vector<16xi32>, vector<16xi1> -> vector<16xi32>
      %reduce_sum3A_629 = vector.extract %reduce_sum3A_628[15] : i32 from vector<16xi32>
      %gt3A = arith.cmpi sgt, %reduce_sum3A_629, %scan3A_618 : i32
      %not3A = arith.constant true
      %not3A_630 = arith.xori %gt3A, %not3A : i1
      %gt3A_631 = arith.cmpi sgt, %reduce_sum3A_629, %scan3A_620 : i32
      %and3A = arith.andi %not3A_630, %gt3A_631 : i1
      %select_n3A_632 = arith.select %and3A, %reduce_sum3A_629, %scan3A_620 : i32
      %select_n3A_633 = arith.select %gt3A, %scan3A_618, %select_n3A_632 : i32
      %select_n3A_634 = arith.select %and3A, %scan3A_617, %scan3A_621 : i32
      %select_n3A_635 = arith.select %gt3A, %scan3A_619, %select_n3A_634 : i32
      %select_n3A_636 = arith.select %gt3A, %reduce_sum3A_629, %scan3A_618 : i32
      %select_n3A_637 = arith.select %gt3A, %scan3A_617, %scan3A_619 : i32
      scf.yield %select_n3A_636, %select_n3A_637, %select_n3A_633, %select_n3A_635 : i32, i32, i32, i32
    }
    %scan3A_552 = arith.constant 100 : i32
    %scan3A_553 = arith.constant -1 : i32
    %scan3A_554 = arith.constant 0 : i32
    %scan3A_555 = arith.constant -1 : i32
    %scan3A_556 = arith.constant 0 : i32
    %scan3A_557 = arith.constant 0 : i32
    %scan3A_558 = arith.constant 100 : i32
    %scan3A_559 = arith.addi %scan3A_557, %scan3A_558 : i32
    %scan3A_560 = arith.constant 1 : i32
    %scan3A_561:4 = scf.for %scan3A_617 = %scan3A_557 to %scan3A_559 step %scan3A_560 iter_args(%scan3A_618 = %scan3A_553, %scan3A_619 = %scan3A_554, %scan3A_620 = %scan3A_555, %scan3A_621 = %scan3A_556) -> (i32, i32, i32, i32)  : i32 {
      %mul3A_622 = arith.constant 16 : i32
      %mul3A_623 = arith.muli %scan3A_617, %mul3A_622 : i32
      %add3A_624 = arith.constant 2048 : i32
      %add3A_625 = arith.addi %add3A_624, %mul3A_623 : i32
      %get3A = arith.index_cast %add3A_625 : i32 to index
      %get3A_626 = tpu.vector_load %arg6[%get3A] {strides = array<i32>} : memref<6144xi32, #tpu.memory_space<vmem>>, vector<16xi32>,
      %reduce_sum3A = arith.constant true
      %reduce_sum3A_627 = vector.broadcast %reduce_sum3A : i1 to vector<16xi1>
      %reduce_sum3A_628 = tpu.scan <sum>, %get3A_626 masked %reduce_sum3A_627 : vector<16xi32>, vector<16xi1> -> vector<16xi32>
      %reduce_sum3A_629 = vector.extract %reduce_sum3A_628[15] : i32 from vector<16xi32>
      %gt3A = arith.cmpi sgt, %reduce_sum3A_629, %scan3A_618 : i32
      %not3A = arith.constant true
      %not3A_630 = arith.xori %gt3A, %not3A : i1
      %gt3A_631 = arith.cmpi sgt, %reduce_sum3A_629, %scan3A_620 : i32
      %and3A = arith.andi %not3A_630, %gt3A_631 : i1
      %select_n3A_632 = arith.select %and3A, %reduce_sum3A_629, %scan3A_620 : i32
      %select_n3A_633 = arith.select %gt3A, %scan3A_618, %select_n3A_632 : i32
      %select_n3A_634 = arith.select %and3A, %scan3A_617, %scan3A_621 : i32
      %select_n3A_635 = arith.select %gt3A, %scan3A_619, %select_n3A_634 : i32
      %select_n3A_636 = arith.select %gt3A, %reduce_sum3A_629, %scan3A_618 : i32
      %select_n3A_637 = arith.select %gt3A, %scan3A_617, %scan3A_619 : i32
      scf.yield %select_n3A_636, %select_n3A_637, %select_n3A_633, %select_n3A_635 : i32, i32, i32, i32
    }
    %scan3A_562 = arith.constant 100 : i32
    %scan3A_563 = arith.constant -1 : i32
    %scan3A_564 = arith.constant 0 : i32
    %scan3A_565 = arith.constant -1 : i32
    %scan3A_566 = arith.constant 0 : i32
    %scan3A_567 = arith.constant 0 : i32
    %scan3A_568 = arith.constant 100 : i32
    %scan3A_569 = arith.addi %scan3A_567, %scan3A_568 : i32
    %scan3A_570 = arith.constant 1 : i32
    %scan3A_571:4 = scf.for %scan3A_617 = %scan3A_567 to %scan3A_569 step %scan3A_570 iter_args(%scan3A_618 = %scan3A_563, %scan3A_619 = %scan3A_564, %scan3A_620 = %scan3A_565, %scan3A_621 = %scan3A_566) -> (i32, i32, i32, i32)  : i32 {
      %mul3A_622 = arith.constant 16 : i32
      %mul3A_623 = arith.muli %scan3A_617, %mul3A_622 : i32
      %add3A_624 = arith.constant 4096 : i32
      %add3A_625 = arith.addi %add3A_624, %mul3A_623 : i32
      %get3A = arith.index_cast %add3A_625 : i32 to index
      %get3A_626 = tpu.vector_load %arg6[%get3A] {strides = array<i32>} : memref<6144xi32, #tpu.memory_space<vmem>>, vector<16xi32>,
      %reduce_sum3A = arith.constant true
      %reduce_sum3A_627 = vector.broadcast %reduce_sum3A : i1 to vector<16xi1>
      %reduce_sum3A_628 = tpu.scan <sum>, %get3A_626 masked %reduce_sum3A_627 : vector<16xi32>, vector<16xi1> -> vector<16xi32>
      %reduce_sum3A_629 = vector.extract %reduce_sum3A_628[15] : i32 from vector<16xi32>
      %gt3A = arith.cmpi sgt, %reduce_sum3A_629, %scan3A_618 : i32
      %not3A = arith.constant true
      %not3A_630 = arith.xori %gt3A, %not3A : i1
      %gt3A_631 = arith.cmpi sgt, %reduce_sum3A_629, %scan3A_620 : i32
      %and3A = arith.andi %not3A_630, %gt3A_631 : i1
      %select_n3A_632 = arith.select %and3A, %reduce_sum3A_629, %scan3A_620 : i32
      %select_n3A_633 = arith.select %gt3A, %scan3A_618, %select_n3A_632 : i32
      %select_n3A_634 = arith.select %and3A, %scan3A_617, %scan3A_621 : i32
      %select_n3A_635 = arith.select %gt3A, %scan3A_619, %select_n3A_634 : i32
      %select_n3A_636 = arith.select %gt3A, %reduce_sum3A_629, %scan3A_618 : i32
      %select_n3A_637 = arith.select %gt3A, %scan3A_617, %scan3A_619 : i32
      scf.yield %select_n3A_636, %select_n3A_637, %select_n3A_633, %select_n3A_635 : i32, i32, i32, i32
    }
    %scan3A_572 = arith.constant 100 : i32
    %broadcast_in_dim3A_573 = vector.broadcast %scan3A_551#3 : i32 to vector<16xi32>
    %convert_element_type3A = arith.sitofp %broadcast_in_dim3A_573 : vector<16xi32> to vector<16xf32>
    %add3A_574 = arith.constant 5.000000e-01 : f32
    %add3A_575 = vector.broadcast %add3A_574 : f32 to vector<16xf32>
    %add3A_576 = arith.addf %convert_element_type3A, %add3A_575 : vector<16xf32>
    %mul3A_577 = arith.constant 1.000000e+00 : f32
    %mul3A_578 = vector.broadcast %mul3A_577 : f32 to vector<16xf32>
    %mul3A_579 = arith.mulf %add3A_576, %mul3A_578 : vector<16xf32>
    %add3A_580 = arith.constant 0.000000e+00 : f32
    %add3A_581 = vector.broadcast %add3A_580 : f32 to vector<16xf32>
    %add3A_582 = arith.addf %add3A_581, %mul3A_579 : vector<16xf32>
    %broadcast_in_dim3A_583 = vector.broadcast %scan3A_561#1 : i32 to vector<16xi32>
    %convert_element_type3A_584 = arith.sitofp %broadcast_in_dim3A_583 : vector<16xi32> to vector<16xf32>
    %add3A_585 = arith.constant 5.000000e-01 : f32
    %add3A_586 = vector.broadcast %add3A_585 : f32 to vector<16xf32>
    %add3A_587 = arith.addf %convert_element_type3A_584, %add3A_586 : vector<16xf32>
    %mul3A_588 = arith.constant 2.550000e+00 : f32
    %mul3A_589 = vector.broadcast %mul3A_588 : f32 to vector<16xf32>
    %mul3A_590 = arith.mulf %add3A_587, %mul3A_589 : vector<16xf32>
    %add3A_591 = arith.constant -1.280000e+02 : f32
    %add3A_592 = vector.broadcast %add3A_591 : f32 to vector<16xf32>
    %add3A_593 = arith.addf %add3A_592, %mul3A_590 : vector<16xf32>
    %broadcast_in_dim3A_594 = vector.broadcast %scan3A_571#1 : i32 to vector<16xi32>
    %convert_element_type3A_595 = arith.sitofp %broadcast_in_dim3A_594 : vector<16xi32> to vector<16xf32>
    %add3A_596 = arith.constant 5.000000e-01 : f32
    %add3A_597 = vector.broadcast %add3A_596 : f32 to vector<16xf32>
    %add3A_598 = arith.addf %convert_element_type3A_595, %add3A_597 : vector<16xf32>
    %mul3A_599 = arith.constant 2.550000e+00 : f32
    %mul3A_600 = vector.broadcast %mul3A_599 : f32 to vector<16xf32>
    %mul3A_601 = arith.mulf %add3A_598, %mul3A_600 : vector<16xf32>
    %add3A_602 = arith.constant -1.280000e+02 : f32
    %add3A_603 = vector.broadcast %add3A_602 : f32 to vector<16xf32>
    %add3A_604 = arith.addf %add3A_603, %mul3A_601 : vector<16xf32>
    %eq3A = arith.constant 0 : i32
    %eq3A_605 = vector.broadcast %eq3A : i32 to vector<16xi32>
    %eq3A_606 = arith.cmpi eq, %iota3A, %eq3A_605 : vector<16xi32>
    %eq3A_607 = arith.constant 1 : i32
    %eq3A_608 = vector.broadcast %eq3A_607 : i32 to vector<16xi32>
    %eq3A_609 = arith.cmpi eq, %iota3A, %eq3A_608 : vector<16xi32>
    %eq3A_610 = arith.constant 2 : i32
    %eq3A_611 = vector.broadcast %eq3A_610 : i32 to vector<16xi32>
    %eq3A_612 = arith.cmpi eq, %iota3A, %eq3A_611 : vector<16xi32>
    %jit3A = arith.constant 0.000000e+00 : f32
    %broadcast_in_dim3A_613 = vector.broadcast %jit3A : f32 to vector<16xf32>
    %select_n3A = arith.select %eq3A_612, %add3A_604, %broadcast_in_dim3A_613 : vector<16xi1>, vector<16xf32>
    %select_n3A_614 = arith.select %eq3A_609, %add3A_593, %select_n3A : vector<16xi1>, vector<16xf32>
    %select_n3A_615 = arith.select %eq3A_606, %add3A_582, %select_n3A_614 : vector<16xi1>, vector<16xf32>
    %swap3A = arith.constant 0 : index
    %swap3A_616 = tpu.vector_load %arg7[%swap3A] {strides = array<i32>} : memref<16xf32, #tpu.memory_space<vmem>>, vector<16xf32>,
    tpu.vector_store %arg7[%swap3A], %select_n3A_615 {strides = array<i32>} : memref<16xf32, #tpu.memory_space<vmem>>, vector<16xf32>,
    "tpu.region"() ({
      %run_scoped3A = tpu.sem_alloc : memref<!tpu.dma_semaphore, #tpu.memory_space<semaphore_mem>>
      %dma_start3A_617 = arith.constant 0 : i32
      %dma_start3A_618 = tpu.memref_slice %arg3[%add3A, %dma_start3A_617] : memref<32x16xf32, #tpu.memory_space<hbm>> -> memref<1x16xf32, #tpu.memory_space<hbm>>
      %dma_start3A_619 = tpu.memref_squeeze %dma_start3A_618 : memref<1x16xf32, #tpu.memory_space<hbm>> -> memref<16xf32, #tpu.memory_space<hbm>>
      %dma_start3A_620 = arith.constant 0 : i32
      %dma_start3A_621 = tpu.memref_slice %arg3[%add3A, %dma_start3A_620] : memref<32x16xf32, #tpu.memory_space<hbm>> -> memref<1x16xf32, #tpu.memory_space<hbm>>
      %dma_start3A_622 = tpu.memref_squeeze %dma_start3A_621 : memref<1x16xf32, #tpu.memory_space<hbm>> -> memref<16xf32, #tpu.memory_space<hbm>>
      tpu.enqueue_dma source(%arg7 : memref<16xf32, #tpu.memory_space<vmem>>) target(%dma_start3A_622 : memref<16xf32, #tpu.memory_space<hbm>>) target_semaphore(%run_scoped3A : memref<!tpu.dma_semaphore, #tpu.memory_space<semaphore_mem>>)
      %dma_wait3A_623 = arith.constant 0 : i32
      %dma_wait3A_624 = tpu.memref_slice %arg3[%add3A, %dma_wait3A_623] : memref<32x16xf32, #tpu.memory_space<hbm>> -> memref<1x16xf32, #tpu.memory_space<hbm>>
      %dma_wait3A_625 = tpu.memref_squeeze %dma_wait3A_624 : memref<1x16xf32, #tpu.memory_space<hbm>> -> memref<16xf32, #tpu.memory_space<hbm>>
      %dma_wait3A_626 = arith.constant 0 : i32
      %dma_wait3A_627 = tpu.memref_slice %arg3[%add3A, %dma_wait3A_626] : memref<32x16xf32, #tpu.memory_space<hbm>> -> memref<1x16xf32, #tpu.memory_space<hbm>>
      %dma_wait3A_628 = tpu.memref_squeeze %dma_wait3A_627 : memref<1x16xf32, #tpu.memory_space<hbm>> -> memref<16xf32, #tpu.memory_space<hbm>>
      tpu.wait_dma2 semaphore(%run_scoped3A : memref<!tpu.dma_semaphore, #tpu.memory_space<semaphore_mem>>) src(%arg7 : memref<16xf32, #tpu.memory_space<vmem>>) dst(%dma_wait3A_628 : memref<16xf32, #tpu.memory_space<hbm>>)
      tpu.yield
    }) : () -> ()
    return
  }
}

</mosaic_0001>

<sc_bundles>
// kernel: _sc_peaks.3.cloned.1.call-start
scs
__scs_entry_jumppad:
0x0: {  	(pc) =	sbr.rel $0x88, $3  }
0x1: {  	(tag) =	ssettag $0x0;
	lr =	simm.s32 $0x1  }
0x2: {  	[smem:$0x3FA0] =	sst lr;
	_ =	strace $0xD0000000  }
0x3: {  	_ = 	snop  }
0x4: {  	_ = 	snop  }
0x5: {  	_ = 	snop  }
0x6: {  	_ = 	snop  }
0x7: {  	_ = 	snop  }
__scs_overlays_trampoline_lowered:
0x8: {  	[smem:$0x3FAF] =	sst s0  }
0x9: {  	[smem:$0x3FB0] =	sst s1  }
0xa: {  	[smem:$0x3FB1] =	sst s2  }
0xb: {  	[smem:$0x3FB2] =	sst s3  }
0xc: {  	[smem:$0x3FB3] =	sst s4  }
0xd: {  	[smem:$0x3FB4] =	sst s5  }
0xe: {  	[smem:$0x3FB5] =	sst s6  }
0xf: {  	[smem:$0x3FB6] =	sst s7  }
0x10: {  	[smem:$0x3FB7] =	sst s8  }
0x11: {  	[smem:$0x3FB8] =	sst s9;
	s0 =	simm.s32 @!p0 $0x0  }
0x12: {  	s1 =	sld [smem:$0x3F9E];
	s0 =	simm.s32 @p0 $0x1  }
0x13: {  	[smem:$0x3FB9] =	sst s0;
	s0 =	simm.s32 @!p1 $0x0  }
0x14: {  	s2 =	sld [smem:$0x3F9D];
	s0 =	simm.s32 @p1 $0x1  }
0x15: {  	[smem:$0x3FBA] =	sst s0;
	s0 =	simm.s32 @!p2 $0x0  }
0x16: {  	s3 =	sld [smem:$0x3FDB];
	s0 =	simm.s32 @p2 $0x1  }
0x17: {  	s4 =	simm.s32 $0x1BF5;
	[smem:$0x3FBC] =	sst s0  }
0x18: {  	s0 =	sld [smem:$0x3F9F];
	_ =	swait.ge [sflag:s4], $0x0  }
0x19: {  	s7 =	sld [smem:$0x3FA0]  }
0x1a: {  	s8 =	sadd.s32 $0xFFFFE003, lr  }
0x1b: {  	s9 =	sadd.s32 $0xFFFFFEF7, lr;
	s5 =	simm.s32 $0xFFFFFFFF;
	p2 =	slt.u32 s8, $0xFFFFF086  }
0x1c: {  	p1 =	slt.u32 s9, $0xF7A;
	s5 =	simm.s32 @!p2 $0x0  }
0x1d: {  	s5 =	simm.s32 @p1 $0x1;
	p0 =	seq.s32 s7, s2  }
0x1e: {  	s7 =	smul.u32 @!p0 $0xF7A, s2;
	p2 =	seq.s32 @!p0 s5, $0x0  }
0x1f: {  	s9 =	smul.u32 $0xF7A, s1;
	s8 =	simm.s32 @!p0 $0x1BF5;
	p2 =	por !p2, p0  }
0x20: {  	[sflag:s8] =	ssyncset.s32 @!p0 $0xFFFFF086;
	s6 =	sadd.s32 @!p0 s3, s7;
	s7 =	simm.s32 @!p0 $0x108  }
0x21: {  	s3 =	sadd.s32 s3, s9;
	s6 =	sadd.s32 @!p0 $0x88, s6;
	s7 =	simm.s32 @p2 $0x1082  }
0x22: {  	[simem:s7], [sflag:s8] =	dma.local @!p0 [hbm:s6], $0xF7A  }
0x23: {  	s9 =	sor.u32 $0xD0000000, s2;
	s6 =	simm.s32 $0x108;
	_ =	swait.ge @!p0 [sflag:s8], $0x0  }
0x24: {  	s3 =	sadd.s32 $0x88, s3;
	s6 =	simm.s32 @!p1 $0x1082;
	[sflag:s4] =	ssyncset.s32 $0xFFFFF086  }
0x25: {  	[simem:s6], [sflag:s4] =	dma.local [hbm:s3], $0xF7A  }
0x26: {  	[smem:$0x3FA0] =	sst s1;
	(tag) =	ssettag s2;
	_ =	strace s9  }
0x27: {  	s1 =	sld [smem:$0x3FB0]  }
0x28: {  	s2 =	sld [smem:$0x3FB1]  }
0x29: {  	s4 =	sld [smem:$0x3FB3]  }
0x2a: {  	p0 =	seq.s32 s5, $0x0;
	s5 =	sld [smem:$0x3FB4]  }
0x2b: {  	s6 =	sld [smem:$0x3FB5]  }
0x2c: {  	s7 =	sld [smem:$0x3FB6]  }
0x2d: {  	s3 =	simm.s32 $0x108;
	s8 =	sld [smem:$0x3FB7]  }
0x2e: {  	s3 =	simm.s32 @!p0 $0x1082;
	s9 =	sld [smem:$0x3FB8]  }
0x2f: {  	lr =	sadd.s32 s0, s3;
	s0 =	sld [smem:$0x3FAF]  }
0x30: {  	s3 =	sld [smem:$0x3FB2]  }
0x31: {  	[smem:$0x3FBB] =	sst s10  }
0x32: {  	s10 =	sld [smem:$0x3FB9];
	_ =	sdelay $0x3  }
0x33: {  	p0 =	seq.s32 s10, $0x1;
	s10 =	sld [smem:$0x3FBB];
	_ =	sdelay $0x3  }
0x34: {  	[smem:$0x3FBB] =	sst s10  }
0x35: {  	s10 =	sld [smem:$0x3FBA];
	_ =	sdelay $0x3  }
0x36: {  	p1 =	seq.s32 s10, $0x1;
	s10 =	sld [smem:$0x3FBB];
	_ =	sdelay $0x3  }
0x37: {  	[smem:$0x3FBB] =	sst s10  }
0x38: {  	s10 =	sld [smem:$0x3FBC]  }
0x39: {  	_ = 	snop;
	(pc) =	sbr.ind lr, $3  }
0x3a: {  	_ = 	snop  }
0x3b: {  	_ = 	snop  }
0x3c: {  	p2 =	seq.s32 s10, $0x1;
	s10 =	sld [smem:$0x3FBB]  }
0x3d: {  	_ =	shalt  }
0x3e: {  	_ =	shalt  }
0x3f: {  	_ =	shalt  }
0x40: {  	_ =	shalt  }
0x41: {  	_ =	shalt  }
0x42: {  	_ =	shalt  }
0x43: {  	_ =	shalt  }
0x44: {  	_ =	shalt  }
0x45: {  	_ =	shalt  }
0x46: {  	_ =	shalt  }
0x47: {  	_ =	shalt  }
0x48: {  	_ =	shalt  }
0x49: {  	_ =	shalt  }
0x4a: {  	_ =	shalt  }
0x4b: {  	_ =	shalt  }
0x4c: {  	_ =	shalt  }
0x4d: {  	_ =	shalt  }
0x4e: {  	_ =	shalt  }
0x4f: {  	_ =	shalt  }
0x50: {  	_ =	shalt  }
0x51: {  	_ =	shalt  }
0x52: {  	_ =	shalt  }
0x53: {  	_ =	shalt  }
0x54: {  	_ =	shalt  }
0x55: {  	_ =	shalt  }
0x56: {  	_ =	shalt  }
0x57: {  	_ =	shalt  }
0x58: {  	_ =	shalt  }
0x59: {  	_ =	shalt  }
0x5a: {  	_ =	shalt  }
0x5b: {  	_ =	shalt  }
0x5c: {  	_ =	shalt  }
0x5d: {  	_ =	shalt  }
0x5e: {  	_ =	shalt  }
0x5f: {  	_ =	shalt  }
0x60: {  	_ =	shalt  }
0x61: {  	_ =	shalt  }
0x62: {  	_ =	shalt  }
0x63: {  	_ =	shalt  }
0x64: {  	_ =	shalt  }
0x65: {  	_ =	shalt  }
0x66: {  	_ =	shalt  }
0x67: {  	_ =	shalt  }
0x68: {  	_ =	shalt  }
0x69: {  	_ =	shalt  }
0x6a: {  	_ =	shalt  }
0x6b: {  	_ =	shalt  }
0x6c: {  	_ =	shalt  }
0x6d: {  	_ =	shalt  }
0x6e: {  	_ =	shalt  }
0x6f: {  	_ =	shalt  }
0x70: {  	_ =	shalt  }
0x71: {  	_ =	shalt  }
0x72: {  	_ =	shalt  }
0x73: {  	_ =	shalt  }
0x74: {  	_ =	shalt  }
0x75: {  	_ =	shalt  }
0x76: {  	_ =	shalt  }
0x77: {  	_ =	shalt  }
0x78: {  	_ =	shalt  }
0x79: {  	_ =	shalt  }
0x7a: {  	_ =	shalt  }
0x7b: {  	_ =	shalt  }
0x7c: {  	_ =	shalt  }
0x7d: {  	_ =	shalt  }
0x7e: {  	_ =	shalt  }
0x7f: {  	_ =	shalt  }
0x80: {  	_ =	shalt  }
0x81: {  	_ =	shalt  }
0x82: {  	_ =	shalt  }
0x83: {  	_ =	shalt  }
0x84: {  	_ =	shalt  }
0x85: {  	_ =	shalt  }
0x86: {  	_ =	shalt  }
0x87: {  	_ =	shalt  }
.Lfunc_end0:
.L_simem_size_0:
called_computation_lowered:
.L_overlay_start_0:
0x88: {  	s2 =	sld [smem:$0x3FD9]  }
0x89: {  	s3 =	sld [smem:$0x3FFE];
	_ =	sdelay $0x1  }
0x8a: {  	s1 =	srdreg.scid  }
0x8b: {  	s0 =	sand.u32 $0x1, s1  }
0x8c: {  	s17 =	sshll.u32 s0, $0xA;
	s2 =	sadd.s32 s3, s2  }
0x8d: {  	s2 =	sadd.s32 s2, s17  }
0x8e: {  	[smem:$0x3FC7] =	sst s2  }
0x8f: {  	_ = 	snop  }
0x90: {  	s2 =	sld [smem:$0x3FC9];
	(tm) =	ssettm $0x1  }
0x91: {  	s18 =	sld [smem:$0x3FFB];
	_ =	sdelay $0x3  }
0x92: {  	_ =	strace s18  }
0x93: {  	s3 =	sld [smem:$0x3FFC];
	_ =	sdelay $0x3  }
0x94: {  	_ =	strace s3  }
0x95: {  	s3 =	sld [smem:$0x3FFD];
	_ =	sdelay $0x3  }
0x96: {  	_ =	strace s3  }
0x97: {  	_ =	strace $0x8FFFFFFF  }
0x98: {  	s19 =	sld [smem:$0x3FDB];
	_ =	sdelay $0x1  }
0x99: {  	s4 =	simm.s32 $_scs_section_size  }
0x9a: {  	s5 =	simm.s32 $_size__tile_overlayer_lowered;
	s6 =	simm.s32 $_tile_overlayer_lowered  }
0x9b: {  	s22 =	simm.s32 $0x1BFF;
	s21 =	sshll.u32 s6, $0x1;
	s3 =	sadd.s32 s4, s19  }
0x9c: {  	s7 =	simm.s32 $0x0;
	s20 =	sshll.u32 s5, $0x1;
	s5 =	sadd.s32 s21, s3  }
0x9d: {  	[timem:s7], [sflag:s22] =	dma.local [hbm:s5], s20  }
0x9e: {  	_ =	swait.ge [sflag:s22], s20  }
0x9f: {  	s4 =	ssub.s32 $0x0, s20;
	[sflag:s22] =	ssyncset.done $0x0  }
0xa0: {  	[sflag:s22] =	ssyncadd.s32 s4;
	_ =	sdelay $0x1  }
0xa1: {  	s23 =	simm.s32 $0x1B8B  }
0xa2: {  	_ =	swait.ge [sflag:s23], $0x1  }
0xa3: {  	[sflag:s23] =	ssyncset.done $0x0  }
0xa4: {  	s25 =	simm.s32 $0x1B8E;
	s24 =	sld [smem:$0x3FFE];
	[sflag:s23] =	ssyncadd.s32 $0xFFFFFFFF  }
0xa5: {  	s26 =	simm.s32 $execute0_lowered;
	[smem:$0x3FD2] =	sst s25  }
0xa6: {  	s5 =	sshll.u32 s26, $0x1;
	_ =	strace $0x80000046;
	[dreg:$0x1] =	wrdreg $0xFFFFFFFF  }
0xa7: {  	s28 =	simm.s32 $_size_execute0_lowered;
	s3 =	sadd.s32 s3, s5;
	[dreg:$0x0] =	wrdreg $0x0  }
0xa8: {  	s5 =	sshll.u32 s28, $0x1;
	[dreg:$0x2] =	wrdreg s3  }
0xa9: {  	[dreg:$0x3] =	wrdreg s5  }
0xaa: {  	[dreg:$0x4] =	wrdreg $0xC0  }
0xab: {  	_ =	task [dreg:s7], $0x5FFFF  }
0xac: {  	[dreg:$0x1] =	wrdreg $0xFFFFFFFF  }
0xad: {  	[dreg:$0x0] =	wrdreg $0x60  }
0xae: {  	[dreg:$0x2] =	wrdreg s2  }
0xaf: {  	[dreg:$0x3] =	wrdreg s24  }
0xb0: {  	[dreg:$0x4] =	wrdreg $0x9  }
0xb1: {  	_ =	task.clear_ibuf [dreg:s7], $0x5FFFF;
	_ =	strace $0x90000046  }
0xb2: {  	s29 =	simm.s32 $0x9;
	_ =	strace $0x80000048  }
0xb3: {  	_ =	swait.ge [sflag:s29], $0x1  }
0xb4: {  	[sflag:s29] =	ssyncadd.s32 $0xFFFFFFFF  }
0xb5: {  	_ =	strace $0x90000048  }
0xb6: {  	_ =	sfence  }
0xb7: {  	s30 =	sld [smem:$0x0];
	_ =	sdelay $0x2  }
0xb8: {  	s31 =	sshll.u32 s1, $0xD;
	s1 =	sshrl.u32 s1, $0x2  }
0xb9: {  	s3 =	sand.u32 $0x4000, s31;
	s1 =	sadd.s32 s1, s30  }
0xba: {  	s0 =	sor.u32 s3, s0;
	s1 =	sshll.u32 s1, $0x11  }
0xbb: {  	s0 =	sor.u32 s1, s0  }
0xbc: {  	s0 =	sadd.s32 $0x8F2B, s0  }
0xbd: {  	[sflag:s0] =	ssyncadd.remote.s32 $0x1  }
0xbe: {  	_ =	sfence.sel $0xFFFF  }
0xbf: {  	[dreg:$0x0] =	wrdreg $0xFFFFFFFF;
	(pc) =	sbr.abs _section_cstart, $3  }
0xc0: {  	[dreg:$0x1] =	wrdreg $0xFFFFFFFF  }
0xc1: {  	_ =	task.clear_ibuf [dreg:s7], $0x2FFFF;
	_ =	strace $0x9FFFFFFF  }
0xc2: {  	(tm) =	ssettm $0x7FFFFFFF  }
0xc3: {  	_ =	shalt  }
tec
execute0_lowered:
.L_overlay_start_1:
0x0: {  	(tag) =	ssettag $0x1  }
0x1: {  	s1 =	srdreg.scid;
	s3 =	stileid.u32  }
0x2: {  	s1 =	sand.u32 $0x1, s1;
	s3 =	sshll.u32 s3, $0x1  }
0x3: {  	s0 =	rddreg [dreg:$0x0];
	s4 =	simm.s32 $0x0;
	s3 =	sor.u32 s1, s3  }
0x4: {  	[smem:$0x7FF] =	sst s4;
	s28 =	smul.u32 $0xC0000, s3  }
0x5: {  	s2 =	rddreg [dreg:$0x1];
	_ =	strace $0x80000047;
	s3 =	sshll.u32 s3, $0x4  }
0x6: {  	s1 =	ssub.s32 $0x2, s1;
	s2 =	sadd.s32 s3, s2;
	s4 =	sshrl.u32 s28, $0x3  }
0x7: {  	s5 =	sshrl.u32 s1, $0x1;
	s25 =	sadd.s32 $0x400, s2;
	s3 =	sadd.s32 s0, s4  }
0x8: {  	s4 =	ssub.s32 s1, s5;
	[dreg:$0x17] =	wrdreg s25;
	s5 =	sadd.s32 $0x1000, s3  }
0x9: {  	s6 =	sadd.s32 $0x2000, s3;
	[dreg:$0x3] =	wrdreg s5  }
0xa: {  	s7 =	sadd.s32 $0x3000, s3;
	[dreg:$0x4] =	wrdreg s6  }
0xb: {  	s8 =	sadd.s32 $0x4000, s3;
	[dreg:$0x5] =	wrdreg s7  }
0xc: {  	s9 =	sadd.s32 $0x5000, s3;
	[dreg:$0x6] =	wrdreg s8  }
0xd: {  	s10 =	sadd.s32 $0x6000, s3;
	[dreg:$0x7] =	wrdreg s9  }
0xe: {  	s11 =	sadd.s32 $0x7000, s3;
	[dreg:$0x8] =	wrdreg s10  }
0xf: {  	s12 =	sadd.s32 $0x8000, s3;
	[dreg:$0x9] =	wrdreg s11  }
0x10: {  	s13 =	sadd.s32 $0x9000, s3;
	[dreg:$0xa] =	wrdreg s12  }
0x11: {  	s14 =	sadd.s32 $0xA000, s3;
	[dreg:$0xb] =	wrdreg s13  }
0x12: {  	s15 =	sadd.s32 $0xB000, s3;
	[dreg:$0xc] =	wrdreg s14  }
0x13: {  	s16 =	sadd.s32 $0xC000, s3;
	[dreg:$0xd] =	wrdreg s15  }
0x14: {  	s17 =	sadd.s32 $0xD000, s3;
	[dreg:$0xe] =	wrdreg s16  }
0x15: {  	s18 =	sadd.s32 $0xE000, s3;
	[dreg:$0xf] =	wrdreg s17  }
0x16: {  	s19 =	sadd.s32 $0xF000, s3;
	[dreg:$0x10] =	wrdreg s18  }
0x17: {  	s20 =	sadd.s32 $0x10000, s3;
	[dreg:$0x11] =	wrdreg s19  }
0x18: {  	s21 =	sadd.s32 $0x11000, s3;
	[dreg:$0x12] =	wrdreg s20  }
0x19: {  	s22 =	sadd.s32 $0x12000, s3;
	[dreg:$0x13] =	wrdreg s21  }
0x1a: {  	s30 =	simm.s32 $0x8000;
	s23 =	sadd.s32 $0x13000, s3;
	[dreg:$0x14] =	wrdreg s22  }
0x1b: {  	s31 =	simm.s32 $0x1;
	s24 =	sadd.s32 $0x14000, s3;
	[dreg:$0x15] =	wrdreg s23  }
0x1c: {  	s2 =	simm.s32 $0x3;
	s0 =	smax.u32 s4, $0x1;
	[dreg:$0x16] =	wrdreg s24  }
0x1d: {  	s1 =	simm.s32 $0x10000;
	s26 =	sadd.s32 $0x15000, s3;
	[dreg:$0x18] =	wrdreg s0  }
0x1e: {  	v0 =	vimm.s32 $0x0;
	v1 =	vlaneseq.u32;
	s28 =	sadd.s32 $0x16000, s3;
	s29 =	sadd.s32 $0x17000, s3;
	[dreg:$0x19] =	wrdreg s26  }
0x1f: {  	v2 =	vimm.s32 $0x1;
	vm0 =	vcmask $0x3F0C;
	vm1 =	vcmask $0x3F08;
	s4 =	simm.s32 $0x0;
	[dreg:$0x1a] =	wrdreg s28;
	s0 =	simm.s32 $0x2  }
.LBB2_1:
0x20: {  	s5 =	simm.s32 $0x40;
	s6 =	simm.s32 $0x0  }
.LBB2_2:
0x21: {  	p0 =	sne.s32 s5, $0x5FC0;
	[tilespmem:s6+$0x10000] =	vst v0;
	s6 =	smov.u32 s5;
	s5 =	sadd.s32 $0x40, s5  }
.Ltmp0:
0x22: {  	(pc) =	sbr.rel @p0 .LBB2_2-.Ltmp0, $2  }
0x23: {  	_ =	sdelay $0x2  }
0x24: {  	s6 =	sshra.s32 s6, $0x2  }
0x25: {  	[tilespmem:s6+$0x10000] =	vst v0;
	s5 =	simm.s32 $0x0  }
0x26: {  	[tilespmem:s5], [sflag:$0x1] =	stream.linear.gather [hbm4b:s3+s5], $0x8000, $0x38;
	[tilespmem:$0x11880] =	vst v63  }
0x27: {  	s24 =	rddreg [dreg:$0x3];
	s25 =	simm.s32 $0x0;
	s7 =	simm.s32 $0x0  }
0x28: {  	[tilespmem:s30], [sflag:$0x2] =	stream.linear.gather [hbm4b:s24+s5], $0x8000, $0x38;
	[tilespmem:$0x11880] =	vst v63  }
0x29: {  	s6 =	sand.u32 $0x7000, s25;
	s5 =	sand.u32 $0xC00, s5;
	_ =	swait.ge [sflag:s31], $0x8000  }
0x2a: {  	s7 =	sand.u32 $0x380, s7;
	s5 =	sor.u32 s5, s6;
	[sflag:s31] =	ssyncset.done $0x0  }
0x2b: {  	s5 =	sor.u32 s7, s5;
	[sflag:s31] =	ssyncadd.s32 $0xFFFF8000  }
0x2c: {  	v3 =	vld [tilespmem:s5+$0x70]  }
0x2d: {  	v4 =	vld [tilespmem:s5+$0x0]  }
0x2e: {  	v5 =	vld [tilespmem:s5+$0x10]  }
0x2f: {  	v6 =	vld [tilespmem:s5+$0x20]  }
0x30: {  	v7 =	vld [tilespmem:s5+$0x30]  }
0x31: {  	v8 =	vld [tilespmem:s5+$0x40]  }
0x32: {  	v9 =	vld [tilespmem:s5+$0x50]  }
0x33: {  	v10 =	vld [tilespmem:s5+$0x60];
	_ =	sdelay $0x1  }
0x34: {  	v3 =	vtrunc.f32 v3;
	v4 =	vtrunc.f32 v4  }
0x35: {  	v5 =	vtrunc.f32 v5;
	v6 =	vtrunc.f32 v6  }
0x36: {  	v7 =	vtrunc.f32 v7;
	v8 =	vtrunc.f32 v8  }
0x37: {  	v9 =	vtrunc.f32 v9;
	v10 =	vtrunc.f32 v10  }
0x38: {  	v3 =	vcvt.f32.s32 v3;
	v4 =	vcvt.f32.s32 v4  }
0x39: {  	v5 =	vcvt.f32.s32 v5;
	v6 =	vcvt.f32.s32 v6  }
0x3a: {  	v7 =	vcvt.f32.s32 v7;
	v8 =	vcvt.f32.s32 v8  }
0x3b: {  	s26 =	simm.s32 $0x80;
	s5 =	simm.s32 $0x400;
	v9 =	vcvt.f32.s32 v9;
	v10 =	vcvt.f32.s32 v10;
	vm2 =	vlt.s32 v3, $0x63  }
0x3c: {  	s8 =	simm.s32 $0x20;
	s6 =	sand.u32 $0x7000, s26;
	s28 =	sand.u32 $0xC00, s5;
	vm3 =	vlt.s32 v5, $0x63;
	vm4 =	vlt.s32 v6, $0x63;
	vm5 =	vlt.s32 v7, $0x63  }
0x3d: {  	s8 =	sand.u32 $0x380, s8;
	s6 =	sor.u32 s28, s6;
	vm6 =	vlt.s32 v8, $0x63;
	vm7 =	vlt.s32 v9, $0x63;
	v3 =	vnsel vm2, $0x63, v3  }
0x3e: {  	s6 =	sor.u32 s8, s6;
	vm2 =	vlt.s32 v4, $0x63;
	v5 =	vnsel vm3, $0x63, v5;
	v6 =	vnsel vm4, $0x63, v6  }
0x3f: {  	v12 =	vld [tilespmem:s6+$0x70];
	v7 =	vnsel vm5, $0x63, v7;
	v8 =	vnsel vm6, $0x63, v8;
	v3 =	vshll.u32 v3, $0x4  }
0x40: {  	v13 =	vld [tilespmem:s6+$0x0];
	v9 =	vnsel vm7, $0x63, v9;
	v4 =	vnsel vm2, $0x63, v4;
	v3 =	vor.u32 v1, v3  }
0x41: {  	v15 =	vld [tilespmem:s6+$0x10];
	vm2 =	vlt.s32 v10, $0x63;
	v5 =	vshll.u32 v5, $0x4;
	v6 =	vshll.u32 v6, $0x4  }
0x42: {  	v16 =	vld [tilespmem:s6+$0x20];
	v14 =	vshll.u32 v7, $0x4;
	v8 =	vshll.u32 v8, $0x4;
	v9 =	vshll.u32 v9, $0x4  }
0x43: {  	v17 =	vld [tilespmem:s6+$0x30];
	v4 =	vshll.u32 v4, $0x4;
	v10 =	vnsel vm2, $0x63, v10;
	v11 =	vor.u32 v1, v5  }
0x44: {  	v7 =	vor.u32 v1, v6;
	v6 =	vor.u32 v1, v14;
	v14 =	vld [tilespmem:s6+$0x40];
	v18 =	vor.u32 v1, v4  }
0x45: {  	v5 =	vor.u32 v1, v8;
	v8 =	vtrunc.f32 v13;
	[tilespmem:v3+s1+$0x0] =	vst.idx.add.s32.msk $0xffff, v2;
	v3 =	vtrunc.f32 v12  }
0x46: {  	v13 =	vld [tilespmem:s6+$0x50];
	v4 =	vor.u32 v1, v9;
	v9 =	vtrunc.f32 v15;
	v19 =	vcvt.f32.s32 v3  }
0x47: {  	v10 =	vshll.u32 v10, $0x4;
	v8 =	vcvt.f32.s32 v8;
	v9 =	vcvt.f32.s32 v9;
	v12 =	vld [tilespmem:s6+$0x60]  }
0x48: {  	v3 =	vor.u32 v1, v10;
	v10 =	vtrunc.f32 v16;
	vm2 =	vlt.s32 v19, $0x63  }
0x49: {  	s6 =	simm.s32 $0x8;
	v16 =	vtrunc.f32 v17;
	[tilespmem:v18+s1+$0x0] =	vst.idx.add.s32.msk $0xffff, v2;
	v10 =	vcvt.f32.s32 v10;
	v15 =	vnsel vm2, $0x63, v19  }
.LBB2_4:
0x4a: {  	s6 =	sadd.s32 $0x8, s6;
	v16 =	vcvt.f32.s32 v16;
	v14 =	vtrunc.f32 v14;
	v15 =	vshll.u32 v15, $0x4;
	[tilespmem:v11+s1+$0x0] =	vst.idx.add.s32.msk $0xffff, v2  }
0x4b: {  	s5 =	sadd.s32 $0x400, s5;
	s7 =	sshll.u32 s6, $0x4;
	p0 =	slt.u32 s6, $0x7F8;
	v11 =	vcvt.f32.s32 v14;
	v13 =	vtrunc.f32 v13;
	v14 =	vor.u32 v1, v15;
	[tilespmem:v7+s1+$0x0] =	vst.idx.add.s32.msk $0xffff, v2  }
0x4c: {  	vm2 =	vlt.s32 v8, $0x63;
	s8 =	sand.u32 $0xC00, s5;
	s9 =	sshll.u32 s6, $0x2;
	s7 =	sand.u32 $0x7000, s7;
	v7 =	vcvt.f32.s32 v13;
	v12 =	vtrunc.f32 v12;
	[tilespmem:v6+s1+$0x0] =	vst.idx.add.s32.msk $0xffff, v2  }
0x4d: {  	vm3 =	vlt.s32 v9, $0x63;
	vm4 =	vlt.s32 v10, $0x63;
	s9 =	sand.u32 $0x380, s9;
	s7 =	sor.u32 s8, s7;
	v6 =	vcvt.f32.s32 v12;
	[tilespmem:v5+s1+$0x0] =	vst.idx.add.s32.msk $0xffff, v2  }
0x4e: {  	vm5 =	vlt.s32 v16, $0x63;
	vm6 =	vlt.s32 v11, $0x63;
	s7 =	sor.u32 s9, s7;
	vm7 =	vlt.s32 v7, $0x63;
	[tilespmem:v4+s1+$0x0] =	vst.idx.add.s32.msk $0xffff, v2  }
0x4f: {  	v5 =	vnsel vm2, $0x63, v8;
	v8 =	vnsel vm3, $0x63, v9;
	v4 =	vld [tilespmem:s7+$0x70];
	vm2 =	vlt.s32 v6, $0x63  }
0x50: {  	v9 =	vnsel vm4, $0x63, v10;
	v10 =	vnsel vm5, $0x63, v16;
	v11 =	vnsel vm6, $0x63, v11;
	[tilespmem:v14+s1+$0x0] =	vst.idx.add.s32.msk $0xffff, v2  }
0x51: {  	v5 =	vshll.u32 v5, $0x4;
	v7 =	vnsel vm7, $0x63, v7;
	v6 =	vnsel vm2, $0x63, v6;
	v12 =	vld [tilespmem:s7+$0x0]  }
0x52: {  	v8 =	vshll.u32 v8, $0x4;
	v9 =	vshll.u32 v9, $0x4;
	v10 =	vshll.u32 v10, $0x4;
	v15 =	vld [tilespmem:s7+$0x10]  }
0x53: {  	v13 =	vshll.u32 v11, $0x4;
	v17 =	vshll.u32 v7, $0x4;
	v18 =	vshll.u32 v6, $0x4;
	v16 =	vld [tilespmem:s7+$0x20]  }
0x54: {  	v20 =	vor.u32 v1, v5;
	v11 =	vor.u32 v1, v8;
	v7 =	vor.u32 v1, v9;
	v19 =	vld [tilespmem:s7+$0x30]  }
.Ltmp1:
0x55: {  	v5 =	vor.u32 v1, v13;
	v6 =	vor.u32 v1, v10;
	v4 =	vtrunc.f32 v4;
	v14 =	vld [tilespmem:s7+$0x40];
	(pc) =	sbr.rel @p0 .LBB2_4-.Ltmp1, $4  }
0x56: {  	v21 =	vcvt.f32.s32 v4;
	v4 =	vor.u32 v1, v17;
	v8 =	vtrunc.f32 v12;
	v13 =	vld [tilespmem:s7+$0x50]  }
0x57: {  	v10 =	vor.u32 v1, v18;
	v8 =	vcvt.f32.s32 v8;
	v9 =	vtrunc.f32 v15;
	v12 =	vld [tilespmem:s7+$0x60]  }
0x58: {  	vm2 =	vlt.s32 v21, $0x63;
	v9 =	vcvt.f32.s32 v9;
	v15 =	vtrunc.f32 v16;
	[tilespmem:v3+s1+$0x0] =	vst.idx.add.s32.msk $0xffff, v2;
	v3 =	vmovc v10  }
0x59: {  	v10 =	vcvt.f32.s32 v15;
	v16 =	vtrunc.f32 v19;
	v15 =	vnsel vm2, $0x63, v21;
	[tilespmem:v20+s1+$0x0] =	vst.idx.add.s32.msk $0xffff, v2  }
0x5a: {  	v14 =	vtrunc.f32 v14  }
0x5b: {  	v16 =	vcvt.f32.s32 v16;
	v15 =	vshll.u32 v15, $0x4;
	vm2 =	vlt.s32 v8, $0x63  }
0x5c: {  	vm3 =	vlt.s32 v9, $0x63;
	v14 =	vcvt.f32.s32 v14;
	v13 =	vtrunc.f32 v13  }
0x5d: {  	v15 =	vor.u32 v1, v15;
	vm4 =	vlt.s32 v10, $0x63;
	v8 =	vnsel vm2, $0x63, v8  }
0x5e: {  	[tilespmem:v7+s1+$0x0] =	vst.idx.add.s32.msk $0xffff, v2;
	v7 =	vnsel vm3, $0x63, v9;
	v13 =	vcvt.f32.s32 v13;
	v12 =	vtrunc.f32 v12  }
0x5f: {  	[tilespmem:v6+s1+$0x0] =	vst.idx.add.s32.msk $0xffff, v2;
	vm5 =	vlt.s32 v16, $0x63;
	v8 =	vshll.u32 v8, $0x4;
	v6 =	vnsel vm4, $0x63, v10  }
0x60: {  	v7 =	vshll.u32 v7, $0x4;
	v12 =	vcvt.f32.s32 v12;
	vm6 =	vlt.s32 v14, $0x63  }
0x61: {  	[tilespmem:v5+s1+$0x0] =	vst.idx.add.s32.msk $0xffff, v2;
	v8 =	vor.u32 v1, v8;
	v5 =	vnsel vm5, $0x63, v16;
	v6 =	vshll.u32 v6, $0x4  }
0x62: {  	[tilespmem:v4+s1+$0x0] =	vst.idx.add.s32.msk $0xffff, v2;
	v7 =	vor.u32 v1, v7;
	vm2 =	vlt.s32 v13, $0x63;
	v4 =	vnsel vm6, $0x63, v14  }
0x63: {  	[tilespmem:v11+s1+$0x0] =	vst.idx.add.s32.msk $0xffff, v2;
	v5 =	vshll.u32 v5, $0x4;
	v6 =	vor.u32 v1, v6;
	vm3 =	vlt.s32 v12, $0x63  }
0x64: {  	[tilespmem:v3+s1+$0x0] =	vst.idx.add.s32.msk $0xffff, v2;
	v9 =	vnsel vm2, $0x63, v13;
	v4 =	vshll.u32 v4, $0x4;
	v5 =	vor.u32 v1, v5  }
0x65: {  	[tilespmem:v15+s1+$0x0] =	vst.idx.add.s32.msk $0xffff, v2;
	v10 =	vnsel vm3, $0x63, v12;
	v9 =	vshll.u32 v9, $0x4;
	v4 =	vor.u32 v1, v4  }
0x66: {  	v3 =	vshll.u32 v10, $0x4;
	v9 =	vor.u32 v1, v9;
	[tilespmem:v8+s1+$0x0] =	vst.idx.add.s32.msk $0xffff, v2  }
0x67: {  	v3 =	vor.u32 v1, v3;
	[tilespmem:v7+s1+$0x0] =	vst.idx.add.s32.msk $0xffff, v2  }
0x68: {  	[tilespmem:v6+s1+$0x0] =	vst.idx.add.s32.msk $0xffff, v2  }
0x69: {  	[tilespmem:v5+s1+$0x0] =	vst.idx.add.s32.msk $0xffff, v2  }
0x6a: {  	[tilespmem:v4+s1+$0x0] =	vst.idx.add.s32.msk $0xffff, v2  }
0x6b: {  	[tilespmem:v9+s1+$0x0] =	vst.idx.add.s32.msk $0xffff, v2  }
0x6c: {  	s5 =	simm.s32 $0x0;
	[tilespmem:v3+s1+$0x0] =	vst.idx.add.s32.msk $0xffff, v2  }
0x6d: {  	s25 =	simm.s32 $0x0;
	s7 =	simm.s32 $0x0;
	s6 =	rddreg [dreg:$0x4]  }
0x6e: {  	[tilespmem:s5], [sflag:$0x1] =	stream.linear.gather [hbm4b:s6+s5], $0x8000, $0x38;
	[tilespmem:$0x11880] =	vst v63  }
0x6f: {  	s6 =	sand.u32 $0x7000, s25;
	s5 =	sand.u32 $0xC00, s5;
	_ =	swait.ge [sflag:s0], $0x8000  }
0x70: {  	s7 =	sand.u32 $0x380, s7;
	s5 =	sor.u32 s5, s6;
	[sflag:s0] =	ssyncset.done $0x0  }
0x71: {  	s5 =	sor.u32 s7, s5;
	[sflag:s0] =	ssyncadd.s32 $0xFFFF8000  }
0x72: {  	v3 =	vld [tilespmem:s5+$0x8070]  }
0x73: {  	v4 =	vld [tilespmem:s5+$0x8000]  }
0x74: {  	v5 =	vld [tilespmem:s5+$0x8010]  }
0x75: {  	v6 =	vld [tilespmem:s5+$0x8020]  }
0x76: {  	v7 =	vld [tilespmem:s5+$0x8030]  }
0x77: {  	v8 =	vld [tilespmem:s5+$0x8040]  }
0x78: {  	v9 =	vld [tilespmem:s5+$0x8050]  }
0x79: {  	v10 =	vld [tilespmem:s5+$0x8060];
	_ =	sdelay $0x1  }
0x7a: {  	v3 =	vtrunc.f32 v3;
	v4 =	vtrunc.f32 v4  }
0x7b: {  	v5 =	vtrunc.f32 v5;
	v6 =	vtrunc.f32 v6  }
0x7c: {  	v7 =	vtrunc.f32 v7;
	v8 =	vtrunc.f32 v8  }
0x7d: {  	v9 =	vtrunc.f32 v9;
	v10 =	vtrunc.f32 v10  }
0x7e: {  	v3 =	vcvt.f32.s32 v3;
	v4 =	vcvt.f32.s32 v4  }
0x7f: {  	v5 =	vcvt.f32.s32 v5;
	v6 =	vcvt.f32.s32 v6  }
0x80: {  	v7 =	vcvt.f32.s32 v7;
	v8 =	vcvt.f32.s32 v8  }
0x81: {  	s26 =	simm.s32 $0x80;
	s5 =	simm.s32 $0x400;
	v9 =	vcvt.f32.s32 v9;
	v10 =	vcvt.f32.s32 v10;
	vm2 =	vlt.s32 v3, $0x63  }
0x82: {  	s8 =	simm.s32 $0x20;
	s6 =	sand.u32 $0x7000, s26;
	s28 =	sand.u32 $0xC00, s5;
	vm3 =	vlt.s32 v5, $0x63;
	vm13 =	vlt.s32 v6, $0x63;
	vm14 =	vlt.s32 v7, $0x63  }
0x83: {  	s8 =	sand.u32 $0x380, s8;
	s6 =	sor.u32 s28, s6;
	vm15 =	vlt.s32 v8, $0x63;
	vm7 =	vlt.s32 v9, $0x63;
	v3 =	vnsel vm2, $0x63, v3  }
0x84: {  	s6 =	sor.u32 s8, s6;
	vm2 =	vlt.s32 v4, $0x63;
	v5 =	vnsel vm3, $0x63, v5;
	v6 =	vnsel vm13, $0x63, v6  }
0x85: {  	v12 =	vld [tilespmem:s6+$0x8070];
	v7 =	vnsel vm14, $0x63, v7;
	v8 =	vnsel vm15, $0x63, v8;
	v3 =	vshll.u32 v3, $0x4  }
0x86: {  	v13 =	vld [tilespmem:s6+$0x8000];
	v9 =	vnsel vm7, $0x63, v9;
	v4 =	vnsel vm2, $0x63, v4;
	v3 =	vor.u32 v1, v3  }
0x87: {  	v15 =	vld [tilespmem:s6+$0x8010];
	vm2 =	vlt.s32 v10, $0x63;
	v5 =	vshll.u32 v5, $0x4;
	v6 =	vshll.u32 v6, $0x4  }
0x88: {  	v16 =	vld [tilespmem:s6+$0x8020];
	v14 =	vshll.u32 v7, $0x4;
	v8 =	vshll.u32 v8, $0x4;
	v9 =	vshll.u32 v9, $0x4  }
0x89: {  	v17 =	vld [tilespmem:s6+$0x8030];
	v4 =	vshll.u32 v4, $0x4;
	v10 =	vnsel vm2, $0x63, v10;
	v11 =	vor.u32 v1, v5  }
0x8a: {  	v7 =	vor.u32 v1, v6;
	v6 =	vor.u32 v1, v14;
	v14 =	vld [tilespmem:s6+$0x8040];
	v18 =	vor.u32 v1, v4  }
0x8b: {  	v5 =	vor.u32 v1, v8;
	v8 =	vtrunc.f32 v13;
	[tilespmem:v3+s1+$0x0] =	vst.idx.add.s32.msk $0xffff, v2;
	v3 =	vtrunc.f32 v12  }
0x8c: {  	v13 =	vld [tilespmem:s6+$0x8050];
	v4 =	vor.u32 v1, v9;
	v9 =	vtrunc.f32 v15;
	v19 =	vcvt.f32.s32 v3  }
0x8d: {  	v10 =	vshll.u32 v10, $0x4;
	v8 =	vcvt.f32.s32 v8;
	v9 =	vcvt.f32.s32 v9;
	v12 =	vld [tilespmem:s6+$0x8060]  }
0x8e: {  	v3 =	vor.u32 v1, v10;
	v10 =	vtrunc.f32 v16;
	vm2 =	vlt.s32 v19, $0x63  }
0x8f: {  	s6 =	simm.s32 $0x8;
	v16 =	vtrunc.f32 v17;
	[tilespmem:v18+s1+$0x0] =	vst.idx.add.s32.msk $0xffff, v2;
	v10 =	vcvt.f32.s32 v10;
	v15 =	vnsel vm2, $0x63, v19  }
.LBB2_6:
0x90: {  	s6 =	sadd.s32 $0x8, s6;
	v16 =	vcvt.f32.s32 v16;
	v14 =	vtrunc.f32 v14;
	v15 =	vshll.u32 v15, $0x4;
	[tilespmem:v11+s1+$0x0] =	vst.idx.add.s32.msk $0xffff, v2  }
0x91: {  	s5 =	sadd.s32 $0x400, s5;
	s7 =	sshll.u32 s6, $0x4;
	p0 =	slt.u32 s6, $0x7F8;
	v11 =	vcvt.f32.s32 v14;
	v13 =	vtrunc.f32 v13;
	v14 =	vor.u32 v1, v15;
	[tilespmem:v7+s1+$0x0] =	vst.idx.add.s32.msk $0xffff, v2  }
0x92: {  	vm2 =	vlt.s32 v8, $0x63;
	s8 =	sand.u32 $0xC00, s5;
	s9 =	sshll.u32 s6, $0x2;
	s7 =	sand.u32 $0x7000, s7;
	v7 =	vcvt.f32.s32 v13;
	v12 =	vtrunc.f32 v12;
	[tilespmem:v6+s1+$0x0] =	vst.idx.add.s32.msk $0xffff, v2  }
0x93: {  	vm3 =	vlt.s32 v9, $0x63;
	vm4 =	vlt.s32 v10, $0x63;
	s9 =	sand.u32 $0x380, s9;
	s7 =	sor.u32 s8, s7;
	v6 =	vcvt.f32.s32 v12;
	[tilespmem:v5+s1+$0x0] =	vst.idx.add.s32.msk $0xffff, v2  }
0x94: {  	vm5 =	vlt.s32 v16, $0x63;
	vm6 =	vlt.s32 v11, $0x63;
	s7 =	sor.u32 s9, s7;
	vm7 =	vlt.s32 v7, $0x63;
	[tilespmem:v4+s1+$0x0] =	vst.idx.add.s32.msk $0xffff, v2  }
0x95: {  	v5 =	vnsel vm2, $0x63, v8;
	v8 =	vnsel vm3, $0x63, v9;
	v4 =	vld [tilespmem:s7+$0x8070];
	vm2 =	vlt.s32 v6, $0x63  }
0x96: {  	v9 =	vnsel vm4, $0x63, v10;
	v10 =	vnsel vm5, $0x63, v16;
	v11 =	vnsel vm6, $0x63, v11;
	[tilespmem:v14+s1+$0x0] =	vst.idx.add.s32.msk $0xffff, v2  }
0x97: {  	v5 =	vshll.u32 v5, $0x4;
	v7 =	vnsel vm7, $0x63, v7;
	v6 =	vnsel vm2, $0x63, v6;
	v12 =	vld [tilespmem:s7+$0x8000]  }
0x98: {  	v8 =	vshll.u32 v8, $0x4;
	v9 =	vshll.u32 v9, $0x4;
	v10 =	vshll.u32 v10, $0x4;
	v15 =	vld [tilespmem:s7+$0x8010]  }
0x99: {  	v13 =	vshll.u32 v11, $0x4;
	v17 =	vshll.u32 v7, $0x4;
	v18 =	vshll.u32 v6, $0x4;
	v16 =	vld [tilespmem:s7+$0x8020]  }
0x9a: {  	v20 =	vor.u32 v1, v5;
	v11 =	vor.u32 v1, v8;
	v7 =	vor.u32 v1, v9;
	v19 =	vld [tilespmem:s7+$0x8030]  }
.Ltmp2:
0x9b: {  	v5 =	vor.u32 v1, v13;
	v6 =	vor.u32 v1, v10;
	v4 =	vtrunc.f32 v4;
	v14 =	vld [tilespmem:s7+$0x8040];
	(pc) =	sbr.rel @p0 .LBB2_6-.Ltmp2, $4  }
0x9c: {  	v21 =	vcvt.f32.s32 v4;
	v4 =	vor.u32 v1, v17;
	v8 =	vtrunc.f32 v12;
	v13 =	vld [tilespmem:s7+$0x8050]  }
0x9d: {  	v10 =	vor.u32 v1, v18;
	v8 =	vcvt.f32.s32 v8;
	v9 =	vtrunc.f32 v15;
	v12 =	vld [tilespmem:s7+$0x8060]  }
0x9e: {  	vm2 =	vlt.s32 v21, $0x63;
	v9 =	vcvt.f32.s32 v9;
	v15 =	vtrunc.f32 v16;
	[tilespmem:v3+s1+$0x0] =	vst.idx.add.s32.msk $0xffff, v2;
	v3 =	vmovc v10  }
0x9f: {  	v10 =	vcvt.f32.s32 v15;
	v16 =	vtrunc.f32 v19;
	v15 =	vnsel vm2, $0x63, v21;
	[tilespmem:v20+s1+$0x0] =	vst.idx.add.s32.msk $0xffff, v2  }
0xa0: {  	v14 =	vtrunc.f32 v14  }
0xa1: {  	v16 =	vcvt.f32.s32 v16;
	v15 =	vshll.u32 v15, $0x4;
	vm2 =	vlt.s32 v8, $0x63  }
0xa2: {  	vm3 =	vlt.s32 v9, $0x63;
	v14 =	vcvt.f32.s32 v14;
	v13 =	vtrunc.f32 v13  }
0xa3: {  	v15 =	vor.u32 v1, v15;
	vm4 =	vlt.s32 v10, $0x63;
	v8 =	vnsel vm2, $0x63, v8  }
0xa4: {  	[tilespmem:v7+s1+$0x0] =	vst.idx.add.s32.msk $0xffff, v2;
	v7 =	vnsel vm3, $0x63, v9;
	v13 =	vcvt.f32.s32 v13;
	v12 =	vtrunc.f32 v12  }
0xa5: {  	[tilespmem:v6+s1+$0x0] =	vst.idx.add.s32.msk $0xffff, v2;
	vm5 =	vlt.s32 v16, $0x63;
	v8 =	vshll.u32 v8, $0x4;
	v6 =	vnsel vm4, $0x63, v10  }
0xa6: {  	v7 =	vshll.u32 v7, $0x4;
	v12 =	vcvt.f32.s32 v12;
	vm6 =	vlt.s32 v14, $0x63  }
0xa7: {  	[tilespmem:v5+s1+$0x0] =	vst.idx.add.s32.msk $0xffff, v2;
	v8 =	vor.u32 v1, v8;
	v5 =	vnsel vm5, $0x63, v16;
	v6 =	vshll.u32 v6, $0x4  }
0xa8: {  	[tilespmem:v4+s1+$0x0] =	vst.idx.add.s32.msk $0xffff, v2;
	v7 =	vor.u32 v1, v7;
	vm2 =	vlt.s32 v13, $0x63;
	v4 =	vnsel vm6, $0x63, v14  }
0xa9: {  	[tilespmem:v11+s1+$0x0] =	vst.idx.add.s32.msk $0xffff, v2;
	v5 =	vshll.u32 v5, $0x4;
	v6 =	vor.u32 v1, v6;
	vm3 =	vlt.s32 v12, $0x63  }
0xaa: {  	[tilespmem:v3+s1+$0x0] =	vst.idx.add.s32.msk $0xffff, v2;
	v9 =	vnsel vm2, $0x63, v13;
	v4 =	vshll.u32 v4, $0x4;
	v5 =	vor.u32 v1, v5  }
0xab: {  	[tilespmem:v15+s1+$0x0] =	vst.idx.add.s32.msk $0xffff, v2;
	v10 =	vnsel vm3, $0x63, v12;
	v9 =	vshll.u32 v9, $0x4;
	v4 =	vor.u32 v1, v4  }
0xac: {  	v3 =	vshll.u32 v10, $0x4;
	v9 =	vor.u32 v1, v9;
	[tilespmem:v8+s1+$0x0] =	vst.idx.add.s32.msk $0xffff, v2  }
0xad: {  	v3 =	vor.u32 v1, v3;
	[tilespmem:v7+s1+$0x0] =	vst.idx.add.s32.msk $0xffff, v2  }
0xae: {  	[tilespmem:v6+s1+$0x0] =	vst.idx.add.s32.msk $0xffff, v2  }
0xaf: {  	[tilespmem:v5+s1+$0x0] =	vst.idx.add.s32.msk $0xffff, v2  }
0xb0: {  	[tilespmem:v4+s1+$0x0] =	vst.idx.add.s32.msk $0xffff, v2  }
0xb1: {  	[tilespmem:v9+s1+$0x0] =	vst.idx.add.s32.msk $0xffff, v2  }
0xb2: {  	s5 =	simm.s32 $0x0;
	[tilespmem:v3+s1+$0x0] =	vst.idx.add.s32.msk $0xffff, v2  }
0xb3: {  	s25 =	simm.s32 $0x0;
	s7 =	simm.s32 $0x0;
	s6 =	rddreg [dreg:$0x5]  }
0xb4: {  	[tilespmem:s30], [sflag:$0x2] =	stream.linear.gather [hbm4b:s6+s5], $0x8000, $0x38;
	[tilespmem:$0x11880] =	vst v63  }
0xb5: {  	s6 =	sand.u32 $0x7000, s25;
	s5 =	sand.u32 $0xC00, s5;
	_ =	swait.ge [sflag:s31], $0x8000  }
0xb6: {  	s7 =	sand.u32 $0x380, s7;
	s5 =	sor.u32 s5, s6;
	[sflag:s31] =	ssyncset.done $0x0  }
0xb7: {  	s5 =	sor.u32 s7, s5;
	[sflag:s31] =	ssyncadd.s32 $0xFFFF8000  }
0xb8: {  	v3 =	vld [tilespmem:s5+$0x70]  }
0xb9: {  	v4 =	vld [tilespmem:s5+$0x0]  }
0xba: {  	v5 =	vld [tilespmem:s5+$0x10]  }
0xbb: {  	v6 =	vld [tilespmem:s5+$0x20]  }
0xbc: {  	v7 =	vld [tilespmem:s5+$0x30]  }
0xbd: {  	v8 =	vld [tilespmem:s5+$0x40]  }
0xbe: {  	v9 =	vld [tilespmem:s5+$0x50]  }
0xbf: {  	v10 =	vld [tilespmem:s5+$0x60];
	_ =	sdelay $0x1  }
0xc0: {  	v3 =	vtrunc.f32 v3;
	v4 =	vtrunc.f32 v4  }
0xc1: {  	v5 =	vtrunc.f32 v5;
	v6 =	vtrunc.f32 v6  }
0xc2: {  	v7 =	vtrunc.f32 v7;
	v8 =	vtrunc.f32 v8  }
0xc3: {  	v9 =	vtrunc.f32 v9;
	v10 =	vtrunc.f32 v10  }
0xc4: {  	v3 =	vcvt.f32.s32 v3;
	v4 =	vcvt.f32.s32 v4  }
0xc5: {  	v5 =	vcvt.f32.s32 v5;
	v6 =	vcvt.f32.s32 v6  }
0xc6: {  	v7 =	vcvt.f32.s32 v7;
	v8 =	vcvt.f32.s32 v8  }
0xc7: {  	s26 =	simm.s32 $0x80;
	s5 =	simm.s32 $0x400;
	v9 =	vcvt.f32.s32 v9;
	v10 =	vcvt.f32.s32 v10;
	vm2 =	vlt.s32 v3, $0x63  }
0xc8: {  	s8 =	simm.s32 $0x20;
	s6 =	sand.u32 $0x7000, s26;
	s28 =	sand.u32 $0xC00, s5;
	vm3 =	vlt.s32 v5, $0x63;
	vm13 =	vlt.s32 v6, $0x63;
	vm14 =	vlt.s32 v7, $0x63  }
0xc9: {  	s8 =	sand.u32 $0x380, s8;
	s6 =	sor.u32 s28, s6;
	vm15 =	vlt.s32 v8, $0x63;
	vm7 =	vlt.s32 v9, $0x63;
	v3 =	vnsel vm2, $0x63, v3  }
0xca: {  	s6 =	sor.u32 s8, s6;
	vm2 =	vlt.s32 v4, $0x63;
	v5 =	vnsel vm3, $0x63, v5;
	v6 =	vnsel vm13, $0x63, v6  }
0xcb: {  	v12 =	vld [tilespmem:s6+$0x70];
	v7 =	vnsel vm14, $0x63, v7;
	v8 =	vnsel vm15, $0x63, v8;
	v3 =	vshll.u32 v3, $0x4  }
0xcc: {  	v13 =	vld [tilespmem:s6+$0x0];
	v9 =	vnsel vm7, $0x63, v9;
	v4 =	vnsel vm2, $0x63, v4;
	v3 =	vor.u32 v1, v3  }
0xcd: {  	v15 =	vld [tilespmem:s6+$0x10];
	vm2 =	vlt.s32 v10, $0x63;
	v5 =	vshll.u32 v5, $0x4;
	v6 =	vshll.u32 v6, $0x4  }
0xce: {  	v16 =	vld [tilespmem:s6+$0x20];
	v14 =	vshll.u32 v7, $0x4;
	v8 =	vshll.u32 v8, $0x4;
	v9 =	vshll.u32 v9, $0x4  }
0xcf: {  	v17 =	vld [tilespmem:s6+$0x30];
	v4 =	vshll.u32 v4, $0x4;
	v10 =	vnsel vm2, $0x63, v10;
	v11 =	vor.u32 v1, v5  }
0xd0: {  	v7 =	vor.u32 v1, v6;
	v6 =	vor.u32 v1, v14;
	v14 =	vld [tilespmem:s6+$0x40];
	v18 =	vor.u32 v1, v4  }
0xd1: {  	v5 =	vor.u32 v1, v8;
	v8 =	vtrunc.f32 v13;
	[tilespmem:v3+s1+$0x0] =	vst.idx.add.s32.msk $0xffff, v2;
	v3 =	vtrunc.f32 v12  }
0xd2: {  	v13 =	vld [tilespmem:s6+$0x50];
	v4 =	vor.u32 v1, v9;
	v9 =	vtrunc.f32 v15;
	v19 =	vcvt.f32.s32 v3  }
0xd3: {  	v10 =	vshll.u32 v10, $0x4;
	v8 =	vcvt.f32.s32 v8;
	v9 =	vcvt.f32.s32 v9;
	v12 =	vld [tilespmem:s6+$0x60]  }
0xd4: {  	v3 =	vor.u32 v1, v10;
	v10 =	vtrunc.f32 v16;
	vm2 =	vlt.s32 v19, $0x63  }
0xd5: {  	s6 =	simm.s32 $0x8;
	v16 =	vtrunc.f32 v17;
	[tilespmem:v18+s1+$0x0] =	vst.idx.add.s32.msk $0xffff, v2;
	v10 =	vcvt.f32.s32 v10;
	v15 =	vnsel vm2, $0x63, v19  }
.LBB2_8:
0xd6: {  	s6 =	sadd.s32 $0x8, s6;
	v16 =	vcvt.f32.s32 v16;
	v14 =	vtrunc.f32 v14;
	v15 =	vshll.u32 v15, $0x4;
	[tilespmem:v11+s1+$0x0] =	vst.idx.add.s32.msk $0xffff, v2  }
0xd7: {  	s5 =	sadd.s32 $0x400, s5;
	s7 =	sshll.u32 s6, $0x4;
	p0 =	slt.u32 s6, $0x7F8;
	v11 =	vcvt.f32.s32 v14;
	v13 =	vtrunc.f32 v13;
	v14 =	vor.u32 v1, v15;
	[tilespmem:v7+s1+$0x0] =	vst.idx.add.s32.msk $0xffff, v2  }
0xd8: {  	vm2 =	vlt.s32 v8, $0x63;
	s8 =	sand.u32 $0xC00, s5;
	s9 =	sshll.u32 s6, $0x2;
	s7 =	sand.u32 $0x7000, s7;
	v7 =	vcvt.f32.s32 v13;
	v12 =	vtrunc.f32 v12;
	[tilespmem:v6+s1+$0x0] =	vst.idx.add.s32.msk $0xffff, v2  }
0xd9: {  	vm3 =	vlt.s32 v9, $0x63;
	vm4 =	vlt.s32 v10, $0x63;
	s9 =	sand.u32 $0x380, s9;
	s7 =	sor.u32 s8, s7;
	v6 =	vcvt.f32.s32 v12;
	[tilespmem:v5+s1+$0x0] =	vst.idx.add.s32.msk $0xffff, v2  }
0xda: {  	vm5 =	vlt.s32 v16, $0x63;
	vm6 =	vlt.s32 v11, $0x63;
	s7 =	sor.u32 s9, s7;
	vm7 =	vlt.s32 v7, $0x63;
	[tilespmem:v4+s1+$0x0] =	vst.idx.add.s32.msk $0xffff, v2  }
0xdb: {  	v5 =	vnsel vm2, $0x63, v8;
	v8 =	vnsel vm3, $0x63, v9;
	v4 =	vld [tilespmem:s7+$0x70];
	vm2 =	vlt.s32 v6, $0x63  }
0xdc: {  	v9 =	vnsel vm4, $0x63, v10;
	v10 =	vnsel vm5, $0x63, v16;
	v11 =	vnsel vm6, $0x63, v11;
	[tilespmem:v14+s1+$0x0] =	vst.idx.add.s32.msk $0xffff, v2  }
0xdd: {  	v5 =	vshll.u32 v5, $0x4;
	v7 =	vnsel vm7, $0x63, v7;
	v6 =	vnsel vm2, $0x63, v6;
	v12 =	vld [tilespmem:s7+$0x0]  }
0xde: {  	v8 =	vshll.u32 v8, $0x4;
	v9 =	vshll.u32 v9, $0x4;
	v10 =	vshll.u32 v10, $0x4;
	v15 =	vld [tilespmem:s7+$0x10]  }
0xdf: {  	v13 =	vshll.u32 v11, $0x4;
	v17 =	vshll.u32 v7, $0x4;
	v18 =	vshll.u32 v6, $0x4;
	v16 =	vld [tilespmem:s7+$0x20]  }
0xe0: {  	v20 =	vor.u32 v1, v5;
	v11 =	vor.u32 v1, v8;
	v7 =	vor.u32 v1, v9;
	v19 =	vld [tilespmem:s7+$0x30]  }
.Ltmp3:
0xe1: {  	v5 =	vor.u32 v1, v13;
	v6 =	vor.u32 v1, v10;
	v4 =	vtrunc.f32 v4;
	v14 =	vld [tilespmem:s7+$0x40];
	(pc) =	sbr.rel @p0 .LBB2_8-.Ltmp3, $4  }
0xe2: {  	v21 =	vcvt.f32.s32 v4;
	v4 =	vor.u32 v1, v17;
	v8 =	vtrunc.f32 v12;
	v13 =	vld [tilespmem:s7+$0x50]  }
0xe3: {  	v10 =	vor.u32 v1, v18;
	v8 =	vcvt.f32.s32 v8;
	v9 =	vtrunc.f32 v15;
	v12 =	vld [tilespmem:s7+$0x60]  }
0xe4: {  	vm2 =	vlt.s32 v21, $0x63;
	v9 =	vcvt.f32.s32 v9;
	v15 =	vtrunc.f32 v16;
	[tilespmem:v3+s1+$0x0] =	vst.idx.add.s32.msk $0xffff, v2;
	v3 =	vmovc v10  }
0xe5: {  	v10 =	vcvt.f32.s32 v15;
	v16 =	vtrunc.f32 v19;
	v15 =	vnsel vm2, $0x63, v21;
	[tilespmem:v20+s1+$0x0] =	vst.idx.add.s32.msk $0xffff, v2  }
0xe6: {  	v14 =	vtrunc.f32 v14  }
0xe7: {  	v16 =	vcvt.f32.s32 v16;
	v15 =	vshll.u32 v15, $0x4;
	vm2 =	vlt.s32 v8, $0x63  }
0xe8: {  	vm3 =	vlt.s32 v9, $0x63;
	v14 =	vcvt.f32.s32 v14;
	v13 =	vtrunc.f32 v13  }
0xe9: {  	v15 =	vor.u32 v1, v15;
	vm4 =	vlt.s32 v10, $0x63;
	v8 =	vnsel vm2, $0x63, v8  }
0xea: {  	[tilespmem:v7+s1+$0x0] =	vst.idx.add.s32.msk $0xffff, v2;
	v7 =	vnsel vm3, $0x63, v9;
	v13 =	vcvt.f32.s32 v13;
	v12 =	vtrunc.f32 v12  }
0xeb: {  	[tilespmem:v6+s1+$0x0] =	vst.idx.add.s32.msk $0xffff, v2;
	vm5 =	vlt.s32 v16, $0x63;
	v8 =	vshll.u32 v8, $0x4;
	v6 =	vnsel vm4, $0x63, v10  }
0xec: {  	v7 =	vshll.u32 v7, $0x4;
	v12 =	vcvt.f32.s32 v12;
	vm6 =	vlt.s32 v14, $0x63  }
0xed: {  	[tilespmem:v5+s1+$0x0] =	vst.idx.add.s32.msk $0xffff, v2;
	v8 =	vor.u32 v1, v8;
	v5 =	vnsel vm5, $0x63, v16;
	v6 =	vshll.u32 v6, $0x4  }
0xee: {  	[tilespmem:v4+s1+$0x0] =	vst.idx.add.s32.msk $0xffff, v2;
	v7 =	vor.u32 v1, v7;
	vm2 =	vlt.s32 v13, $0x63;
	v4 =	vnsel vm6, $0x63, v14  }
0xef: {  	[tilespmem:v11+s1+$0x0] =	vst.idx.add.s32.msk $0xffff, v2;
	v5 =	vshll.u32 v5, $0x4;
	v6 =	vor.u32 v1, v6;
	vm3 =	vlt.s32 v12, $0x63  }
0xf0: {  	[tilespmem:v3+s1+$0x0] =	vst.idx.add.s32.msk $0xffff, v2;
	v9 =	vnsel vm2, $0x63, v13;
	v4 =	vshll.u32 v4, $0x4;
	v5 =	vor.u32 v1, v5  }
0xf1: {  	[tilespmem:v15+s1+$0x0] =	vst.idx.add.s32.msk $0xffff, v2;
	v10 =	vnsel vm3, $0x63, v12;
	v9 =	vshll.u32 v9, $0x4;
	v4 =	vor.u32 v1, v4  }
0xf2: {  	v3 =	vshll.u32 v10, $0x4;
	v9 =	vor.u32 v1, v9;
	[tilespmem:v8+s1+$0x0] =	vst.idx.add.s32.msk $0xffff, v2  }
0xf3: {  	v3 =	vor.u32 v1, v3;
	[tilespmem:v7+s1+$0x0] =	vst.idx.add.s32.msk $0xffff, v2  }
0xf4: {  	[tilespmem:v6+s1+$0x0] =	vst.idx.add.s32.msk $0xffff, v2  }
0xf5: {  	[tilespmem:v5+s1+$0x0] =	vst.idx.add.s32.msk $0xffff, v2  }
0xf6: {  	[tilespmem:v4+s1+$0x0] =	vst.idx.add.s32.msk $0xffff, v2  }
0xf7: {  	[tilespmem:v9+s1+$0x0] =	vst.idx.add.s32.msk $0xffff, v2  }
0xf8: {  	s5 =	simm.s32 $0x0;
	[tilespmem:v3+s1+$0x0] =	vst.idx.add.s32.msk $0xffff, v2  }
0xf9: {  	s25 =	simm.s32 $0x0;
	s7 =	simm.s32 $0x0;
	s6 =	rddreg [dreg:$0x6]  }
0xfa: {  	[tilespmem:s5], [sflag:$0x1] =	stream.linear.gather [hbm4b:s6+s5], $0x8000, $0x38;
	[tilespmem:$0x11880] =	vst v63  }
0xfb: {  	s6 =	sand.u32 $0x7000, s25;
	s5 =	sand.u32 $0xC00, s5;
	_ =	swait.ge [sflag:s0], $0x8000  }
0xfc: {  	s7 =	sand.u32 $0x380, s7;
	s5 =	sor.u32 s5, s6;
	[sflag:s0] =	ssyncset.done $0x0  }
0xfd: {  	s5 =	sor.u32 s7, s5;
	[sflag:s0] =	ssyncadd.s32 $0xFFFF8000  }
0xfe: {  	v3 =	vld [tilespmem:s5+$0x8070]  }
0xff: {  	v4 =	vld [tilespmem:s5+$0x8000]  }
0x100: {  	v5 =	vld [tilespmem:s5+$0x8010]  }
0x101: {  	v6 =	vld [tilespmem:s5+$0x8020]  }
0x102: {  	v7 =	vld [tilespmem:s5+$0x8030]  }
0x103: {  	v8 =	vld [tilespmem:s5+$0x8040]  }
0x104: {  	v9 =	vld [tilespmem:s5+$0x8050]  }
0x105: {  	v10 =	vld [tilespmem:s5+$0x8060];
	_ =	sdelay $0x1  }
0x106: {  	v3 =	vtrunc.f32 v3;
	v4 =	vtrunc.f32 v4  }
0x107: {  	v5 =	vtrunc.f32 v5;
	v6 =	vtrunc.f32 v6  }
0x108: {  	v7 =	vtrunc.f32 v7;
	v8 =	vtrunc.f32 v8  }
0x109: {  	v9 =	vtrunc.f32 v9;
	v10 =	vtrunc.f32 v10  }
0x10a: {  	v3 =	vcvt.f32.s32 v3;
	v4 =	vcvt.f32.s32 v4  }
0x10b: {  	v5 =	vcvt.f32.s32 v5;
	v6 =	vcvt.f32.s32 v6  }
0x10c: {  	v7 =	vcvt.f32.s32 v7;
	v8 =	vcvt.f32.s32 v8  }
0x10d: {  	s26 =	simm.s32 $0x80;
	s5 =	simm.s32 $0x400;
	v9 =	vcvt.f32.s32 v9;
	v10 =	vcvt.f32.s32 v10;
	vm2 =	vlt.s32 v3, $0x63  }
0x10e: {  	s8 =	simm.s32 $0x20;
	s6 =	sand.u32 $0x7000, s26;
	s28 =	sand.u32 $0xC00, s5;
	vm3 =	vlt.s32 v5, $0x63;
	vm13 =	vlt.s32 v6, $0x63;
	vm14 =	vlt.s32 v7, $0x63  }
0x10f: {  	s8 =	sand.u32 $0x380, s8;
	s6 =	sor.u32 s28, s6;
	vm15 =	vlt.s32 v8, $0x63;
	vm7 =	vlt.s32 v9, $0x63;
	v3 =	vnsel vm2, $0x63, v3  }
0x110: {  	s6 =	sor.u32 s8, s6;
	vm2 =	vlt.s32 v4, $0x63;
	v5 =	vnsel vm3, $0x63, v5;
	v6 =	vnsel vm13, $0x63, v6  }
0x111: {  	v12 =	vld [tilespmem:s6+$0x8070];
	v7 =	vnsel vm14, $0x63, v7;
	v8 =	vnsel vm15, $0x63, v8;
	v3 =	vshll.u32 v3, $0x4  }
0x112: {  	v13 =	vld [tilespmem:s6+$0x8000];
	v9 =	vnsel vm7, $0x63, v9;
	v4 =	vnsel vm2, $0x63, v4;
	v3 =	vor.u32 v1, v3  }
0x113: {  	v15 =	vld [tilespmem:s6+$0x8010];
	vm2 =	vlt.s32 v10, $0x63;
	v5 =	vshll.u32 v5, $0x4;
	v6 =	vshll.u32 v6, $0x4  }
0x114: {  	v16 =	vld [tilespmem:s6+$0x8020];
	v14 =	vshll.u32 v7, $0x4;
	v8 =	vshll.u32 v8, $0x4;
	v9 =	vshll.u32 v9, $0x4  }
0x115: {  	v17 =	vld [tilespmem:s6+$0x8030];
	v4 =	vshll.u32 v4, $0x4;
	v10 =	vnsel vm2, $0x63, v10;
	v11 =	vor.u32 v1, v5  }
0x116: {  	v7 =	vor.u32 v1, v6;
	v6 =	vor.u32 v1, v14;
	v14 =	vld [tilespmem:s6+$0x8040];
	v18 =	vor.u32 v1, v4  }
0x117: {  	v5 =	vor.u32 v1, v8;
	v8 =	vtrunc.f32 v13;
	[tilespmem:v3+s1+$0x0] =	vst.idx.add.s32.msk $0xffff, v2;
	v3 =	vtrunc.f32 v12  }
0x118: {  	v13 =	vld [tilespmem:s6+$0x8050];
	v4 =	vor.u32 v1, v9;
	v9 =	vtrunc.f32 v15;
	v19 =	vcvt.f32.s32 v3  }
0x119: {  	v10 =	vshll.u32 v10, $0x4;
	v8 =	vcvt.f32.s32 v8;
	v9 =	vcvt.f32.s32 v9;
	v12 =	vld [tilespmem:s6+$0x8060]  }
0x11a: {  	v3 =	vor.u32 v1, v10;
	v10 =	vtrunc.f32 v16;
	vm2 =	vlt.s32 v19, $0x63  }
0x11b: {  	s6 =	simm.s32 $0x8;
	v16 =	vtrunc.f32 v17;
	[tilespmem:v18+s1+$0x0] =	vst.idx.add.s32.msk $0xffff, v2;
	v10 =	vcvt.f32.s32 v10;
	v15 =	vnsel vm2, $0x63, v19  }
.LBB2_10:
0x11c: {  	s6 =	sadd.s32 $0x8, s6;
	v16 =	vcvt.f32.s32 v16;
	v14 =	vtrunc.f32 v14;
	v15 =	vshll.u32 v15, $0x4;
	[tilespmem:v11+s1+$0x0] =	vst.idx.add.s32.msk $0xffff, v2  }
0x11d: {  	s5 =	sadd.s32 $0x400, s5;
	s7 =	sshll.u32 s6, $0x4;
	p0 =	slt.u32 s6, $0x7F8;
	v11 =	vcvt.f32.s32 v14;
	v13 =	vtrunc.f32 v13;
	v14 =	vor.u32 v1, v15;
	[tilespmem:v7+s1+$0x0] =	vst.idx.add.s32.msk $0xffff, v2  }
0x11e: {  	vm2 =	vlt.s32 v8, $0x63;
	s8 =	sand.u32 $0xC00, s5;
	s9 =	sshll.u32 s6, $0x2;
	s7 =	sand.u32 $0x7000, s7;
	v7 =	vcvt.f32.s32 v13;
	v12 =	vtrunc.f32 v12;
	[tilespmem:v6+s1+$0x0] =	vst.idx.add.s32.msk $0xffff, v2  }
0x11f: {  	vm3 =	vlt.s32 v9, $0x63;
	vm4 =	vlt.s32 v10, $0x63;
	s9 =	sand.u32 $0x380, s9;
	s7 =	sor.u32 s8, s7;
	v6 =	vcvt.f32.s32 v12;
	[tilespmem:v5+s1+$0x0] =	vst.idx.add.s32.msk $0xffff, v2  }
0x120: {  	vm5 =	vlt.s32 v16, $0x63;
	vm6 =	vlt.s32 v11, $0x63;
	s7 =	sor.u32 s9, s7;
	vm7 =	vlt.s32 v7, $0x63;
	[tilespmem:v4+s1+$0x0] =	vst.idx.add.s32.msk $0xffff, v2  }
0x121: {  	v5 =	vnsel vm2, $0x63, v8;
	v8 =	vnsel vm3, $0x63, v9;
	v4 =	vld [tilespmem:s7+$0x8070];
	vm2 =	vlt.s32 v6, $0x63  }
0x122: {  	v9 =	vnsel vm4, $0x63, v10;
	v10 =	vnsel vm5, $0x63, v16;
	v11 =	vnsel vm6, $0x63, v11;
	[tilespmem:v14+s1+$0x0] =	vst.idx.add.s32.msk $0xffff, v2  }
0x123: {  	v5 =	vshll.u32 v5, $0x4;
	v7 =	vnsel vm7, $0x63, v7;
	v6 =	vnsel vm2, $0x63, v6;
	v12 =	vld [tilespmem:s7+$0x8000]  }
0x124: {  	v8 =	vshll.u32 v8, $0x4;
	v9 =	vshll.u32 v9, $0x4;
	v10 =	vshll.u32 v10, $0x4;
	v15 =	vld [tilespmem:s7+$0x8010]  }
0x125: {  	v13 =	vshll.u32 v11, $0x4;
	v17 =	vshll.u32 v7, $0x4;
	v18 =	vshll.u32 v6, $0x4;
	v16 =	vld [tilespmem:s7+$0x8020]  }
0x126: {  	v20 =	vor.u32 v1, v5;
	v11 =	vor.u32 v1, v8;
	v7 =	vor.u32 v1, v9;
	v19 =	vld [tilespmem:s7+$0x8030]  }
.Ltmp4:
0x127: {  	v5 =	vor.u32 v1, v13;
	v6 =	vor.u32 v1, v10;
	v4 =	vtrunc.f32 v4;
	v14 =	vld [tilespmem:s7+$0x8040];
	(pc) =	sbr.rel @p0 .LBB2_10-.Ltmp4, $4  }
0x128: {  	v21 =	vcvt.f32.s32 v4;
	v4 =	vor.u32 v1, v17;
	v8 =	vtrunc.f32 v12;
	v13 =	vld [tilespmem:s7+$0x8050]  }
0x129: {  	v10 =	vor.u32 v1, v18;
	v8 =	vcvt.f32.s32 v8;
	v9 =	vtrunc.f32 v15;
	v12 =	vld [tilespmem:s7+$0x8060]  }
0x12a: {  	vm2 =	vlt.s32 v21, $0x63;
	v9 =	vcvt.f32.s32 v9;
	v15 =	vtrunc.f32 v16;
	[tilespmem:v3+s1+$0x0] =	vst.idx.add.s32.msk $0xffff, v2;
	v3 =	vmovc v10  }
0x12b: {  	v10 =	vcvt.f32.s32 v15;
	v16 =	vtrunc.f32 v19;
	v15 =	vnsel vm2, $0x63, v21;
	[tilespmem:v20+s1+$0x0] =	vst.idx.add.s32.msk $0xffff, v2  }
0x12c: {  	v14 =	vtrunc.f32 v14  }
0x12d: {  	v16 =	vcvt.f32.s32 v16;
	v15 =	vshll.u32 v15, $0x4;
	vm2 =	vlt.s32 v8, $0x63  }
0x12e: {  	vm3 =	vlt.s32 v9, $0x63;
	v14 =	vcvt.f32.s32 v14;
	v13 =	vtrunc.f32 v13  }
0x12f: {  	v15 =	vor.u32 v1, v15;
	vm4 =	vlt.s32 v10, $0x63;
	v8 =	vnsel vm2, $0x63, v8  }
0x130: {  	[tilespmem:v7+s1+$0x0] =	vst.idx.add.s32.msk $0xffff, v2;
	v7 =	vnsel vm3, $0x63, v9;
	v13 =	vcvt.f32.s32 v13;
	v12 =	vtrunc.f32 v12  }
0x131: {  	[tilespmem:v6+s1+$0x0] =	vst.idx.add.s32.msk $0xffff, v2;
	vm5 =	vlt.s32 v16, $0x63;
	v8 =	vshll.u32 v8, $0x4;
	v6 =	vnsel vm4, $0x63, v10  }
0x132: {  	v7 =	vshll.u32 v7, $0x4;
	v12 =	vcvt.f32.s32 v12;
	vm6 =	vlt.s32 v14, $0x63  }
0x133: {  	[tilespmem:v5+s1+$0x0] =	vst.idx.add.s32.msk $0xffff, v2;
	v8 =	vor.u32 v1, v8;
	v5 =	vnsel vm5, $0x63, v16;
	v6 =	vshll.u32 v6, $0x4  }
0x134: {  	[tilespmem:v4+s1+$0x0] =	vst.idx.add.s32.msk $0xffff, v2;
	v7 =	vor.u32 v1, v7;
	vm2 =	vlt.s32 v13, $0x63;
	v4 =	vnsel vm6, $0x63, v14  }
0x135: {  	[tilespmem:v11+s1+$0x0] =	vst.idx.add.s32.msk $0xffff, v2;
	v5 =	vshll.u32 v5, $0x4;
	v6 =	vor.u32 v1, v6;
	vm3 =	vlt.s32 v12, $0x63  }
0x136: {  	[tilespmem:v3+s1+$0x0] =	vst.idx.add.s32.msk $0xffff, v2;
	v9 =	vnsel vm2, $0x63, v13;
	v4 =	vshll.u32 v4, $0x4;
	v5 =	vor.u32 v1, v5  }
0x137: {  	[tilespmem:v15+s1+$0x0] =	vst.idx.add.s32.msk $0xffff, v2;
	v10 =	vnsel vm3, $0x63, v12;
	v9 =	vshll.u32 v9, $0x4;
	v4 =	vor.u32 v1, v4  }
0x138: {  	v3 =	vshll.u32 v10, $0x4;
	v9 =	vor.u32 v1, v9;
	[tilespmem:v8+s1+$0x0] =	vst.idx.add.s32.msk $0xffff, v2  }
0x139: {  	v3 =	vor.u32 v1, v3;
	[tilespmem:v7+s1+$0x0] =	vst.idx.add.s32.msk $0xffff, v2  }
0x13a: {  	[tilespmem:v6+s1+$0x0] =	vst.idx.add.s32.msk $0xffff, v2  }
0x13b: {  	[tilespmem:v5+s1+$0x0] =	vst.idx.add.s32.msk $0xffff, v2  }
0x13c: {  	[tilespmem:v4+s1+$0x0] =	vst.idx.add.s32.msk $0xffff, v2  }
0x13d: {  	[tilespmem:v9+s1+$0x0] =	vst.idx.add.s32.msk $0xffff, v2  }
0x13e: {  	s5 =	simm.s32 $0x0;
	[tilespmem:v3+s1+$0x0] =	vst.idx.add.s32.msk $0xffff, v2  }
0x13f: {  	s25 =	simm.s32 $0x0;
	s7 =	simm.s32 $0x0;
	s6 =	rddreg [dreg:$0x7]  }
0x140: {  	[tilespmem:s30], [sflag:$0x2] =	stream.linear.gather [hbm4b:s6+s5], $0x8000, $0x38;
	[tilespmem:$0x11880] =	vst v63  }
0x141: {  	s6 =	sand.u32 $0x7000, s25;
	s5 =	sand.u32 $0xC00, s5;
	_ =	swait.ge [sflag:s31], $0x8000  }
0x142: {  	s7 =	sand.u32 $0x380, s7;
	s5 =	sor.u32 s5, s6;
	[sflag:s31] =	ssyncset.done $0x0  }
0x143: {  	s5 =	sor.u32 s7, s5;
	[sflag:s31] =	ssyncadd.s32 $0xFFFF8000  }
0x144: {  	v3 =	vld [tilespmem:s5+$0x70]  }
0x145: {  	v4 =	vld [tilespmem:s5+$0x0]  }
0x146: {  	v5 =	vld [tilespmem:s5+$0x10]  }
0x147: {  	v6 =	vld [tilespmem:s5+$0x20]  }
0x148: {  	v7 =	vld [tilespmem:s5+$0x30]  }
0x149: {  	v8 =	vld [tilespmem:s5+$0x40]  }
0x14a: {  	v9 =	vld [tilespmem:s5+$0x50]  }
0x14b: {  	v10 =	vld [tilespmem:s5+$0x60];
	_ =	sdelay $0x1  }
0x14c: {  	v3 =	vtrunc.f32 v3;
	v4 =	vtrunc.f32 v4  }
0x14d: {  	v5 =	vtrunc.f32 v5;
	v6 =	vtrunc.f32 v6  }
0x14e: {  	v7 =	vtrunc.f32 v7;
	v8 =	vtrunc.f32 v8  }
0x14f: {  	v9 =	vtrunc.f32 v9;
	v10 =	vtrunc.f32 v10  }
0x150: {  	v3 =	vcvt.f32.s32 v3;
	v4 =	vcvt.f32.s32 v4  }
0x151: {  	v5 =	vcvt.f32.s32 v5;
	v6 =	vcvt.f32.s32 v6  }
0x152: {  	v7 =	vcvt.f32.s32 v7;
	v8 =	vcvt.f32.s32 v8  }
0x153: {  	s26 =	simm.s32 $0x80;
	s5 =	simm.s32 $0x400;
	v9 =	vcvt.f32.s32 v9;
	v10 =	vcvt.f32.s32 v10;
	vm2 =	vlt.s32 v3, $0x63  }
0x154: {  	s8 =	simm.s32 $0x20;
	s6 =	sand.u32 $0x7000, s26;
	s28 =	sand.u32 $0xC00, s5;
	vm3 =	vlt.s32 v5, $0x63;
	vm13 =	vlt.s32 v6, $0x63;
	vm14 =	vlt.s32 v7, $0x63  }
0x155: {  	s8 =	sand.u32 $0x380, s8;
	s6 =	sor.u32 s28, s6;
	vm15 =	vlt.s32 v8, $0x63;
	vm7 =	vlt.s32 v9, $0x63;
	v3 =	vnsel vm2, $0x63, v3  }
0x156: {  	s6 =	sor.u32 s8, s6;
	vm2 =	vlt.s32 v4, $0x63;
	v5 =	vnsel vm3, $0x63, v5;
	v6 =	vnsel vm13, $0x63, v6  }
0x157: {  	v12 =	vld [tilespmem:s6+$0x70];
	v7 =	vnsel vm14, $0x63, v7;
	v8 =	vnsel vm15, $0x63, v8;
	v3 =	vshll.u32 v3, $0x4  }
0x158: {  	v13 =	vld [tilespmem:s6+$0x0];
	v9 =	vnsel vm7, $0x63, v9;
	v4 =	vnsel vm2, $0x63, v4;
	v3 =	vor.u32 v1, v3  }
0x159: {  	v15 =	vld [tilespmem:s6+$0x10];
	vm2 =	vlt.s32 v10, $0x63;
	v5 =	vshll.u32 v5, $0x4;
	v6 =	vshll.u32 v6, $0x4  }
0x15a: {  	v16 =	vld [tilespmem:s6+$0x20];
	v14 =	vshll.u32 v7, $0x4;
	v8 =	vshll.u32 v8, $0x4;
	v9 =	vshll.u32 v9, $0x4  }
0x15b: {  	v17 =	vld [tilespmem:s6+$0x30];
	v4 =	vshll.u32 v4, $0x4;
	v10 =	vnsel vm2, $0x63, v10;
	v11 =	vor.u32 v1, v5  }
0x15c: {  	v7 =	vor.u32 v1, v6;
	v6 =	vor.u32 v1, v14;
	v14 =	vld [tilespmem:s6+$0x40];
	v18 =	vor.u32 v1, v4  }
0x15d: {  	v5 =	vor.u32 v1, v8;
	v8 =	vtrunc.f32 v13;
	[tilespmem:v3+s1+$0x0] =	vst.idx.add.s32.msk $0xffff, v2;
	v3 =	vtrunc.f32 v12  }
0x15e: {  	v13 =	vld [tilespmem:s6+$0x50];
	v4 =	vor.u32 v1, v9;
	v9 =	vtrunc.f32 v15;
	v19 =	vcvt.f32.s32 v3  }
0x15f: {  	v10 =	vshll.u32 v10, $0x4;
	v8 =	vcvt.f32.s32 v8;
	v9 =	vcvt.f32.s32 v9;
	v12 =	vld [tilespmem:s6+$0x60]  }
0x160: {  	v3 =	vor.u32 v1, v10;
	v10 =	vtrunc.f32 v16;
	vm2 =	vlt.s32 v19, $0x63  }
0x161: {  	s6 =	simm.s32 $0x8;
	v16 =	vtrunc.f32 v17;
	[tilespmem:v18+s1+$0x0] =	vst.idx.add.s32.msk $0xffff, v2;
	v10 =	vcvt.f32.s32 v10;
	v15 =	vnsel vm2, $0x63, v19  }
.LBB2_12:
0x162: {  	s6 =	sadd.s32 $0x8, s6;
	v16 =	vcvt.f32.s32 v16;
	v14 =	vtrunc.f32 v14;
	v15 =	vshll.u32 v15, $0x4;
	[tilespmem:v11+s1+$0x0] =	vst.idx.add.s32.msk $0xffff, v2  }
0x163: {  	s5 =	sadd.s32 $0x400, s5;
	s7 =	sshll.u32 s6, $0x4;
	p0 =	slt.u32 s6, $0x7F8;
	v11 =	vcvt.f32.s32 v14;
	v13 =	vtrunc.f32 v13;
	v14 =	vor.u32 v1, v15;
	[tilespmem:v7+s1+$0x0] =	vst.idx.add.s32.msk $0xffff, v2  }
0x164: {  	vm2 =	vlt.s32 v8, $0x63;
	s8 =	sand.u32 $0xC00, s5;
	s9 =	sshll.u32 s6, $0x2;
	s7 =	sand.u32 $0x7000, s7;
	v7 =	vcvt.f32.s32 v13;
	v12 =	vtrunc.f32 v12;
	[tilespmem:v6+s1+$0x0] =	vst.idx.add.s32.msk $0xffff, v2  }
0x165: {  	vm3 =	vlt.s32 v9, $0x63;
	vm4 =	vlt.s32 v10, $0x63;
	s9 =	sand.u32 $0x380, s9;
	s7 =	sor.u32 s8, s7;
	v6 =	vcvt.f32.s32 v12;
	[tilespmem:v5+s1+$0x0] =	vst.idx.add.s32.msk $0xffff, v2  }
0x166: {  	vm5 =	vlt.s32 v16, $0x63;
	vm6 =	vlt.s32 v11, $0x63;
	s7 =	sor.u32 s9, s7;
	vm7 =	vlt.s32 v7, $0x63;
	[tilespmem:v4+s1+$0x0] =	vst.idx.add.s32.msk $0xffff, v2  }
0x167: {  	v5 =	vnsel vm2, $0x63, v8;
	v8 =	vnsel vm3, $0x63, v9;
	v4 =	vld [tilespmem:s7+$0x70];
	vm2 =	vlt.s32 v6, $0x63  }
0x168: {  	v9 =	vnsel vm4, $0x63, v10;
	v10 =	vnsel vm5, $0x63, v16;
	v11 =	vnsel vm6, $0x63, v11;
	[tilespmem:v14+s1+$0x0] =	vst.idx.add.s32.msk $0xffff, v2  }
0x169: {  	v5 =	vshll.u32 v5, $0x4;
	v7 =	vnsel vm7, $0x63, v7;
	v6 =	vnsel vm2, $0x63, v6;
	v12 =	vld [tilespmem:s7+$0x0]  }
0x16a: {  	v8 =	vshll.u32 v8, $0x4;
	v9 =	vshll.u32 v9, $0x4;
	v10 =	vshll.u32 v10, $0x4;
	v15 =	vld [tilespmem:s7+$0x10]  }
0x16b: {  	v13 =	vshll.u32 v11, $0x4;
	v17 =	vshll.u32 v7, $0x4;
	v18 =	vshll.u32 v6, $0x4;
	v16 =	vld [tilespmem:s7+$0x20]  }
0x16c: {  	v20 =	vor.u32 v1, v5;
	v11 =	vor.u32 v1, v8;
	v7 =	vor.u32 v1, v9;
	v19 =	vld [tilespmem:s7+$0x30]  }
.Ltmp5:
0x16d: {  	v5 =	vor.u32 v1, v13;
	v6 =	vor.u32 v1, v10;
	v4 =	vtrunc.f32 v4;
	v14 =	vld [tilespmem:s7+$0x40];
	(pc) =	sbr.rel @p0 .LBB2_12-.Ltmp5, $4  }
0x16e: {  	v21 =	vcvt.f32.s32 v4;
	v4 =	vor.u32 v1, v17;
	v8 =	vtrunc.f32 v12;
	v13 =	vld [tilespmem:s7+$0x50]  }
0x16f: {  	v10 =	vor.u32 v1, v18;
	v8 =	vcvt.f32.s32 v8;
	v9 =	vtrunc.f32 v15;
	v12 =	vld [tilespmem:s7+$0x60]  }
0x170: {  	vm2 =	vlt.s32 v21, $0x63;
	v9 =	vcvt.f32.s32 v9;
	v15 =	vtrunc.f32 v16;
	[tilespmem:v3+s1+$0x0] =	vst.idx.add.s32.msk $0xffff, v2;
	v3 =	vmovc v10  }
0x171: {  	v10 =	vcvt.f32.s32 v15;
	v16 =	vtrunc.f32 v19;
	v15 =	vnsel vm2, $0x63, v21;
	[tilespmem:v20+s1+$0x0] =	vst.idx.add.s32.msk $0xffff, v2  }
0x172: {  	v14 =	vtrunc.f32 v14  }
0x173: {  	v16 =	vcvt.f32.s32 v16;
	v15 =	vshll.u32 v15, $0x4;
	vm2 =	vlt.s32 v8, $0x63  }
0x174: {  	vm3 =	vlt.s32 v9, $0x63;
	v14 =	vcvt.f32.s32 v14;
	v13 =	vtrunc.f32 v13  }
0x175: {  	v15 =	vor.u32 v1, v15;
	vm4 =	vlt.s32 v10, $0x63;
	v8 =	vnsel vm2, $0x63, v8  }
0x176: {  	[tilespmem:v7+s1+$0x0] =	vst.idx.add.s32.msk $0xffff, v2;
	v7 =	vnsel vm3, $0x63, v9;
	v13 =	vcvt.f32.s32 v13;
	v12 =	vtrunc.f32 v12  }
0x177: {  	[tilespmem:v6+s1+$0x0] =	vst.idx.add.s32.msk $0xffff, v2;
	vm5 =	vlt.s32 v16, $0x63;
	v8 =	vshll.u32 v8, $0x4;
	v6 =	vnsel vm4, $0x63, v10  }
0x178: {  	v7 =	vshll.u32 v7, $0x4;
	v12 =	vcvt.f32.s32 v12;
	vm6 =	vlt.s32 v14, $0x63  }
0x179: {  	[tilespmem:v5+s1+$0x0] =	vst.idx.add.s32.msk $0xffff, v2;
	v8 =	vor.u32 v1, v8;
	v5 =	vnsel vm5, $0x63, v16;
	v6 =	vshll.u32 v6, $0x4  }
0x17a: {  	[tilespmem:v4+s1+$0x0] =	vst.idx.add.s32.msk $0xffff, v2;
	v7 =	vor.u32 v1, v7;
	vm2 =	vlt.s32 v13, $0x63;
	v4 =	vnsel vm6, $0x63, v14  }
0x17b: {  	[tilespmem:v11+s1+$0x0] =	vst.idx.add.s32.msk $0xffff, v2;
	v5 =	vshll.u32 v5, $0x4;
	v6 =	vor.u32 v1, v6;
	vm3 =	vlt.s32 v12, $0x63  }
0x17c: {  	[tilespmem:v3+s1+$0x0] =	vst.idx.add.s32.msk $0xffff, v2;
	v9 =	vnsel vm2, $0x63, v13;
	v4 =	vshll.u32 v4, $0x4;
	v5 =	vor.u32 v1, v5  }
0x17d: {  	[tilespmem:v15+s1+$0x0] =	vst.idx.add.s32.msk $0xffff, v2;
	v10 =	vnsel vm3, $0x63, v12;
	v9 =	vshll.u32 v9, $0x4;
	v4 =	vor.u32 v1, v4  }
0x17e: {  	v3 =	vshll.u32 v10, $0x4;
	v9 =	vor.u32 v1, v9;
	[tilespmem:v8+s1+$0x0] =	vst.idx.add.s32.msk $0xffff, v2  }
0x17f: {  	v3 =	vor.u32 v1, v3;
	[tilespmem:v7+s1+$0x0] =	vst.idx.add.s32.msk $0xffff, v2  }
0x180: {  	[tilespmem:v6+s1+$0x0] =	vst.idx.add.s32.msk $0xffff, v2  }
0x181: {  	[tilespmem:v5+s1+$0x0] =	vst.idx.add.s32.msk $0xffff, v2  }
0x182: {  	[tilespmem:v4+s1+$0x0] =	vst.idx.add.s32.msk $0xffff, v2  }
0x183: {  	[tilespmem:v9+s1+$0x0] =	vst.idx.add.s32.msk $0xffff, v2  }
0x184: {  	s5 =	simm.s32 $0x0;
	[tilespmem:v3+s1+$0x0] =	vst.idx.add.s32.msk $0xffff, v2  }
0x185: {  	s25 =	simm.s32 $0x0;
	s7 =	simm.s32 $0x0;
	s6 =	rddreg [dreg:$0x8]  }
0x186: {  	[tilespmem:s5], [sflag:$0x1] =	stream.linear.gather [hbm4b:s6+s5], $0x8000, $0x38;
	[tilespmem:$0x11880] =	vst v63  }
0x187: {  	s6 =	sand.u32 $0x7000, s25;
	s5 =	sand.u32 $0xC00, s5;
	_ =	swait.ge [sflag:s0], $0x8000  }
0x188: {  	s7 =	sand.u32 $0x380, s7;
	s5 =	sor.u32 s5, s6;
	[sflag:s0] =	ssyncset.done $0x0  }
0x189: {  	s5 =	sor.u32 s7, s5;
	[sflag:s0] =	ssyncadd.s32 $0xFFFF8000  }
0x18a: {  	v3 =	vld [tilespmem:s5+$0x8070]  }
0x18b: {  	v4 =	vld [tilespmem:s5+$0x8000]  }
0x18c: {  	v5 =	vld [tilespmem:s5+$0x8010]  }
0x18d: {  	v6 =	vld [tilespmem:s5+$0x8020]  }
0x18e: {  	v7 =	vld [tilespmem:s5+$0x8030]  }
0x18f: {  	v8 =	vld [tilespmem:s5+$0x8040]  }
0x190: {  	v9 =	vld [tilespmem:s5+$0x8050]  }
0x191: {  	v10 =	vld [tilespmem:s5+$0x8060];
	_ =	sdelay $0x1  }
0x192: {  	v3 =	vtrunc.f32 v3;
	v4 =	vtrunc.f32 v4  }
0x193: {  	v5 =	vtrunc.f32 v5;
	v6 =	vtrunc.f32 v6  }
0x194: {  	v7 =	vtrunc.f32 v7;
	v8 =	vtrunc.f32 v8  }
0x195: {  	v9 =	vtrunc.f32 v9;
	v10 =	vtrunc.f32 v10  }
0x196: {  	v3 =	vcvt.f32.s32 v3;
	v4 =	vcvt.f32.s32 v4  }
0x197: {  	v5 =	vcvt.f32.s32 v5;
	v6 =	vcvt.f32.s32 v6  }
0x198: {  	v7 =	vcvt.f32.s32 v7;
	v8 =	vcvt.f32.s32 v8  }
0x199: {  	s26 =	simm.s32 $0x80;
	s5 =	simm.s32 $0x400;
	v9 =	vcvt.f32.s32 v9;
	v10 =	vcvt.f32.s32 v10;
	vm2 =	vlt.s32 v3, $0x63  }
0x19a: {  	s8 =	simm.s32 $0x20;
	s6 =	sand.u32 $0x7000, s26;
	s28 =	sand.u32 $0xC00, s5;
	vm3 =	vlt.s32 v5, $0x63;
	vm13 =	vlt.s32 v6, $0x63;
	vm14 =	vlt.s32 v7, $0x63  }
0x19b: {  	s8 =	sand.u32 $0x380, s8;
	s6 =	sor.u32 s28, s6;
	vm15 =	vlt.s32 v8, $0x63;
	vm7 =	vlt.s32 v9, $0x63;
	v3 =	vnsel vm2, $0x63, v3  }
0x19c: {  	s6 =	sor.u32 s8, s6;
	vm2 =	vlt.s32 v4, $0x63;
	v5 =	vnsel vm3, $0x63, v5;
	v6 =	vnsel vm13, $0x63, v6  }
0x19d: {  	v12 =	vld [tilespmem:s6+$0x8070];
	v7 =	vnsel vm14, $0x63, v7;
	v8 =	vnsel vm15, $0x63, v8;
	v3 =	vshll.u32 v3, $0x4  }
0x19e: {  	v13 =	vld [tilespmem:s6+$0x8000];
	v9 =	vnsel vm7, $0x63, v9;
	v4 =	vnsel vm2, $0x63, v4;
	v3 =	vor.u32 v1, v3  }
0x19f: {  	v15 =	vld [tilespmem:s6+$0x8010];
	vm2 =	vlt.s32 v10, $0x63;
	v5 =	vshll.u32 v5, $0x4;
	v6 =	vshll.u32 v6, $0x4  }
0x1a0: {  	v16 =	vld [tilespmem:s6+$0x8020];
	v14 =	vshll.u32 v7, $0x4;
	v8 =	vshll.u32 v8, $0x4;
	v9 =	vshll.u32 v9, $0x4  }
0x1a1: {  	v17 =	vld [tilespmem:s6+$0x8030];
	v4 =	vshll.u32 v4, $0x4;
	v10 =	vnsel vm2, $0x63, v10;
	v11 =	vor.u32 v1, v5  }
0x1a2: {  	v7 =	vor.u32 v1, v6;
	v6 =	vor.u32 v1, v14;
	v14 =	vld [tilespmem:s6+$0x8040];
	v18 =	vor.u32 v1, v4  }
0x1a3: {  	v5 =	vor.u32 v1, v8;
	v8 =	vtrunc.f32 v13;
	[tilespmem:v3+s1+$0x0] =	vst.idx.add.s32.msk $0xffff, v2;
	v3 =	vtrunc.f32 v12  }
0x1a4: {  	v13 =	vld [tilespmem:s6+$0x8050];
	v4 =	vor.u32 v1, v9;
	v9 =	vtrunc.f32 v15;
	v19 =	vcvt.f32.s32 v3  }
0x1a5: {  	v10 =	vshll.u32 v10, $0x4;
	v8 =	vcvt.f32.s32 v8;
	v9 =	vcvt.f32.s32 v9;
	v12 =	vld [tilespmem:s6+$0x8060]  }
0x1a6: {  	v3 =	vor.u32 v1, v10;
	v10 =	vtrunc.f32 v16;
	vm2 =	vlt.s32 v19, $0x63  }
0x1a7: {  	s6 =	simm.s32 $0x8;
	v16 =	vtrunc.f32 v17;
	[tilespmem:v18+s1+$0x0] =	vst.idx.add.s32.msk $0xffff, v2;
	v10 =	vcvt.f32.s32 v10;
	v15 =	vnsel vm2, $0x63, v19  }
.LBB2_14:
0x1a8: {  	s6 =	sadd.s32 $0x8, s6;
	v16 =	vcvt.f32.s32 v16;
	v14 =	vtrunc.f32 v14;
	v15 =	vshll.u32 v15, $0x4;
	[tilespmem:v11+s1+$0x0] =	vst.idx.add.s32.msk $0xffff, v2  }
0x1a9: {  	s5 =	sadd.s32 $0x400, s5;
	s7 =	sshll.u32 s6, $0x4;
	p0 =	slt.u32 s6, $0x7F8;
	v11 =	vcvt.f32.s32 v14;
	v13 =	vtrunc.f32 v13;
	v14 =	vor.u32 v1, v15;
	[tilespmem:v7+s1+$0x0] =	vst.idx.add.s32.msk $0xffff, v2  }
0x1aa: {  	vm2 =	vlt.s32 v8, $0x63;
	s8 =	sand.u32 $0xC00, s5;
	s9 =	sshll.u32 s6, $0x2;
	s7 =	sand.u32 $0x7000, s7;
	v7 =	vcvt.f32.s32 v13;
	v12 =	vtrunc.f32 v12;
	[tilespmem:v6+s1+$0x0] =	vst.idx.add.s32.msk $0xffff, v2  }
0x1ab: {  	vm3 =	vlt.s32 v9, $0x63;
	vm4 =	vlt.s32 v10, $0x63;
	s9 =	sand.u32 $0x380, s9;
	s7 =	sor.u32 s8, s7;
	v6 =	vcvt.f32.s32 v12;
	[tilespmem:v5+s1+$0x0] =	vst.idx.add.s32.msk $0xffff, v2  }
0x1ac: {  	vm5 =	vlt.s32 v16, $0x63;
	vm6 =	vlt.s32 v11, $0x63;
	s7 =	sor.u32 s9, s7;
	vm7 =	vlt.s32 v7, $0x63;
	[tilespmem:v4+s1+$0x0] =	vst.idx.add.s32.msk $0xffff, v2  }
0x1ad: {  	v5 =	vnsel vm2, $0x63, v8;
	v8 =	vnsel vm3, $0x63, v9;
	v4 =	vld [tilespmem:s7+$0x8070];
	vm2 =	vlt.s32 v6, $0x63  }
0x1ae: {  	v9 =	vnsel vm4, $0x63, v10;
	v10 =	vnsel vm5, $0x63, v16;
	v11 =	vnsel vm6, $0x63, v11;
	[tilespmem:v14+s1+$0x0] =	vst.idx.add.s32.msk $0xffff, v2  }
0x1af: {  	v5 =	vshll.u32 v5, $0x4;
	v7 =	vnsel vm7, $0x63, v7;
	v6 =	vnsel vm2, $0x63, v6;
	v12 =	vld [tilespmem:s7+$0x8000]  }
0x1b0: {  	v8 =	vshll.u32 v8, $0x4;
	v9 =	vshll.u32 v9, $0x4;
	v10 =	vshll.u32 v10, $0x4;
	v15 =	vld [tilespmem:s7+$0x8010]  }
0x1b1: {  	v13 =	vshll.u32 v11, $0x4;
	v17 =	vshll.u32 v7, $0x4;
	v18 =	vshll.u32 v6, $0x4;
	v16 =	vld [tilespmem:s7+$0x8020]  }
0x1b2: {  	v20 =	vor.u32 v1, v5;
	v11 =	vor.u32 v1, v8;
	v7 =	vor.u32 v1, v9;
	v19 =	vld [tilespmem:s7+$0x8030]  }
.Ltmp6:
0x1b3: {  	v5 =	vor.u32 v1, v13;
	v6 =	vor.u32 v1, v10;
	v4 =	vtrunc.f32 v4;
	v14 =	vld [tilespmem:s7+$0x8040];
	(pc) =	sbr.rel @p0 .LBB2_14-.Ltmp6, $4  }
0x1b4: {  	v21 =	vcvt.f32.s32 v4;
	v4 =	vor.u32 v1, v17;
	v8 =	vtrunc.f32 v12;
	v13 =	vld [tilespmem:s7+$0x8050]  }
0x1b5: {  	v10 =	vor.u32 v1, v18;
	v8 =	vcvt.f32.s32 v8;
	v9 =	vtrunc.f32 v15;
	v12 =	vld [tilespmem:s7+$0x8060]  }
0x1b6: {  	vm2 =	vlt.s32 v21, $0x63;
	v9 =	vcvt.f32.s32 v9;
	v15 =	vtrunc.f32 v16;
	[tilespmem:v3+s1+$0x0] =	vst.idx.add.s32.msk $0xffff, v2;
	v3 =	vmovc v10  }
0x1b7: {  	v10 =	vcvt.f32.s32 v15;
	v16 =	vtrunc.f32 v19;
	v15 =	vnsel vm2, $0x63, v21;
	[tilespmem:v20+s1+$0x0] =	vst.idx.add.s32.msk $0xffff, v2  }
0x1b8: {  	v14 =	vtrunc.f32 v14  }
0x1b9: {  	v16 =	vcvt.f32.s32 v16;
	v15 =	vshll.u32 v15, $0x4;
	vm2 =	vlt.s32 v8, $0x63  }
0x1ba: {  	vm3 =	vlt.s32 v9, $0x63;
	v14 =	vcvt.f32.s32 v14;
	v13 =	vtrunc.f32 v13  }
0x1bb: {  	v15 =	vor.u32 v1, v15;
	vm4 =	vlt.s32 v10, $0x63;
	v8 =	vnsel vm2, $0x63, v8  }
0x1bc: {  	[tilespmem:v7+s1+$0x0] =	vst.idx.add.s32.msk $0xffff, v2;
	v7 =	vnsel vm3, $0x63, v9;
	v13 =	vcvt.f32.s32 v13;
	v12 =	vtrunc.f32 v12  }
0x1bd: {  	[tilespmem:v6+s1+$0x0] =	vst.idx.add.s32.msk $0xffff, v2;
	vm5 =	vlt.s32 v16, $0x63;
	v8 =	vshll.u32 v8, $0x4;
	v6 =	vnsel vm4, $0x63, v10  }
0x1be: {  	v7 =	vshll.u32 v7, $0x4;
	v12 =	vcvt.f32.s32 v12;
	vm6 =	vlt.s32 v14, $0x63  }
0x1bf: {  	[tilespmem:v5+s1+$0x0] =	vst.idx.add.s32.msk $0xffff, v2;
	v8 =	vor.u32 v1, v8;
	v5 =	vnsel vm5, $0x63, v16;
	v6 =	vshll.u32 v6, $0x4  }
0x1c0: {  	[tilespmem:v4+s1+$0x0] =	vst.idx.add.s32.msk $0xffff, v2;
	v7 =	vor.u32 v1, v7;
	vm2 =	vlt.s32 v13, $0x63;
	v4 =	vnsel vm6, $0x63, v14  }
0x1c1: {  	[tilespmem:v11+s1+$0x0] =	vst.idx.add.s32.msk $0xffff, v2;
	v5 =	vshll.u32 v5, $0x4;
	v6 =	vor.u32 v1, v6;
	vm3 =	vlt.s32 v12, $0x63  }
0x1c2: {  	[tilespmem:v3+s1+$0x0] =	vst.idx.add.s32.msk $0xffff, v2;
	v9 =	vnsel vm2, $0x63, v13;
	v4 =	vshll.u32 v4, $0x4;
	v5 =	vor.u32 v1, v5  }
0x1c3: {  	[tilespmem:v15+s1+$0x0] =	vst.idx.add.s32.msk $0xffff, v2;
	v10 =	vnsel vm3, $0x63, v12;
	v9 =	vshll.u32 v9, $0x4;
	v4 =	vor.u32 v1, v4  }
0x1c4: {  	v3 =	vshll.u32 v10, $0x4;
	v9 =	vor.u32 v1, v9;
	[tilespmem:v8+s1+$0x0] =	vst.idx.add.s32.msk $0xffff, v2  }
0x1c5: {  	v3 =	vor.u32 v1, v3;
	[tilespmem:v7+s1+$0x0] =	vst.idx.add.s32.msk $0xffff, v2  }
0x1c6: {  	[tilespmem:v6+s1+$0x0] =	vst.idx.add.s32.msk $0xffff, v2  }
0x1c7: {  	[tilespmem:v5+s1+$0x0] =	vst.idx.add.s32.msk $0xffff, v2  }
0x1c8: {  	[tilespmem:v4+s1+$0x0] =	vst.idx.add.s32.msk $0xffff, v2  }
0x1c9: {  	[tilespmem:v9+s1+$0x0] =	vst.idx.add.s32.msk $0xffff, v2  }
0x1ca: {  	s5 =	simm.s32 $0x0;
	[tilespmem:v3+s1+$0x0] =	vst.idx.add.s32.msk $0xffff, v2  }
0x1cb: {  	s25 =	simm.s32 $0x0;
	s7 =	simm.s32 $0x0;
	s6 =	rddreg [dreg:$0x9]  }
0x1cc: {  	[tilespmem:s30], [sflag:$0x2] =	stream.linear.gather [hbm4b:s6+s5], $0x8000, $0x38;
	[tilespmem:$0x11880] =	vst v63  }
0x1cd: {  	s6 =	sand.u32 $0x7000, s25;
	s5 =	sand.u32 $0xC00, s5;
	_ =	swait.ge [sflag:s31], $0x8000  }
0x1ce: {  	s7 =	sand.u32 $0x380, s7;
	s5 =	sor.u32 s5, s6;
	[sflag:s31] =	ssyncset.done $0x0  }
0x1cf: {  	s5 =	sor.u32 s7, s5;
	[sflag:s31] =	ssyncadd.s32 $0xFFFF8000  }
0x1d0: {  	v3 =	vld [tilespmem:s5+$0x70]  }
0x1d1: {  	v4 =	vld [tilespmem:s5+$0x0]  }
0x1d2: {  	v5 =	vld [tilespmem:s5+$0x10]  }
0x1d3: {  	v6 =	vld [tilespmem:s5+$0x20]  }
0x1d4: {  	v7 =	vld [tilespmem:s5+$0x30]  }
0x1d5: {  	v8 =	vld [tilespmem:s5+$0x40]  }
0x1d6: {  	v9 =	vld [tilespmem:s5+$0x50]  }
0x1d7: {  	v10 =	vld [tilespmem:s5+$0x60];
	_ =	sdelay $0x1  }
0x1d8: {  	v3 =	vtrunc.f32 v3;
	v4 =	vtrunc.f32 v4  }
0x1d9: {  	v5 =	vtrunc.f32 v5;
	v6 =	vtrunc.f32 v6  }
0x1da: {  	v7 =	vtrunc.f32 v7;
	v8 =	vtrunc.f32 v8  }
0x1db: {  	v9 =	vtrunc.f32 v9;
	v10 =	vtrunc.f32 v10  }
0x1dc: {  	v3 =	vcvt.f32.s32 v3;
	v4 =	vcvt.f32.s32 v4  }
0x1dd: {  	v5 =	vcvt.f32.s32 v5;
	v6 =	vcvt.f32.s32 v6  }
0x1de: {  	v7 =	vcvt.f32.s32 v7;
	v8 =	vcvt.f32.s32 v8  }
0x1df: {  	s26 =	simm.s32 $0x80;
	s5 =	simm.s32 $0x400;
	v9 =	vcvt.f32.s32 v9;
	v10 =	vcvt.f32.s32 v10;
	vm2 =	vlt.s32 v3, $0x63  }
0x1e0: {  	s8 =	simm.s32 $0x20;
	s6 =	sand.u32 $0x7000, s26;
	s28 =	sand.u32 $0xC00, s5;
	vm3 =	vlt.s32 v5, $0x63;
	vm13 =	vlt.s32 v6, $0x63;
	vm14 =	vlt.s32 v7, $0x63  }
0x1e1: {  	s8 =	sand.u32 $0x380, s8;
	s6 =	sor.u32 s28, s6;
	vm15 =	vlt.s32 v8, $0x63;
	vm7 =	vlt.s32 v9, $0x63;
	v3 =	vnsel vm2, $0x63, v3  }
0x1e2: {  	s6 =	sor.u32 s8, s6;
	vm2 =	vlt.s32 v4, $0x63;
	v5 =	vnsel vm3, $0x63, v5;
	v6 =	vnsel vm13, $0x63, v6  }
0x1e3: {  	v12 =	vld [tilespmem:s6+$0x70];
	v7 =	vnsel vm14, $0x63, v7;
	v8 =	vnsel vm15, $0x63, v8;
	v3 =	vshll.u32 v3, $0x4  }
0x1e4: {  	v13 =	vld [tilespmem:s6+$0x0];
	v9 =	vnsel vm7, $0x63, v9;
	v4 =	vnsel vm2, $0x63, v4;
	v3 =	vor.u32 v1, v3  }
0x1e5: {  	v15 =	vld [tilespmem:s6+$0x10];
	vm2 =	vlt.s32 v10, $0x63;
	v5 =	vshll.u32 v5, $0x4;
	v6 =	vshll.u32 v6, $0x4  }
0x1e6: {  	v16 =	vld [tilespmem:s6+$0x20];
	v14 =	vshll.u32 v7, $0x4;
	v8 =	vshll.u32 v8, $0x4;
	v9 =	vshll.u32 v9, $0x4  }
0x1e7: {  	v17 =	vld [tilespmem:s6+$0x30];
	v4 =	vshll.u32 v4, $0x4;
	v10 =	vnsel vm2, $0x63, v10;
	v11 =	vor.u32 v1, v5  }
0x1e8: {  	v7 =	vor.u32 v1, v6;
	v6 =	vor.u32 v1, v14;
	v14 =	vld [tilespmem:s6+$0x40];
	v18 =	vor.u32 v1, v4  }
0x1e9: {  	v5 =	vor.u32 v1, v8;
	v8 =	vtrunc.f32 v13;
	[tilespmem:v3+s1+$0x0] =	vst.idx.add.s32.msk $0xffff, v2;
	v3 =	vtrunc.f32 v12  }
0x1ea: {  	v13 =	vld [tilespmem:s6+$0x50];
	v4 =	vor.u32 v1, v9;
	v9 =	vtrunc.f32 v15;
	v19 =	vcvt.f32.s32 v3  }
0x1eb: {  	v10 =	vshll.u32 v10, $0x4;
	v8 =	vcvt.f32.s32 v8;
	v9 =	vcvt.f32.s32 v9;
	v12 =	vld [tilespmem:s6+$0x60]  }
0x1ec: {  	v3 =	vor.u32 v1, v10;
	v10 =	vtrunc.f32 v16;
	vm2 =	vlt.s32 v19, $0x63  }
0x1ed: {  	s6 =	simm.s32 $0x8;
	v16 =	vtrunc.f32 v17;
	[tilespmem:v18+s1+$0x0] =	vst.idx.add.s32.msk $0xffff, v2;
	v10 =	vcvt.f32.s32 v10;
	v15 =	vnsel vm2, $0x63, v19  }
.LBB2_16:
0x1ee: {  	s6 =	sadd.s32 $0x8, s6;
	v16 =	vcvt.f32.s32 v16;
	v14 =	vtrunc.f32 v14;
	v15 =	vshll.u32 v15, $0x4;
	[tilespmem:v11+s1+$0x0] =	vst.idx.add.s32.msk $0xffff, v2  }
0x1ef: {  	s5 =	sadd.s32 $0x400, s5;
	s7 =	sshll.u32 s6, $0x4;
	p0 =	slt.u32 s6, $0x7F8;
	v11 =	vcvt.f32.s32 v14;
	v13 =	vtrunc.f32 v13;
	v14 =	vor.u32 v1, v15;
	[tilespmem:v7+s1+$0x0] =	vst.idx.add.s32.msk $0xffff, v2  }
0x1f0: {  	vm2 =	vlt.s32 v8, $0x63;
	s8 =	sand.u32 $0xC00, s5;
	s9 =	sshll.u32 s6, $0x2;
	s7 =	sand.u32 $0x7000, s7;
	v7 =	vcvt.f32.s32 v13;
	v12 =	vtrunc.f32 v12;
	[tilespmem:v6+s1+$0x0] =	vst.idx.add.s32.msk $0xffff, v2  }
0x1f1: {  	vm3 =	vlt.s32 v9, $0x63;
	vm4 =	vlt.s32 v10, $0x63;
	s9 =	sand.u32 $0x380, s9;
	s7 =	sor.u32 s8, s7;
	v6 =	vcvt.f32.s32 v12;
	[tilespmem:v5+s1+$0x0] =	vst.idx.add.s32.msk $0xffff, v2  }
0x1f2: {  	vm5 =	vlt.s32 v16, $0x63;
	vm6 =	vlt.s32 v11, $0x63;
	s7 =	sor.u32 s9, s7;
	vm7 =	vlt.s32 v7, $0x63;
	[tilespmem:v4+s1+$0x0] =	vst.idx.add.s32.msk $0xffff, v2  }
0x1f3: {  	v5 =	vnsel vm2, $0x63, v8;
	v8 =	vnsel vm3, $0x63, v9;
	v4 =	vld [tilespmem:s7+$0x70];
	vm2 =	vlt.s32 v6, $0x63  }
0x1f4: {  	v9 =	vnsel vm4, $0x63, v10;
	v10 =	vnsel vm5, $0x63, v16;
	v11 =	vnsel vm6, $0x63, v11;
	[tilespmem:v14+s1+$0x0] =	vst.idx.add.s32.msk $0xffff, v2  }
0x1f5: {  	v5 =	vshll.u32 v5, $0x4;
	v7 =	vnsel vm7, $0x63, v7;
	v6 =	vnsel vm2, $0x63, v6;
	v12 =	vld [tilespmem:s7+$0x0]  }
0x1f6: {  	v8 =	vshll.u32 v8, $0x4;
	v9 =	vshll.u32 v9, $0x4;
	v10 =	vshll.u32 v10, $0x4;
	v15 =	vld [tilespmem:s7+$0x10]  }
0x1f7: {  	v13 =	vshll.u32 v11, $0x4;
	v17 =	vshll.u32 v7, $0x4;
	v18 =	vshll.u32 v6, $0x4;
	v16 =	vld [tilespmem:s7+$0x20]  }
0x1f8: {  	v20 =	vor.u32 v1, v5;
	v11 =	vor.u32 v1, v8;
	v7 =	vor.u32 v1, v9;
	v19 =	vld [tilespmem:s7+$0x30]  }
.Ltmp7:
0x1f9: {  	v5 =	vor.u32 v1, v13;
	v6 =	vor.u32 v1, v10;
	v4 =	vtrunc.f32 v4;
	v14 =	vld [tilespmem:s7+$0x40];
	(pc) =	sbr.rel @p0 .LBB2_16-.Ltmp7, $4  }
0x1fa: {  	v21 =	vcvt.f32.s32 v4;
	v4 =	vor.u32 v1, v17;
	v8 =	vtrunc.f32 v12;
	v13 =	vld [tilespmem:s7+$0x50]  }
0x1fb: {  	v10 =	vor.u32 v1, v18;
	v8 =	vcvt.f32.s32 v8;
	v9 =	vtrunc.f32 v15;
	v12 =	vld [tilespmem:s7+$0x60]  }
0x1fc: {  	vm2 =	vlt.s32 v21, $0x63;
	v9 =	vcvt.f32.s32 v9;
	v15 =	vtrunc.f32 v16;
	[tilespmem:v3+s1+$0x0] =	vst.idx.add.s32.msk $0xffff, v2;
	v3 =	vmovc v10  }
0x1fd: {  	v10 =	vcvt.f32.s32 v15;
	v16 =	vtrunc.f32 v19;
	v15 =	vnsel vm2, $0x63, v21;
	[tilespmem:v20+s1+$0x0] =	vst.idx.add.s32.msk $0xffff, v2  }
0x1fe: {  	v14 =	vtrunc.f32 v14  }
0x1ff: {  	v16 =	vcvt.f32.s32 v16;
	v15 =	vshll.u32 v15, $0x4;
	vm2 =	vlt.s32 v8, $0x63  }
0x200: {  	vm3 =	vlt.s32 v9, $0x63;
	v14 =	vcvt.f32.s32 v14;
	v13 =	vtrunc.f32 v13  }
0x201: {  	v15 =	vor.u32 v1, v15;
	vm4 =	vlt.s32 v10, $0x63;
	v8 =	vnsel vm2, $0x63, v8  }
0x202: {  	[tilespmem:v7+s1+$0x0] =	vst.idx.add.s32.msk $0xffff, v2;
	v7 =	vnsel vm3, $0x63, v9;
	v13 =	vcvt.f32.s32 v13;
	v12 =	vtrunc.f32 v12  }
0x203: {  	[tilespmem:v6+s1+$0x0] =	vst.idx.add.s32.msk $0xffff, v2;
	vm5 =	vlt.s32 v16, $0x63;
	v8 =	vshll.u32 v8, $0x4;
	v6 =	vnsel vm4, $0x63, v10  }
0x204: {  	v7 =	vshll.u32 v7, $0x4;
	v12 =	vcvt.f32.s32 v12;
	vm6 =	vlt.s32 v14, $0x63  }
0x205: {  	[tilespmem:v5+s1+$0x0] =	vst.idx.add.s32.msk $0xffff, v2;
	v8 =	vor.u32 v1, v8;
	v5 =	vnsel vm5, $0x63, v16;
	v6 =	vshll.u32 v6, $0x4  }
0x206: {  	[tilespmem:v4+s1+$0x0] =	vst.idx.add.s32.msk $0xffff, v2;
	v7 =	vor.u32 v1, v7;
	vm2 =	vlt.s32 v13, $0x63;
	v4 =	vnsel vm6, $0x63, v14  }
0x207: {  	[tilespmem:v11+s1+$0x0] =	vst.idx.add.s32.msk $0xffff, v2;
	v5 =	vshll.u32 v5, $0x4;
	v6 =	vor.u32 v1, v6;
	vm3 =	vlt.s32 v12, $0x63  }
0x208: {  	[tilespmem:v3+s1+$0x0] =	vst.idx.add.s32.msk $0xffff, v2;
	v9 =	vnsel vm2, $0x63, v13;
	v4 =	vshll.u32 v4, $0x4;
	v5 =	vor.u32 v1, v5  }
0x209: {  	[tilespmem:v15+s1+$0x0] =	vst.idx.add.s32.msk $0xffff, v2;
	v10 =	vnsel vm3, $0x63, v12;
	v9 =	vshll.u32 v9, $0x4;
	v4 =	vor.u32 v1, v4  }
0x20a: {  	v3 =	vshll.u32 v10, $0x4;
	v9 =	vor.u32 v1, v9;
	[tilespmem:v8+s1+$0x0] =	vst.idx.add.s32.msk $0xffff, v2  }
0x20b: {  	v3 =	vor.u32 v1, v3;
	[tilespmem:v7+s1+$0x0] =	vst.idx.add.s32.msk $0xffff, v2  }
0x20c: {  	[tilespmem:v6+s1+$0x0] =	vst.idx.add.s32.msk $0xffff, v2  }
0x20d: {  	[tilespmem:v5+s1+$0x0] =	vst.idx.add.s32.msk $0xffff, v2  }
0x20e: {  	[tilespmem:v4+s1+$0x0] =	vst.idx.add.s32.msk $0xffff, v2  }
0x20f: {  	[tilespmem:v9+s1+$0x0] =	vst.idx.add.s32.msk $0xffff, v2  }
0x210: {  	s5 =	simm.s32 $0x0;
	s6 =	simm.s32 $0x0;
	s7 =	simm.s32 $0x0;
	[tilespmem:v3+s1+$0x0] =	vst.idx.add.s32.msk $0xffff, v2  }
0x211: {  	s6 =	sand.u32 $0x7000, s6;
	s5 =	sand.u32 $0xC00, s5;
	_ =	swait.ge [sflag:s0], $0x8000  }
0x212: {  	s7 =	sand.u32 $0x380, s7;
	s5 =	sor.u32 s5, s6;
	[sflag:s0] =	ssyncset.done $0x0  }
0x213: {  	s5 =	sor.u32 s7, s5;
	[sflag:s0] =	ssyncadd.s32 $0xFFFF8000  }
0x214: {  	v3 =	vld [tilespmem:s5+$0x8070]  }
0x215: {  	v4 =	vld [tilespmem:s5+$0x8000]  }
0x216: {  	v5 =	vld [tilespmem:s5+$0x8010]  }
0x217: {  	v6 =	vld [tilespmem:s5+$0x8020]  }
0x218: {  	v7 =	vld [tilespmem:s5+$0x8030]  }
0x219: {  	v8 =	vld [tilespmem:s5+$0x8040]  }
0x21a: {  	v9 =	vld [tilespmem:s5+$0x8050]  }
0x21b: {  	v10 =	vld [tilespmem:s5+$0x8060];
	_ =	sdelay $0x1  }
0x21c: {  	v3 =	vtrunc.f32 v3;
	v4 =	vtrunc.f32 v4  }
0x21d: {  	v5 =	vtrunc.f32 v5;
	v6 =	vtrunc.f32 v6  }
0x21e: {  	v7 =	vtrunc.f32 v7;
	v8 =	vtrunc.f32 v8  }
0x21f: {  	v9 =	vtrunc.f32 v9;
	v10 =	vtrunc.f32 v10  }
0x220: {  	v3 =	vcvt.f32.s32 v3;
	v4 =	vcvt.f32.s32 v4  }
0x221: {  	v5 =	vcvt.f32.s32 v5;
	v6 =	vcvt.f32.s32 v6  }
0x222: {  	v7 =	vcvt.f32.s32 v7;
	v8 =	vcvt.f32.s32 v8  }
0x223: {  	s26 =	simm.s32 $0x80;
	s5 =	simm.s32 $0x400;
	v9 =	vcvt.f32.s32 v9;
	v10 =	vcvt.f32.s32 v10;
	vm2 =	vlt.s32 v3, $0x63  }
0x224: {  	s8 =	simm.s32 $0x20;
	s6 =	sand.u32 $0x7000, s26;
	s28 =	sand.u32 $0xC00, s5;
	vm3 =	vlt.s32 v5, $0x63;
	vm13 =	vlt.s32 v6, $0x63;
	vm14 =	vlt.s32 v7, $0x63  }
0x225: {  	s8 =	sand.u32 $0x380, s8;
	s6 =	sor.u32 s28, s6;
	vm15 =	vlt.s32 v8, $0x63;
	vm7 =	vlt.s32 v9, $0x63;
	v3 =	vnsel vm2, $0x63, v3  }
0x226: {  	s6 =	sor.u32 s8, s6;
	vm2 =	vlt.s32 v4, $0x63;
	v5 =	vnsel vm3, $0x63, v5;
	v6 =	vnsel vm13, $0x63, v6  }
0x227: {  	v12 =	vld [tilespmem:s6+$0x8070];
	v7 =	vnsel vm14, $0x63, v7;
	v8 =	vnsel vm15, $0x63, v8;
	v3 =	vshll.u32 v3, $0x4  }
0x228: {  	v13 =	vld [tilespmem:s6+$0x8000];
	v9 =	vnsel vm7, $0x63, v9;
	v4 =	vnsel vm2, $0x63, v4;
	v3 =	vor.u32 v1, v3  }
0x229: {  	v15 =	vld [tilespmem:s6+$0x8010];
	vm2 =	vlt.s32 v10, $0x63;
	v5 =	vshll.u32 v5, $0x4;
	v6 =	vshll.u32 v6, $0x4  }
0x22a: {  	v16 =	vld [tilespmem:s6+$0x8020];
	v14 =	vshll.u32 v7, $0x4;
	v8 =	vshll.u32 v8, $0x4;
	v9 =	vshll.u32 v9, $0x4  }
0x22b: {  	v17 =	vld [tilespmem:s6+$0x8030];
	v4 =	vshll.u32 v4, $0x4;
	v10 =	vnsel vm2, $0x63, v10;
	v11 =	vor.u32 v1, v5  }
0x22c: {  	v7 =	vor.u32 v1, v6;
	v6 =	vor.u32 v1, v14;
	v14 =	vld [tilespmem:s6+$0x8040];
	v18 =	vor.u32 v1, v4  }
0x22d: {  	v5 =	vor.u32 v1, v8;
	v8 =	vtrunc.f32 v13;
	[tilespmem:v3+s1+$0x0] =	vst.idx.add.s32.msk $0xffff, v2;
	v3 =	vtrunc.f32 v12  }
0x22e: {  	v13 =	vld [tilespmem:s6+$0x8050];
	v4 =	vor.u32 v1, v9;
	v9 =	vtrunc.f32 v15;
	v19 =	vcvt.f32.s32 v3  }
0x22f: {  	v10 =	vshll.u32 v10, $0x4;
	v8 =	vcvt.f32.s32 v8;
	v9 =	vcvt.f32.s32 v9;
	v12 =	vld [tilespmem:s6+$0x8060]  }
0x230: {  	v3 =	vor.u32 v1, v10;
	v10 =	vtrunc.f32 v16;
	vm2 =	vlt.s32 v19, $0x63  }
0x231: {  	s6 =	simm.s32 $0x8;
	v16 =	vtrunc.f32 v17;
	[tilespmem:v18+s1+$0x0] =	vst.idx.add.s32.msk $0xffff, v2;
	v10 =	vcvt.f32.s32 v10;
	v15 =	vnsel vm2, $0x63, v19  }
.LBB2_18:
0x232: {  	s6 =	sadd.s32 $0x8, s6;
	v16 =	vcvt.f32.s32 v16;
	v14 =	vtrunc.f32 v14;
	v15 =	vshll.u32 v15, $0x4;
	[tilespmem:v11+s1+$0x0] =	vst.idx.add.s32.msk $0xffff, v2  }
0x233: {  	s5 =	sadd.s32 $0x400, s5;
	s7 =	sshll.u32 s6, $0x4;
	p0 =	slt.u32 s6, $0x7F8;
	v11 =	vcvt.f32.s32 v14;
	v13 =	vtrunc.f32 v13;
	v14 =	vor.u32 v1, v15;
	[tilespmem:v7+s1+$0x0] =	vst.idx.add.s32.msk $0xffff, v2  }
0x234: {  	vm2 =	vlt.s32 v8, $0x63;
	s8 =	sand.u32 $0xC00, s5;
	s9 =	sshll.u32 s6, $0x2;
	s7 =	sand.u32 $0x7000, s7;
	v7 =	vcvt.f32.s32 v13;
	v12 =	vtrunc.f32 v12;
	[tilespmem:v6+s1+$0x0] =	vst.idx.add.s32.msk $0xffff, v2  }
0x235: {  	vm3 =	vlt.s32 v9, $0x63;
	vm4 =	vlt.s32 v10, $0x63;
	s9 =	sand.u32 $0x380, s9;
	s7 =	sor.u32 s8, s7;
	v6 =	vcvt.f32.s32 v12;
	[tilespmem:v5+s1+$0x0] =	vst.idx.add.s32.msk $0xffff, v2  }
0x236: {  	vm5 =	vlt.s32 v16, $0x63;
	vm6 =	vlt.s32 v11, $0x63;
	s7 =	sor.u32 s9, s7;
	vm7 =	vlt.s32 v7, $0x63;
	[tilespmem:v4+s1+$0x0] =	vst.idx.add.s32.msk $0xffff, v2  }
0x237: {  	v5 =	vnsel vm2, $0x63, v8;
	v8 =	vnsel vm3, $0x63, v9;
	v4 =	vld [tilespmem:s7+$0x8070];
	vm2 =	vlt.s32 v6, $0x63  }
0x238: {  	v9 =	vnsel vm4, $0x63, v10;
	v10 =	vnsel vm5, $0x63, v16;
	v11 =	vnsel vm6, $0x63, v11;
	[tilespmem:v14+s1+$0x0] =	vst.idx.add.s32.msk $0xffff, v2  }
0x239: {  	v5 =	vshll.u32 v5, $0x4;
	v7 =	vnsel vm7, $0x63, v7;
	v6 =	vnsel vm2, $0x63, v6;
	v12 =	vld [tilespmem:s7+$0x8000]  }
0x23a: {  	v8 =	vshll.u32 v8, $0x4;
	v9 =	vshll.u32 v9, $0x4;
	v10 =	vshll.u32 v10, $0x4;
	v15 =	vld [tilespmem:s7+$0x8010]  }
0x23b: {  	v13 =	vshll.u32 v11, $0x4;
	v17 =	vshll.u32 v7, $0x4;
	v18 =	vshll.u32 v6, $0x4;
	v16 =	vld [tilespmem:s7+$0x8020]  }
0x23c: {  	v20 =	vor.u32 v1, v5;
	v11 =	vor.u32 v1, v8;
	v7 =	vor.u32 v1, v9;
	v19 =	vld [tilespmem:s7+$0x8030]  }
.Ltmp8:
0x23d: {  	v5 =	vor.u32 v1, v13;
	v6 =	vor.u32 v1, v10;
	v4 =	vtrunc.f32 v4;
	v14 =	vld [tilespmem:s7+$0x8040];
	(pc) =	sbr.rel @p0 .LBB2_18-.Ltmp8, $4  }
0x23e: {  	v21 =	vcvt.f32.s32 v4;
	v4 =	vor.u32 v1, v17;
	v8 =	vtrunc.f32 v12;
	v13 =	vld [tilespmem:s7+$0x8050]  }
0x23f: {  	v10 =	vor.u32 v1, v18;
	v8 =	vcvt.f32.s32 v8;
	v9 =	vtrunc.f32 v15;
	v12 =	vld [tilespmem:s7+$0x8060]  }
0x240: {  	vm2 =	vlt.s32 v21, $0x63;
	v9 =	vcvt.f32.s32 v9;
	v15 =	vtrunc.f32 v16;
	[tilespmem:v3+s1+$0x0] =	vst.idx.add.s32.msk $0xffff, v2;
	v3 =	vmovc v10  }
0x241: {  	v10 =	vcvt.f32.s32 v15;
	v16 =	vtrunc.f32 v19;
	v15 =	vnsel vm2, $0x63, v21;
	[tilespmem:v20+s1+$0x0] =	vst.idx.add.s32.msk $0xffff, v2  }
0x242: {  	v14 =	vtrunc.f32 v14  }
0x243: {  	v16 =	vcvt.f32.s32 v16;
	v15 =	vshll.u32 v15, $0x4;
	vm2 =	vlt.s32 v8, $0x63  }
0x244: {  	vm3 =	vlt.s32 v9, $0x63;
	v14 =	vcvt.f32.s32 v14;
	v13 =	vtrunc.f32 v13  }
0x245: {  	v15 =	vor.u32 v1, v15;
	vm4 =	vlt.s32 v10, $0x63;
	v8 =	vnsel vm2, $0x63, v8  }
0x246: {  	[tilespmem:v7+s1+$0x0] =	vst.idx.add.s32.msk $0xffff, v2;
	v7 =	vnsel vm3, $0x63, v9;
	v13 =	vcvt.f32.s32 v13;
	v12 =	vtrunc.f32 v12  }
0x247: {  	[tilespmem:v6+s1+$0x0] =	vst.idx.add.s32.msk $0xffff, v2;
	vm5 =	vlt.s32 v16, $0x63;
	v8 =	vshll.u32 v8, $0x4;
	v6 =	vnsel vm4, $0x63, v10  }
0x248: {  	v7 =	vshll.u32 v7, $0x4;
	v12 =	vcvt.f32.s32 v12;
	vm6 =	vlt.s32 v14, $0x63  }
0x249: {  	[tilespmem:v5+s1+$0x0] =	vst.idx.add.s32.msk $0xffff, v2;
	v8 =	vor.u32 v1, v8;
	v5 =	vnsel vm5, $0x63, v16;
	v6 =	vshll.u32 v6, $0x4  }
0x24a: {  	[tilespmem:v4+s1+$0x0] =	vst.idx.add.s32.msk $0xffff, v2;
	v7 =	vor.u32 v1, v7;
	vm2 =	vlt.s32 v13, $0x63;
	v4 =	vnsel vm6, $0x63, v14  }
0x24b: {  	[tilespmem:v11+s1+$0x0] =	vst.idx.add.s32.msk $0xffff, v2;
	v5 =	vshll.u32 v5, $0x4;
	v6 =	vor.u32 v1, v6;
	vm3 =	vlt.s32 v12, $0x63  }
0x24c: {  	[tilespmem:v3+s1+$0x0] =	vst.idx.add.s32.msk $0xffff, v2;
	v9 =	vnsel vm2, $0x63, v13;
	v4 =	vshll.u32 v4, $0x4;
	v5 =	vor.u32 v1, v5  }
0x24d: {  	[tilespmem:v15+s1+$0x0] =	vst.idx.add.s32.msk $0xffff, v2;
	v10 =	vnsel vm3, $0x63, v12;
	v9 =	vshll.u32 v9, $0x4;
	v4 =	vor.u32 v1, v4  }
0x24e: {  	v3 =	vshll.u32 v10, $0x4;
	v9 =	vor.u32 v1, v9;
	[tilespmem:v8+s1+$0x0] =	vst.idx.add.s32.msk $0xffff, v2  }
0x24f: {  	v3 =	vor.u32 v1, v3;
	[tilespmem:v7+s1+$0x0] =	vst.idx.add.s32.msk $0xffff, v2  }
0x250: {  	[tilespmem:v6+s1+$0x0] =	vst.idx.add.s32.msk $0xffff, v2  }
0x251: {  	[tilespmem:v5+s1+$0x0] =	vst.idx.add.s32.msk $0xffff, v2  }
0x252: {  	[tilespmem:v4+s1+$0x0] =	vst.idx.add.s32.msk $0xffff, v2  }
0x253: {  	[tilespmem:v9+s1+$0x0] =	vst.idx.add.s32.msk $0xffff, v2  }
0x254: {  	[tilespmem:v3+s1+$0x0] =	vst.idx.add.s32.msk $0xffff, v2  }
0x255: {  	s5 =	simm.s32 $0x0;
	s6 =	rddreg [dreg:$0xa]  }
0x256: {  	[tilespmem:s5], [sflag:$0x1] =	stream.linear.gather [hbm4b:s6+s5], $0x8000, $0x38;
	[tilespmem:$0x11880] =	vst v63  }
0x257: {  	s25 =	simm.s32 $0x0;
	s7 =	simm.s32 $0x0;
	s24 =	rddreg [dreg:$0xb]  }
0x258: {  	[tilespmem:s30], [sflag:$0x2] =	stream.linear.gather [hbm4b:s24+s5], $0x8000, $0x38;
	[tilespmem:$0x11880] =	vst v63  }
0x259: {  	s6 =	sand.u32 $0x7000, s25;
	s5 =	sand.u32 $0xC00, s5;
	_ =	swait.ge [sflag:s31], $0x8000  }
0x25a: {  	s7 =	sand.u32 $0x380, s7;
	s5 =	sor.u32 s5, s6;
	[sflag:s31] =	ssyncset.done $0x0  }
0x25b: {  	s5 =	sor.u32 s7, s5;
	[sflag:s31] =	ssyncadd.s32 $0xFFFF8000  }
0x25c: {  	v3 =	vld [tilespmem:s5+$0x70]  }
0x25d: {  	v4 =	vld [tilespmem:s5+$0x0]  }
0x25e: {  	v5 =	vld [tilespmem:s5+$0x10]  }
0x25f: {  	v6 =	vld [tilespmem:s5+$0x20]  }
0x260: {  	v7 =	vld [tilespmem:s5+$0x30]  }
0x261: {  	v8 =	vld [tilespmem:s5+$0x40]  }
0x262: {  	v9 =	vld [tilespmem:s5+$0x50]  }
0x263: {  	v10 =	vld [tilespmem:s5+$0x60]  }
0x264: {  	v3 =	vadd.f32 $1.280000000e+02, v3;
	v4 =	vadd.f32 $1.280000000e+02, v4  }
0x265: {  	v5 =	vadd.f32 $1.280000000e+02, v5;
	v6 =	vadd.f32 $1.280000000e+02, v6  }
0x266: {  	v7 =	vadd.f32 $1.280000000e+02, v7;
	v8 =	vadd.f32 $1.280000000e+02, v8  }
0x267: {  	s26 =	simm.s32 $0x80;
	s5 =	simm.s32 $0x400;
	v9 =	vadd.f32 $1.280000000e+02, v9;
	v3 =	vmul.f32 $3.921568690e-01, v3;
	v4 =	vmul.f32 $3.921568690e-01, v4  }
0x268: {  	s8 =	simm.s32 $0x20;
	s6 =	sand.u32 $0x7000, s26;
	s28 =	sand.u32 $0xC00, s5;
	v10 =	vadd.f32 $1.280000000e+02, v10;
	v5 =	vmul.f32 $3.921568690e-01, v5;
	v6 =	vmul.f32 $3.921568690e-01, v6  }
0x269: {  	s8 =	sand.u32 $0x380, s8;
	s6 =	sor.u32 s28, s6;
	v7 =	vmul.f32 $3.921568690e-01, v7;
	v8 =	vmul.f32 $3.921568690e-01, v8  }
0x26a: {  	s6 =	sor.u32 s8, s6;
	v9 =	vmul.f32 $3.921568690e-01, v9;
	v10 =	vmul.f32 $3.921568690e-01, v10  }
0x26b: {  	v12 =	vld [tilespmem:s6+$0x70];
	v3 =	vtrunc.f32 v3;
	v4 =	vtrunc.f32 v4  }
0x26c: {  	v14 =	vld [tilespmem:s6+$0x10];
	v5 =	vtrunc.f32 v5;
	v6 =	vtrunc.f32 v6  }
0x26d: {  	v15 =	vld [tilespmem:s6+$0x20];
	v7 =	vtrunc.f32 v7;
	v8 =	vtrunc.f32 v8  }
0x26e: {  	v17 =	vld [tilespmem:s6+$0x30];
	v9 =	vtrunc.f32 v9;
	v10 =	vtrunc.f32 v10  }
0x26f: {  	v3 =	vcvt.f32.s32 v3;
	v4 =	vcvt.f32.s32 v4  }
0x270: {  	v12 =	vadd.f32 $1.280000000e+02, v12;
	v5 =	vcvt.f32.s32 v5;
	v6 =	vcvt.f32.s32 v6  }
0x271: {  	v14 =	vadd.f32 $1.280000000e+02, v14;
	v7 =	vcvt.f32.s32 v7;
	v8 =	vcvt.f32.s32 v8  }
0x272: {  	v15 =	vadd.f32 $1.280000000e+02, v15;
	v9 =	vcvt.f32.s32 v9;
	v10 =	vcvt.f32.s32 v10  }
0x273: {  	v17 =	vadd.f32 $1.280000000e+02, v17;
	v12 =	vmul.f32 $3.921568690e-01, v12;
	v14 =	vmul.f32 $3.921568690e-01, v14  }
0x274: {  	v15 =	vmul.f32 $3.921568690e-01, v15;
	vm2 =	vlt.s32 v3, $0x63;
	vm3 =	vlt.s32 v5, $0x63  }
0x275: {  	v13 =	vld [tilespmem:s6+$0x0];
	vm13 =	vlt.s32 v6, $0x63;
	vm14 =	vlt.s32 v7, $0x63;
	vm15 =	vlt.s32 v8, $0x63  }
0x276: {  	vm7 =	vlt.s32 v10, $0x63;
	v11 =	vnsel vm2, $0x63, v3;
	v3 =	vor.u32 $0x800, v1  }
0x277: {  	vm2 =	vlt.s32 v4, $0x63;
	v5 =	vnsel vm3, $0x63, v5;
	v6 =	vnsel vm13, $0x63, v6  }
0x278: {  	v7 =	vnsel vm14, $0x63, v7;
	v10 =	vnsel vm7, $0x63, v10;
	v4 =	vnsel vm2, $0x63, v4  }
0x279: {  	vm2 =	vlt.s32 v9, $0x63;
	v62 =	vshll.u32 v5, $0x4;
	v4 =	vshll.u32 v4, $0x4  }
0x27a: {  	v5 =	vshll.u32 v10, $0x4;
	v10 =	vadd.f32 $1.280000000e+02, v13;
	v13 =	vld [tilespmem:s6+$0x50];
	v4 =	vadd.s32 v3, v4  }
0x27b: {  	v8 =	vnsel vm15, $0x63, v8;
	v11 =	vshll.u32 v11, $0x4;
	v9 =	vnsel vm2, $0x63, v9  }
0x27c: {  	v12 =	vtrunc.f32 v12;
	v11 =	vadd.s32 v3, v11;
	v18 =	vshll.u32 v9, $0x4;
	v9 =	vld [tilespmem:s6+$0x40]  }
0x27d: {  	v19 =	vld [tilespmem:s6+$0x60];
	v6 =	vshll.u32 v6, $0x4;
	v7 =	vshll.u32 v7, $0x4;
	v16 =	vadd.s32 v3, v62  }
0x27e: {  	v8 =	vshll.u32 v8, $0x4;
	v6 =	vadd.s32 v3, v6;
	v10 =	vmul.f32 $3.921568690e-01, v10  }
0x27f: {  	v12 =	vcvt.f32.s32 v12;
	v7 =	vadd.s32 v3, v7;
	[tilespmem:v4+s1+$0x0] =	vst.idx.add.s32.msk $0xffff, v2;
	v4 =	vadd.f32 $1.280000000e+02, v13  }
0x280: {  	v20 =	vadd.s32 v3, v8;
	v8 =	vtrunc.f32 v10;
	v10 =	vmul.f32 $3.921568690e-01, v17  }
0x281: {  	vm2 =	vlt.s32 v12, $0x63;
	[tilespmem:v11+s1+$0x0] =	vst.idx.add.s32.msk $0xffff, v2;
	v9 =	vadd.f32 $1.280000000e+02, v9;
	v4 =	vmul.f32 $3.921568690e-01, v4  }
0x282: {  	v12 =	vnsel vm2, $0x63, v12;
	v11 =	vadd.f32 $1.280000000e+02, v19;
	[tilespmem:v16+s1+$0x0] =	vst.idx.add.s32.msk $0xffff, v2;
	v10 =	vtrunc.f32 v10  }
0x283: {  	[tilespmem:v6+s1+$0x0] =	vst.idx.add.s32.msk $0xffff, v2;
	v6 =	vshll.u32 v12, $0x4;
	v13 =	vtrunc.f32 v15;
	v63 =	vmul.f32 $3.921568690e-01, v9  }
0x284: {  	[tilespmem:v7+s1+$0x0] =	vst.idx.add.s32.msk $0xffff, v2;
	v7 =	vadd.s32 v3, v6;
	v9 =	vtrunc.f32 v14;
	v14 =	vmul.f32 $3.921568690e-01, v11  }
0x285: {  	s6 =	simm.s32 $0x8;
	[tilespmem:v20+s1+$0x0] =	vst.idx.add.s32.msk $0xffff, v2;
	v6 =	vadd.s32 v3, v18;
	v12 =	vtrunc.f32 v63;
	v11 =	vtrunc.f32 v4;
	v4 =	vmovc v3  }
.LBB2_20:
0x286: {  	s6 =	sadd.s32 $0x8, s6;
	v8 =	vcvt.f32.s32 v8;
	v14 =	vtrunc.f32 v14;
	v15 =	vadd.s32 v4, v5;
	v4 =	vmovc v3  }
0x287: {  	v5 =	vcvt.f32.s32 v9;
	v9 =	vcvt.f32.s32 v13;
	s5 =	sadd.s32 $0x400, s5;
	s7 =	sshll.u32 s6, $0x4;
	p0 =	slt.u32 s6, $0x7F8  }
0x288: {  	v10 =	vcvt.f32.s32 v10;
	v12 =	vcvt.f32.s32 v12;
	s8 =	sand.u32 $0xC00, s5;
	s9 =	sshll.u32 s6, $0x2;
	s7 =	sand.u32 $0x7000, s7;
	vm2 =	vlt.s32 v8, $0x63  }
0x289: {  	v11 =	vcvt.f32.s32 v11;
	v13 =	vcvt.f32.s32 v14;
	s9 =	sand.u32 $0x380, s9;
	vm3 =	vlt.s32 v5, $0x63;
	s7 =	sor.u32 s8, s7;
	[tilespmem:v7+s1+$0x0] =	vst.idx.add.s32.msk $0xffff, v2  }
0x28a: {  	vm4 =	vlt.s32 v9, $0x63;
	vm5 =	vlt.s32 v10, $0x63;
	vm6 =	vlt.s32 v12, $0x63;
	s7 =	sor.u32 s9, s7;
	[tilespmem:v6+s1+$0x0] =	vst.idx.add.s32.msk $0xffff, v2  }
0x28b: {  	v7 =	vnsel vm2, $0x63, v8;
	vm2 =	vlt.s32 v11, $0x63;
	vm7 =	vlt.s32 v13, $0x63;
	v6 =	vld [tilespmem:s7+$0x70]  }
0x28c: {  	v5 =	vnsel vm3, $0x63, v5;
	v9 =	vnsel vm4, $0x63, v9;
	v10 =	vnsel vm5, $0x63, v10;
	v8 =	vld [tilespmem:s7+$0x0]  }
0x28d: {  	v12 =	vnsel vm6, $0x63, v12;
	v11 =	vnsel vm2, $0x63, v11;
	v13 =	vnsel vm7, $0x63, v13;
	v14 =	vld [tilespmem:s7+$0x10]  }
0x28e: {  	v7 =	vshll.u32 v7, $0x4;
	v17 =	vshll.u32 v5, $0x4;
	v9 =	vshll.u32 v9, $0x4;
	v16 =	vld [tilespmem:s7+$0x20]  }
0x28f: {  	v10 =	vshll.u32 v10, $0x4;
	v12 =	vshll.u32 v12, $0x4;
	v19 =	vshll.u32 v11, $0x4;
	v18 =	vld [tilespmem:s7+$0x30]  }
0x290: {  	v7 =	vadd.s32 v4, v7;
	v5 =	vshll.u32 v13, $0x4;
	v11 =	vld [tilespmem:s7+$0x40];
	v6 =	vadd.f32 $1.280000000e+02, v6  }
0x291: {  	v17 =	vadd.s32 v4, v17;
	v9 =	vadd.s32 v4, v9;
	v8 =	vadd.f32 $1.280000000e+02, v8;
	v13 =	vld [tilespmem:s7+$0x50]  }
0x292: {  	v10 =	vadd.s32 v4, v10;
	v14 =	vadd.f32 $1.280000000e+02, v14;
	v20 =	vld [tilespmem:s7+$0x60];
	v6 =	vmul.f32 $3.921568690e-01, v6  }
0x293: {  	v12 =	vadd.s32 v4, v12;
	v8 =	vmul.f32 $3.921568690e-01, v8;
	v16 =	vadd.f32 $1.280000000e+02, v16;
	[tilespmem:v15+s1+$0x0] =	vst.idx.add.s32.msk $0xffff, v2  }
0x294: {  	v14 =	vmul.f32 $3.921568690e-01, v14;
	v15 =	vadd.f32 $1.280000000e+02, v18;
	v6 =	vtrunc.f32 v6  }
0x295: {  	v16 =	vmul.f32 $3.921568690e-01, v16;
	v11 =	vadd.f32 $1.280000000e+02, v11;
	v6 =	vcvt.f32.s32 v6;
	[tilespmem:v7+s1+$0x0] =	vst.idx.add.s32.msk $0xffff, v2  }
0x296: {  	v8 =	vtrunc.f32 v8;
	v7 =	vmul.f32 $3.921568690e-01, v15;
	v13 =	vadd.f32 $1.280000000e+02, v13;
	[tilespmem:v17+s1+$0x0] =	vst.idx.add.s32.msk $0xffff, v2  }
.Ltmp9:
0x297: {  	v11 =	vmul.f32 $3.921568690e-01, v11;
	v15 =	vadd.f32 $1.280000000e+02, v20;
	vm2 =	vlt.s32 v6, $0x63;
	[tilespmem:v9+s1+$0x0] =	vst.idx.add.s32.msk $0xffff, v2;
	(pc) =	sbr.rel @p0 .LBB2_20-.Ltmp9, $4  }
0x298: {  	v9 =	vtrunc.f32 v14;
	v17 =	vmul.f32 $3.921568690e-01, v13;
	v6 =	vnsel vm2, $0x63, v6;
	[tilespmem:v10+s1+$0x0] =	vst.idx.add.s32.msk $0xffff, v2  }
0x299: {  	v14 =	vmul.f32 $3.921568690e-01, v15;
	v6 =	vshll.u32 v6, $0x4;
	[tilespmem:v12+s1+$0x0] =	vst.idx.add.s32.msk $0xffff, v2  }
0x29a: {  	v13 =	vtrunc.f32 v16;
	v10 =	vtrunc.f32 v7;
	v7 =	vadd.s32 v3, v6  }
0x29b: {  	v12 =	vtrunc.f32 v11;
	v11 =	vtrunc.f32 v17;
	v6 =	vadd.s32 v4, v19  }
0x29c: {  	v8 =	vcvt.f32.s32 v8;
	v14 =	vtrunc.f32 v14  }
0x29d: {  	v4 =	vadd.s32 v4, v5;
	v5 =	vcvt.f32.s32 v9;
	v9 =	vcvt.f32.s32 v13  }
0x29e: {  	v10 =	vcvt.f32.s32 v10;
	v12 =	vcvt.f32.s32 v12  }
0x29f: {  	v11 =	vcvt.f32.s32 v11;
	v13 =	vcvt.f32.s32 v14;
	vm2 =	vlt.s32 v8, $0x63  }
0x2a0: {  	vm3 =	vlt.s32 v5, $0x63;
	vm4 =	vlt.s32 v9, $0x63;
	vm5 =	vlt.s32 v10, $0x63  }
0x2a1: {  	vm6 =	vlt.s32 v12, $0x63;
	v8 =	vnsel vm2, $0x63, v8;
	vm2 =	vlt.s32 v11, $0x63  }
0x2a2: {  	vm7 =	vlt.s32 v13, $0x63;
	v5 =	vnsel vm3, $0x63, v5;
	v8 =	vshll.u32 v8, $0x4  }
0x2a3: {  	v9 =	vnsel vm4, $0x63, v9;
	v5 =	vshll.u32 v5, $0x4;
	v8 =	vadd.s32 v3, v8  }
0x2a4: {  	v10 =	vnsel vm5, $0x63, v10;
	v9 =	vshll.u32 v9, $0x4;
	v5 =	vadd.s32 v3, v5  }
0x2a5: {  	[tilespmem:v7+s1+$0x0] =	vst.idx.add.s32.msk $0xffff, v2;
	v7 =	vnsel vm6, $0x63, v12;
	v10 =	vshll.u32 v10, $0x4;
	v9 =	vadd.s32 v3, v9  }
0x2a6: {  	[tilespmem:v6+s1+$0x0] =	vst.idx.add.s32.msk $0xffff, v2;
	v6 =	vnsel vm2, $0x63, v11;
	v7 =	vshll.u32 v7, $0x4;
	v10 =	vadd.s32 v3, v10  }
0x2a7: {  	v11 =	vnsel vm7, $0x63, v13;
	v6 =	vshll.u32 v6, $0x4;
	v7 =	vadd.s32 v3, v7;
	[tilespmem:v4+s1+$0x0] =	vst.idx.add.s32.msk $0xffff, v2  }
0x2a8: {  	v4 =	vshll.u32 v11, $0x4;
	v6 =	vadd.s32 v3, v6;
	[tilespmem:v8+s1+$0x0] =	vst.idx.add.s32.msk $0xffff, v2  }
0x2a9: {  	v4 =	vadd.s32 v3, v4;
	[tilespmem:v5+s1+$0x0] =	vst.idx.add.s32.msk $0xffff, v2  }
0x2aa: {  	[tilespmem:v9+s1+$0x0] =	vst.idx.add.s32.msk $0xffff, v2  }
0x2ab: {  	[tilespmem:v10+s1+$0x0] =	vst.idx.add.s32.msk $0xffff, v2  }
0x2ac: {  	[tilespmem:v7+s1+$0x0] =	vst.idx.add.s32.msk $0xffff, v2  }
0x2ad: {  	[tilespmem:v6+s1+$0x0] =	vst.idx.add.s32.msk $0xffff, v2  }
0x2ae: {  	s5 =	simm.s32 $0x0;
	[tilespmem:v4+s1+$0x0] =	vst.idx.add.s32.msk $0xffff, v2  }
0x2af: {  	s25 =	simm.s32 $0x0;
	s7 =	simm.s32 $0x0;
	s6 =	rddreg [dreg:$0xc]  }
0x2b0: {  	[tilespmem:s5], [sflag:$0x1] =	stream.linear.gather [hbm4b:s6+s5], $0x8000, $0x38;
	[tilespmem:$0x11880] =	vst v63  }
0x2b1: {  	s6 =	sand.u32 $0x7000, s25;
	s5 =	sand.u32 $0xC00, s5;
	_ =	swait.ge [sflag:s0], $0x8000  }
0x2b2: {  	s7 =	sand.u32 $0x380, s7;
	s5 =	sor.u32 s5, s6;
	[sflag:s0] =	ssyncset.done $0x0  }
0x2b3: {  	s5 =	sor.u32 s7, s5;
	[sflag:s0] =	ssyncadd.s32 $0xFFFF8000  }
0x2b4: {  	v4 =	vld [tilespmem:s5+$0x8070]  }
0x2b5: {  	v5 =	vld [tilespmem:s5+$0x8000]  }
0x2b6: {  	v6 =	vld [tilespmem:s5+$0x8010]  }
0x2b7: {  	v7 =	vld [tilespmem:s5+$0x8020]  }
0x2b8: {  	v8 =	vld [tilespmem:s5+$0x8030]  }
0x2b9: {  	v9 =	vld [tilespmem:s5+$0x8040]  }
0x2ba: {  	v10 =	vld [tilespmem:s5+$0x8050]  }
0x2bb: {  	v11 =	vld [tilespmem:s5+$0x8060]  }
0x2bc: {  	v4 =	vadd.f32 $1.280000000e+02, v4;
	v5 =	vadd.f32 $1.280000000e+02, v5  }
0x2bd: {  	v6 =	vadd.f32 $1.280000000e+02, v6;
	v7 =	vadd.f32 $1.280000000e+02, v7  }
0x2be: {  	v8 =	vadd.f32 $1.280000000e+02, v8;
	v9 =	vadd.f32 $1.280000000e+02, v9;
	v4 =	vmul.f32 $3.921568690e-01, v4  }
0x2bf: {  	s26 =	simm.s32 $0x80;
	s5 =	simm.s32 $0x400;
	v10 =	vadd.f32 $1.280000000e+02, v10;
	v5 =	vmul.f32 $3.921568690e-01, v5;
	v6 =	vmul.f32 $3.921568690e-01, v6  }
0x2c0: {  	s8 =	simm.s32 $0x20;
	s6 =	sand.u32 $0x7000, s26;
	s28 =	sand.u32 $0xC00, s5;
	v11 =	vadd.f32 $1.280000000e+02, v11;
	v7 =	vmul.f32 $3.921568690e-01, v7;
	v8 =	vmul.f32 $3.921568690e-01, v8  }
0x2c1: {  	s8 =	sand.u32 $0x380, s8;
	s6 =	sor.u32 s28, s6;
	v9 =	vmul.f32 $3.921568690e-01, v9;
	v10 =	vmul.f32 $3.921568690e-01, v10  }
0x2c2: {  	s6 =	sor.u32 s8, s6;
	v11 =	vmul.f32 $3.921568690e-01, v11;
	v4 =	vtrunc.f32 v4  }
0x2c3: {  	v12 =	vld [tilespmem:s6+$0x8070];
	v5 =	vtrunc.f32 v5;
	v6 =	vtrunc.f32 v6  }
0x2c4: {  	v14 =	vld [tilespmem:s6+$0x8010];
	v7 =	vtrunc.f32 v7;
	v8 =	vtrunc.f32 v8  }
0x2c5: {  	v9 =	vtrunc.f32 v9;
	v10 =	vtrunc.f32 v10  }
0x2c6: {  	v11 =	vtrunc.f32 v11;
	v4 =	vcvt.f32.s32 v4  }
0x2c7: {  	v5 =	vcvt.f32.s32 v5;
	v6 =	vcvt.f32.s32 v6  }
0x2c8: {  	v12 =	vadd.f32 $1.280000000e+02, v12;
	v7 =	vcvt.f32.s32 v7;
	v8 =	vcvt.f32.s32 v8  }
0x2c9: {  	v14 =	vadd.f32 $1.280000000e+02, v14;
	v9 =	vcvt.f32.s32 v9;
	v10 =	vcvt.f32.s32 v10  }
0x2ca: {  	v11 =	vcvt.f32.s32 v11;
	v12 =	vmul.f32 $3.921568690e-01, v12;
	vm2 =	vlt.s32 v4, $0x63  }
0x2cb: {  	vm3 =	vlt.s32 v6, $0x63;
	vm12 =	vlt.s32 v7, $0x63;
	vm13 =	vlt.s32 v8, $0x63  }
0x2cc: {  	vm14 =	vlt.s32 v9, $0x63;
	vm15 =	vlt.s32 v10, $0x63;
	v4 =	vnsel vm2, $0x63, v4  }
0x2cd: {  	vm2 =	vlt.s32 v5, $0x63;
	v6 =	vnsel vm3, $0x63, v6;
	v7 =	vnsel vm12, $0x63, v7  }
0x2ce: {  	v13 =	vld [tilespmem:s6+$0x8000];
	v8 =	vnsel vm13, $0x63, v8;
	v9 =	vnsel vm14, $0x63, v9;
	v10 =	vnsel vm15, $0x63, v10  }
0x2cf: {  	v12 =	vtrunc.f32 v12;
	v4 =	vshll.u32 v4, $0x4;
	v5 =	vnsel vm2, $0x63, v5  }
0x2d0: {  	v15 =	vld [tilespmem:s6+$0x8020];
	vm2 =	vlt.s32 v11, $0x63;
	v6 =	vshll.u32 v6, $0x4;
	v7 =	vshll.u32 v7, $0x4  }
0x2d1: {  	v16 =	vld [tilespmem:s6+$0x8030];
	v8 =	vshll.u32 v8, $0x4;
	v9 =	vshll.u32 v9, $0x4;
	v11 =	vnsel vm2, $0x63, v11  }
0x2d2: {  	v4 =	vadd.s32 v3, v4;
	v5 =	vshll.u32 v5, $0x4;
	v17 =	vshll.u32 v11, $0x4;
	v11 =	vld [tilespmem:s6+$0x8040]  }
0x2d3: {  	v18 =	vadd.s32 v3, v6;
	v6 =	vadd.f32 $1.280000000e+02, v13;
	v13 =	vld [tilespmem:s6+$0x8050];
	v7 =	vadd.s32 v3, v7  }
0x2d4: {  	v19 =	vld [tilespmem:s6+$0x8060];
	v10 =	vshll.u32 v10, $0x4;
	v8 =	vadd.s32 v3, v8;
	v5 =	vadd.s32 v3, v5  }
0x2d5: {  	v20 =	vadd.s32 v3, v9;
	v9 =	vadd.f32 $1.280000000e+02, v15;
	v15 =	vadd.s32 v3, v10  }
0x2d6: {  	v10 =	vmul.f32 $3.921568690e-01, v14;
	v14 =	vadd.f32 $1.280000000e+02, v16;
	v6 =	vmul.f32 $3.921568690e-01, v6  }
0x2d7: {  	[tilespmem:v4+s1+$0x0] =	vst.idx.add.s32.msk $0xffff, v2;
	v4 =	vmul.f32 $3.921568690e-01, v9;
	v9 =	vadd.f32 $1.280000000e+02, v11;
	v11 =	vcvt.f32.s32 v12  }
0x2d8: {  	v6 =	vtrunc.f32 v6;
	[tilespmem:v7+s1+$0x0] =	vst.idx.add.s32.msk $0xffff, v2;
	v7 =	vtrunc.f32 v10;
	v12 =	vadd.f32 $1.280000000e+02, v13  }
0x2d9: {  	[tilespmem:v5+s1+$0x0] =	vst.idx.add.s32.msk $0xffff, v2;
	v5 =	vmul.f32 $3.921568690e-01, v14;
	v14 =	vadd.f32 $1.280000000e+02, v19;
	vm2 =	vlt.s32 v11, $0x63  }
0x2da: {  	[tilespmem:v18+s1+$0x0] =	vst.idx.add.s32.msk $0xffff, v2;
	v13 =	vmul.f32 $3.921568690e-01, v9;
	v63 =	vmul.f32 $3.921568690e-01, v12;
	v10 =	vnsel vm2, $0x63, v11  }
0x2db: {  	[tilespmem:v8+s1+$0x0] =	vst.idx.add.s32.msk $0xffff, v2;
	v9 =	vtrunc.f32 v4;
	v8 =	vmul.f32 $3.921568690e-01, v14;
	v4 =	vshll.u32 v10, $0x4  }
0x2dc: {  	[tilespmem:v20+s1+$0x0] =	vst.idx.add.s32.msk $0xffff, v2;
	v12 =	vtrunc.f32 v5;
	v10 =	vtrunc.f32 v13;
	v4 =	vadd.s32 v3, v4  }
0x2dd: {  	s6 =	simm.s32 $0x8;
	[tilespmem:v15+s1+$0x0] =	vst.idx.add.s32.msk $0xffff, v2;
	v5 =	vadd.s32 v3, v17;
	v11 =	vtrunc.f32 v63;
	v8 =	vtrunc.f32 v8  }
.LBB2_22:
0x2de: {  	s6 =	sadd.s32 $0x8, s6;
	v6 =	vcvt.f32.s32 v6;
	v7 =	vcvt.f32.s32 v7  }
0x2df: {  	v9 =	vcvt.f32.s32 v9;
	v12 =	vcvt.f32.s32 v12;
	s5 =	sadd.s32 $0x400, s5;
	s7 =	sshll.u32 s6, $0x4;
	p0 =	slt.u32 s6, $0x7F8  }
0x2e0: {  	v10 =	vcvt.f32.s32 v10;
	v11 =	vcvt.f32.s32 v11;
	s8 =	sand.u32 $0xC00, s5;
	s9 =	sshll.u32 s6, $0x2;
	s7 =	sand.u32 $0x7000, s7;
	vm2 =	vlt.s32 v6, $0x63  }
0x2e1: {  	v8 =	vcvt.f32.s32 v8;
	s9 =	sand.u32 $0x380, s9;
	vm3 =	vlt.s32 v7, $0x63;
	vm4 =	vlt.s32 v9, $0x63;
	s7 =	sor.u32 s8, s7;
	[tilespmem:v4+s1+$0x0] =	vst.idx.add.s32.msk $0xffff, v2  }
0x2e2: {  	vm5 =	vlt.s32 v12, $0x63;
	vm6 =	vlt.s32 v10, $0x63;
	vm7 =	vlt.s32 v11, $0x63;
	s7 =	sor.u32 s9, s7;
	[tilespmem:v5+s1+$0x0] =	vst.idx.add.s32.msk $0xffff, v2  }
0x2e3: {  	v5 =	vnsel vm2, $0x63, v6;
	v6 =	vnsel vm3, $0x63, v7;
	vm2 =	vlt.s32 v8, $0x63;
	v4 =	vld [tilespmem:s7+$0x8070]  }
0x2e4: {  	v9 =	vnsel vm4, $0x63, v9;
	v12 =	vnsel vm5, $0x63, v12;
	v10 =	vnsel vm6, $0x63, v10;
	v7 =	vld [tilespmem:s7+$0x8000]  }
0x2e5: {  	v11 =	vnsel vm7, $0x63, v11;
	v5 =	vshll.u32 v5, $0x4;
	v8 =	vnsel vm2, $0x63, v8;
	v13 =	vld [tilespmem:s7+$0x8010]  }
0x2e6: {  	v9 =	vshll.u32 v9, $0x4;
	v12 =	vshll.u32 v12, $0x4;
	v6 =	vshll.u32 v6, $0x4;
	v14 =	vld [tilespmem:s7+$0x8020]  }
0x2e7: {  	v10 =	vshll.u32 v10, $0x4;
	v11 =	vshll.u32 v11, $0x4;
	v16 =	vshll.u32 v8, $0x4;
	v15 =	vld [tilespmem:s7+$0x8030]  }
0x2e8: {  	v5 =	vadd.s32 v3, v5;
	v17 =	vadd.s32 v3, v6;
	v8 =	vld [tilespmem:s7+$0x8040];
	v4 =	vadd.f32 $1.280000000e+02, v4  }
0x2e9: {  	v9 =	vadd.s32 v3, v9;
	v12 =	vadd.s32 v3, v12;
	v6 =	vadd.f32 $1.280000000e+02, v7;
	v7 =	vld [tilespmem:s7+$0x8050]  }
0x2ea: {  	v10 =	vadd.s32 v3, v10;
	v13 =	vadd.f32 $1.280000000e+02, v13;
	v18 =	vld [tilespmem:s7+$0x8060];
	v4 =	vmul.f32 $3.921568690e-01, v4  }
0x2eb: {  	v11 =	vadd.s32 v3, v11;
	v6 =	vmul.f32 $3.921568690e-01, v6;
	v14 =	vadd.f32 $1.280000000e+02, v14  }
0x2ec: {  	v13 =	vmul.f32 $3.921568690e-01, v13;
	v15 =	vadd.f32 $1.280000000e+02, v15;
	v4 =	vtrunc.f32 v4  }
0x2ed: {  	v14 =	vmul.f32 $3.921568690e-01, v14;
	v8 =	vadd.f32 $1.280000000e+02, v8;
	v4 =	vcvt.f32.s32 v4;
	[tilespmem:v5+s1+$0x0] =	vst.idx.add.s32.msk $0xffff, v2  }
0x2ee: {  	v6 =	vtrunc.f32 v6;
	v5 =	vmul.f32 $3.921568690e-01, v15;
	v15 =	vadd.f32 $1.280000000e+02, v7;
	[tilespmem:v17+s1+$0x0] =	vst.idx.add.s32.msk $0xffff, v2  }
.Ltmp10:
0x2ef: {  	v8 =	vmul.f32 $3.921568690e-01, v8;
	v17 =	vadd.f32 $1.280000000e+02, v18;
	vm2 =	vlt.s32 v4, $0x63;
	[tilespmem:v9+s1+$0x0] =	vst.idx.add.s32.msk $0xffff, v2;
	(pc) =	sbr.rel @p0 .LBB2_22-.Ltmp10, $4  }
0x2f0: {  	v7 =	vtrunc.f32 v13;
	v13 =	vmul.f32 $3.921568690e-01, v15;
	v4 =	vnsel vm2, $0x63, v4;
	[tilespmem:v12+s1+$0x0] =	vst.idx.add.s32.msk $0xffff, v2  }
0x2f1: {  	v9 =	vtrunc.f32 v14;
	v14 =	vmul.f32 $3.921568690e-01, v17;
	v4 =	vshll.u32 v4, $0x4;
	[tilespmem:v10+s1+$0x0] =	vst.idx.add.s32.msk $0xffff, v2  }
0x2f2: {  	v12 =	vtrunc.f32 v5;
	v10 =	vtrunc.f32 v8;
	v4 =	vadd.s32 v3, v4;
	[tilespmem:v11+s1+$0x0] =	vst.idx.add.s32.msk $0xffff, v2  }
0x2f3: {  	v5 =	vadd.s32 v3, v16;
	v11 =	vtrunc.f32 v13;
	v8 =	vtrunc.f32 v14  }
0x2f4: {  	v6 =	vcvt.f32.s32 v6  }
0x2f5: {  	v7 =	vcvt.f32.s32 v7;
	v9 =	vcvt.f32.s32 v9  }
0x2f6: {  	v12 =	vcvt.f32.s32 v12;
	v10 =	vcvt.f32.s32 v10  }
0x2f7: {  	v11 =	vcvt.f32.s32 v11;
	v8 =	vcvt.f32.s32 v8;
	vm2 =	vlt.s32 v6, $0x63  }
0x2f8: {  	vm3 =	vlt.s32 v7, $0x63;
	vm4 =	vlt.s32 v9, $0x63;
	vm5 =	vlt.s32 v12, $0x63  }
0x2f9: {  	vm6 =	vlt.s32 v10, $0x63;
	vm7 =	vlt.s32 v11, $0x63;
	v6 =	vnsel vm2, $0x63, v6  }
0x2fa: {  	v7 =	vnsel vm3, $0x63, v7;
	vm2 =	vlt.s32 v8, $0x63;
	v6 =	vshll.u32 v6, $0x4  }
0x2fb: {  	v9 =	vnsel vm4, $0x63, v9;
	v7 =	vshll.u32 v7, $0x4;
	v6 =	vadd.s32 v3, v6  }
0x2fc: {  	v12 =	vnsel vm5, $0x63, v12;
	v9 =	vshll.u32 v9, $0x4;
	v7 =	vadd.s32 v3, v7  }
0x2fd: {  	v10 =	vnsel vm6, $0x63, v10;
	v12 =	vshll.u32 v12, $0x4;
	v9 =	vadd.s32 v3, v9  }
0x2fe: {  	[tilespmem:v4+s1+$0x0] =	vst.idx.add.s32.msk $0xffff, v2;
	v4 =	vnsel vm7, $0x63, v11;
	v10 =	vshll.u32 v10, $0x4;
	v11 =	vadd.s32 v3, v12  }
0x2ff: {  	[tilespmem:v5+s1+$0x0] =	vst.idx.add.s32.msk $0xffff, v2;
	v5 =	vnsel vm2, $0x63, v8;
	v4 =	vshll.u32 v4, $0x4;
	v8 =	vadd.s32 v3, v10  }
0x300: {  	v5 =	vshll.u32 v5, $0x4;
	v4 =	vadd.s32 v3, v4;
	[tilespmem:v6+s1+$0x0] =	vst.idx.add.s32.msk $0xffff, v2  }
0x301: {  	v5 =	vadd.s32 v3, v5;
	[tilespmem:v7+s1+$0x0] =	vst.idx.add.s32.msk $0xffff, v2  }
0x302: {  	[tilespmem:v9+s1+$0x0] =	vst.idx.add.s32.msk $0xffff, v2  }
0x303: {  	[tilespmem:v11+s1+$0x0] =	vst.idx.add.s32.msk $0xffff, v2  }
0x304: {  	[tilespmem:v8+s1+$0x0] =	vst.idx.add.s32.msk $0xffff, v2  }
0x305: {  	[tilespmem:v4+s1+$0x0] =	vst.idx.add.s32.msk $0xffff, v2  }
0x306: {  	s5 =	simm.s32 $0x0;
	[tilespmem:v5+s1+$0x0] =	vst.idx.add.s32.msk $0xffff, v2  }
0x307: {  	s25 =	simm.s32 $0x0;
	s7 =	simm.s32 $0x0;
	s6 =	rddreg [dreg:$0xd]  }
0x308: {  	[tilespmem:s30], [sflag:$0x2] =	stream.linear.gather [hbm4b:s6+s5], $0x8000, $0x38;
	[tilespmem:$0x11880] =	vst v63  }
0x309: {  	s6 =	sand.u32 $0x7000, s25;
	s5 =	sand.u32 $0xC00, s5;
	_ =	swait.ge [sflag:s31], $0x8000  }
0x30a: {  	s7 =	sand.u32 $0x380, s7;
	s5 =	sor.u32 s5, s6;
	[sflag:s31] =	ssyncset.done $0x0  }
0x30b: {  	s5 =	sor.u32 s7, s5;
	[sflag:s31] =	ssyncadd.s32 $0xFFFF8000  }
0x30c: {  	v4 =	vld [tilespmem:s5+$0x70]  }
0x30d: {  	v5 =	vld [tilespmem:s5+$0x0]  }
0x30e: {  	v6 =	vld [tilespmem:s5+$0x10]  }
0x30f: {  	v7 =	vld [tilespmem:s5+$0x20]  }
0x310: {  	v8 =	vld [tilespmem:s5+$0x30]  }
0x311: {  	v9 =	vld [tilespmem:s5+$0x40]  }
0x312: {  	v10 =	vld [tilespmem:s5+$0x50]  }
0x313: {  	v11 =	vld [tilespmem:s5+$0x60]  }
0x314: {  	v4 =	vadd.f32 $1.280000000e+02, v4;
	v5 =	vadd.f32 $1.280000000e+02, v5  }
0x315: {  	v6 =	vadd.f32 $1.280000000e+02, v6;
	v7 =	vadd.f32 $1.280000000e+02, v7  }
0x316: {  	v8 =	vadd.f32 $1.280000000e+02, v8;
	v9 =	vadd.f32 $1.280000000e+02, v9;
	v4 =	vmul.f32 $3.921568690e-01, v4  }
0x317: {  	s26 =	simm.s32 $0x80;
	s5 =	simm.s32 $0x400;
	v10 =	vadd.f32 $1.280000000e+02, v10;
	v5 =	vmul.f32 $3.921568690e-01, v5;
	v6 =	vmul.f32 $3.921568690e-01, v6  }
0x318: {  	s8 =	simm.s32 $0x20;
	s6 =	sand.u32 $0x7000, s26;
	s28 =	sand.u32 $0xC00, s5;
	v11 =	vadd.f32 $1.280000000e+02, v11;
	v7 =	vmul.f32 $3.921568690e-01, v7;
	v8 =	vmul.f32 $3.921568690e-01, v8  }
0x319: {  	s8 =	sand.u32 $0x380, s8;
	s6 =	sor.u32 s28, s6;
	v9 =	vmul.f32 $3.921568690e-01, v9;
	v10 =	vmul.f32 $3.921568690e-01, v10  }
0x31a: {  	s6 =	sor.u32 s8, s6;
	v11 =	vmul.f32 $3.921568690e-01, v11;
	v4 =	vtrunc.f32 v4  }
0x31b: {  	v12 =	vld [tilespmem:s6+$0x70];
	v5 =	vtrunc.f32 v5;
	v6 =	vtrunc.f32 v6  }
0x31c: {  	v14 =	vld [tilespmem:s6+$0x10];
	v7 =	vtrunc.f32 v7;
	v8 =	vtrunc.f32 v8  }
0x31d: {  	v9 =	vtrunc.f32 v9;
	v10 =	vtrunc.f32 v10  }
0x31e: {  	v11 =	vtrunc.f32 v11;
	v4 =	vcvt.f32.s32 v4  }
0x31f: {  	v5 =	vcvt.f32.s32 v5;
	v6 =	vcvt.f32.s32 v6  }
0x320: {  	v12 =	vadd.f32 $1.280000000e+02, v12;
	v7 =	vcvt.f32.s32 v7;
	v8 =	vcvt.f32.s32 v8  }
0x321: {  	v14 =	vadd.f32 $1.280000000e+02, v14;
	v9 =	vcvt.f32.s32 v9;
	v10 =	vcvt.f32.s32 v10  }
0x322: {  	v11 =	vcvt.f32.s32 v11;
	v12 =	vmul.f32 $3.921568690e-01, v12;
	vm2 =	vlt.s32 v4, $0x63  }
0x323: {  	vm3 =	vlt.s32 v6, $0x63;
	vm12 =	vlt.s32 v7, $0x63;
	vm13 =	vlt.s32 v8, $0x63  }
0x324: {  	vm14 =	vlt.s32 v9, $0x63;
	vm15 =	vlt.s32 v10, $0x63;
	v4 =	vnsel vm2, $0x63, v4  }
0x325: {  	vm2 =	vlt.s32 v5, $0x63;
	v6 =	vnsel vm3, $0x63, v6;
	v7 =	vnsel vm12, $0x63, v7  }
0x326: {  	v13 =	vld [tilespmem:s6+$0x0];
	v8 =	vnsel vm13, $0x63, v8;
	v9 =	vnsel vm14, $0x63, v9;
	v10 =	vnsel vm15, $0x63, v10  }
0x327: {  	v12 =	vtrunc.f32 v12;
	v4 =	vshll.u32 v4, $0x4;
	v5 =	vnsel vm2, $0x63, v5  }
0x328: {  	v15 =	vld [tilespmem:s6+$0x20];
	vm2 =	vlt.s32 v11, $0x63;
	v6 =	vshll.u32 v6, $0x4;
	v7 =	vshll.u32 v7, $0x4  }
0x329: {  	v16 =	vld [tilespmem:s6+$0x30];
	v8 =	vshll.u32 v8, $0x4;
	v9 =	vshll.u32 v9, $0x4;
	v11 =	vnsel vm2, $0x63, v11  }
0x32a: {  	v4 =	vadd.s32 v3, v4;
	v5 =	vshll.u32 v5, $0x4;
	v17 =	vshll.u32 v11, $0x4;
	v11 =	vld [tilespmem:s6+$0x40]  }
0x32b: {  	v18 =	vadd.s32 v3, v6;
	v6 =	vadd.f32 $1.280000000e+02, v13;
	v13 =	vld [tilespmem:s6+$0x50];
	v7 =	vadd.s32 v3, v7  }
0x32c: {  	v19 =	vld [tilespmem:s6+$0x60];
	v10 =	vshll.u32 v10, $0x4;
	v8 =	vadd.s32 v3, v8;
	v5 =	vadd.s32 v3, v5  }
0x32d: {  	v20 =	vadd.s32 v3, v9;
	v9 =	vadd.f32 $1.280000000e+02, v15;
	v15 =	vadd.s32 v3, v10  }
0x32e: {  	v10 =	vmul.f32 $3.921568690e-01, v14;
	v14 =	vadd.f32 $1.280000000e+02, v16;
	v6 =	vmul.f32 $3.921568690e-01, v6  }
0x32f: {  	[tilespmem:v4+s1+$0x0] =	vst.idx.add.s32.msk $0xffff, v2;
	v4 =	vmul.f32 $3.921568690e-01, v9;
	v9 =	vadd.f32 $1.280000000e+02, v11;
	v11 =	vcvt.f32.s32 v12  }
0x330: {  	v6 =	vtrunc.f32 v6;
	[tilespmem:v7+s1+$0x0] =	vst.idx.add.s32.msk $0xffff, v2;
	v7 =	vtrunc.f32 v10;
	v12 =	vadd.f32 $1.280000000e+02, v13  }
0x331: {  	[tilespmem:v5+s1+$0x0] =	vst.idx.add.s32.msk $0xffff, v2;
	v5 =	vmul.f32 $3.921568690e-01, v14;
	v14 =	vadd.f32 $1.280000000e+02, v19;
	vm2 =	vlt.s32 v11, $0x63  }
0x332: {  	[tilespmem:v18+s1+$0x0] =	vst.idx.add.s32.msk $0xffff, v2;
	v13 =	vmul.f32 $3.921568690e-01, v9;
	v63 =	vmul.f32 $3.921568690e-01, v12;
	v10 =	vnsel vm2, $0x63, v11  }
0x333: {  	[tilespmem:v8+s1+$0x0] =	vst.idx.add.s32.msk $0xffff, v2;
	v9 =	vtrunc.f32 v4;
	v8 =	vmul.f32 $3.921568690e-01, v14;
	v4 =	vshll.u32 v10, $0x4  }
0x334: {  	[tilespmem:v20+s1+$0x0] =	vst.idx.add.s32.msk $0xffff, v2;
	v12 =	vtrunc.f32 v5;
	v10 =	vtrunc.f32 v13;
	v4 =	vadd.s32 v3, v4  }
0x335: {  	s6 =	simm.s32 $0x8;
	[tilespmem:v15+s1+$0x0] =	vst.idx.add.s32.msk $0xffff, v2;
	v5 =	vadd.s32 v3, v17;
	v11 =	vtrunc.f32 v63;
	v8 =	vtrunc.f32 v8  }
.LBB2_24:
0x336: {  	s6 =	sadd.s32 $0x8, s6;
	v6 =	vcvt.f32.s32 v6;
	v7 =	vcvt.f32.s32 v7  }
0x337: {  	v9 =	vcvt.f32.s32 v9;
	v12 =	vcvt.f32.s32 v12;
	s5 =	sadd.s32 $0x400, s5;
	s7 =	sshll.u32 s6, $0x4;
	p0 =	slt.u32 s6, $0x7F8  }
0x338: {  	v10 =	vcvt.f32.s32 v10;
	v11 =	vcvt.f32.s32 v11;
	s8 =	sand.u32 $0xC00, s5;
	s9 =	sshll.u32 s6, $0x2;
	s7 =	sand.u32 $0x7000, s7;
	vm2 =	vlt.s32 v6, $0x63  }
0x339: {  	v8 =	vcvt.f32.s32 v8;
	s9 =	sand.u32 $0x380, s9;
	vm3 =	vlt.s32 v7, $0x63;
	vm4 =	vlt.s32 v9, $0x63;
	s7 =	sor.u32 s8, s7;
	[tilespmem:v4+s1+$0x0] =	vst.idx.add.s32.msk $0xffff, v2  }
0x33a: {  	vm5 =	vlt.s32 v12, $0x63;
	vm6 =	vlt.s32 v10, $0x63;
	vm7 =	vlt.s32 v11, $0x63;
	s7 =	sor.u32 s9, s7;
	[tilespmem:v5+s1+$0x0] =	vst.idx.add.s32.msk $0xffff, v2  }
0x33b: {  	v5 =	vnsel vm2, $0x63, v6;
	v6 =	vnsel vm3, $0x63, v7;
	vm2 =	vlt.s32 v8, $0x63;
	v4 =	vld [tilespmem:s7+$0x70]  }
0x33c: {  	v9 =	vnsel vm4, $0x63, v9;
	v12 =	vnsel vm5, $0x63, v12;
	v10 =	vnsel vm6, $0x63, v10;
	v7 =	vld [tilespmem:s7+$0x0]  }
0x33d: {  	v11 =	vnsel vm7, $0x63, v11;
	v5 =	vshll.u32 v5, $0x4;
	v8 =	vnsel vm2, $0x63, v8;
	v13 =	vld [tilespmem:s7+$0x10]  }
0x33e: {  	v9 =	vshll.u32 v9, $0x4;
	v12 =	vshll.u32 v12, $0x4;
	v6 =	vshll.u32 v6, $0x4;
	v14 =	vld [tilespmem:s7+$0x20]  }
0x33f: {  	v10 =	vshll.u32 v10, $0x4;
	v11 =	vshll.u32 v11, $0x4;
	v16 =	vshll.u32 v8, $0x4;
	v15 =	vld [tilespmem:s7+$0x30]  }
0x340: {  	v5 =	vadd.s32 v3, v5;
	v17 =	vadd.s32 v3, v6;
	v8 =	vld [tilespmem:s7+$0x40];
	v4 =	vadd.f32 $1.280000000e+02, v4  }
0x341: {  	v9 =	vadd.s32 v3, v9;
	v12 =	vadd.s32 v3, v12;
	v6 =	vadd.f32 $1.280000000e+02, v7;
	v7 =	vld [tilespmem:s7+$0x50]  }
0x342: {  	v10 =	vadd.s32 v3, v10;
	v13 =	vadd.f32 $1.280000000e+02, v13;
	v18 =	vld [tilespmem:s7+$0x60];
	v4 =	vmul.f32 $3.921568690e-01, v4  }
0x343: {  	v11 =	vadd.s32 v3, v11;
	v6 =	vmul.f32 $3.921568690e-01, v6;
	v14 =	vadd.f32 $1.280000000e+02, v14  }
0x344: {  	v13 =	vmul.f32 $3.921568690e-01, v13;
	v15 =	vadd.f32 $1.280000000e+02, v15;
	v4 =	vtrunc.f32 v4  }
0x345: {  	v14 =	vmul.f32 $3.921568690e-01, v14;
	v8 =	vadd.f32 $1.280000000e+02, v8;
	v4 =	vcvt.f32.s32 v4;
	[tilespmem:v5+s1+$0x0] =	vst.idx.add.s32.msk $0xffff, v2  }
0x346: {  	v6 =	vtrunc.f32 v6;
	v5 =	vmul.f32 $3.921568690e-01, v15;
	v15 =	vadd.f32 $1.280000000e+02, v7;
	[tilespmem:v17+s1+$0x0] =	vst.idx.add.s32.msk $0xffff, v2  }
.Ltmp11:
0x347: {  	v8 =	vmul.f32 $3.921568690e-01, v8;
	v17 =	vadd.f32 $1.280000000e+02, v18;
	vm2 =	vlt.s32 v4, $0x63;
	[tilespmem:v9+s1+$0x0] =	vst.idx.add.s32.msk $0xffff, v2;
	(pc) =	sbr.rel @p0 .LBB2_24-.Ltmp11, $4  }
0x348: {  	v7 =	vtrunc.f32 v13;
	v13 =	vmul.f32 $3.921568690e-01, v15;
	v4 =	vnsel vm2, $0x63, v4;
	[tilespmem:v12+s1+$0x0] =	vst.idx.add.s32.msk $0xffff, v2  }
0x349: {  	v9 =	vtrunc.f32 v14;
	v14 =	vmul.f32 $3.921568690e-01, v17;
	v4 =	vshll.u32 v4, $0x4;
	[tilespmem:v10+s1+$0x0] =	vst.idx.add.s32.msk $0xffff, v2  }
0x34a: {  	v12 =	vtrunc.f32 v5;
	v10 =	vtrunc.f32 v8;
	v4 =	vadd.s32 v3, v4;
	[tilespmem:v11+s1+$0x0] =	vst.idx.add.s32.msk $0xffff, v2  }
0x34b: {  	v5 =	vadd.s32 v3, v16;
	v11 =	vtrunc.f32 v13;
	v8 =	vtrunc.f32 v14  }
0x34c: {  	v6 =	vcvt.f32.s32 v6  }
0x34d: {  	v7 =	vcvt.f32.s32 v7;
	v9 =	vcvt.f32.s32 v9  }
0x34e: {  	v12 =	vcvt.f32.s32 v12;
	v10 =	vcvt.f32.s32 v10  }
0x34f: {  	v11 =	vcvt.f32.s32 v11;
	v8 =	vcvt.f32.s32 v8;
	vm2 =	vlt.s32 v6, $0x63  }
0x350: {  	vm3 =	vlt.s32 v7, $0x63;
	vm4 =	vlt.s32 v9, $0x63;
	vm5 =	vlt.s32 v12, $0x63  }
0x351: {  	vm6 =	vlt.s32 v10, $0x63;
	vm7 =	vlt.s32 v11, $0x63;
	v6 =	vnsel vm2, $0x63, v6  }
0x352: {  	v7 =	vnsel vm3, $0x63, v7;
	vm2 =	vlt.s32 v8, $0x63;
	v6 =	vshll.u32 v6, $0x4  }
0x353: {  	v9 =	vnsel vm4, $0x63, v9;
	v7 =	vshll.u32 v7, $0x4;
	v6 =	vadd.s32 v3, v6  }
0x354: {  	v12 =	vnsel vm5, $0x63, v12;
	v9 =	vshll.u32 v9, $0x4;
	v7 =	vadd.s32 v3, v7  }
0x355: {  	v10 =	vnsel vm6, $0x63, v10;
	v12 =	vshll.u32 v12, $0x4;
	v9 =	vadd.s32 v3, v9  }
0x356: {  	[tilespmem:v4+s1+$0x0] =	vst.idx.add.s32.msk $0xffff, v2;
	v4 =	vnsel vm7, $0x63, v11;
	v10 =	vshll.u32 v10, $0x4;
	v11 =	vadd.s32 v3, v12  }
0x357: {  	[tilespmem:v5+s1+$0x0] =	vst.idx.add.s32.msk $0xffff, v2;
	v5 =	vnsel vm2, $0x63, v8;
	v4 =	vshll.u32 v4, $0x4;
	v8 =	vadd.s32 v3, v10  }
0x358: {  	v5 =	vshll.u32 v5, $0x4;
	v4 =	vadd.s32 v3, v4;
	[tilespmem:v6+s1+$0x0] =	vst.idx.add.s32.msk $0xffff, v2  }
0x359: {  	v5 =	vadd.s32 v3, v5;
	[tilespmem:v7+s1+$0x0] =	vst.idx.add.s32.msk $0xffff, v2  }
0x35a: {  	[tilespmem:v9+s1+$0x0] =	vst.idx.add.s32.msk $0xffff, v2  }
0x35b: {  	[tilespmem:v11+s1+$0x0] =	vst.idx.add.s32.msk $0xffff, v2  }
0x35c: {  	[tilespmem:v8+s1+$0x0] =	vst.idx.add.s32.msk $0xffff, v2  }
0x35d: {  	[tilespmem:v4+s1+$0x0] =	vst.idx.add.s32.msk $0xffff, v2  }
0x35e: {  	s5 =	simm.s32 $0x0;
	[tilespmem:v5+s1+$0x0] =	vst.idx.add.s32.msk $0xffff, v2  }
0x35f: {  	s25 =	simm.s32 $0x0;
	s7 =	simm.s32 $0x0;
	s6 =	rddreg [dreg:$0xe]  }
0x360: {  	[tilespmem:s5], [sflag:$0x1] =	stream.linear.gather [hbm4b:s6+s5], $0x8000, $0x38;
	[tilespmem:$0x11880] =	vst v63  }
0x361: {  	s6 =	sand.u32 $0x7000, s25;
	s5 =	sand.u32 $0xC00, s5;
	_ =	swait.ge [sflag:s0], $0x8000  }
0x362: {  	s7 =	sand.u32 $0x380, s7;
	s5 =	sor.u32 s5, s6;
	[sflag:s0] =	ssyncset.done $0x0  }
0x363: {  	s5 =	sor.u32 s7, s5;
	[sflag:s0] =	ssyncadd.s32 $0xFFFF8000  }
0x364: {  	v4 =	vld [tilespmem:s5+$0x8070]  }
0x365: {  	v5 =	vld [tilespmem:s5+$0x8000]  }
0x366: {  	v6 =	vld [tilespmem:s5+$0x8010]  }
0x367: {  	v7 =	vld [tilespmem:s5+$0x8020]  }
0x368: {  	v8 =	vld [tilespmem:s5+$0x8030]  }
0x369: {  	v9 =	vld [tilespmem:s5+$0x8040]  }
0x36a: {  	v10 =	vld [tilespmem:s5+$0x8050]  }
0x36b: {  	v11 =	vld [tilespmem:s5+$0x8060]  }
0x36c: {  	v4 =	vadd.f32 $1.280000000e+02, v4;
	v5 =	vadd.f32 $1.280000000e+02, v5  }
0x36d: {  	v6 =	vadd.f32 $1.280000000e+02, v6;
	v7 =	vadd.f32 $1.280000000e+02, v7  }
0x36e: {  	v8 =	vadd.f32 $1.280000000e+02, v8;
	v9 =	vadd.f32 $1.280000000e+02, v9;
	v4 =	vmul.f32 $3.921568690e-01, v4  }
0x36f: {  	s26 =	simm.s32 $0x80;
	s5 =	simm.s32 $0x400;
	v10 =	vadd.f32 $1.280000000e+02, v10;
	v5 =	vmul.f32 $3.921568690e-01, v5;
	v6 =	vmul.f32 $3.921568690e-01, v6  }
0x370: {  	s8 =	simm.s32 $0x20;
	s6 =	sand.u32 $0x7000, s26;
	s28 =	sand.u32 $0xC00, s5;
	v11 =	vadd.f32 $1.280000000e+02, v11;
	v7 =	vmul.f32 $3.921568690e-01, v7;
	v8 =	vmul.f32 $3.921568690e-01, v8  }
0x371: {  	s8 =	sand.u32 $0x380, s8;
	s6 =	sor.u32 s28, s6;
	v9 =	vmul.f32 $3.921568690e-01, v9;
	v10 =	vmul.f32 $3.921568690e-01, v10  }
0x372: {  	s6 =	sor.u32 s8, s6;
	v11 =	vmul.f32 $3.921568690e-01, v11;
	v4 =	vtrunc.f32 v4  }
0x373: {  	v12 =	vld [tilespmem:s6+$0x8070];
	v5 =	vtrunc.f32 v5;
	v6 =	vtrunc.f32 v6  }
0x374: {  	v14 =	vld [tilespmem:s6+$0x8010];
	v7 =	vtrunc.f32 v7;
	v8 =	vtrunc.f32 v8  }
0x375: {  	v9 =	vtrunc.f32 v9;
	v10 =	vtrunc.f32 v10  }
0x376: {  	v11 =	vtrunc.f32 v11;
	v4 =	vcvt.f32.s32 v4  }
0x377: {  	v5 =	vcvt.f32.s32 v5;
	v6 =	vcvt.f32.s32 v6  }
0x378: {  	v12 =	vadd.f32 $1.280000000e+02, v12;
	v7 =	vcvt.f32.s32 v7;
	v8 =	vcvt.f32.s32 v8  }
0x379: {  	v14 =	vadd.f32 $1.280000000e+02, v14;
	v9 =	vcvt.f32.s32 v9;
	v10 =	vcvt.f32.s32 v10  }
0x37a: {  	v11 =	vcvt.f32.s32 v11;
	v12 =	vmul.f32 $3.921568690e-01, v12;
	vm2 =	vlt.s32 v4, $0x63  }
0x37b: {  	vm3 =	vlt.s32 v6, $0x63;
	vm12 =	vlt.s32 v7, $0x63;
	vm13 =	vlt.s32 v8, $0x63  }
0x37c: {  	vm14 =	vlt.s32 v9, $0x63;
	vm15 =	vlt.s32 v10, $0x63;
	v4 =	vnsel vm2, $0x63, v4  }
0x37d: {  	vm2 =	vlt.s32 v5, $0x63;
	v6 =	vnsel vm3, $0x63, v6;
	v7 =	vnsel vm12, $0x63, v7  }
0x37e: {  	v13 =	vld [tilespmem:s6+$0x8000];
	v8 =	vnsel vm13, $0x63, v8;
	v9 =	vnsel vm14, $0x63, v9;
	v10 =	vnsel vm15, $0x63, v10  }
0x37f: {  	v12 =	vtrunc.f32 v12;
	v4 =	vshll.u32 v4, $0x4;
	v5 =	vnsel vm2, $0x63, v5  }
0x380: {  	v15 =	vld [tilespmem:s6+$0x8020];
	vm2 =	vlt.s32 v11, $0x63;
	v6 =	vshll.u32 v6, $0x4;
	v7 =	vshll.u32 v7, $0x4  }
0x381: {  	v16 =	vld [tilespmem:s6+$0x8030];
	v8 =	vshll.u32 v8, $0x4;
	v9 =	vshll.u32 v9, $0x4;
	v11 =	vnsel vm2, $0x63, v11  }
0x382: {  	v4 =	vadd.s32 v3, v4;
	v5 =	vshll.u32 v5, $0x4;
	v17 =	vshll.u32 v11, $0x4;
	v11 =	vld [tilespmem:s6+$0x8040]  }
0x383: {  	v18 =	vadd.s32 v3, v6;
	v6 =	vadd.f32 $1.280000000e+02, v13;
	v13 =	vld [tilespmem:s6+$0x8050];
	v7 =	vadd.s32 v3, v7  }
0x384: {  	v19 =	vld [tilespmem:s6+$0x8060];
	v10 =	vshll.u32 v10, $0x4;
	v8 =	vadd.s32 v3, v8;
	v5 =	vadd.s32 v3, v5  }
0x385: {  	v20 =	vadd.s32 v3, v9;
	v9 =	vadd.f32 $1.280000000e+02, v15;
	v15 =	vadd.s32 v3, v10  }
0x386: {  	v10 =	vmul.f32 $3.921568690e-01, v14;
	v14 =	vadd.f32 $1.280000000e+02, v16;
	v6 =	vmul.f32 $3.921568690e-01, v6  }
0x387: {  	[tilespmem:v4+s1+$0x0] =	vst.idx.add.s32.msk $0xffff, v2;
	v4 =	vmul.f32 $3.921568690e-01, v9;
	v9 =	vadd.f32 $1.280000000e+02, v11;
	v11 =	vcvt.f32.s32 v12  }
0x388: {  	v6 =	vtrunc.f32 v6;
	[tilespmem:v7+s1+$0x0] =	vst.idx.add.s32.msk $0xffff, v2;
	v7 =	vtrunc.f32 v10;
	v12 =	vadd.f32 $1.280000000e+02, v13  }
0x389: {  	[tilespmem:v5+s1+$0x0] =	vst.idx.add.s32.msk $0xffff, v2;
	v5 =	vmul.f32 $3.921568690e-01, v14;
	v14 =	vadd.f32 $1.280000000e+02, v19;
	vm2 =	vlt.s32 v11, $0x63  }
0x38a: {  	[tilespmem:v18+s1+$0x0] =	vst.idx.add.s32.msk $0xffff, v2;
	v13 =	vmul.f32 $3.921568690e-01, v9;
	v63 =	vmul.f32 $3.921568690e-01, v12;
	v10 =	vnsel vm2, $0x63, v11  }
0x38b: {  	[tilespmem:v8+s1+$0x0] =	vst.idx.add.s32.msk $0xffff, v2;
	v9 =	vtrunc.f32 v4;
	v8 =	vmul.f32 $3.921568690e-01, v14;
	v4 =	vshll.u32 v10, $0x4  }
0x38c: {  	[tilespmem:v20+s1+$0x0] =	vst.idx.add.s32.msk $0xffff, v2;
	v12 =	vtrunc.f32 v5;
	v10 =	vtrunc.f32 v13;
	v4 =	vadd.s32 v3, v4  }
0x38d: {  	s6 =	simm.s32 $0x8;
	[tilespmem:v15+s1+$0x0] =	vst.idx.add.s32.msk $0xffff, v2;
	v5 =	vadd.s32 v3, v17;
	v11 =	vtrunc.f32 v63;
	v8 =	vtrunc.f32 v8  }
.LBB2_26:
0x38e: {  	s6 =	sadd.s32 $0x8, s6;
	v6 =	vcvt.f32.s32 v6;
	v7 =	vcvt.f32.s32 v7  }
0x38f: {  	v9 =	vcvt.f32.s32 v9;
	v12 =	vcvt.f32.s32 v12;
	s5 =	sadd.s32 $0x400, s5;
	s7 =	sshll.u32 s6, $0x4;
	p0 =	slt.u32 s6, $0x7F8  }
0x390: {  	v10 =	vcvt.f32.s32 v10;
	v11 =	vcvt.f32.s32 v11;
	s8 =	sand.u32 $0xC00, s5;
	s9 =	sshll.u32 s6, $0x2;
	s7 =	sand.u32 $0x7000, s7;
	vm2 =	vlt.s32 v6, $0x63  }
0x391: {  	v8 =	vcvt.f32.s32 v8;
	s9 =	sand.u32 $0x380, s9;
	vm3 =	vlt.s32 v7, $0x63;
	vm4 =	vlt.s32 v9, $0x63;
	s7 =	sor.u32 s8, s7;
	[tilespmem:v4+s1+$0x0] =	vst.idx.add.s32.msk $0xffff, v2  }
0x392: {  	vm5 =	vlt.s32 v12, $0x63;
	vm6 =	vlt.s32 v10, $0x63;
	vm7 =	vlt.s32 v11, $0x63;
	s7 =	sor.u32 s9, s7;
	[tilespmem:v5+s1+$0x0] =	vst.idx.add.s32.msk $0xffff, v2  }
0x393: {  	v5 =	vnsel vm2, $0x63, v6;
	v6 =	vnsel vm3, $0x63, v7;
	vm2 =	vlt.s32 v8, $0x63;
	v4 =	vld [tilespmem:s7+$0x8070]  }
0x394: {  	v9 =	vnsel vm4, $0x63, v9;
	v12 =	vnsel vm5, $0x63, v12;
	v10 =	vnsel vm6, $0x63, v10;
	v7 =	vld [tilespmem:s7+$0x8000]  }
0x395: {  	v11 =	vnsel vm7, $0x63, v11;
	v5 =	vshll.u32 v5, $0x4;
	v8 =	vnsel vm2, $0x63, v8;
	v13 =	vld [tilespmem:s7+$0x8010]  }
0x396: {  	v9 =	vshll.u32 v9, $0x4;
	v12 =	vshll.u32 v12, $0x4;
	v6 =	vshll.u32 v6, $0x4;
	v14 =	vld [tilespmem:s7+$0x8020]  }
0x397: {  	v10 =	vshll.u32 v10, $0x4;
	v11 =	vshll.u32 v11, $0x4;
	v16 =	vshll.u32 v8, $0x4;
	v15 =	vld [tilespmem:s7+$0x8030]  }
0x398: {  	v5 =	vadd.s32 v3, v5;
	v17 =	vadd.s32 v3, v6;
	v8 =	vld [tilespmem:s7+$0x8040];
	v4 =	vadd.f32 $1.280000000e+02, v4  }
0x399: {  	v9 =	vadd.s32 v3, v9;
	v12 =	vadd.s32 v3, v12;
	v6 =	vadd.f32 $1.280000000e+02, v7;
	v7 =	vld [tilespmem:s7+$0x8050]  }
0x39a: {  	v10 =	vadd.s32 v3, v10;
	v13 =	vadd.f32 $1.280000000e+02, v13;
	v18 =	vld [tilespmem:s7+$0x8060];
	v4 =	vmul.f32 $3.921568690e-01, v4  }
0x39b: {  	v11 =	vadd.s32 v3, v11;
	v6 =	vmul.f32 $3.921568690e-01, v6;
	v14 =	vadd.f32 $1.280000000e+02, v14  }
0x39c: {  	v13 =	vmul.f32 $3.921568690e-01, v13;
	v15 =	vadd.f32 $1.280000000e+02, v15;
	v4 =	vtrunc.f32 v4  }
0x39d: {  	v14 =	vmul.f32 $3.921568690e-01, v14;
	v8 =	vadd.f32 $1.280000000e+02, v8;
	v4 =	vcvt.f32.s32 v4;
	[tilespmem:v5+s1+$0x0] =	vst.idx.add.s32.msk $0xffff, v2  }
0x39e: {  	v6 =	vtrunc.f32 v6;
	v5 =	vmul.f32 $3.921568690e-01, v15;
	v15 =	vadd.f32 $1.280000000e+02, v7;
	[tilespmem:v17+s1+$0x0] =	vst.idx.add.s32.msk $0xffff, v2  }
.Ltmp12:
0x39f: {  	v8 =	vmul.f32 $3.921568690e-01, v8;
	v17 =	vadd.f32 $1.280000000e+02, v18;
	vm2 =	vlt.s32 v4, $0x63;
	[tilespmem:v9+s1+$0x0] =	vst.idx.add.s32.msk $0xffff, v2;
	(pc) =	sbr.rel @p0 .LBB2_26-.Ltmp12, $4  }
0x3a0: {  	v7 =	vtrunc.f32 v13;
	v13 =	vmul.f32 $3.921568690e-01, v15;
	v4 =	vnsel vm2, $0x63, v4;
	[tilespmem:v12+s1+$0x0] =	vst.idx.add.s32.msk $0xffff, v2  }
0x3a1: {  	v9 =	vtrunc.f32 v14;
	v14 =	vmul.f32 $3.921568690e-01, v17;
	v4 =	vshll.u32 v4, $0x4;
	[tilespmem:v10+s1+$0x0] =	vst.idx.add.s32.msk $0xffff, v2  }
0x3a2: {  	v12 =	vtrunc.f32 v5;
	v10 =	vtrunc.f32 v8;
	v4 =	vadd.s32 v3, v4;
	[tilespmem:v11+s1+$0x0] =	vst.idx.add.s32.msk $0xffff, v2  }
0x3a3: {  	v5 =	vadd.s32 v3, v16;
	v11 =	vtrunc.f32 v13;
	v8 =	vtrunc.f32 v14  }
0x3a4: {  	v6 =	vcvt.f32.s32 v6  }
0x3a5: {  	v7 =	vcvt.f32.s32 v7;
	v9 =	vcvt.f32.s32 v9  }
0x3a6: {  	v12 =	vcvt.f32.s32 v12;
	v10 =	vcvt.f32.s32 v10  }
0x3a7: {  	v11 =	vcvt.f32.s32 v11;
	v8 =	vcvt.f32.s32 v8;
	vm2 =	vlt.s32 v6, $0x63  }
0x3a8: {  	vm3 =	vlt.s32 v7, $0x63;
	vm4 =	vlt.s32 v9, $0x63;
	vm5 =	vlt.s32 v12, $0x63  }
0x3a9: {  	vm6 =	vlt.s32 v10, $0x63;
	vm7 =	vlt.s32 v11, $0x63;
	v6 =	vnsel vm2, $0x63, v6  }
0x3aa: {  	v7 =	vnsel vm3, $0x63, v7;
	vm2 =	vlt.s32 v8, $0x63;
	v6 =	vshll.u32 v6, $0x4  }
0x3ab: {  	v9 =	vnsel vm4, $0x63, v9;
	v7 =	vshll.u32 v7, $0x4;
	v6 =	vadd.s32 v3, v6  }
0x3ac: {  	v12 =	vnsel vm5, $0x63, v12;
	v9 =	vshll.u32 v9, $0x4;
	v7 =	vadd.s32 v3, v7  }
0x3ad: {  	v10 =	vnsel vm6, $0x63, v10;
	v12 =	vshll.u32 v12, $0x4;
	v9 =	vadd.s32 v3, v9  }
0x3ae: {  	[tilespmem:v4+s1+$0x0] =	vst.idx.add.s32.msk $0xffff, v2;
	v4 =	vnsel vm7, $0x63, v11;
	v10 =	vshll.u32 v10, $0x4;
	v11 =	vadd.s32 v3, v12  }
0x3af: {  	[tilespmem:v5+s1+$0x0] =	vst.idx.add.s32.msk $0xffff, v2;
	v5 =	vnsel vm2, $0x63, v8;
	v4 =	vshll.u32 v4, $0x4;
	v8 =	vadd.s32 v3, v10  }
0x3b0: {  	v5 =	vshll.u32 v5, $0x4;
	v4 =	vadd.s32 v3, v4;
	[tilespmem:v6+s1+$0x0] =	vst.idx.add.s32.msk $0xffff, v2  }
0x3b1: {  	v5 =	vadd.s32 v3, v5;
	[tilespmem:v7+s1+$0x0] =	vst.idx.add.s32.msk $0xffff, v2  }
0x3b2: {  	[tilespmem:v9+s1+$0x0] =	vst.idx.add.s32.msk $0xffff, v2  }
0x3b3: {  	[tilespmem:v11+s1+$0x0] =	vst.idx.add.s32.msk $0xffff, v2  }
0x3b4: {  	[tilespmem:v8+s1+$0x0] =	vst.idx.add.s32.msk $0xffff, v2  }
0x3b5: {  	[tilespmem:v4+s1+$0x0] =	vst.idx.add.s32.msk $0xffff, v2  }
0x3b6: {  	s5 =	simm.s32 $0x0;
	[tilespmem:v5+s1+$0x0] =	vst.idx.add.s32.msk $0xffff, v2  }
0x3b7: {  	s25 =	simm.s32 $0x0;
	s7 =	simm.s32 $0x0;
	s6 =	rddreg [dreg:$0xf]  }
0x3b8: {  	[tilespmem:s30], [sflag:$0x2] =	stream.linear.gather [hbm4b:s6+s5], $0x8000, $0x38;
	[tilespmem:$0x11880] =	vst v63  }
0x3b9: {  	s6 =	sand.u32 $0x7000, s25;
	s5 =	sand.u32 $0xC00, s5;
	_ =	swait.ge [sflag:s31], $0x8000  }
0x3ba: {  	s7 =	sand.u32 $0x380, s7;
	s5 =	sor.u32 s5, s6;
	[sflag:s31] =	ssyncset.done $0x0  }
0x3bb: {  	s5 =	sor.u32 s7, s5;
	[sflag:s31] =	ssyncadd.s32 $0xFFFF8000  }
0x3bc: {  	v4 =	vld [tilespmem:s5+$0x70]  }
0x3bd: {  	v5 =	vld [tilespmem:s5+$0x0]  }
0x3be: {  	v6 =	vld [tilespmem:s5+$0x10]  }
0x3bf: {  	v7 =	vld [tilespmem:s5+$0x20]  }
0x3c0: {  	v8 =	vld [tilespmem:s5+$0x30]  }
0x3c1: {  	v9 =	vld [tilespmem:s5+$0x40]  }
0x3c2: {  	v10 =	vld [tilespmem:s5+$0x50]  }
0x3c3: {  	v11 =	vld [tilespmem:s5+$0x60]  }
0x3c4: {  	v4 =	vadd.f32 $1.280000000e+02, v4;
	v5 =	vadd.f32 $1.280000000e+02, v5  }
0x3c5: {  	v6 =	vadd.f32 $1.280000000e+02, v6;
	v7 =	vadd.f32 $1.280000000e+02, v7  }
0x3c6: {  	v8 =	vadd.f32 $1.280000000e+02, v8;
	v9 =	vadd.f32 $1.280000000e+02, v9;
	v4 =	vmul.f32 $3.921568690e-01, v4  }
0x3c7: {  	s26 =	simm.s32 $0x80;
	s5 =	simm.s32 $0x400;
	v10 =	vadd.f32 $1.280000000e+02, v10;
	v5 =	vmul.f32 $3.921568690e-01, v5;
	v6 =	vmul.f32 $3.921568690e-01, v6  }
0x3c8: {  	s8 =	simm.s32 $0x20;
	s6 =	sand.u32 $0x7000, s26;
	s28 =	sand.u32 $0xC00, s5;
	v11 =	vadd.f32 $1.280000000e+02, v11;
	v7 =	vmul.f32 $3.921568690e-01, v7;
	v8 =	vmul.f32 $3.921568690e-01, v8  }
0x3c9: {  	s8 =	sand.u32 $0x380, s8;
	s6 =	sor.u32 s28, s6;
	v9 =	vmul.f32 $3.921568690e-01, v9;
	v10 =	vmul.f32 $3.921568690e-01, v10  }
0x3ca: {  	s6 =	sor.u32 s8, s6;
	v11 =	vmul.f32 $3.921568690e-01, v11;
	v4 =	vtrunc.f32 v4  }
0x3cb: {  	v12 =	vld [tilespmem:s6+$0x70];
	v5 =	vtrunc.f32 v5;
	v6 =	vtrunc.f32 v6  }
0x3cc: {  	v14 =	vld [tilespmem:s6+$0x10];
	v7 =	vtrunc.f32 v7;
	v8 =	vtrunc.f32 v8  }
0x3cd: {  	v9 =	vtrunc.f32 v9;
	v10 =	vtrunc.f32 v10  }
0x3ce: {  	v11 =	vtrunc.f32 v11;
	v4 =	vcvt.f32.s32 v4  }
0x3cf: {  	v5 =	vcvt.f32.s32 v5;
	v6 =	vcvt.f32.s32 v6  }
0x3d0: {  	v12 =	vadd.f32 $1.280000000e+02, v12;
	v7 =	vcvt.f32.s32 v7;
	v8 =	vcvt.f32.s32 v8  }
0x3d1: {  	v14 =	vadd.f32 $1.280000000e+02, v14;
	v9 =	vcvt.f32.s32 v9;
	v10 =	vcvt.f32.s32 v10  }
0x3d2: {  	v11 =	vcvt.f32.s32 v11;
	v12 =	vmul.f32 $3.921568690e-01, v12;
	vm2 =	vlt.s32 v4, $0x63  }
0x3d3: {  	vm3 =	vlt.s32 v6, $0x63;
	vm12 =	vlt.s32 v7, $0x63;
	vm13 =	vlt.s32 v8, $0x63  }
0x3d4: {  	vm14 =	vlt.s32 v9, $0x63;
	vm15 =	vlt.s32 v10, $0x63;
	v4 =	vnsel vm2, $0x63, v4  }
0x3d5: {  	vm2 =	vlt.s32 v5, $0x63;
	v6 =	vnsel vm3, $0x63, v6;
	v7 =	vnsel vm12, $0x63, v7  }
0x3d6: {  	v13 =	vld [tilespmem:s6+$0x0];
	v8 =	vnsel vm13, $0x63, v8;
	v9 =	vnsel vm14, $0x63, v9;
	v10 =	vnsel vm15, $0x63, v10  }
0x3d7: {  	v12 =	vtrunc.f32 v12;
	v4 =	vshll.u32 v4, $0x4;
	v5 =	vnsel vm2, $0x63, v5  }
0x3d8: {  	v15 =	vld [tilespmem:s6+$0x20];
	vm2 =	vlt.s32 v11, $0x63;
	v6 =	vshll.u32 v6, $0x4;
	v7 =	vshll.u32 v7, $0x4  }
0x3d9: {  	v16 =	vld [tilespmem:s6+$0x30];
	v8 =	vshll.u32 v8, $0x4;
	v9 =	vshll.u32 v9, $0x4;
	v11 =	vnsel vm2, $0x63, v11  }
0x3da: {  	v4 =	vadd.s32 v3, v4;
	v5 =	vshll.u32 v5, $0x4;
	v17 =	vshll.u32 v11, $0x4;
	v11 =	vld [tilespmem:s6+$0x40]  }
0x3db: {  	v18 =	vadd.s32 v3, v6;
	v6 =	vadd.f32 $1.280000000e+02, v13;
	v13 =	vld [tilespmem:s6+$0x50];
	v7 =	vadd.s32 v3, v7  }
0x3dc: {  	v19 =	vld [tilespmem:s6+$0x60];
	v10 =	vshll.u32 v10, $0x4;
	v8 =	vadd.s32 v3, v8;
	v5 =	vadd.s32 v3, v5  }
0x3dd: {  	v20 =	vadd.s32 v3, v9;
	v9 =	vadd.f32 $1.280000000e+02, v15;
	v15 =	vadd.s32 v3, v10  }
0x3de: {  	v10 =	vmul.f32 $3.921568690e-01, v14;
	v14 =	vadd.f32 $1.280000000e+02, v16;
	v6 =	vmul.f32 $3.921568690e-01, v6  }
0x3df: {  	[tilespmem:v4+s1+$0x0] =	vst.idx.add.s32.msk $0xffff, v2;
	v4 =	vmul.f32 $3.921568690e-01, v9;
	v9 =	vadd.f32 $1.280000000e+02, v11;
	v11 =	vcvt.f32.s32 v12  }
0x3e0: {  	v6 =	vtrunc.f32 v6;
	[tilespmem:v7+s1+$0x0] =	vst.idx.add.s32.msk $0xffff, v2;
	v7 =	vtrunc.f32 v10;
	v12 =	vadd.f32 $1.280000000e+02, v13  }
0x3e1: {  	[tilespmem:v5+s1+$0x0] =	vst.idx.add.s32.msk $0xffff, v2;
	v5 =	vmul.f32 $3.921568690e-01, v14;
	v14 =	vadd.f32 $1.280000000e+02, v19;
	vm2 =	vlt.s32 v11, $0x63  }
0x3e2: {  	[tilespmem:v18+s1+$0x0] =	vst.idx.add.s32.msk $0xffff, v2;
	v13 =	vmul.f32 $3.921568690e-01, v9;
	v63 =	vmul.f32 $3.921568690e-01, v12;
	v10 =	vnsel vm2, $0x63, v11  }
0x3e3: {  	[tilespmem:v8+s1+$0x0] =	vst.idx.add.s32.msk $0xffff, v2;
	v9 =	vtrunc.f32 v4;
	v8 =	vmul.f32 $3.921568690e-01, v14;
	v4 =	vshll.u32 v10, $0x4  }
0x3e4: {  	[tilespmem:v20+s1+$0x0] =	vst.idx.add.s32.msk $0xffff, v2;
	v12 =	vtrunc.f32 v5;
	v10 =	vtrunc.f32 v13;
	v4 =	vadd.s32 v3, v4  }
0x3e5: {  	s6 =	simm.s32 $0x8;
	[tilespmem:v15+s1+$0x0] =	vst.idx.add.s32.msk $0xffff, v2;
	v5 =	vadd.s32 v3, v17;
	v11 =	vtrunc.f32 v63;
	v8 =	vtrunc.f32 v8  }
.LBB2_28:
0x3e6: {  	s6 =	sadd.s32 $0x8, s6;
	v6 =	vcvt.f32.s32 v6;
	v7 =	vcvt.f32.s32 v7  }
0x3e7: {  	v9 =	vcvt.f32.s32 v9;
	v12 =	vcvt.f32.s32 v12;
	s5 =	sadd.s32 $0x400, s5;
	s7 =	sshll.u32 s6, $0x4;
	p0 =	slt.u32 s6, $0x7F8  }
0x3e8: {  	v10 =	vcvt.f32.s32 v10;
	v11 =	vcvt.f32.s32 v11;
	s8 =	sand.u32 $0xC00, s5;
	s9 =	sshll.u32 s6, $0x2;
	s7 =	sand.u32 $0x7000, s7;
	vm2 =	vlt.s32 v6, $0x63  }
0x3e9: {  	v8 =	vcvt.f32.s32 v8;
	s9 =	sand.u32 $0x380, s9;
	vm3 =	vlt.s32 v7, $0x63;
	vm4 =	vlt.s32 v9, $0x63;
	s7 =	sor.u32 s8, s7;
	[tilespmem:v4+s1+$0x0] =	vst.idx.add.s32.msk $0xffff, v2  }
0x3ea: {  	vm5 =	vlt.s32 v12, $0x63;
	vm6 =	vlt.s32 v10, $0x63;
	vm7 =	vlt.s32 v11, $0x63;
	s7 =	sor.u32 s9, s7;
	[tilespmem:v5+s1+$0x0] =	vst.idx.add.s32.msk $0xffff, v2  }
0x3eb: {  	v5 =	vnsel vm2, $0x63, v6;
	v6 =	vnsel vm3, $0x63, v7;
	vm2 =	vlt.s32 v8, $0x63;
	v4 =	vld [tilespmem:s7+$0x70]  }
0x3ec: {  	v9 =	vnsel vm4, $0x63, v9;
	v12 =	vnsel vm5, $0x63, v12;
	v10 =	vnsel vm6, $0x63, v10;
	v7 =	vld [tilespmem:s7+$0x0]  }
0x3ed: {  	v11 =	vnsel vm7, $0x63, v11;
	v5 =	vshll.u32 v5, $0x4;
	v8 =	vnsel vm2, $0x63, v8;
	v13 =	vld [tilespmem:s7+$0x10]  }
0x3ee: {  	v9 =	vshll.u32 v9, $0x4;
	v12 =	vshll.u32 v12, $0x4;
	v6 =	vshll.u32 v6, $0x4;
	v14 =	vld [tilespmem:s7+$0x20]  }
0x3ef: {  	v10 =	vshll.u32 v10, $0x4;
	v11 =	vshll.u32 v11, $0x4;
	v16 =	vshll.u32 v8, $0x4;
	v15 =	vld [tilespmem:s7+$0x30]  }
0x3f0: {  	v5 =	vadd.s32 v3, v5;
	v17 =	vadd.s32 v3, v6;
	v8 =	vld [tilespmem:s7+$0x40];
	v4 =	vadd.f32 $1.280000000e+02, v4  }
0x3f1: {  	v9 =	vadd.s32 v3, v9;
	v12 =	vadd.s32 v3, v12;
	v6 =	vadd.f32 $1.280000000e+02, v7;
	v7 =	vld [tilespmem:s7+$0x50]  }
0x3f2: {  	v10 =	vadd.s32 v3, v10;
	v13 =	vadd.f32 $1.280000000e+02, v13;
	v18 =	vld [tilespmem:s7+$0x60];
	v4 =	vmul.f32 $3.921568690e-01, v4  }
0x3f3: {  	v11 =	vadd.s32 v3, v11;
	v6 =	vmul.f32 $3.921568690e-01, v6;
	v14 =	vadd.f32 $1.280000000e+02, v14  }
0x3f4: {  	v13 =	vmul.f32 $3.921568690e-01, v13;
	v15 =	vadd.f32 $1.280000000e+02, v15;
	v4 =	vtrunc.f32 v4  }
0x3f5: {  	v14 =	vmul.f32 $3.921568690e-01, v14;
	v8 =	vadd.f32 $1.280000000e+02, v8;
	v4 =	vcvt.f32.s32 v4;
	[tilespmem:v5+s1+$0x0] =	vst.idx.add.s32.msk $0xffff, v2  }
0x3f6: {  	v6 =	vtrunc.f32 v6;
	v5 =	vmul.f32 $3.921568690e-01, v15;
	v15 =	vadd.f32 $1.280000000e+02, v7;
	[tilespmem:v17+s1+$0x0] =	vst.idx.add.s32.msk $0xffff, v2  }
.Ltmp13:
0x3f7: {  	v8 =	vmul.f32 $3.921568690e-01, v8;
	v17 =	vadd.f32 $1.280000000e+02, v18;
	vm2 =	vlt.s32 v4, $0x63;
	[tilespmem:v9+s1+$0x0] =	vst.idx.add.s32.msk $0xffff, v2;
	(pc) =	sbr.rel @p0 .LBB2_28-.Ltmp13, $4  }
0x3f8: {  	v7 =	vtrunc.f32 v13;
	v13 =	vmul.f32 $3.921568690e-01, v15;
	v4 =	vnsel vm2, $0x63, v4;
	[tilespmem:v12+s1+$0x0] =	vst.idx.add.s32.msk $0xffff, v2  }
0x3f9: {  	v9 =	vtrunc.f32 v14;
	v14 =	vmul.f32 $3.921568690e-01, v17;
	v4 =	vshll.u32 v4, $0x4;
	[tilespmem:v10+s1+$0x0] =	vst.idx.add.s32.msk $0xffff, v2  }
0x3fa: {  	v12 =	vtrunc.f32 v5;
	v10 =	vtrunc.f32 v8;
	v4 =	vadd.s32 v3, v4;
	[tilespmem:v11+s1+$0x0] =	vst.idx.add.s32.msk $0xffff, v2  }
0x3fb: {  	v5 =	vadd.s32 v3, v16;
	v11 =	vtrunc.f32 v13;
	v8 =	vtrunc.f32 v14  }
0x3fc: {  	v6 =	vcvt.f32.s32 v6  }
0x3fd: {  	v7 =	vcvt.f32.s32 v7;
	v9 =	vcvt.f32.s32 v9  }
0x3fe: {  	v12 =	vcvt.f32.s32 v12;
	v10 =	vcvt.f32.s32 v10  }
0x3ff: {  	v11 =	vcvt.f32.s32 v11;
	v8 =	vcvt.f32.s32 v8;
	vm2 =	vlt.s32 v6, $0x63  }
0x400: {  	vm3 =	vlt.s32 v7, $0x63;
	vm4 =	vlt.s32 v9, $0x63;
	vm5 =	vlt.s32 v12, $0x63  }
0x401: {  	vm6 =	vlt.s32 v10, $0x63;
	vm7 =	vlt.s32 v11, $0x63;
	v6 =	vnsel vm2, $0x63, v6  }
0x402: {  	v7 =	vnsel vm3, $0x63, v7;
	vm2 =	vlt.s32 v8, $0x63;
	v6 =	vshll.u32 v6, $0x4  }
0x403: {  	v9 =	vnsel vm4, $0x63, v9;
	v7 =	vshll.u32 v7, $0x4;
	v6 =	vadd.s32 v3, v6  }
0x404: {  	v12 =	vnsel vm5, $0x63, v12;
	v9 =	vshll.u32 v9, $0x4;
	v7 =	vadd.s32 v3, v7  }
0x405: {  	v10 =	vnsel vm6, $0x63, v10;
	v12 =	vshll.u32 v12, $0x4;
	v9 =	vadd.s32 v3, v9  }
0x406: {  	[tilespmem:v4+s1+$0x0] =	vst.idx.add.s32.msk $0xffff, v2;
	v4 =	vnsel vm7, $0x63, v11;
	v10 =	vshll.u32 v10, $0x4;
	v11 =	vadd.s32 v3, v12  }
0x407: {  	[tilespmem:v5+s1+$0x0] =	vst.idx.add.s32.msk $0xffff, v2;
	v5 =	vnsel vm2, $0x63, v8;
	v4 =	vshll.u32 v4, $0x4;
	v8 =	vadd.s32 v3, v10  }
0x408: {  	v5 =	vshll.u32 v5, $0x4;
	v4 =	vadd.s32 v3, v4;
	[tilespmem:v6+s1+$0x0] =	vst.idx.add.s32.msk $0xffff, v2  }
0x409: {  	v5 =	vadd.s32 v3, v5;
	[tilespmem:v7+s1+$0x0] =	vst.idx.add.s32.msk $0xffff, v2  }
0x40a: {  	[tilespmem:v9+s1+$0x0] =	vst.idx.add.s32.msk $0xffff, v2  }
0x40b: {  	[tilespmem:v11+s1+$0x0] =	vst.idx.add.s32.msk $0xffff, v2  }
0x40c: {  	[tilespmem:v8+s1+$0x0] =	vst.idx.add.s32.msk $0xffff, v2  }
0x40d: {  	[tilespmem:v4+s1+$0x0] =	vst.idx.add.s32.msk $0xffff, v2  }
0x40e: {  	s5 =	simm.s32 $0x0;
	[tilespmem:v5+s1+$0x0] =	vst.idx.add.s32.msk $0xffff, v2  }
0x40f: {  	s25 =	simm.s32 $0x0;
	s7 =	simm.s32 $0x0;
	s6 =	rddreg [dreg:$0x10]  }
0x410: {  	[tilespmem:s5], [sflag:$0x1] =	stream.linear.gather [hbm4b:s6+s5], $0x8000, $0x38;
	[tilespmem:$0x11880] =	vst v63  }
0x411: {  	s6 =	sand.u32 $0x7000, s25;
	s5 =	sand.u32 $0xC00, s5;
	_ =	swait.ge [sflag:s0], $0x8000  }
0x412: {  	s7 =	sand.u32 $0x380, s7;
	s5 =	sor.u32 s5, s6;
	[sflag:s0] =	ssyncset.done $0x0  }
0x413: {  	s5 =	sor.u32 s7, s5;
	[sflag:s0] =	ssyncadd.s32 $0xFFFF8000  }
0x414: {  	v4 =	vld [tilespmem:s5+$0x8070]  }
0x415: {  	v5 =	vld [tilespmem:s5+$0x8000]  }
0x416: {  	v6 =	vld [tilespmem:s5+$0x8010]  }
0x417: {  	v7 =	vld [tilespmem:s5+$0x8020]  }
0x418: {  	v8 =	vld [tilespmem:s5+$0x8030]  }
0x419: {  	v9 =	vld [tilespmem:s5+$0x8040]  }
0x41a: {  	v10 =	vld [tilespmem:s5+$0x8050]  }
0x41b: {  	v11 =	vld [tilespmem:s5+$0x8060]  }
0x41c: {  	v4 =	vadd.f32 $1.280000000e+02, v4;
	v5 =	vadd.f32 $1.280000000e+02, v5  }
0x41d: {  	v6 =	vadd.f32 $1.280000000e+02, v6;
	v7 =	vadd.f32 $1.280000000e+02, v7  }
0x41e: {  	v8 =	vadd.f32 $1.280000000e+02, v8;
	v9 =	vadd.f32 $1.280000000e+02, v9;
	v4 =	vmul.f32 $3.921568690e-01, v4  }
0x41f: {  	s26 =	simm.s32 $0x80;
	s5 =	simm.s32 $0x400;
	v10 =	vadd.f32 $1.280000000e+02, v10;
	v5 =	vmul.f32 $3.921568690e-01, v5;
	v6 =	vmul.f32 $3.921568690e-01, v6  }
0x420: {  	s8 =	simm.s32 $0x20;
	s6 =	sand.u32 $0x7000, s26;
	s28 =	sand.u32 $0xC00, s5;
	v11 =	vadd.f32 $1.280000000e+02, v11;
	v7 =	vmul.f32 $3.921568690e-01, v7;
	v8 =	vmul.f32 $3.921568690e-01, v8  }
0x421: {  	s8 =	sand.u32 $0x380, s8;
	s6 =	sor.u32 s28, s6;
	v9 =	vmul.f32 $3.921568690e-01, v9;
	v10 =	vmul.f32 $3.921568690e-01, v10  }
0x422: {  	s6 =	sor.u32 s8, s6;
	v11 =	vmul.f32 $3.921568690e-01, v11;
	v4 =	vtrunc.f32 v4  }
0x423: {  	v12 =	vld [tilespmem:s6+$0x8070];
	v5 =	vtrunc.f32 v5;
	v6 =	vtrunc.f32 v6  }
0x424: {  	v14 =	vld [tilespmem:s6+$0x8010];
	v7 =	vtrunc.f32 v7;
	v8 =	vtrunc.f32 v8  }
0x425: {  	v9 =	vtrunc.f32 v9;
	v10 =	vtrunc.f32 v10  }
0x426: {  	v11 =	vtrunc.f32 v11;
	v4 =	vcvt.f32.s32 v4  }
0x427: {  	v5 =	vcvt.f32.s32 v5;
	v6 =	vcvt.f32.s32 v6  }
0x428: {  	v12 =	vadd.f32 $1.280000000e+02, v12;
	v7 =	vcvt.f32.s32 v7;
	v8 =	vcvt.f32.s32 v8  }
0x429: {  	v14 =	vadd.f32 $1.280000000e+02, v14;
	v9 =	vcvt.f32.s32 v9;
	v10 =	vcvt.f32.s32 v10  }
0x42a: {  	v11 =	vcvt.f32.s32 v11;
	v12 =	vmul.f32 $3.921568690e-01, v12;
	vm2 =	vlt.s32 v4, $0x63  }
0x42b: {  	vm3 =	vlt.s32 v6, $0x63;
	vm12 =	vlt.s32 v7, $0x63;
	vm13 =	vlt.s32 v8, $0x63  }
0x42c: {  	vm14 =	vlt.s32 v9, $0x63;
	vm15 =	vlt.s32 v10, $0x63;
	v4 =	vnsel vm2, $0x63, v4  }
0x42d: {  	vm2 =	vlt.s32 v5, $0x63;
	v6 =	vnsel vm3, $0x63, v6;
	v7 =	vnsel vm12, $0x63, v7  }
0x42e: {  	v13 =	vld [tilespmem:s6+$0x8000];
	v8 =	vnsel vm13, $0x63, v8;
	v9 =	vnsel vm14, $0x63, v9;
	v10 =	vnsel vm15, $0x63, v10  }
0x42f: {  	v12 =	vtrunc.f32 v12;
	v4 =	vshll.u32 v4, $0x4;
	v5 =	vnsel vm2, $0x63, v5  }
0x430: {  	v15 =	vld [tilespmem:s6+$0x8020];
	vm2 =	vlt.s32 v11, $0x63;
	v6 =	vshll.u32 v6, $0x4;
	v7 =	vshll.u32 v7, $0x4  }
0x431: {  	v16 =	vld [tilespmem:s6+$0x8030];
	v8 =	vshll.u32 v8, $0x4;
	v9 =	vshll.u32 v9, $0x4;
	v11 =	vnsel vm2, $0x63, v11  }
0x432: {  	v4 =	vadd.s32 v3, v4;
	v5 =	vshll.u32 v5, $0x4;
	v17 =	vshll.u32 v11, $0x4;
	v11 =	vld [tilespmem:s6+$0x8040]  }
0x433: {  	v18 =	vadd.s32 v3, v6;
	v6 =	vadd.f32 $1.280000000e+02, v13;
	v13 =	vld [tilespmem:s6+$0x8050];
	v7 =	vadd.s32 v3, v7  }
0x434: {  	v19 =	vld [tilespmem:s6+$0x8060];
	v10 =	vshll.u32 v10, $0x4;
	v8 =	vadd.s32 v3, v8;
	v5 =	vadd.s32 v3, v5  }
0x435: {  	v20 =	vadd.s32 v3, v9;
	v9 =	vadd.f32 $1.280000000e+02, v15;
	v15 =	vadd.s32 v3, v10  }
0x436: {  	v10 =	vmul.f32 $3.921568690e-01, v14;
	v14 =	vadd.f32 $1.280000000e+02, v16;
	v6 =	vmul.f32 $3.921568690e-01, v6  }
0x437: {  	[tilespmem:v4+s1+$0x0] =	vst.idx.add.s32.msk $0xffff, v2;
	v4 =	vmul.f32 $3.921568690e-01, v9;
	v9 =	vadd.f32 $1.280000000e+02, v11;
	v11 =	vcvt.f32.s32 v12  }
0x438: {  	v6 =	vtrunc.f32 v6;
	[tilespmem:v7+s1+$0x0] =	vst.idx.add.s32.msk $0xffff, v2;
	v7 =	vtrunc.f32 v10;
	v12 =	vadd.f32 $1.280000000e+02, v13  }
0x439: {  	[tilespmem:v5+s1+$0x0] =	vst.idx.add.s32.msk $0xffff, v2;
	v5 =	vmul.f32 $3.921568690e-01, v14;
	v14 =	vadd.f32 $1.280000000e+02, v19;
	vm2 =	vlt.s32 v11, $0x63  }
0x43a: {  	[tilespmem:v18+s1+$0x0] =	vst.idx.add.s32.msk $0xffff, v2;
	v13 =	vmul.f32 $3.921568690e-01, v9;
	v63 =	vmul.f32 $3.921568690e-01, v12;
	v10 =	vnsel vm2, $0x63, v11  }
0x43b: {  	[tilespmem:v8+s1+$0x0] =	vst.idx.add.s32.msk $0xffff, v2;
	v9 =	vtrunc.f32 v4;
	v8 =	vmul.f32 $3.921568690e-01, v14;
	v4 =	vshll.u32 v10, $0x4  }
0x43c: {  	[tilespmem:v20+s1+$0x0] =	vst.idx.add.s32.msk $0xffff, v2;
	v12 =	vtrunc.f32 v5;
	v10 =	vtrunc.f32 v13;
	v4 =	vadd.s32 v3, v4  }
0x43d: {  	s6 =	simm.s32 $0x8;
	[tilespmem:v15+s1+$0x0] =	vst.idx.add.s32.msk $0xffff, v2;
	v5 =	vadd.s32 v3, v17;
	v11 =	vtrunc.f32 v63;
	v8 =	vtrunc.f32 v8  }
.LBB2_30:
0x43e: {  	s6 =	sadd.s32 $0x8, s6;
	v6 =	vcvt.f32.s32 v6;
	v7 =	vcvt.f32.s32 v7  }
0x43f: {  	v9 =	vcvt.f32.s32 v9;
	v12 =	vcvt.f32.s32 v12;
	s5 =	sadd.s32 $0x400, s5;
	s7 =	sshll.u32 s6, $0x4;
	p0 =	slt.u32 s6, $0x7F8  }
0x440: {  	v10 =	vcvt.f32.s32 v10;
	v11 =	vcvt.f32.s32 v11;
	s8 =	sand.u32 $0xC00, s5;
	s9 =	sshll.u32 s6, $0x2;
	s7 =	sand.u32 $0x7000, s7;
	vm2 =	vlt.s32 v6, $0x63  }
0x441: {  	v8 =	vcvt.f32.s32 v8;
	s9 =	sand.u32 $0x380, s9;
	vm3 =	vlt.s32 v7, $0x63;
	vm4 =	vlt.s32 v9, $0x63;
	s7 =	sor.u32 s8, s7;
	[tilespmem:v4+s1+$0x0] =	vst.idx.add.s32.msk $0xffff, v2  }
0x442: {  	vm5 =	vlt.s32 v12, $0x63;
	vm6 =	vlt.s32 v10, $0x63;
	vm7 =	vlt.s32 v11, $0x63;
	s7 =	sor.u32 s9, s7;
	[tilespmem:v5+s1+$0x0] =	vst.idx.add.s32.msk $0xffff, v2  }
0x443: {  	v5 =	vnsel vm2, $0x63, v6;
	v6 =	vnsel vm3, $0x63, v7;
	vm2 =	vlt.s32 v8, $0x63;
	v4 =	vld [tilespmem:s7+$0x8070]  }
0x444: {  	v9 =	vnsel vm4, $0x63, v9;
	v12 =	vnsel vm5, $0x63, v12;
	v10 =	vnsel vm6, $0x63, v10;
	v7 =	vld [tilespmem:s7+$0x8000]  }
0x445: {  	v11 =	vnsel vm7, $0x63, v11;
	v5 =	vshll.u32 v5, $0x4;
	v8 =	vnsel vm2, $0x63, v8;
	v13 =	vld [tilespmem:s7+$0x8010]  }
0x446: {  	v9 =	vshll.u32 v9, $0x4;
	v12 =	vshll.u32 v12, $0x4;
	v6 =	vshll.u32 v6, $0x4;
	v14 =	vld [tilespmem:s7+$0x8020]  }
0x447: {  	v10 =	vshll.u32 v10, $0x4;
	v11 =	vshll.u32 v11, $0x4;
	v16 =	vshll.u32 v8, $0x4;
	v15 =	vld [tilespmem:s7+$0x8030]  }
0x448: {  	v5 =	vadd.s32 v3, v5;
	v17 =	vadd.s32 v3, v6;
	v8 =	vld [tilespmem:s7+$0x8040];
	v4 =	vadd.f32 $1.280000000e+02, v4  }
0x449: {  	v9 =	vadd.s32 v3, v9;
	v12 =	vadd.s32 v3, v12;
	v6 =	vadd.f32 $1.280000000e+02, v7;
	v7 =	vld [tilespmem:s7+$0x8050]  }
0x44a: {  	v10 =	vadd.s32 v3, v10;
	v13 =	vadd.f32 $1.280000000e+02, v13;
	v18 =	vld [tilespmem:s7+$0x8060];
	v4 =	vmul.f32 $3.921568690e-01, v4  }
0x44b: {  	v11 =	vadd.s32 v3, v11;
	v6 =	vmul.f32 $3.921568690e-01, v6;
	v14 =	vadd.f32 $1.280000000e+02, v14  }
0x44c: {  	v13 =	vmul.f32 $3.921568690e-01, v13;
	v15 =	vadd.f32 $1.280000000e+02, v15;
	v4 =	vtrunc.f32 v4  }
0x44d: {  	v14 =	vmul.f32 $3.921568690e-01, v14;
	v8 =	vadd.f32 $1.280000000e+02, v8;
	v4 =	vcvt.f32.s32 v4;
	[tilespmem:v5+s1+$0x0] =	vst.idx.add.s32.msk $0xffff, v2  }
0x44e: {  	v6 =	vtrunc.f32 v6;
	v5 =	vmul.f32 $3.921568690e-01, v15;
	v15 =	vadd.f32 $1.280000000e+02, v7;
	[tilespmem:v17+s1+$0x0] =	vst.idx.add.s32.msk $0xffff, v2  }
.Ltmp14:
0x44f: {  	v8 =	vmul.f32 $3.921568690e-01, v8;
	v17 =	vadd.f32 $1.280000000e+02, v18;
	vm2 =	vlt.s32 v4, $0x63;
	[tilespmem:v9+s1+$0x0] =	vst.idx.add.s32.msk $0xffff, v2;
	(pc) =	sbr.rel @p0 .LBB2_30-.Ltmp14, $4  }
0x450: {  	v7 =	vtrunc.f32 v13;
	v13 =	vmul.f32 $3.921568690e-01, v15;
	v4 =	vnsel vm2, $0x63, v4;
	[tilespmem:v12+s1+$0x0] =	vst.idx.add.s32.msk $0xffff, v2  }
0x451: {  	v9 =	vtrunc.f32 v14;
	v14 =	vmul.f32 $3.921568690e-01, v17;
	v4 =	vshll.u32 v4, $0x4;
	[tilespmem:v10+s1+$0x0] =	vst.idx.add.s32.msk $0xffff, v2  }
0x452: {  	v12 =	vtrunc.f32 v5;
	v10 =	vtrunc.f32 v8;
	v4 =	vadd.s32 v3, v4;
	[tilespmem:v11+s1+$0x0] =	vst.idx.add.s32.msk $0xffff, v2  }
0x453: {  	v5 =	vadd.s32 v3, v16;
	v11 =	vtrunc.f32 v13;
	v8 =	vtrunc.f32 v14  }
0x454: {  	v6 =	vcvt.f32.s32 v6  }
0x455: {  	v7 =	vcvt.f32.s32 v7;
	v9 =	vcvt.f32.s32 v9  }
0x456: {  	v12 =	vcvt.f32.s32 v12;
	v10 =	vcvt.f32.s32 v10  }
0x457: {  	v11 =	vcvt.f32.s32 v11;
	v8 =	vcvt.f32.s32 v8;
	vm2 =	vlt.s32 v6, $0x63  }
0x458: {  	vm3 =	vlt.s32 v7, $0x63;
	vm4 =	vlt.s32 v9, $0x63;
	vm5 =	vlt.s32 v12, $0x63  }
0x459: {  	vm6 =	vlt.s32 v10, $0x63;
	vm7 =	vlt.s32 v11, $0x63;
	v6 =	vnsel vm2, $0x63, v6  }
0x45a: {  	v7 =	vnsel vm3, $0x63, v7;
	vm2 =	vlt.s32 v8, $0x63;
	v6 =	vshll.u32 v6, $0x4  }
0x45b: {  	v9 =	vnsel vm4, $0x63, v9;
	v7 =	vshll.u32 v7, $0x4;
	v6 =	vadd.s32 v3, v6  }
0x45c: {  	v12 =	vnsel vm5, $0x63, v12;
	v9 =	vshll.u32 v9, $0x4;
	v7 =	vadd.s32 v3, v7  }
0x45d: {  	v10 =	vnsel vm6, $0x63, v10;
	v12 =	vshll.u32 v12, $0x4;
	v9 =	vadd.s32 v3, v9  }
0x45e: {  	[tilespmem:v4+s1+$0x0] =	vst.idx.add.s32.msk $0xffff, v2;
	v4 =	vnsel vm7, $0x63, v11;
	v10 =	vshll.u32 v10, $0x4;
	v11 =	vadd.s32 v3, v12  }
0x45f: {  	[tilespmem:v5+s1+$0x0] =	vst.idx.add.s32.msk $0xffff, v2;
	v5 =	vnsel vm2, $0x63, v8;
	v4 =	vshll.u32 v4, $0x4;
	v8 =	vadd.s32 v3, v10  }
0x460: {  	v5 =	vshll.u32 v5, $0x4;
	v4 =	vadd.s32 v3, v4;
	[tilespmem:v6+s1+$0x0] =	vst.idx.add.s32.msk $0xffff, v2  }
0x461: {  	v5 =	vadd.s32 v3, v5;
	[tilespmem:v7+s1+$0x0] =	vst.idx.add.s32.msk $0xffff, v2  }
0x462: {  	[tilespmem:v9+s1+$0x0] =	vst.idx.add.s32.msk $0xffff, v2  }
0x463: {  	[tilespmem:v11+s1+$0x0] =	vst.idx.add.s32.msk $0xffff, v2  }
0x464: {  	[tilespmem:v8+s1+$0x0] =	vst.idx.add.s32.msk $0xffff, v2  }
0x465: {  	[tilespmem:v4+s1+$0x0] =	vst.idx.add.s32.msk $0xffff, v2  }
0x466: {  	s5 =	simm.s32 $0x0;
	[tilespmem:v5+s1+$0x0] =	vst.idx.add.s32.msk $0xffff, v2  }
0x467: {  	s25 =	simm.s32 $0x0;
	s7 =	simm.s32 $0x0;
	s6 =	rddreg [dreg:$0x11]  }
0x468: {  	[tilespmem:s30], [sflag:$0x2] =	stream.linear.gather [hbm4b:s6+s5], $0x8000, $0x38;
	[tilespmem:$0x11880] =	vst v63  }
0x469: {  	s6 =	sand.u32 $0x7000, s25;
	s5 =	sand.u32 $0xC00, s5;
	_ =	swait.ge [sflag:s31], $0x8000  }
0x46a: {  	s7 =	sand.u32 $0x380, s7;
	s5 =	sor.u32 s5, s6;
	[sflag:s31] =	ssyncset.done $0x0  }
0x46b: {  	s5 =	sor.u32 s7, s5;
	[sflag:s31] =	ssyncadd.s32 $0xFFFF8000  }
0x46c: {  	v4 =	vld [tilespmem:s5+$0x70]  }
0x46d: {  	v5 =	vld [tilespmem:s5+$0x0]  }
0x46e: {  	v6 =	vld [tilespmem:s5+$0x10]  }
0x46f: {  	v7 =	vld [tilespmem:s5+$0x20]  }
0x470: {  	v8 =	vld [tilespmem:s5+$0x30]  }
0x471: {  	v9 =	vld [tilespmem:s5+$0x40]  }
0x472: {  	v10 =	vld [tilespmem:s5+$0x50]  }
0x473: {  	v11 =	vld [tilespmem:s5+$0x60]  }
0x474: {  	v4 =	vadd.f32 $1.280000000e+02, v4;
	v5 =	vadd.f32 $1.280000000e+02, v5  }
0x475: {  	v6 =	vadd.f32 $1.280000000e+02, v6;
	v7 =	vadd.f32 $1.280000000e+02, v7  }
0x476: {  	v8 =	vadd.f32 $1.280000000e+02, v8;
	v9 =	vadd.f32 $1.280000000e+02, v9;
	v4 =	vmul.f32 $3.921568690e-01, v4  }
0x477: {  	s26 =	simm.s32 $0x80;
	s5 =	simm.s32 $0x400;
	v10 =	vadd.f32 $1.280000000e+02, v10;
	v5 =	vmul.f32 $3.921568690e-01, v5;
	v6 =	vmul.f32 $3.921568690e-01, v6  }
0x478: {  	s8 =	simm.s32 $0x20;
	s6 =	sand.u32 $0x7000, s26;
	s28 =	sand.u32 $0xC00, s5;
	v11 =	vadd.f32 $1.280000000e+02, v11;
	v7 =	vmul.f32 $3.921568690e-01, v7;
	v8 =	vmul.f32 $3.921568690e-01, v8  }
0x479: {  	s8 =	sand.u32 $0x380, s8;
	s6 =	sor.u32 s28, s6;
	v9 =	vmul.f32 $3.921568690e-01, v9;
	v10 =	vmul.f32 $3.921568690e-01, v10  }
0x47a: {  	s6 =	sor.u32 s8, s6;
	v11 =	vmul.f32 $3.921568690e-01, v11;
	v4 =	vtrunc.f32 v4  }
0x47b: {  	v12 =	vld [tilespmem:s6+$0x70];
	v5 =	vtrunc.f32 v5;
	v6 =	vtrunc.f32 v6  }
0x47c: {  	v14 =	vld [tilespmem:s6+$0x10];
	v7 =	vtrunc.f32 v7;
	v8 =	vtrunc.f32 v8  }
0x47d: {  	v9 =	vtrunc.f32 v9;
	v10 =	vtrunc.f32 v10  }
0x47e: {  	v11 =	vtrunc.f32 v11;
	v4 =	vcvt.f32.s32 v4  }
0x47f: {  	v5 =	vcvt.f32.s32 v5;
	v6 =	vcvt.f32.s32 v6  }
0x480: {  	v12 =	vadd.f32 $1.280000000e+02, v12;
	v7 =	vcvt.f32.s32 v7;
	v8 =	vcvt.f32.s32 v8  }
0x481: {  	v14 =	vadd.f32 $1.280000000e+02, v14;
	v9 =	vcvt.f32.s32 v9;
	v10 =	vcvt.f32.s32 v10  }
0x482: {  	v11 =	vcvt.f32.s32 v11;
	v12 =	vmul.f32 $3.921568690e-01, v12;
	vm2 =	vlt.s32 v4, $0x63  }
0x483: {  	vm3 =	vlt.s32 v6, $0x63;
	vm12 =	vlt.s32 v7, $0x63;
	vm13 =	vlt.s32 v8, $0x63  }
0x484: {  	vm14 =	vlt.s32 v9, $0x63;
	vm15 =	vlt.s32 v10, $0x63;
	v4 =	vnsel vm2, $0x63, v4  }
0x485: {  	vm2 =	vlt.s32 v5, $0x63;
	v6 =	vnsel vm3, $0x63, v6;
	v7 =	vnsel vm12, $0x63, v7  }
0x486: {  	v13 =	vld [tilespmem:s6+$0x0];
	v8 =	vnsel vm13, $0x63, v8;
	v9 =	vnsel vm14, $0x63, v9;
	v10 =	vnsel vm15, $0x63, v10  }
0x487: {  	v12 =	vtrunc.f32 v12;
	v4 =	vshll.u32 v4, $0x4;
	v5 =	vnsel vm2, $0x63, v5  }
0x488: {  	v15 =	vld [tilespmem:s6+$0x20];
	vm2 =	vlt.s32 v11, $0x63;
	v6 =	vshll.u32 v6, $0x4;
	v7 =	vshll.u32 v7, $0x4  }
0x489: {  	v16 =	vld [tilespmem:s6+$0x30];
	v8 =	vshll.u32 v8, $0x4;
	v9 =	vshll.u32 v9, $0x4;
	v11 =	vnsel vm2, $0x63, v11  }
0x48a: {  	v4 =	vadd.s32 v3, v4;
	v5 =	vshll.u32 v5, $0x4;
	v17 =	vshll.u32 v11, $0x4;
	v11 =	vld [tilespmem:s6+$0x40]  }
0x48b: {  	v18 =	vadd.s32 v3, v6;
	v6 =	vadd.f32 $1.280000000e+02, v13;
	v13 =	vld [tilespmem:s6+$0x50];
	v7 =	vadd.s32 v3, v7  }
0x48c: {  	v19 =	vld [tilespmem:s6+$0x60];
	v10 =	vshll.u32 v10, $0x4;
	v8 =	vadd.s32 v3, v8;
	v5 =	vadd.s32 v3, v5  }
0x48d: {  	v20 =	vadd.s32 v3, v9;
	v9 =	vadd.f32 $1.280000000e+02, v15;
	v15 =	vadd.s32 v3, v10  }
0x48e: {  	v10 =	vmul.f32 $3.921568690e-01, v14;
	v14 =	vadd.f32 $1.280000000e+02, v16;
	v6 =	vmul.f32 $3.921568690e-01, v6  }
0x48f: {  	[tilespmem:v4+s1+$0x0] =	vst.idx.add.s32.msk $0xffff, v2;
	v4 =	vmul.f32 $3.921568690e-01, v9;
	v9 =	vadd.f32 $1.280000000e+02, v11;
	v11 =	vcvt.f32.s32 v12  }
0x490: {  	v6 =	vtrunc.f32 v6;
	[tilespmem:v7+s1+$0x0] =	vst.idx.add.s32.msk $0xffff, v2;
	v7 =	vtrunc.f32 v10;
	v12 =	vadd.f32 $1.280000000e+02, v13  }
0x491: {  	[tilespmem:v5+s1+$0x0] =	vst.idx.add.s32.msk $0xffff, v2;
	v5 =	vmul.f32 $3.921568690e-01, v14;
	v14 =	vadd.f32 $1.280000000e+02, v19;
	vm2 =	vlt.s32 v11, $0x63  }
0x492: {  	[tilespmem:v18+s1+$0x0] =	vst.idx.add.s32.msk $0xffff, v2;
	v13 =	vmul.f32 $3.921568690e-01, v9;
	v63 =	vmul.f32 $3.921568690e-01, v12;
	v10 =	vnsel vm2, $0x63, v11  }
0x493: {  	[tilespmem:v8+s1+$0x0] =	vst.idx.add.s32.msk $0xffff, v2;
	v9 =	vtrunc.f32 v4;
	v8 =	vmul.f32 $3.921568690e-01, v14;
	v4 =	vshll.u32 v10, $0x4  }
0x494: {  	[tilespmem:v20+s1+$0x0] =	vst.idx.add.s32.msk $0xffff, v2;
	v12 =	vtrunc.f32 v5;
	v10 =	vtrunc.f32 v13;
	v4 =	vadd.s32 v3, v4  }
0x495: {  	s6 =	simm.s32 $0x8;
	[tilespmem:v15+s1+$0x0] =	vst.idx.add.s32.msk $0xffff, v2;
	v5 =	vadd.s32 v3, v17;
	v11 =	vtrunc.f32 v63;
	v8 =	vtrunc.f32 v8  }
.LBB2_32:
0x496: {  	s6 =	sadd.s32 $0x8, s6;
	v6 =	vcvt.f32.s32 v6;
	v7 =	vcvt.f32.s32 v7  }
0x497: {  	v9 =	vcvt.f32.s32 v9;
	v12 =	vcvt.f32.s32 v12;
	s5 =	sadd.s32 $0x400, s5;
	s7 =	sshll.u32 s6, $0x4;
	p0 =	slt.u32 s6, $0x7F8  }
0x498: {  	v10 =	vcvt.f32.s32 v10;
	v11 =	vcvt.f32.s32 v11;
	s8 =	sand.u32 $0xC00, s5;
	s9 =	sshll.u32 s6, $0x2;
	s7 =	sand.u32 $0x7000, s7;
	vm2 =	vlt.s32 v6, $0x63  }
0x499: {  	v8 =	vcvt.f32.s32 v8;
	s9 =	sand.u32 $0x380, s9;
	vm3 =	vlt.s32 v7, $0x63;
	vm4 =	vlt.s32 v9, $0x63;
	s7 =	sor.u32 s8, s7;
	[tilespmem:v4+s1+$0x0] =	vst.idx.add.s32.msk $0xffff, v2  }
0x49a: {  	vm5 =	vlt.s32 v12, $0x63;
	vm6 =	vlt.s32 v10, $0x63;
	vm7 =	vlt.s32 v11, $0x63;
	s7 =	sor.u32 s9, s7;
	[tilespmem:v5+s1+$0x0] =	vst.idx.add.s32.msk $0xffff, v2  }
0x49b: {  	v5 =	vnsel vm2, $0x63, v6;
	v6 =	vnsel vm3, $0x63, v7;
	vm2 =	vlt.s32 v8, $0x63;
	v4 =	vld [tilespmem:s7+$0x70]  }
0x49c: {  	v9 =	vnsel vm4, $0x63, v9;
	v12 =	vnsel vm5, $0x63, v12;
	v10 =	vnsel vm6, $0x63, v10;
	v7 =	vld [tilespmem:s7+$0x0]  }
0x49d: {  	v11 =	vnsel vm7, $0x63, v11;
	v5 =	vshll.u32 v5, $0x4;
	v8 =	vnsel vm2, $0x63, v8;
	v13 =	vld [tilespmem:s7+$0x10]  }
0x49e: {  	v9 =	vshll.u32 v9, $0x4;
	v12 =	vshll.u32 v12, $0x4;
	v6 =	vshll.u32 v6, $0x4;
	v14 =	vld [tilespmem:s7+$0x20]  }
0x49f: {  	v10 =	vshll.u32 v10, $0x4;
	v11 =	vshll.u32 v11, $0x4;
	v16 =	vshll.u32 v8, $0x4;
	v15 =	vld [tilespmem:s7+$0x30]  }
0x4a0: {  	v5 =	vadd.s32 v3, v5;
	v17 =	vadd.s32 v3, v6;
	v8 =	vld [tilespmem:s7+$0x40];
	v4 =	vadd.f32 $1.280000000e+02, v4  }
0x4a1: {  	v9 =	vadd.s32 v3, v9;
	v12 =	vadd.s32 v3, v12;
	v6 =	vadd.f32 $1.280000000e+02, v7;
	v7 =	vld [tilespmem:s7+$0x50]  }
0x4a2: {  	v10 =	vadd.s32 v3, v10;
	v13 =	vadd.f32 $1.280000000e+02, v13;
	v18 =	vld [tilespmem:s7+$0x60];
	v4 =	vmul.f32 $3.921568690e-01, v4  }
0x4a3: {  	v11 =	vadd.s32 v3, v11;
	v6 =	vmul.f32 $3.921568690e-01, v6;
	v14 =	vadd.f32 $1.280000000e+02, v14  }
0x4a4: {  	v13 =	vmul.f32 $3.921568690e-01, v13;
	v15 =	vadd.f32 $1.280000000e+02, v15;
	v4 =	vtrunc.f32 v4  }
0x4a5: {  	v14 =	vmul.f32 $3.921568690e-01, v14;
	v8 =	vadd.f32 $1.280000000e+02, v8;
	v4 =	vcvt.f32.s32 v4;
	[tilespmem:v5+s1+$0x0] =	vst.idx.add.s32.msk $0xffff, v2  }
0x4a6: {  	v6 =	vtrunc.f32 v6;
	v5 =	vmul.f32 $3.921568690e-01, v15;
	v15 =	vadd.f32 $1.280000000e+02, v7;
	[tilespmem:v17+s1+$0x0] =	vst.idx.add.s32.msk $0xffff, v2  }
.Ltmp15:
0x4a7: {  	v8 =	vmul.f32 $3.921568690e-01, v8;
	v17 =	vadd.f32 $1.280000000e+02, v18;
	vm2 =	vlt.s32 v4, $0x63;
	[tilespmem:v9+s1+$0x0] =	vst.idx.add.s32.msk $0xffff, v2;
	(pc) =	sbr.rel @p0 .LBB2_32-.Ltmp15, $4  }
0x4a8: {  	v7 =	vtrunc.f32 v13;
	v13 =	vmul.f32 $3.921568690e-01, v15;
	v4 =	vnsel vm2, $0x63, v4;
	[tilespmem:v12+s1+$0x0] =	vst.idx.add.s32.msk $0xffff, v2  }
0x4a9: {  	v9 =	vtrunc.f32 v14;
	v14 =	vmul.f32 $3.921568690e-01, v17;
	v4 =	vshll.u32 v4, $0x4;
	[tilespmem:v10+s1+$0x0] =	vst.idx.add.s32.msk $0xffff, v2  }
0x4aa: {  	v12 =	vtrunc.f32 v5;
	v10 =	vtrunc.f32 v8;
	v4 =	vadd.s32 v3, v4;
	[tilespmem:v11+s1+$0x0] =	vst.idx.add.s32.msk $0xffff, v2  }
0x4ab: {  	v5 =	vadd.s32 v3, v16;
	v11 =	vtrunc.f32 v13;
	v8 =	vtrunc.f32 v14  }
0x4ac: {  	v6 =	vcvt.f32.s32 v6  }
0x4ad: {  	v7 =	vcvt.f32.s32 v7;
	v9 =	vcvt.f32.s32 v9  }
0x4ae: {  	v12 =	vcvt.f32.s32 v12;
	v10 =	vcvt.f32.s32 v10  }
0x4af: {  	v11 =	vcvt.f32.s32 v11;
	v8 =	vcvt.f32.s32 v8;
	vm2 =	vlt.s32 v6, $0x63  }
0x4b0: {  	vm3 =	vlt.s32 v7, $0x63;
	vm4 =	vlt.s32 v9, $0x63;
	vm5 =	vlt.s32 v12, $0x63  }
0x4b1: {  	vm6 =	vlt.s32 v10, $0x63;
	vm7 =	vlt.s32 v11, $0x63;
	v6 =	vnsel vm2, $0x63, v6  }
0x4b2: {  	v7 =	vnsel vm3, $0x63, v7;
	vm2 =	vlt.s32 v8, $0x63;
	v6 =	vshll.u32 v6, $0x4  }
0x4b3: {  	v9 =	vnsel vm4, $0x63, v9;
	v7 =	vshll.u32 v7, $0x4;
	v6 =	vadd.s32 v3, v6  }
0x4b4: {  	v12 =	vnsel vm5, $0x63, v12;
	v9 =	vshll.u32 v9, $0x4;
	v7 =	vadd.s32 v3, v7  }
0x4b5: {  	v10 =	vnsel vm6, $0x63, v10;
	v12 =	vshll.u32 v12, $0x4;
	v9 =	vadd.s32 v3, v9  }
0x4b6: {  	[tilespmem:v4+s1+$0x0] =	vst.idx.add.s32.msk $0xffff, v2;
	v4 =	vnsel vm7, $0x63, v11;
	v10 =	vshll.u32 v10, $0x4;
	v11 =	vadd.s32 v3, v12  }
0x4b7: {  	[tilespmem:v5+s1+$0x0] =	vst.idx.add.s32.msk $0xffff, v2;
	v5 =	vnsel vm2, $0x63, v8;
	v4 =	vshll.u32 v4, $0x4;
	v8 =	vadd.s32 v3, v10  }
0x4b8: {  	v5 =	vshll.u32 v5, $0x4;
	v4 =	vadd.s32 v3, v4;
	[tilespmem:v6+s1+$0x0] =	vst.idx.add.s32.msk $0xffff, v2  }
0x4b9: {  	v5 =	vadd.s32 v3, v5;
	[tilespmem:v7+s1+$0x0] =	vst.idx.add.s32.msk $0xffff, v2  }
0x4ba: {  	[tilespmem:v9+s1+$0x0] =	vst.idx.add.s32.msk $0xffff, v2  }
0x4bb: {  	[tilespmem:v11+s1+$0x0] =	vst.idx.add.s32.msk $0xffff, v2  }
0x4bc: {  	[tilespmem:v8+s1+$0x0] =	vst.idx.add.s32.msk $0xffff, v2  }
0x4bd: {  	[tilespmem:v4+s1+$0x0] =	vst.idx.add.s32.msk $0xffff, v2  }
0x4be: {  	s5 =	simm.s32 $0x0;
	s6 =	simm.s32 $0x0;
	s7 =	simm.s32 $0x0;
	[tilespmem:v5+s1+$0x0] =	vst.idx.add.s32.msk $0xffff, v2  }
0x4bf: {  	s6 =	sand.u32 $0x7000, s6;
	s5 =	sand.u32 $0xC00, s5;
	_ =	swait.ge [sflag:s0], $0x8000  }
0x4c0: {  	s7 =	sand.u32 $0x380, s7;
	s5 =	sor.u32 s5, s6;
	[sflag:s0] =	ssyncset.done $0x0  }
0x4c1: {  	s5 =	sor.u32 s7, s5;
	[sflag:s0] =	ssyncadd.s32 $0xFFFF8000  }
0x4c2: {  	v4 =	vld [tilespmem:s5+$0x8070]  }
0x4c3: {  	v5 =	vld [tilespmem:s5+$0x8000]  }
0x4c4: {  	v6 =	vld [tilespmem:s5+$0x8010]  }
0x4c5: {  	v7 =	vld [tilespmem:s5+$0x8020]  }
0x4c6: {  	v8 =	vld [tilespmem:s5+$0x8030]  }
0x4c7: {  	v9 =	vld [tilespmem:s5+$0x8040]  }
0x4c8: {  	v10 =	vld [tilespmem:s5+$0x8050]  }
0x4c9: {  	v11 =	vld [tilespmem:s5+$0x8060]  }
0x4ca: {  	v4 =	vadd.f32 $1.280000000e+02, v4;
	v5 =	vadd.f32 $1.280000000e+02, v5  }
0x4cb: {  	v6 =	vadd.f32 $1.280000000e+02, v6;
	v7 =	vadd.f32 $1.280000000e+02, v7  }
0x4cc: {  	v8 =	vadd.f32 $1.280000000e+02, v8;
	v9 =	vadd.f32 $1.280000000e+02, v9;
	v4 =	vmul.f32 $3.921568690e-01, v4  }
0x4cd: {  	s26 =	simm.s32 $0x80;
	s5 =	simm.s32 $0x400;
	v10 =	vadd.f32 $1.280000000e+02, v10;
	v5 =	vmul.f32 $3.921568690e-01, v5;
	v6 =	vmul.f32 $3.921568690e-01, v6  }
0x4ce: {  	s8 =	simm.s32 $0x20;
	s6 =	sand.u32 $0x7000, s26;
	s28 =	sand.u32 $0xC00, s5;
	v11 =	vadd.f32 $1.280000000e+02, v11;
	v7 =	vmul.f32 $3.921568690e-01, v7;
	v8 =	vmul.f32 $3.921568690e-01, v8  }
0x4cf: {  	s8 =	sand.u32 $0x380, s8;
	s6 =	sor.u32 s28, s6;
	v9 =	vmul.f32 $3.921568690e-01, v9;
	v10 =	vmul.f32 $3.921568690e-01, v10  }
0x4d0: {  	s6 =	sor.u32 s8, s6;
	v11 =	vmul.f32 $3.921568690e-01, v11;
	v4 =	vtrunc.f32 v4  }
0x4d1: {  	v12 =	vld [tilespmem:s6+$0x8070];
	v5 =	vtrunc.f32 v5;
	v6 =	vtrunc.f32 v6  }
0x4d2: {  	v14 =	vld [tilespmem:s6+$0x8010];
	v7 =	vtrunc.f32 v7;
	v8 =	vtrunc.f32 v8  }
0x4d3: {  	v9 =	vtrunc.f32 v9;
	v10 =	vtrunc.f32 v10  }
0x4d4: {  	v11 =	vtrunc.f32 v11;
	v4 =	vcvt.f32.s32 v4  }
0x4d5: {  	v5 =	vcvt.f32.s32 v5;
	v6 =	vcvt.f32.s32 v6  }
0x4d6: {  	v12 =	vadd.f32 $1.280000000e+02, v12;
	v7 =	vcvt.f32.s32 v7;
	v8 =	vcvt.f32.s32 v8  }
0x4d7: {  	v14 =	vadd.f32 $1.280000000e+02, v14;
	v9 =	vcvt.f32.s32 v9;
	v10 =	vcvt.f32.s32 v10  }
0x4d8: {  	v11 =	vcvt.f32.s32 v11;
	v12 =	vmul.f32 $3.921568690e-01, v12;
	vm2 =	vlt.s32 v4, $0x63  }
0x4d9: {  	vm3 =	vlt.s32 v6, $0x63;
	vm12 =	vlt.s32 v7, $0x63;
	vm13 =	vlt.s32 v8, $0x63  }
0x4da: {  	vm14 =	vlt.s32 v9, $0x63;
	vm15 =	vlt.s32 v10, $0x63;
	v4 =	vnsel vm2, $0x63, v4  }
0x4db: {  	vm2 =	vlt.s32 v5, $0x63;
	v6 =	vnsel vm3, $0x63, v6;
	v7 =	vnsel vm12, $0x63, v7  }
0x4dc: {  	v13 =	vld [tilespmem:s6+$0x8000];
	v8 =	vnsel vm13, $0x63, v8;
	v9 =	vnsel vm14, $0x63, v9;
	v10 =	vnsel vm15, $0x63, v10  }
0x4dd: {  	v12 =	vtrunc.f32 v12;
	v4 =	vshll.u32 v4, $0x4;
	v5 =	vnsel vm2, $0x63, v5  }
0x4de: {  	v15 =	vld [tilespmem:s6+$0x8020];
	vm2 =	vlt.s32 v11, $0x63;
	v6 =	vshll.u32 v6, $0x4;
	v7 =	vshll.u32 v7, $0x4  }
0x4df: {  	v16 =	vld [tilespmem:s6+$0x8030];
	v8 =	vshll.u32 v8, $0x4;
	v9 =	vshll.u32 v9, $0x4;
	v11 =	vnsel vm2, $0x63, v11  }
0x4e0: {  	v4 =	vadd.s32 v3, v4;
	v5 =	vshll.u32 v5, $0x4;
	v17 =	vshll.u32 v11, $0x4;
	v11 =	vld [tilespmem:s6+$0x8040]  }
0x4e1: {  	v18 =	vadd.s32 v3, v6;
	v6 =	vadd.f32 $1.280000000e+02, v13;
	v13 =	vld [tilespmem:s6+$0x8050];
	v7 =	vadd.s32 v3, v7  }
0x4e2: {  	v19 =	vld [tilespmem:s6+$0x8060];
	v10 =	vshll.u32 v10, $0x4;
	v8 =	vadd.s32 v3, v8;
	v5 =	vadd.s32 v3, v5  }
0x4e3: {  	v20 =	vadd.s32 v3, v9;
	v9 =	vadd.f32 $1.280000000e+02, v15;
	v15 =	vadd.s32 v3, v10  }
0x4e4: {  	v10 =	vmul.f32 $3.921568690e-01, v14;
	v14 =	vadd.f32 $1.280000000e+02, v16;
	v6 =	vmul.f32 $3.921568690e-01, v6  }
0x4e5: {  	[tilespmem:v4+s1+$0x0] =	vst.idx.add.s32.msk $0xffff, v2;
	v4 =	vmul.f32 $3.921568690e-01, v9;
	v9 =	vadd.f32 $1.280000000e+02, v11;
	v11 =	vcvt.f32.s32 v12  }
0x4e6: {  	v6 =	vtrunc.f32 v6;
	[tilespmem:v7+s1+$0x0] =	vst.idx.add.s32.msk $0xffff, v2;
	v7 =	vtrunc.f32 v10;
	v12 =	vadd.f32 $1.280000000e+02, v13  }
0x4e7: {  	[tilespmem:v5+s1+$0x0] =	vst.idx.add.s32.msk $0xffff, v2;
	v5 =	vmul.f32 $3.921568690e-01, v14;
	v14 =	vadd.f32 $1.280000000e+02, v19;
	vm2 =	vlt.s32 v11, $0x63  }
0x4e8: {  	[tilespmem:v18+s1+$0x0] =	vst.idx.add.s32.msk $0xffff, v2;
	v13 =	vmul.f32 $3.921568690e-01, v9;
	v63 =	vmul.f32 $3.921568690e-01, v12;
	v10 =	vnsel vm2, $0x63, v11  }
0x4e9: {  	[tilespmem:v8+s1+$0x0] =	vst.idx.add.s32.msk $0xffff, v2;
	v9 =	vtrunc.f32 v4;
	v8 =	vmul.f32 $3.921568690e-01, v14;
	v4 =	vshll.u32 v10, $0x4  }
0x4ea: {  	[tilespmem:v20+s1+$0x0] =	vst.idx.add.s32.msk $0xffff, v2;
	v12 =	vtrunc.f32 v5;
	v10 =	vtrunc.f32 v13;
	v4 =	vadd.s32 v3, v4  }
0x4eb: {  	s6 =	simm.s32 $0x8;
	[tilespmem:v15+s1+$0x0] =	vst.idx.add.s32.msk $0xffff, v2;
	v5 =	vadd.s32 v3, v17;
	v11 =	vtrunc.f32 v63;
	v8 =	vtrunc.f32 v8  }
.LBB2_34:
0x4ec: {  	s6 =	sadd.s32 $0x8, s6;
	v6 =	vcvt.f32.s32 v6;
	v7 =	vcvt.f32.s32 v7  }
0x4ed: {  	v9 =	vcvt.f32.s32 v9;
	v12 =	vcvt.f32.s32 v12;
	s5 =	sadd.s32 $0x400, s5;
	s7 =	sshll.u32 s6, $0x4;
	p0 =	slt.u32 s6, $0x7F8  }
0x4ee: {  	v10 =	vcvt.f32.s32 v10;
	v11 =	vcvt.f32.s32 v11;
	s8 =	sand.u32 $0xC00, s5;
	s9 =	sshll.u32 s6, $0x2;
	s7 =	sand.u32 $0x7000, s7;
	vm2 =	vlt.s32 v6, $0x63  }
0x4ef: {  	v8 =	vcvt.f32.s32 v8;
	s9 =	sand.u32 $0x380, s9;
	vm3 =	vlt.s32 v7, $0x63;
	vm4 =	vlt.s32 v9, $0x63;
	s7 =	sor.u32 s8, s7;
	[tilespmem:v4+s1+$0x0] =	vst.idx.add.s32.msk $0xffff, v2  }
0x4f0: {  	vm5 =	vlt.s32 v12, $0x63;
	vm6 =	vlt.s32 v10, $0x63;
	vm7 =	vlt.s32 v11, $0x63;
	s7 =	sor.u32 s9, s7;
	[tilespmem:v5+s1+$0x0] =	vst.idx.add.s32.msk $0xffff, v2  }
0x4f1: {  	v5 =	vnsel vm2, $0x63, v6;
	v6 =	vnsel vm3, $0x63, v7;
	vm2 =	vlt.s32 v8, $0x63;
	v4 =	vld [tilespmem:s7+$0x8070]  }
0x4f2: {  	v9 =	vnsel vm4, $0x63, v9;
	v12 =	vnsel vm5, $0x63, v12;
	v10 =	vnsel vm6, $0x63, v10;
	v7 =	vld [tilespmem:s7+$0x8000]  }
0x4f3: {  	v11 =	vnsel vm7, $0x63, v11;
	v5 =	vshll.u32 v5, $0x4;
	v8 =	vnsel vm2, $0x63, v8;
	v13 =	vld [tilespmem:s7+$0x8010]  }
0x4f4: {  	v9 =	vshll.u32 v9, $0x4;
	v12 =	vshll.u32 v12, $0x4;
	v6 =	vshll.u32 v6, $0x4;
	v14 =	vld [tilespmem:s7+$0x8020]  }
0x4f5: {  	v10 =	vshll.u32 v10, $0x4;
	v11 =	vshll.u32 v11, $0x4;
	v16 =	vshll.u32 v8, $0x4;
	v15 =	vld [tilespmem:s7+$0x8030]  }
0x4f6: {  	v5 =	vadd.s32 v3, v5;
	v17 =	vadd.s32 v3, v6;
	v8 =	vld [tilespmem:s7+$0x8040];
	v4 =	vadd.f32 $1.280000000e+02, v4  }
0x4f7: {  	v9 =	vadd.s32 v3, v9;
	v12 =	vadd.s32 v3, v12;
	v6 =	vadd.f32 $1.280000000e+02, v7;
	v7 =	vld [tilespmem:s7+$0x8050]  }
0x4f8: {  	v10 =	vadd.s32 v3, v10;
	v13 =	vadd.f32 $1.280000000e+02, v13;
	v18 =	vld [tilespmem:s7+$0x8060];
	v4 =	vmul.f32 $3.921568690e-01, v4  }
0x4f9: {  	v11 =	vadd.s32 v3, v11;
	v6 =	vmul.f32 $3.921568690e-01, v6;
	v14 =	vadd.f32 $1.280000000e+02, v14  }
0x4fa: {  	v13 =	vmul.f32 $3.921568690e-01, v13;
	v15 =	vadd.f32 $1.280000000e+02, v15;
	v4 =	vtrunc.f32 v4  }
0x4fb: {  	v14 =	vmul.f32 $3.921568690e-01, v14;
	v8 =	vadd.f32 $1.280000000e+02, v8;
	v4 =	vcvt.f32.s32 v4;
	[tilespmem:v5+s1+$0x0] =	vst.idx.add.s32.msk $0xffff, v2  }
0x4fc: {  	v6 =	vtrunc.f32 v6;
	v5 =	vmul.f32 $3.921568690e-01, v15;
	v15 =	vadd.f32 $1.280000000e+02, v7;
	[tilespmem:v17+s1+$0x0] =	vst.idx.add.s32.msk $0xffff, v2  }
.Ltmp16:
0x4fd: {  	v8 =	vmul.f32 $3.921568690e-01, v8;
	v17 =	vadd.f32 $1.280000000e+02, v18;
	vm2 =	vlt.s32 v4, $0x63;
	[tilespmem:v9+s1+$0x0] =	vst.idx.add.s32.msk $0xffff, v2;
	(pc) =	sbr.rel @p0 .LBB2_34-.Ltmp16, $4  }
0x4fe: {  	v7 =	vtrunc.f32 v13;
	v13 =	vmul.f32 $3.921568690e-01, v15;
	v4 =	vnsel vm2, $0x63, v4;
	[tilespmem:v12+s1+$0x0] =	vst.idx.add.s32.msk $0xffff, v2  }
0x4ff: {  	v9 =	vtrunc.f32 v14;
	v14 =	vmul.f32 $3.921568690e-01, v17;
	v4 =	vshll.u32 v4, $0x4;
	[tilespmem:v10+s1+$0x0] =	vst.idx.add.s32.msk $0xffff, v2  }
0x500: {  	v12 =	vtrunc.f32 v5;
	v10 =	vtrunc.f32 v8;
	v4 =	vadd.s32 v3, v4;
	[tilespmem:v11+s1+$0x0] =	vst.idx.add.s32.msk $0xffff, v2  }
0x501: {  	v5 =	vadd.s32 v3, v16;
	v11 =	vtrunc.f32 v13;
	v8 =	vtrunc.f32 v14  }
0x502: {  	v6 =	vcvt.f32.s32 v6  }
0x503: {  	v7 =	vcvt.f32.s32 v7;
	v9 =	vcvt.f32.s32 v9  }
0x504: {  	v12 =	vcvt.f32.s32 v12;
	v10 =	vcvt.f32.s32 v10  }
0x505: {  	v11 =	vcvt.f32.s32 v11;
	v8 =	vcvt.f32.s32 v8;
	vm2 =	vlt.s32 v6, $0x63  }
0x506: {  	vm3 =	vlt.s32 v7, $0x63;
	vm4 =	vlt.s32 v9, $0x63;
	vm5 =	vlt.s32 v12, $0x63  }
0x507: {  	vm6 =	vlt.s32 v10, $0x63;
	vm7 =	vlt.s32 v11, $0x63;
	v6 =	vnsel vm2, $0x63, v6  }
0x508: {  	v7 =	vnsel vm3, $0x63, v7;
	vm2 =	vlt.s32 v8, $0x63;
	v6 =	vshll.u32 v6, $0x4  }
0x509: {  	v9 =	vnsel vm4, $0x63, v9;
	v7 =	vshll.u32 v7, $0x4;
	v6 =	vadd.s32 v3, v6  }
0x50a: {  	v12 =	vnsel vm5, $0x63, v12;
	v9 =	vshll.u32 v9, $0x4;
	v7 =	vadd.s32 v3, v7  }
0x50b: {  	v10 =	vnsel vm6, $0x63, v10;
	v12 =	vshll.u32 v12, $0x4;
	v9 =	vadd.s32 v3, v9  }
0x50c: {  	[tilespmem:v4+s1+$0x0] =	vst.idx.add.s32.msk $0xffff, v2;
	v4 =	vnsel vm7, $0x63, v11;
	v10 =	vshll.u32 v10, $0x4;
	v11 =	vadd.s32 v3, v12  }
0x50d: {  	[tilespmem:v5+s1+$0x0] =	vst.idx.add.s32.msk $0xffff, v2;
	v5 =	vnsel vm2, $0x63, v8;
	v4 =	vshll.u32 v4, $0x4;
	v8 =	vadd.s32 v3, v10  }
0x50e: {  	v5 =	vshll.u32 v5, $0x4;
	v4 =	vadd.s32 v3, v4;
	[tilespmem:v6+s1+$0x0] =	vst.idx.add.s32.msk $0xffff, v2  }
0x50f: {  	v3 =	vadd.s32 v3, v5;
	[tilespmem:v7+s1+$0x0] =	vst.idx.add.s32.msk $0xffff, v2  }
0x510: {  	[tilespmem:v9+s1+$0x0] =	vst.idx.add.s32.msk $0xffff, v2  }
0x511: {  	[tilespmem:v11+s1+$0x0] =	vst.idx.add.s32.msk $0xffff, v2  }
0x512: {  	[tilespmem:v8+s1+$0x0] =	vst.idx.add.s32.msk $0xffff, v2  }
0x513: {  	[tilespmem:v4+s1+$0x0] =	vst.idx.add.s32.msk $0xffff, v2  }
0x514: {  	[tilespmem:v3+s1+$0x0] =	vst.idx.add.s32.msk $0xffff, v2  }
0x515: {  	s5 =	simm.s32 $0x0;
	s6 =	rddreg [dreg:$0x12]  }
0x516: {  	[tilespmem:s5], [sflag:$0x1] =	stream.linear.gather [hbm4b:s6+s5], $0x8000, $0x38;
	[tilespmem:$0x11880] =	vst v63  }
0x517: {  	s25 =	simm.s32 $0x0;
	s7 =	simm.s32 $0x0;
	s24 =	rddreg [dreg:$0x13]  }
0x518: {  	[tilespmem:s30], [sflag:$0x2] =	stream.linear.gather [hbm4b:s24+s5], $0x8000, $0x38;
	[tilespmem:$0x11880] =	vst v63  }
0x519: {  	s6 =	sand.u32 $0x7000, s25;
	s5 =	sand.u32 $0xC00, s5;
	_ =	swait.ge [sflag:s31], $0x8000  }
0x51a: {  	s7 =	sand.u32 $0x380, s7;
	s5 =	sor.u32 s5, s6;
	[sflag:s31] =	ssyncset.done $0x0  }
0x51b: {  	s5 =	sor.u32 s7, s5;
	[sflag:s31] =	ssyncadd.s32 $0xFFFF8000  }
0x51c: {  	v3 =	vld [tilespmem:s5+$0x70]  }
0x51d: {  	v4 =	vld [tilespmem:s5+$0x0]  }
0x51e: {  	v5 =	vld [tilespmem:s5+$0x10]  }
0x51f: {  	v6 =	vld [tilespmem:s5+$0x20]  }
0x520: {  	v7 =	vld [tilespmem:s5+$0x30]  }
0x521: {  	v8 =	vld [tilespmem:s5+$0x40]  }
0x522: {  	v9 =	vld [tilespmem:s5+$0x50]  }
0x523: {  	v10 =	vld [tilespmem:s5+$0x60]  }
0x524: {  	v3 =	vadd.f32 $1.280000000e+02, v3;
	v4 =	vadd.f32 $1.280000000e+02, v4  }
0x525: {  	v5 =	vadd.f32 $1.280000000e+02, v5;
	v6 =	vadd.f32 $1.280000000e+02, v6  }
0x526: {  	v7 =	vadd.f32 $1.280000000e+02, v7;
	v8 =	vadd.f32 $1.280000000e+02, v8  }
0x527: {  	s26 =	simm.s32 $0x80;
	s5 =	simm.s32 $0x400;
	v9 =	vadd.f32 $1.280000000e+02, v9;
	v3 =	vmul.f32 $3.921568690e-01, v3;
	v4 =	vmul.f32 $3.921568690e-01, v4  }
0x528: {  	s8 =	simm.s32 $0x20;
	s6 =	sand.u32 $0x7000, s26;
	s28 =	sand.u32 $0xC00, s5;
	v10 =	vadd.f32 $1.280000000e+02, v10;
	v5 =	vmul.f32 $3.921568690e-01, v5;
	v6 =	vmul.f32 $3.921568690e-01, v6  }
0x529: {  	s8 =	sand.u32 $0x380, s8;
	s6 =	sor.u32 s28, s6;
	v7 =	vmul.f32 $3.921568690e-01, v7;
	v8 =	vmul.f32 $3.921568690e-01, v8  }
0x52a: {  	s6 =	sor.u32 s8, s6;
	v9 =	vmul.f32 $3.921568690e-01, v9;
	v10 =	vmul.f32 $3.921568690e-01, v10  }
0x52b: {  	v12 =	vld [tilespmem:s6+$0x70];
	v3 =	vtrunc.f32 v3;
	v4 =	vtrunc.f32 v4  }
0x52c: {  	v14 =	vld [tilespmem:s6+$0x10];
	v5 =	vtrunc.f32 v5;
	v6 =	vtrunc.f32 v6  }
0x52d: {  	v15 =	vld [tilespmem:s6+$0x20];
	v7 =	vtrunc.f32 v7;
	v8 =	vtrunc.f32 v8  }
0x52e: {  	v17 =	vld [tilespmem:s6+$0x30];
	v9 =	vtrunc.f32 v9;
	v10 =	vtrunc.f32 v10  }
0x52f: {  	v3 =	vcvt.f32.s32 v3;
	v4 =	vcvt.f32.s32 v4  }
0x530: {  	v12 =	vadd.f32 $1.280000000e+02, v12;
	v5 =	vcvt.f32.s32 v5;
	v6 =	vcvt.f32.s32 v6  }
0x531: {  	v14 =	vadd.f32 $1.280000000e+02, v14;
	v7 =	vcvt.f32.s32 v7;
	v8 =	vcvt.f32.s32 v8  }
0x532: {  	v15 =	vadd.f32 $1.280000000e+02, v15;
	v9 =	vcvt.f32.s32 v9;
	v10 =	vcvt.f32.s32 v10  }
0x533: {  	v17 =	vadd.f32 $1.280000000e+02, v17;
	v12 =	vmul.f32 $3.921568690e-01, v12;
	v14 =	vmul.f32 $3.921568690e-01, v14  }
0x534: {  	v15 =	vmul.f32 $3.921568690e-01, v15;
	vm2 =	vlt.s32 v3, $0x63;
	vm3 =	vlt.s32 v5, $0x63  }
0x535: {  	v13 =	vld [tilespmem:s6+$0x0];
	vm12 =	vlt.s32 v6, $0x63;
	vm13 =	vlt.s32 v7, $0x63;
	vm14 =	vlt.s32 v8, $0x63  }
0x536: {  	vm15 =	vlt.s32 v10, $0x63;
	v11 =	vnsel vm2, $0x63, v3;
	v3 =	vor.u32 $0x1000, v1  }
0x537: {  	vm2 =	vlt.s32 v4, $0x63;
	v5 =	vnsel vm3, $0x63, v5;
	v6 =	vnsel vm12, $0x63, v6  }
0x538: {  	v7 =	vnsel vm13, $0x63, v7;
	v10 =	vnsel vm15, $0x63, v10;
	v4 =	vnsel vm2, $0x63, v4  }
0x539: {  	vm2 =	vlt.s32 v9, $0x63;
	v16 =	vshll.u32 v5, $0x4;
	v4 =	vshll.u32 v4, $0x4  }
0x53a: {  	v5 =	vshll.u32 v10, $0x4;
	v10 =	vadd.f32 $1.280000000e+02, v13;
	v13 =	vld [tilespmem:s6+$0x50];
	v4 =	vadd.s32 v3, v4  }
0x53b: {  	v8 =	vnsel vm14, $0x63, v8;
	v11 =	vshll.u32 v11, $0x4;
	v9 =	vnsel vm2, $0x63, v9  }
0x53c: {  	v12 =	vtrunc.f32 v12;
	v11 =	vadd.s32 v3, v11;
	v18 =	vshll.u32 v9, $0x4;
	v9 =	vld [tilespmem:s6+$0x40]  }
0x53d: {  	v19 =	vld [tilespmem:s6+$0x60];
	v6 =	vshll.u32 v6, $0x4;
	v7 =	vshll.u32 v7, $0x4;
	v16 =	vadd.s32 v3, v16  }
0x53e: {  	v8 =	vshll.u32 v8, $0x4;
	v6 =	vadd.s32 v3, v6;
	v10 =	vmul.f32 $3.921568690e-01, v10  }
0x53f: {  	v12 =	vcvt.f32.s32 v12;
	v7 =	vadd.s32 v3, v7;
	[tilespmem:v4+s1+$0x0] =	vst.idx.add.s32.msk $0xffff, v2;
	v4 =	vadd.f32 $1.280000000e+02, v13  }
0x540: {  	v20 =	vadd.s32 v3, v8;
	v8 =	vtrunc.f32 v10;
	v10 =	vmul.f32 $3.921568690e-01, v17  }
0x541: {  	vm2 =	vlt.s32 v12, $0x63;
	[tilespmem:v11+s1+$0x0] =	vst.idx.add.s32.msk $0xffff, v2;
	v9 =	vadd.f32 $1.280000000e+02, v9;
	v4 =	vmul.f32 $3.921568690e-01, v4  }
0x542: {  	v12 =	vnsel vm2, $0x63, v12;
	v11 =	vadd.f32 $1.280000000e+02, v19;
	[tilespmem:v16+s1+$0x0] =	vst.idx.add.s32.msk $0xffff, v2;
	v10 =	vtrunc.f32 v10  }
0x543: {  	[tilespmem:v6+s1+$0x0] =	vst.idx.add.s32.msk $0xffff, v2;
	v6 =	vshll.u32 v12, $0x4;
	v13 =	vtrunc.f32 v15;
	v63 =	vmul.f32 $3.921568690e-01, v9  }
0x544: {  	[tilespmem:v7+s1+$0x0] =	vst.idx.add.s32.msk $0xffff, v2;
	v7 =	vadd.s32 v3, v6;
	v9 =	vtrunc.f32 v14;
	v14 =	vmul.f32 $3.921568690e-01, v11  }
0x545: {  	s6 =	simm.s32 $0x8;
	[tilespmem:v20+s1+$0x0] =	vst.idx.add.s32.msk $0xffff, v2;
	v6 =	vadd.s32 v3, v18;
	v12 =	vtrunc.f32 v63;
	v11 =	vtrunc.f32 v4;
	v4 =	vmovc v3  }
.LBB2_36:
0x546: {  	s6 =	sadd.s32 $0x8, s6;
	v8 =	vcvt.f32.s32 v8;
	v14 =	vtrunc.f32 v14;
	v15 =	vadd.s32 v4, v5;
	v4 =	vmovc v3  }
0x547: {  	v5 =	vcvt.f32.s32 v9;
	v9 =	vcvt.f32.s32 v13;
	s5 =	sadd.s32 $0x400, s5;
	s7 =	sshll.u32 s6, $0x4;
	p0 =	slt.u32 s6, $0x7F8  }
0x548: {  	v10 =	vcvt.f32.s32 v10;
	v12 =	vcvt.f32.s32 v12;
	s8 =	sand.u32 $0xC00, s5;
	s9 =	sshll.u32 s6, $0x2;
	s7 =	sand.u32 $0x7000, s7;
	vm2 =	vlt.s32 v8, $0x63  }
0x549: {  	v11 =	vcvt.f32.s32 v11;
	v13 =	vcvt.f32.s32 v14;
	s9 =	sand.u32 $0x380, s9;
	vm3 =	vlt.s32 v5, $0x63;
	s7 =	sor.u32 s8, s7;
	[tilespmem:v7+s1+$0x0] =	vst.idx.add.s32.msk $0xffff, v2  }
0x54a: {  	vm4 =	vlt.s32 v9, $0x63;
	vm5 =	vlt.s32 v10, $0x63;
	vm6 =	vlt.s32 v12, $0x63;
	s7 =	sor.u32 s9, s7;
	[tilespmem:v6+s1+$0x0] =	vst.idx.add.s32.msk $0xffff, v2  }
0x54b: {  	v7 =	vnsel vm2, $0x63, v8;
	vm2 =	vlt.s32 v11, $0x63;
	vm7 =	vlt.s32 v13, $0x63;
	v6 =	vld [tilespmem:s7+$0x70]  }
0x54c: {  	v5 =	vnsel vm3, $0x63, v5;
	v9 =	vnsel vm4, $0x63, v9;
	v10 =	vnsel vm5, $0x63, v10;
	v8 =	vld [tilespmem:s7+$0x0]  }
0x54d: {  	v12 =	vnsel vm6, $0x63, v12;
	v11 =	vnsel vm2, $0x63, v11;
	v13 =	vnsel vm7, $0x63, v13;
	v14 =	vld [tilespmem:s7+$0x10]  }
0x54e: {  	v7 =	vshll.u32 v7, $0x4;
	v17 =	vshll.u32 v5, $0x4;
	v9 =	vshll.u32 v9, $0x4;
	v16 =	vld [tilespmem:s7+$0x20]  }
0x54f: {  	v10 =	vshll.u32 v10, $0x4;
	v12 =	vshll.u32 v12, $0x4;
	v19 =	vshll.u32 v11, $0x4;
	v18 =	vld [tilespmem:s7+$0x30]  }
0x550: {  	v7 =	vadd.s32 v4, v7;
	v5 =	vshll.u32 v13, $0x4;
	v11 =	vld [tilespmem:s7+$0x40];
	v6 =	vadd.f32 $1.280000000e+02, v6  }
0x551: {  	v17 =	vadd.s32 v4, v17;
	v9 =	vadd.s32 v4, v9;
	v8 =	vadd.f32 $1.280000000e+02, v8;
	v13 =	vld [tilespmem:s7+$0x50]  }
0x552: {  	v10 =	vadd.s32 v4, v10;
	v14 =	vadd.f32 $1.280000000e+02, v14;
	v20 =	vld [tilespmem:s7+$0x60];
	v6 =	vmul.f32 $3.921568690e-01, v6  }
0x553: {  	v12 =	vadd.s32 v4, v12;
	v8 =	vmul.f32 $3.921568690e-01, v8;
	v16 =	vadd.f32 $1.280000000e+02, v16;
	[tilespmem:v15+s1+$0x0] =	vst.idx.add.s32.msk $0xffff, v2  }
0x554: {  	v14 =	vmul.f32 $3.921568690e-01, v14;
	v15 =	vadd.f32 $1.280000000e+02, v18;
	v6 =	vtrunc.f32 v6  }
0x555: {  	v16 =	vmul.f32 $3.921568690e-01, v16;
	v11 =	vadd.f32 $1.280000000e+02, v11;
	v6 =	vcvt.f32.s32 v6;
	[tilespmem:v7+s1+$0x0] =	vst.idx.add.s32.msk $0xffff, v2  }
0x556: {  	v8 =	vtrunc.f32 v8;
	v7 =	vmul.f32 $3.921568690e-01, v15;
	v13 =	vadd.f32 $1.280000000e+02, v13;
	[tilespmem:v17+s1+$0x0] =	vst.idx.add.s32.msk $0xffff, v2  }
.Ltmp17:
0x557: {  	v11 =	vmul.f32 $3.921568690e-01, v11;
	v15 =	vadd.f32 $1.280000000e+02, v20;
	vm2 =	vlt.s32 v6, $0x63;
	[tilespmem:v9+s1+$0x0] =	vst.idx.add.s32.msk $0xffff, v2;
	(pc) =	sbr.rel @p0 .LBB2_36-.Ltmp17, $4  }
0x558: {  	v9 =	vtrunc.f32 v14;
	v17 =	vmul.f32 $3.921568690e-01, v13;
	v6 =	vnsel vm2, $0x63, v6;
	[tilespmem:v10+s1+$0x0] =	vst.idx.add.s32.msk $0xffff, v2  }
0x559: {  	v14 =	vmul.f32 $3.921568690e-01, v15;
	v6 =	vshll.u32 v6, $0x4;
	[tilespmem:v12+s1+$0x0] =	vst.idx.add.s32.msk $0xffff, v2  }
0x55a: {  	v13 =	vtrunc.f32 v16;
	v10 =	vtrunc.f32 v7;
	v7 =	vadd.s32 v3, v6  }
0x55b: {  	v12 =	vtrunc.f32 v11;
	v11 =	vtrunc.f32 v17;
	v6 =	vadd.s32 v4, v19  }
0x55c: {  	v8 =	vcvt.f32.s32 v8;
	v14 =	vtrunc.f32 v14  }
0x55d: {  	v4 =	vadd.s32 v4, v5;
	v5 =	vcvt.f32.s32 v9;
	v9 =	vcvt.f32.s32 v13  }
0x55e: {  	v10 =	vcvt.f32.s32 v10;
	v12 =	vcvt.f32.s32 v12  }
0x55f: {  	v11 =	vcvt.f32.s32 v11;
	v13 =	vcvt.f32.s32 v14;
	vm2 =	vlt.s32 v8, $0x63  }
0x560: {  	vm3 =	vlt.s32 v5, $0x63;
	vm4 =	vlt.s32 v9, $0x63;
	vm5 =	vlt.s32 v10, $0x63  }
0x561: {  	vm6 =	vlt.s32 v12, $0x63;
	v8 =	vnsel vm2, $0x63, v8;
	vm2 =	vlt.s32 v11, $0x63  }
0x562: {  	vm7 =	vlt.s32 v13, $0x63;
	v5 =	vnsel vm3, $0x63, v5;
	v8 =	vshll.u32 v8, $0x4  }
0x563: {  	v9 =	vnsel vm4, $0x63, v9;
	v5 =	vshll.u32 v5, $0x4;
	v8 =	vadd.s32 v3, v8  }
0x564: {  	v10 =	vnsel vm5, $0x63, v10;
	v9 =	vshll.u32 v9, $0x4;
	v5 =	vadd.s32 v3, v5  }
0x565: {  	[tilespmem:v7+s1+$0x0] =	vst.idx.add.s32.msk $0xffff, v2;
	v7 =	vnsel vm6, $0x63, v12;
	v10 =	vshll.u32 v10, $0x4;
	v9 =	vadd.s32 v3, v9  }
0x566: {  	[tilespmem:v6+s1+$0x0] =	vst.idx.add.s32.msk $0xffff, v2;
	v6 =	vnsel vm2, $0x63, v11;
	v7 =	vshll.u32 v7, $0x4;
	v10 =	vadd.s32 v3, v10  }
0x567: {  	v11 =	vnsel vm7, $0x63, v13;
	v6 =	vshll.u32 v6, $0x4;
	v7 =	vadd.s32 v3, v7;
	[tilespmem:v4+s1+$0x0] =	vst.idx.add.s32.msk $0xffff, v2  }
0x568: {  	v4 =	vshll.u32 v11, $0x4;
	v6 =	vadd.s32 v3, v6;
	[tilespmem:v8+s1+$0x0] =	vst.idx.add.s32.msk $0xffff, v2  }
0x569: {  	v4 =	vadd.s32 v3, v4;
	[tilespmem:v5+s1+$0x0] =	vst.idx.add.s32.msk $0xffff, v2  }
0x56a: {  	[tilespmem:v9+s1+$0x0] =	vst.idx.add.s32.msk $0xffff, v2  }
0x56b: {  	[tilespmem:v10+s1+$0x0] =	vst.idx.add.s32.msk $0xffff, v2  }
0x56c: {  	[tilespmem:v7+s1+$0x0] =	vst.idx.add.s32.msk $0xffff, v2  }
0x56d: {  	[tilespmem:v6+s1+$0x0] =	vst.idx.add.s32.msk $0xffff, v2  }
0x56e: {  	s5 =	simm.s32 $0x0;
	[tilespmem:v4+s1+$0x0] =	vst.idx.add.s32.msk $0xffff, v2  }
0x56f: {  	s25 =	simm.s32 $0x0;
	s7 =	simm.s32 $0x0;
	s6 =	rddreg [dreg:$0x14]  }
0x570: {  	[tilespmem:s5], [sflag:$0x1] =	stream.linear.gather [hbm4b:s6+s5], $0x8000, $0x38;
	[tilespmem:$0x11880] =	vst v63  }
0x571: {  	s6 =	sand.u32 $0x7000, s25;
	s5 =	sand.u32 $0xC00, s5;
	_ =	swait.ge [sflag:s0], $0x8000  }
0x572: {  	s7 =	sand.u32 $0x380, s7;
	s5 =	sor.u32 s5, s6;
	[sflag:s0] =	ssyncset.done $0x0  }
0x573: {  	s5 =	sor.u32 s7, s5;
	[sflag:s0] =	ssyncadd.s32 $0xFFFF8000  }
0x574: {  	v4 =	vld [tilespmem:s5+$0x8070]  }
0x575: {  	v5 =	vld [tilespmem:s5+$0x8000]  }
0x576: {  	v6 =	vld [tilespmem:s5+$0x8010]  }
0x577: {  	v7 =	vld [tilespmem:s5+$0x8020]  }
0x578: {  	v8 =	vld [tilespmem:s5+$0x8030]  }
0x579: {  	v9 =	vld [tilespmem:s5+$0x8040]  }
0x57a: {  	v10 =	vld [tilespmem:s5+$0x8050]  }
0x57b: {  	v11 =	vld [tilespmem:s5+$0x8060]  }
0x57c: {  	v4 =	vadd.f32 $1.280000000e+02, v4;
	v5 =	vadd.f32 $1.280000000e+02, v5  }
0x57d: {  	v6 =	vadd.f32 $1.280000000e+02, v6;
	v7 =	vadd.f32 $1.280000000e+02, v7  }
0x57e: {  	v8 =	vadd.f32 $1.280000000e+02, v8;
	v9 =	vadd.f32 $1.280000000e+02, v9;
	v4 =	vmul.f32 $3.921568690e-01, v4  }
0x57f: {  	s26 =	simm.s32 $0x80;
	s5 =	simm.s32 $0x400;
	v10 =	vadd.f32 $1.280000000e+02, v10;
	v5 =	vmul.f32 $3.921568690e-01, v5;
	v6 =	vmul.f32 $3.921568690e-01, v6  }
0x580: {  	s8 =	simm.s32 $0x20;
	s6 =	sand.u32 $0x7000, s26;
	s28 =	sand.u32 $0xC00, s5;
	v11 =	vadd.f32 $1.280000000e+02, v11;
	v7 =	vmul.f32 $3.921568690e-01, v7;
	v8 =	vmul.f32 $3.921568690e-01, v8  }
0x581: {  	s8 =	sand.u32 $0x380, s8;
	s6 =	sor.u32 s28, s6;
	v9 =	vmul.f32 $3.921568690e-01, v9;
	v10 =	vmul.f32 $3.921568690e-01, v10  }
0x582: {  	s6 =	sor.u32 s8, s6;
	v11 =	vmul.f32 $3.921568690e-01, v11;
	v4 =	vtrunc.f32 v4  }
0x583: {  	v12 =	vld [tilespmem:s6+$0x8070];
	v5 =	vtrunc.f32 v5;
	v6 =	vtrunc.f32 v6  }
0x584: {  	v14 =	vld [tilespmem:s6+$0x8010];
	v7 =	vtrunc.f32 v7;
	v8 =	vtrunc.f32 v8  }
0x585: {  	v9 =	vtrunc.f32 v9;
	v10 =	vtrunc.f32 v10  }
0x586: {  	v11 =	vtrunc.f32 v11;
	v4 =	vcvt.f32.s32 v4  }
0x587: {  	v5 =	vcvt.f32.s32 v5;
	v6 =	vcvt.f32.s32 v6  }
0x588: {  	v12 =	vadd.f32 $1.280000000e+02, v12;
	v7 =	vcvt.f32.s32 v7;
	v8 =	vcvt.f32.s32 v8  }
0x589: {  	v14 =	vadd.f32 $1.280000000e+02, v14;
	v9 =	vcvt.f32.s32 v9;
	v10 =	vcvt.f32.s32 v10  }
0x58a: {  	v11 =	vcvt.f32.s32 v11;
	v12 =	vmul.f32 $3.921568690e-01, v12;
	vm2 =	vlt.s32 v4, $0x63  }
0x58b: {  	vm3 =	vlt.s32 v6, $0x63;
	vm12 =	vlt.s32 v7, $0x63;
	vm13 =	vlt.s32 v8, $0x63  }
0x58c: {  	vm14 =	vlt.s32 v9, $0x63;
	vm15 =	vlt.s32 v10, $0x63;
	v4 =	vnsel vm2, $0x63, v4  }
0x58d: {  	vm2 =	vlt.s32 v5, $0x63;
	v6 =	vnsel vm3, $0x63, v6;
	v7 =	vnsel vm12, $0x63, v7  }
0x58e: {  	v13 =	vld [tilespmem:s6+$0x8000];
	v8 =	vnsel vm13, $0x63, v8;
	v9 =	vnsel vm14, $0x63, v9;
	v10 =	vnsel vm15, $0x63, v10  }
0x58f: {  	v12 =	vtrunc.f32 v12;
	v4 =	vshll.u32 v4, $0x4;
	v5 =	vnsel vm2, $0x63, v5  }
0x590: {  	v15 =	vld [tilespmem:s6+$0x8020];
	vm2 =	vlt.s32 v11, $0x63;
	v6 =	vshll.u32 v6, $0x4;
	v7 =	vshll.u32 v7, $0x4  }
0x591: {  	v16 =	vld [tilespmem:s6+$0x8030];
	v8 =	vshll.u32 v8, $0x4;
	v9 =	vshll.u32 v9, $0x4;
	v11 =	vnsel vm2, $0x63, v11  }
0x592: {  	v4 =	vadd.s32 v3, v4;
	v5 =	vshll.u32 v5, $0x4;
	v17 =	vshll.u32 v11, $0x4;
	v11 =	vld [tilespmem:s6+$0x8040]  }
0x593: {  	v18 =	vadd.s32 v3, v6;
	v6 =	vadd.f32 $1.280000000e+02, v13;
	v13 =	vld [tilespmem:s6+$0x8050];
	v7 =	vadd.s32 v3, v7  }
0x594: {  	v19 =	vld [tilespmem:s6+$0x8060];
	v10 =	vshll.u32 v10, $0x4;
	v8 =	vadd.s32 v3, v8;
	v5 =	vadd.s32 v3, v5  }
0x595: {  	v20 =	vadd.s32 v3, v9;
	v9 =	vadd.f32 $1.280000000e+02, v15;
	v15 =	vadd.s32 v3, v10  }
0x596: {  	v10 =	vmul.f32 $3.921568690e-01, v14;
	v14 =	vadd.f32 $1.280000000e+02, v16;
	v6 =	vmul.f32 $3.921568690e-01, v6  }
0x597: {  	[tilespmem:v4+s1+$0x0] =	vst.idx.add.s32.msk $0xffff, v2;
	v4 =	vmul.f32 $3.921568690e-01, v9;
	v9 =	vadd.f32 $1.280000000e+02, v11;
	v11 =	vcvt.f32.s32 v12  }
0x598: {  	v6 =	vtrunc.f32 v6;
	[tilespmem:v7+s1+$0x0] =	vst.idx.add.s32.msk $0xffff, v2;
	v7 =	vtrunc.f32 v10;
	v12 =	vadd.f32 $1.280000000e+02, v13  }
0x599: {  	[tilespmem:v5+s1+$0x0] =	vst.idx.add.s32.msk $0xffff, v2;
	v5 =	vmul.f32 $3.921568690e-01, v14;
	v14 =	vadd.f32 $1.280000000e+02, v19;
	vm2 =	vlt.s32 v11, $0x63  }
0x59a: {  	[tilespmem:v18+s1+$0x0] =	vst.idx.add.s32.msk $0xffff, v2;
	v13 =	vmul.f32 $3.921568690e-01, v9;
	v63 =	vmul.f32 $3.921568690e-01, v12;
	v10 =	vnsel vm2, $0x63, v11  }
0x59b: {  	[tilespmem:v8+s1+$0x0] =	vst.idx.add.s32.msk $0xffff, v2;
	v9 =	vtrunc.f32 v4;
	v8 =	vmul.f32 $3.921568690e-01, v14;
	v4 =	vshll.u32 v10, $0x4  }
0x59c: {  	[tilespmem:v20+s1+$0x0] =	vst.idx.add.s32.msk $0xffff, v2;
	v12 =	vtrunc.f32 v5;
	v10 =	vtrunc.f32 v13;
	v4 =	vadd.s32 v3, v4  }
0x59d: {  	s6 =	simm.s32 $0x8;
	[tilespmem:v15+s1+$0x0] =	vst.idx.add.s32.msk $0xffff, v2;
	v5 =	vadd.s32 v3, v17;
	v11 =	vtrunc.f32 v63;
	v8 =	vtrunc.f32 v8  }
.LBB2_38:
0x59e: {  	s6 =	sadd.s32 $0x8, s6;
	v6 =	vcvt.f32.s32 v6;
	v7 =	vcvt.f32.s32 v7  }
0x59f: {  	v9 =	vcvt.f32.s32 v9;
	v12 =	vcvt.f32.s32 v12;
	s5 =	sadd.s32 $0x400, s5;
	s7 =	sshll.u32 s6, $0x4;
	p0 =	slt.u32 s6, $0x7F8  }
0x5a0: {  	v10 =	vcvt.f32.s32 v10;
	v11 =	vcvt.f32.s32 v11;
	s8 =	sand.u32 $0xC00, s5;
	s9 =	sshll.u32 s6, $0x2;
	s7 =	sand.u32 $0x7000, s7;
	vm2 =	vlt.s32 v6, $0x63  }
0x5a1: {  	v8 =	vcvt.f32.s32 v8;
	s9 =	sand.u32 $0x380, s9;
	vm3 =	vlt.s32 v7, $0x63;
	vm4 =	vlt.s32 v9, $0x63;
	s7 =	sor.u32 s8, s7;
	[tilespmem:v4+s1+$0x0] =	vst.idx.add.s32.msk $0xffff, v2  }
0x5a2: {  	vm5 =	vlt.s32 v12, $0x63;
	vm6 =	vlt.s32 v10, $0x63;
	vm7 =	vlt.s32 v11, $0x63;
	s7 =	sor.u32 s9, s7;
	[tilespmem:v5+s1+$0x0] =	vst.idx.add.s32.msk $0xffff, v2  }
0x5a3: {  	v5 =	vnsel vm2, $0x63, v6;
	v6 =	vnsel vm3, $0x63, v7;
	vm2 =	vlt.s32 v8, $0x63;
	v4 =	vld [tilespmem:s7+$0x8070]  }
0x5a4: {  	v9 =	vnsel vm4, $0x63, v9;
	v12 =	vnsel vm5, $0x63, v12;
	v10 =	vnsel vm6, $0x63, v10;
	v7 =	vld [tilespmem:s7+$0x8000]  }
0x5a5: {  	v11 =	vnsel vm7, $0x63, v11;
	v5 =	vshll.u32 v5, $0x4;
	v8 =	vnsel vm2, $0x63, v8;
	v13 =	vld [tilespmem:s7+$0x8010]  }
0x5a6: {  	v9 =	vshll.u32 v9, $0x4;
	v12 =	vshll.u32 v12, $0x4;
	v6 =	vshll.u32 v6, $0x4;
	v14 =	vld [tilespmem:s7+$0x8020]  }
0x5a7: {  	v10 =	vshll.u32 v10, $0x4;
	v11 =	vshll.u32 v11, $0x4;
	v16 =	vshll.u32 v8, $0x4;
	v15 =	vld [tilespmem:s7+$0x8030]  }
0x5a8: {  	v5 =	vadd.s32 v3, v5;
	v17 =	vadd.s32 v3, v6;
	v8 =	vld [tilespmem:s7+$0x8040];
	v4 =	vadd.f32 $1.280000000e+02, v4  }
0x5a9: {  	v9 =	vadd.s32 v3, v9;
	v12 =	vadd.s32 v3, v12;
	v6 =	vadd.f32 $1.280000000e+02, v7;
	v7 =	vld [tilespmem:s7+$0x8050]  }
0x5aa: {  	v10 =	vadd.s32 v3, v10;
	v13 =	vadd.f32 $1.280000000e+02, v13;
	v18 =	vld [tilespmem:s7+$0x8060];
	v4 =	vmul.f32 $3.921568690e-01, v4  }
0x5ab: {  	v11 =	vadd.s32 v3, v11;
	v6 =	vmul.f32 $3.921568690e-01, v6;
	v14 =	vadd.f32 $1.280000000e+02, v14  }
0x5ac: {  	v13 =	vmul.f32 $3.921568690e-01, v13;
	v15 =	vadd.f32 $1.280000000e+02, v15;
	v4 =	vtrunc.f32 v4  }
0x5ad: {  	v14 =	vmul.f32 $3.921568690e-01, v14;
	v8 =	vadd.f32 $1.280000000e+02, v8;
	v4 =	vcvt.f32.s32 v4;
	[tilespmem:v5+s1+$0x0] =	vst.idx.add.s32.msk $0xffff, v2  }
0x5ae: {  	v6 =	vtrunc.f32 v6;
	v5 =	vmul.f32 $3.921568690e-01, v15;
	v15 =	vadd.f32 $1.280000000e+02, v7;
	[tilespmem:v17+s1+$0x0] =	vst.idx.add.s32.msk $0xffff, v2  }
.Ltmp18:
0x5af: {  	v8 =	vmul.f32 $3.921568690e-01, v8;
	v17 =	vadd.f32 $1.280000000e+02, v18;
	vm2 =	vlt.s32 v4, $0x63;
	[tilespmem:v9+s1+$0x0] =	vst.idx.add.s32.msk $0xffff, v2;
	(pc) =	sbr.rel @p0 .LBB2_38-.Ltmp18, $4  }
0x5b0: {  	v7 =	vtrunc.f32 v13;
	v13 =	vmul.f32 $3.921568690e-01, v15;
	v4 =	vnsel vm2, $0x63, v4;
	[tilespmem:v12+s1+$0x0] =	vst.idx.add.s32.msk $0xffff, v2  }
0x5b1: {  	v9 =	vtrunc.f32 v14;
	v14 =	vmul.f32 $3.921568690e-01, v17;
	v4 =	vshll.u32 v4, $0x4;
	[tilespmem:v10+s1+$0x0] =	vst.idx.add.s32.msk $0xffff, v2  }
0x5b2: {  	v12 =	vtrunc.f32 v5;
	v10 =	vtrunc.f32 v8;
	v4 =	vadd.s32 v3, v4;
	[tilespmem:v11+s1+$0x0] =	vst.idx.add.s32.msk $0xffff, v2  }
0x5b3: {  	v5 =	vadd.s32 v3, v16;
	v11 =	vtrunc.f32 v13;
	v8 =	vtrunc.f32 v14  }
0x5b4: {  	v6 =	vcvt.f32.s32 v6  }
0x5b5: {  	v7 =	vcvt.f32.s32 v7;
	v9 =	vcvt.f32.s32 v9  }
0x5b6: {  	v12 =	vcvt.f32.s32 v12;
	v10 =	vcvt.f32.s32 v10  }
0x5b7: {  	v11 =	vcvt.f32.s32 v11;
	v8 =	vcvt.f32.s32 v8;
	vm2 =	vlt.s32 v6, $0x63  }
0x5b8: {  	vm3 =	vlt.s32 v7, $0x63;
	vm4 =	vlt.s32 v9, $0x63;
	vm5 =	vlt.s32 v12, $0x63  }
0x5b9: {  	vm6 =	vlt.s32 v10, $0x63;
	vm7 =	vlt.s32 v11, $0x63;
	v6 =	vnsel vm2, $0x63, v6  }
0x5ba: {  	v7 =	vnsel vm3, $0x63, v7;
	vm2 =	vlt.s32 v8, $0x63;
	v6 =	vshll.u32 v6, $0x4  }
0x5bb: {  	v9 =	vnsel vm4, $0x63, v9;
	v7 =	vshll.u32 v7, $0x4;
	v6 =	vadd.s32 v3, v6  }
0x5bc: {  	v12 =	vnsel vm5, $0x63, v12;
	v9 =	vshll.u32 v9, $0x4;
	v7 =	vadd.s32 v3, v7  }
0x5bd: {  	v10 =	vnsel vm6, $0x63, v10;
	v12 =	vshll.u32 v12, $0x4;
	v9 =	vadd.s32 v3, v9  }
0x5be: {  	[tilespmem:v4+s1+$0x0] =	vst.idx.add.s32.msk $0xffff, v2;
	v4 =	vnsel vm7, $0x63, v11;
	v10 =	vshll.u32 v10, $0x4;
	v11 =	vadd.s32 v3, v12  }
0x5bf: {  	[tilespmem:v5+s1+$0x0] =	vst.idx.add.s32.msk $0xffff, v2;
	v5 =	vnsel vm2, $0x63, v8;
	v4 =	vshll.u32 v4, $0x4;
	v8 =	vadd.s32 v3, v10  }
0x5c0: {  	v5 =	vshll.u32 v5, $0x4;
	v4 =	vadd.s32 v3, v4;
	[tilespmem:v6+s1+$0x0] =	vst.idx.add.s32.msk $0xffff, v2  }
0x5c1: {  	v5 =	vadd.s32 v3, v5;
	[tilespmem:v7+s1+$0x0] =	vst.idx.add.s32.msk $0xffff, v2  }
0x5c2: {  	[tilespmem:v9+s1+$0x0] =	vst.idx.add.s32.msk $0xffff, v2  }
0x5c3: {  	[tilespmem:v11+s1+$0x0] =	vst.idx.add.s32.msk $0xffff, v2  }
0x5c4: {  	[tilespmem:v8+s1+$0x0] =	vst.idx.add.s32.msk $0xffff, v2  }
0x5c5: {  	[tilespmem:v4+s1+$0x0] =	vst.idx.add.s32.msk $0xffff, v2  }
0x5c6: {  	s5 =	simm.s32 $0x0;
	[tilespmem:v5+s1+$0x0] =	vst.idx.add.s32.msk $0xffff, v2  }
0x5c7: {  	s25 =	simm.s32 $0x0;
	s7 =	simm.s32 $0x0;
	s6 =	rddreg [dreg:$0x15]  }
0x5c8: {  	[tilespmem:s30], [sflag:$0x2] =	stream.linear.gather [hbm4b:s6+s5], $0x8000, $0x38;
	[tilespmem:$0x11880] =	vst v63  }
0x5c9: {  	s6 =	sand.u32 $0x7000, s25;
	s5 =	sand.u32 $0xC00, s5;
	_ =	swait.ge [sflag:s31], $0x8000  }
0x5ca: {  	s7 =	sand.u32 $0x380, s7;
	s5 =	sor.u32 s5, s6;
	[sflag:s31] =	ssyncset.done $0x0  }
0x5cb: {  	s5 =	sor.u32 s7, s5;
	[sflag:s31] =	ssyncadd.s32 $0xFFFF8000  }
0x5cc: {  	v4 =	vld [tilespmem:s5+$0x70]  }
0x5cd: {  	v5 =	vld [tilespmem:s5+$0x0]  }
0x5ce: {  	v6 =	vld [tilespmem:s5+$0x10]  }
0x5cf: {  	v7 =	vld [tilespmem:s5+$0x20]  }
0x5d0: {  	v8 =	vld [tilespmem:s5+$0x30]  }
0x5d1: {  	v9 =	vld [tilespmem:s5+$0x40]  }
0x5d2: {  	v10 =	vld [tilespmem:s5+$0x50]  }
0x5d3: {  	v11 =	vld [tilespmem:s5+$0x60]  }
0x5d4: {  	v4 =	vadd.f32 $1.280000000e+02, v4;
	v5 =	vadd.f32 $1.280000000e+02, v5  }
0x5d5: {  	v6 =	vadd.f32 $1.280000000e+02, v6;
	v7 =	vadd.f32 $1.280000000e+02, v7  }
0x5d6: {  	v8 =	vadd.f32 $1.280000000e+02, v8;
	v9 =	vadd.f32 $1.280000000e+02, v9;
	v4 =	vmul.f32 $3.921568690e-01, v4  }
0x5d7: {  	s26 =	simm.s32 $0x80;
	s5 =	simm.s32 $0x400;
	v10 =	vadd.f32 $1.280000000e+02, v10;
	v5 =	vmul.f32 $3.921568690e-01, v5;
	v6 =	vmul.f32 $3.921568690e-01, v6  }
0x5d8: {  	s8 =	simm.s32 $0x20;
	s6 =	sand.u32 $0x7000, s26;
	s28 =	sand.u32 $0xC00, s5;
	v11 =	vadd.f32 $1.280000000e+02, v11;
	v7 =	vmul.f32 $3.921568690e-01, v7;
	v8 =	vmul.f32 $3.921568690e-01, v8  }
0x5d9: {  	s8 =	sand.u32 $0x380, s8;
	s6 =	sor.u32 s28, s6;
	v9 =	vmul.f32 $3.921568690e-01, v9;
	v10 =	vmul.f32 $3.921568690e-01, v10  }
0x5da: {  	s6 =	sor.u32 s8, s6;
	v11 =	vmul.f32 $3.921568690e-01, v11;
	v4 =	vtrunc.f32 v4  }
0x5db: {  	v12 =	vld [tilespmem:s6+$0x70];
	v5 =	vtrunc.f32 v5;
	v6 =	vtrunc.f32 v6  }
0x5dc: {  	v14 =	vld [tilespmem:s6+$0x10];
	v7 =	vtrunc.f32 v7;
	v8 =	vtrunc.f32 v8  }
0x5dd: {  	v9 =	vtrunc.f32 v9;
	v10 =	vtrunc.f32 v10  }
0x5de: {  	v11 =	vtrunc.f32 v11;
	v4 =	vcvt.f32.s32 v4  }
0x5df: {  	v5 =	vcvt.f32.s32 v5;
	v6 =	vcvt.f32.s32 v6  }
0x5e0: {  	v12 =	vadd.f32 $1.280000000e+02, v12;
	v7 =	vcvt.f32.s32 v7;
	v8 =	vcvt.f32.s32 v8  }
0x5e1: {  	v14 =	vadd.f32 $1.280000000e+02, v14;
	v9 =	vcvt.f32.s32 v9;
	v10 =	vcvt.f32.s32 v10  }
0x5e2: {  	v11 =	vcvt.f32.s32 v11;
	v12 =	vmul.f32 $3.921568690e-01, v12;
	vm2 =	vlt.s32 v4, $0x63  }
0x5e3: {  	vm3 =	vlt.s32 v6, $0x63;
	vm12 =	vlt.s32 v7, $0x63;
	vm13 =	vlt.s32 v8, $0x63  }
0x5e4: {  	vm14 =	vlt.s32 v9, $0x63;
	vm15 =	vlt.s32 v10, $0x63;
	v4 =	vnsel vm2, $0x63, v4  }
0x5e5: {  	vm2 =	vlt.s32 v5, $0x63;
	v6 =	vnsel vm3, $0x63, v6;
	v7 =	vnsel vm12, $0x63, v7  }
0x5e6: {  	v13 =	vld [tilespmem:s6+$0x0];
	v8 =	vnsel vm13, $0x63, v8;
	v9 =	vnsel vm14, $0x63, v9;
	v10 =	vnsel vm15, $0x63, v10  }
0x5e7: {  	v12 =	vtrunc.f32 v12;
	v4 =	vshll.u32 v4, $0x4;
	v5 =	vnsel vm2, $0x63, v5  }
0x5e8: {  	v15 =	vld [tilespmem:s6+$0x20];
	vm2 =	vlt.s32 v11, $0x63;
	v6 =	vshll.u32 v6, $0x4;
	v7 =	vshll.u32 v7, $0x4  }
0x5e9: {  	v16 =	vld [tilespmem:s6+$0x30];
	v8 =	vshll.u32 v8, $0x4;
	v9 =	vshll.u32 v9, $0x4;
	v11 =	vnsel vm2, $0x63, v11  }
0x5ea: {  	v4 =	vadd.s32 v3, v4;
	v5 =	vshll.u32 v5, $0x4;
	v17 =	vshll.u32 v11, $0x4;
	v11 =	vld [tilespmem:s6+$0x40]  }
0x5eb: {  	v18 =	vadd.s32 v3, v6;
	v6 =	vadd.f32 $1.280000000e+02, v13;
	v13 =	vld [tilespmem:s6+$0x50];
	v7 =	vadd.s32 v3, v7  }
0x5ec: {  	v19 =	vld [tilespmem:s6+$0x60];
	v10 =	vshll.u32 v10, $0x4;
	v8 =	vadd.s32 v3, v8;
	v5 =	vadd.s32 v3, v5  }
0x5ed: {  	v20 =	vadd.s32 v3, v9;
	v9 =	vadd.f32 $1.280000000e+02, v15;
	v15 =	vadd.s32 v3, v10  }
0x5ee: {  	v10 =	vmul.f32 $3.921568690e-01, v14;
	v14 =	vadd.f32 $1.280000000e+02, v16;
	v6 =	vmul.f32 $3.921568690e-01, v6  }
0x5ef: {  	[tilespmem:v4+s1+$0x0] =	vst.idx.add.s32.msk $0xffff, v2;
	v4 =	vmul.f32 $3.921568690e-01, v9;
	v9 =	vadd.f32 $1.280000000e+02, v11;
	v11 =	vcvt.f32.s32 v12  }
0x5f0: {  	v6 =	vtrunc.f32 v6;
	[tilespmem:v7+s1+$0x0] =	vst.idx.add.s32.msk $0xffff, v2;
	v7 =	vtrunc.f32 v10;
	v12 =	vadd.f32 $1.280000000e+02, v13  }
0x5f1: {  	[tilespmem:v5+s1+$0x0] =	vst.idx.add.s32.msk $0xffff, v2;
	v5 =	vmul.f32 $3.921568690e-01, v14;
	v14 =	vadd.f32 $1.280000000e+02, v19;
	vm2 =	vlt.s32 v11, $0x63  }
0x5f2: {  	[tilespmem:v18+s1+$0x0] =	vst.idx.add.s32.msk $0xffff, v2;
	v13 =	vmul.f32 $3.921568690e-01, v9;
	v63 =	vmul.f32 $3.921568690e-01, v12;
	v10 =	vnsel vm2, $0x63, v11  }
0x5f3: {  	[tilespmem:v8+s1+$0x0] =	vst.idx.add.s32.msk $0xffff, v2;
	v9 =	vtrunc.f32 v4;
	v8 =	vmul.f32 $3.921568690e-01, v14;
	v4 =	vshll.u32 v10, $0x4  }
0x5f4: {  	[tilespmem:v20+s1+$0x0] =	vst.idx.add.s32.msk $0xffff, v2;
	v12 =	vtrunc.f32 v5;
	v10 =	vtrunc.f32 v13;
	v4 =	vadd.s32 v3, v4  }
0x5f5: {  	s6 =	simm.s32 $0x8;
	[tilespmem:v15+s1+$0x0] =	vst.idx.add.s32.msk $0xffff, v2;
	v5 =	vadd.s32 v3, v17;
	v11 =	vtrunc.f32 v63;
	v8 =	vtrunc.f32 v8  }
.LBB2_40:
0x5f6: {  	s6 =	sadd.s32 $0x8, s6;
	v6 =	vcvt.f32.s32 v6;
	v7 =	vcvt.f32.s32 v7  }
0x5f7: {  	v9 =	vcvt.f32.s32 v9;
	v12 =	vcvt.f32.s32 v12;
	s5 =	sadd.s32 $0x400, s5;
	s7 =	sshll.u32 s6, $0x4;
	p0 =	slt.u32 s6, $0x7F8  }
0x5f8: {  	v10 =	vcvt.f32.s32 v10;
	v11 =	vcvt.f32.s32 v11;
	s8 =	sand.u32 $0xC00, s5;
	s9 =	sshll.u32 s6, $0x2;
	s7 =	sand.u32 $0x7000, s7;
	vm2 =	vlt.s32 v6, $0x63  }
0x5f9: {  	v8 =	vcvt.f32.s32 v8;
	s9 =	sand.u32 $0x380, s9;
	vm3 =	vlt.s32 v7, $0x63;
	vm4 =	vlt.s32 v9, $0x63;
	s7 =	sor.u32 s8, s7;
	[tilespmem:v4+s1+$0x0] =	vst.idx.add.s32.msk $0xffff, v2  }
0x5fa: {  	vm5 =	vlt.s32 v12, $0x63;
	vm6 =	vlt.s32 v10, $0x63;
	vm7 =	vlt.s32 v11, $0x63;
	s7 =	sor.u32 s9, s7;
	[tilespmem:v5+s1+$0x0] =	vst.idx.add.s32.msk $0xffff, v2  }
0x5fb: {  	v5 =	vnsel vm2, $0x63, v6;
	v6 =	vnsel vm3, $0x63, v7;
	vm2 =	vlt.s32 v8, $0x63;
	v4 =	vld [tilespmem:s7+$0x70]  }
0x5fc: {  	v9 =	vnsel vm4, $0x63, v9;
	v12 =	vnsel vm5, $0x63, v12;
	v10 =	vnsel vm6, $0x63, v10;
	v7 =	vld [tilespmem:s7+$0x0]  }
0x5fd: {  	v11 =	vnsel vm7, $0x63, v11;
	v5 =	vshll.u32 v5, $0x4;
	v8 =	vnsel vm2, $0x63, v8;
	v13 =	vld [tilespmem:s7+$0x10]  }
0x5fe: {  	v9 =	vshll.u32 v9, $0x4;
	v12 =	vshll.u32 v12, $0x4;
	v6 =	vshll.u32 v6, $0x4;
	v14 =	vld [tilespmem:s7+$0x20]  }
0x5ff: {  	v10 =	vshll.u32 v10, $0x4;
	v11 =	vshll.u32 v11, $0x4;
	v16 =	vshll.u32 v8, $0x4;
	v15 =	vld [tilespmem:s7+$0x30]  }
0x600: {  	v5 =	vadd.s32 v3, v5;
	v17 =	vadd.s32 v3, v6;
	v8 =	vld [tilespmem:s7+$0x40];
	v4 =	vadd.f32 $1.280000000e+02, v4  }
0x601: {  	v9 =	vadd.s32 v3, v9;
	v12 =	vadd.s32 v3, v12;
	v6 =	vadd.f32 $1.280000000e+02, v7;
	v7 =	vld [tilespmem:s7+$0x50]  }
0x602: {  	v10 =	vadd.s32 v3, v10;
	v13 =	vadd.f32 $1.280000000e+02, v13;
	v18 =	vld [tilespmem:s7+$0x60];
	v4 =	vmul.f32 $3.921568690e-01, v4  }
0x603: {  	v11 =	vadd.s32 v3, v11;
	v6 =	vmul.f32 $3.921568690e-01, v6;
	v14 =	vadd.f32 $1.280000000e+02, v14  }
0x604: {  	v13 =	vmul.f32 $3.921568690e-01, v13;
	v15 =	vadd.f32 $1.280000000e+02, v15;
	v4 =	vtrunc.f32 v4  }
0x605: {  	v14 =	vmul.f32 $3.921568690e-01, v14;
	v8 =	vadd.f32 $1.280000000e+02, v8;
	v4 =	vcvt.f32.s32 v4;
	[tilespmem:v5+s1+$0x0] =	vst.idx.add.s32.msk $0xffff, v2  }
0x606: {  	v6 =	vtrunc.f32 v6;
	v5 =	vmul.f32 $3.921568690e-01, v15;
	v15 =	vadd.f32 $1.280000000e+02, v7;
	[tilespmem:v17+s1+$0x0] =	vst.idx.add.s32.msk $0xffff, v2  }
.Ltmp19:
0x607: {  	v8 =	vmul.f32 $3.921568690e-01, v8;
	v17 =	vadd.f32 $1.280000000e+02, v18;
	vm2 =	vlt.s32 v4, $0x63;
	[tilespmem:v9+s1+$0x0] =	vst.idx.add.s32.msk $0xffff, v2;
	(pc) =	sbr.rel @p0 .LBB2_40-.Ltmp19, $4  }
0x608: {  	v7 =	vtrunc.f32 v13;
	v13 =	vmul.f32 $3.921568690e-01, v15;
	v4 =	vnsel vm2, $0x63, v4;
	[tilespmem:v12+s1+$0x0] =	vst.idx.add.s32.msk $0xffff, v2  }
0x609: {  	v9 =	vtrunc.f32 v14;
	v14 =	vmul.f32 $3.921568690e-01, v17;
	v4 =	vshll.u32 v4, $0x4;
	[tilespmem:v10+s1+$0x0] =	vst.idx.add.s32.msk $0xffff, v2  }
0x60a: {  	v12 =	vtrunc.f32 v5;
	v10 =	vtrunc.f32 v8;
	v4 =	vadd.s32 v3, v4;
	[tilespmem:v11+s1+$0x0] =	vst.idx.add.s32.msk $0xffff, v2  }
0x60b: {  	v5 =	vadd.s32 v3, v16;
	v11 =	vtrunc.f32 v13;
	v8 =	vtrunc.f32 v14  }
0x60c: {  	v6 =	vcvt.f32.s32 v6  }
0x60d: {  	v7 =	vcvt.f32.s32 v7;
	v9 =	vcvt.f32.s32 v9  }
0x60e: {  	v12 =	vcvt.f32.s32 v12;
	v10 =	vcvt.f32.s32 v10  }
0x60f: {  	v11 =	vcvt.f32.s32 v11;
	v8 =	vcvt.f32.s32 v8;
	vm2 =	vlt.s32 v6, $0x63  }
0x610: {  	vm3 =	vlt.s32 v7, $0x63;
	vm4 =	vlt.s32 v9, $0x63;
	vm5 =	vlt.s32 v12, $0x63  }
0x611: {  	vm6 =	vlt.s32 v10, $0x63;
	vm7 =	vlt.s32 v11, $0x63;
	v6 =	vnsel vm2, $0x63, v6  }
0x612: {  	v7 =	vnsel vm3, $0x63, v7;
	vm2 =	vlt.s32 v8, $0x63;
	v6 =	vshll.u32 v6, $0x4  }
0x613: {  	v9 =	vnsel vm4, $0x63, v9;
	v7 =	vshll.u32 v7, $0x4;
	v6 =	vadd.s32 v3, v6  }
0x614: {  	v12 =	vnsel vm5, $0x63, v12;
	v9 =	vshll.u32 v9, $0x4;
	v7 =	vadd.s32 v3, v7  }
0x615: {  	v10 =	vnsel vm6, $0x63, v10;
	v12 =	vshll.u32 v12, $0x4;
	v9 =	vadd.s32 v3, v9  }
0x616: {  	[tilespmem:v4+s1+$0x0] =	vst.idx.add.s32.msk $0xffff, v2;
	v4 =	vnsel vm7, $0x63, v11;
	v10 =	vshll.u32 v10, $0x4;
	v11 =	vadd.s32 v3, v12  }
0x617: {  	[tilespmem:v5+s1+$0x0] =	vst.idx.add.s32.msk $0xffff, v2;
	v5 =	vnsel vm2, $0x63, v8;
	v4 =	vshll.u32 v4, $0x4;
	v8 =	vadd.s32 v3, v10  }
0x618: {  	v5 =	vshll.u32 v5, $0x4;
	v4 =	vadd.s32 v3, v4;
	[tilespmem:v6+s1+$0x0] =	vst.idx.add.s32.msk $0xffff, v2  }
0x619: {  	v5 =	vadd.s32 v3, v5;
	[tilespmem:v7+s1+$0x0] =	vst.idx.add.s32.msk $0xffff, v2  }
0x61a: {  	[tilespmem:v9+s1+$0x0] =	vst.idx.add.s32.msk $0xffff, v2  }
0x61b: {  	[tilespmem:v11+s1+$0x0] =	vst.idx.add.s32.msk $0xffff, v2  }
0x61c: {  	[tilespmem:v8+s1+$0x0] =	vst.idx.add.s32.msk $0xffff, v2  }
0x61d: {  	[tilespmem:v4+s1+$0x0] =	vst.idx.add.s32.msk $0xffff, v2  }
0x61e: {  	s5 =	simm.s32 $0x0;
	[tilespmem:v5+s1+$0x0] =	vst.idx.add.s32.msk $0xffff, v2  }
0x61f: {  	s25 =	simm.s32 $0x0;
	s7 =	simm.s32 $0x0;
	s6 =	rddreg [dreg:$0x16]  }
0x620: {  	[tilespmem:s5], [sflag:$0x1] =	stream.linear.gather [hbm4b:s6+s5], $0x8000, $0x38;
	[tilespmem:$0x11880] =	vst v63  }
0x621: {  	s6 =	sand.u32 $0x7000, s25;
	s5 =	sand.u32 $0xC00, s5;
	_ =	swait.ge [sflag:s0], $0x8000  }
0x622: {  	s7 =	sand.u32 $0x380, s7;
	s5 =	sor.u32 s5, s6;
	[sflag:s0] =	ssyncset.done $0x0  }
0x623: {  	s5 =	sor.u32 s7, s5;
	[sflag:s0] =	ssyncadd.s32 $0xFFFF8000  }
0x624: {  	v4 =	vld [tilespmem:s5+$0x8070]  }
0x625: {  	v5 =	vld [tilespmem:s5+$0x8000]  }
0x626: {  	v6 =	vld [tilespmem:s5+$0x8010]  }
0x627: {  	v7 =	vld [tilespmem:s5+$0x8020]  }
0x628: {  	v8 =	vld [tilespmem:s5+$0x8030]  }
0x629: {  	v9 =	vld [tilespmem:s5+$0x8040]  }
0x62a: {  	v10 =	vld [tilespmem:s5+$0x8050]  }
0x62b: {  	v11 =	vld [tilespmem:s5+$0x8060]  }
0x62c: {  	v4 =	vadd.f32 $1.280000000e+02, v4;
	v5 =	vadd.f32 $1.280000000e+02, v5  }
0x62d: {  	v6 =	vadd.f32 $1.280000000e+02, v6;
	v7 =	vadd.f32 $1.280000000e+02, v7  }
0x62e: {  	v8 =	vadd.f32 $1.280000000e+02, v8;
	v9 =	vadd.f32 $1.280000000e+02, v9;
	v4 =	vmul.f32 $3.921568690e-01, v4  }
0x62f: {  	s26 =	simm.s32 $0x80;
	s5 =	simm.s32 $0x400;
	v10 =	vadd.f32 $1.280000000e+02, v10;
	v5 =	vmul.f32 $3.921568690e-01, v5;
	v6 =	vmul.f32 $3.921568690e-01, v6  }
0x630: {  	s8 =	simm.s32 $0x20;
	s6 =	sand.u32 $0x7000, s26;
	s28 =	sand.u32 $0xC00, s5;
	v11 =	vadd.f32 $1.280000000e+02, v11;
	v7 =	vmul.f32 $3.921568690e-01, v7;
	v8 =	vmul.f32 $3.921568690e-01, v8  }
0x631: {  	s8 =	sand.u32 $0x380, s8;
	s6 =	sor.u32 s28, s6;
	v9 =	vmul.f32 $3.921568690e-01, v9;
	v10 =	vmul.f32 $3.921568690e-01, v10  }
0x632: {  	s6 =	sor.u32 s8, s6;
	v11 =	vmul.f32 $3.921568690e-01, v11;
	v4 =	vtrunc.f32 v4  }
0x633: {  	v12 =	vld [tilespmem:s6+$0x8070];
	v5 =	vtrunc.f32 v5;
	v6 =	vtrunc.f32 v6  }
0x634: {  	v14 =	vld [tilespmem:s6+$0x8010];
	v7 =	vtrunc.f32 v7;
	v8 =	vtrunc.f32 v8  }
0x635: {  	v9 =	vtrunc.f32 v9;
	v10 =	vtrunc.f32 v10  }
0x636: {  	v11 =	vtrunc.f32 v11;
	v4 =	vcvt.f32.s32 v4  }
0x637: {  	v5 =	vcvt.f32.s32 v5;
	v6 =	vcvt.f32.s32 v6  }
0x638: {  	v12 =	vadd.f32 $1.280000000e+02, v12;
	v7 =	vcvt.f32.s32 v7;
	v8 =	vcvt.f32.s32 v8  }
0x639: {  	v14 =	vadd.f32 $1.280000000e+02, v14;
	v9 =	vcvt.f32.s32 v9;
	v10 =	vcvt.f32.s32 v10  }
0x63a: {  	v11 =	vcvt.f32.s32 v11;
	v12 =	vmul.f32 $3.921568690e-01, v12;
	vm2 =	vlt.s32 v4, $0x63  }
0x63b: {  	vm3 =	vlt.s32 v6, $0x63;
	vm12 =	vlt.s32 v7, $0x63;
	vm13 =	vlt.s32 v8, $0x63  }
0x63c: {  	vm14 =	vlt.s32 v9, $0x63;
	vm15 =	vlt.s32 v10, $0x63;
	v4 =	vnsel vm2, $0x63, v4  }
0x63d: {  	vm2 =	vlt.s32 v5, $0x63;
	v6 =	vnsel vm3, $0x63, v6;
	v7 =	vnsel vm12, $0x63, v7  }
0x63e: {  	v13 =	vld [tilespmem:s6+$0x8000];
	v8 =	vnsel vm13, $0x63, v8;
	v9 =	vnsel vm14, $0x63, v9;
	v10 =	vnsel vm15, $0x63, v10  }
0x63f: {  	v12 =	vtrunc.f32 v12;
	v4 =	vshll.u32 v4, $0x4;
	v5 =	vnsel vm2, $0x63, v5  }
0x640: {  	v15 =	vld [tilespmem:s6+$0x8020];
	vm2 =	vlt.s32 v11, $0x63;
	v6 =	vshll.u32 v6, $0x4;
	v7 =	vshll.u32 v7, $0x4  }
0x641: {  	v16 =	vld [tilespmem:s6+$0x8030];
	v8 =	vshll.u32 v8, $0x4;
	v9 =	vshll.u32 v9, $0x4;
	v11 =	vnsel vm2, $0x63, v11  }
0x642: {  	v4 =	vadd.s32 v3, v4;
	v5 =	vshll.u32 v5, $0x4;
	v17 =	vshll.u32 v11, $0x4;
	v11 =	vld [tilespmem:s6+$0x8040]  }
0x643: {  	v18 =	vadd.s32 v3, v6;
	v6 =	vadd.f32 $1.280000000e+02, v13;
	v13 =	vld [tilespmem:s6+$0x8050];
	v7 =	vadd.s32 v3, v7  }
0x644: {  	v19 =	vld [tilespmem:s6+$0x8060];
	v10 =	vshll.u32 v10, $0x4;
	v8 =	vadd.s32 v3, v8;
	v5 =	vadd.s32 v3, v5  }
0x645: {  	v20 =	vadd.s32 v3, v9;
	v9 =	vadd.f32 $1.280000000e+02, v15;
	v15 =	vadd.s32 v3, v10  }
0x646: {  	v10 =	vmul.f32 $3.921568690e-01, v14;
	v14 =	vadd.f32 $1.280000000e+02, v16;
	v6 =	vmul.f32 $3.921568690e-01, v6  }
0x647: {  	[tilespmem:v4+s1+$0x0] =	vst.idx.add.s32.msk $0xffff, v2;
	v4 =	vmul.f32 $3.921568690e-01, v9;
	v9 =	vadd.f32 $1.280000000e+02, v11;
	v11 =	vcvt.f32.s32 v12  }
0x648: {  	v6 =	vtrunc.f32 v6;
	[tilespmem:v7+s1+$0x0] =	vst.idx.add.s32.msk $0xffff, v2;
	v7 =	vtrunc.f32 v10;
	v12 =	vadd.f32 $1.280000000e+02, v13  }
0x649: {  	[tilespmem:v5+s1+$0x0] =	vst.idx.add.s32.msk $0xffff, v2;
	v5 =	vmul.f32 $3.921568690e-01, v14;
	v14 =	vadd.f32 $1.280000000e+02, v19;
	vm2 =	vlt.s32 v11, $0x63  }
0x64a: {  	[tilespmem:v18+s1+$0x0] =	vst.idx.add.s32.msk $0xffff, v2;
	v13 =	vmul.f32 $3.921568690e-01, v9;
	v63 =	vmul.f32 $3.921568690e-01, v12;
	v10 =	vnsel vm2, $0x63, v11  }
0x64b: {  	[tilespmem:v8+s1+$0x0] =	vst.idx.add.s32.msk $0xffff, v2;
	v9 =	vtrunc.f32 v4;
	v8 =	vmul.f32 $3.921568690e-01, v14;
	v4 =	vshll.u32 v10, $0x4  }
0x64c: {  	[tilespmem:v20+s1+$0x0] =	vst.idx.add.s32.msk $0xffff, v2;
	v12 =	vtrunc.f32 v5;
	v10 =	vtrunc.f32 v13;
	v4 =	vadd.s32 v3, v4  }
0x64d: {  	s6 =	simm.s32 $0x8;
	[tilespmem:v15+s1+$0x0] =	vst.idx.add.s32.msk $0xffff, v2;
	v5 =	vadd.s32 v3, v17;
	v11 =	vtrunc.f32 v63;
	v8 =	vtrunc.f32 v8  }
.LBB2_42:
0x64e: {  	s6 =	sadd.s32 $0x8, s6;
	v6 =	vcvt.f32.s32 v6;
	v7 =	vcvt.f32.s32 v7  }
0x64f: {  	v9 =	vcvt.f32.s32 v9;
	v12 =	vcvt.f32.s32 v12;
	s5 =	sadd.s32 $0x400, s5;
	s7 =	sshll.u32 s6, $0x4;
	p0 =	slt.u32 s6, $0x7F8  }
0x650: {  	v10 =	vcvt.f32.s32 v10;
	v11 =	vcvt.f32.s32 v11;
	s8 =	sand.u32 $0xC00, s5;
	s9 =	sshll.u32 s6, $0x2;
	s7 =	sand.u32 $0x7000, s7;
	vm2 =	vlt.s32 v6, $0x63  }
0x651: {  	v8 =	vcvt.f32.s32 v8;
	s9 =	sand.u32 $0x380, s9;
	vm3 =	vlt.s32 v7, $0x63;
	vm4 =	vlt.s32 v9, $0x63;
	s7 =	sor.u32 s8, s7;
	[tilespmem:v4+s1+$0x0] =	vst.idx.add.s32.msk $0xffff, v2  }
0x652: {  	vm5 =	vlt.s32 v12, $0x63;
	vm6 =	vlt.s32 v10, $0x63;
	vm7 =	vlt.s32 v11, $0x63;
	s7 =	sor.u32 s9, s7;
	[tilespmem:v5+s1+$0x0] =	vst.idx.add.s32.msk $0xffff, v2  }
0x653: {  	v5 =	vnsel vm2, $0x63, v6;
	v6 =	vnsel vm3, $0x63, v7;
	vm2 =	vlt.s32 v8, $0x63;
	v4 =	vld [tilespmem:s7+$0x8070]  }
0x654: {  	v9 =	vnsel vm4, $0x63, v9;
	v12 =	vnsel vm5, $0x63, v12;
	v10 =	vnsel vm6, $0x63, v10;
	v7 =	vld [tilespmem:s7+$0x8000]  }
0x655: {  	v11 =	vnsel vm7, $0x63, v11;
	v5 =	vshll.u32 v5, $0x4;
	v8 =	vnsel vm2, $0x63, v8;
	v13 =	vld [tilespmem:s7+$0x8010]  }
0x656: {  	v9 =	vshll.u32 v9, $0x4;
	v12 =	vshll.u32 v12, $0x4;
	v6 =	vshll.u32 v6, $0x4;
	v14 =	vld [tilespmem:s7+$0x8020]  }
0x657: {  	v10 =	vshll.u32 v10, $0x4;
	v11 =	vshll.u32 v11, $0x4;
	v16 =	vshll.u32 v8, $0x4;
	v15 =	vld [tilespmem:s7+$0x8030]  }
0x658: {  	v5 =	vadd.s32 v3, v5;
	v17 =	vadd.s32 v3, v6;
	v8 =	vld [tilespmem:s7+$0x8040];
	v4 =	vadd.f32 $1.280000000e+02, v4  }
0x659: {  	v9 =	vadd.s32 v3, v9;
	v12 =	vadd.s32 v3, v12;
	v6 =	vadd.f32 $1.280000000e+02, v7;
	v7 =	vld [tilespmem:s7+$0x8050]  }
0x65a: {  	v10 =	vadd.s32 v3, v10;
	v13 =	vadd.f32 $1.280000000e+02, v13;
	v18 =	vld [tilespmem:s7+$0x8060];
	v4 =	vmul.f32 $3.921568690e-01, v4  }
0x65b: {  	v11 =	vadd.s32 v3, v11;
	v6 =	vmul.f32 $3.921568690e-01, v6;
	v14 =	vadd.f32 $1.280000000e+02, v14  }
0x65c: {  	v13 =	vmul.f32 $3.921568690e-01, v13;
	v15 =	vadd.f32 $1.280000000e+02, v15;
	v4 =	vtrunc.f32 v4  }
0x65d: {  	v14 =	vmul.f32 $3.921568690e-01, v14;
	v8 =	vadd.f32 $1.280000000e+02, v8;
	v4 =	vcvt.f32.s32 v4;
	[tilespmem:v5+s1+$0x0] =	vst.idx.add.s32.msk $0xffff, v2  }
0x65e: {  	v6 =	vtrunc.f32 v6;
	v5 =	vmul.f32 $3.921568690e-01, v15;
	v15 =	vadd.f32 $1.280000000e+02, v7;
	[tilespmem:v17+s1+$0x0] =	vst.idx.add.s32.msk $0xffff, v2  }
.Ltmp20:
0x65f: {  	v8 =	vmul.f32 $3.921568690e-01, v8;
	v17 =	vadd.f32 $1.280000000e+02, v18;
	vm2 =	vlt.s32 v4, $0x63;
	[tilespmem:v9+s1+$0x0] =	vst.idx.add.s32.msk $0xffff, v2;
	(pc) =	sbr.rel @p0 .LBB2_42-.Ltmp20, $4  }
0x660: {  	v7 =	vtrunc.f32 v13;
	v13 =	vmul.f32 $3.921568690e-01, v15;
	v4 =	vnsel vm2, $0x63, v4;
	[tilespmem:v12+s1+$0x0] =	vst.idx.add.s32.msk $0xffff, v2  }
0x661: {  	v9 =	vtrunc.f32 v14;
	v14 =	vmul.f32 $3.921568690e-01, v17;
	v4 =	vshll.u32 v4, $0x4;
	[tilespmem:v10+s1+$0x0] =	vst.idx.add.s32.msk $0xffff, v2  }
0x662: {  	v12 =	vtrunc.f32 v5;
	v10 =	vtrunc.f32 v8;
	v4 =	vadd.s32 v3, v4;
	[tilespmem:v11+s1+$0x0] =	vst.idx.add.s32.msk $0xffff, v2  }
0x663: {  	v5 =	vadd.s32 v3, v16;
	v11 =	vtrunc.f32 v13;
	v8 =	vtrunc.f32 v14  }
0x664: {  	v6 =	vcvt.f32.s32 v6  }
0x665: {  	v7 =	vcvt.f32.s32 v7;
	v9 =	vcvt.f32.s32 v9  }
0x666: {  	v12 =	vcvt.f32.s32 v12;
	v10 =	vcvt.f32.s32 v10  }
0x667: {  	v11 =	vcvt.f32.s32 v11;
	v8 =	vcvt.f32.s32 v8;
	vm2 =	vlt.s32 v6, $0x63  }
0x668: {  	vm3 =	vlt.s32 v7, $0x63;
	vm4 =	vlt.s32 v9, $0x63;
	vm5 =	vlt.s32 v12, $0x63  }
0x669: {  	vm6 =	vlt.s32 v10, $0x63;
	vm7 =	vlt.s32 v11, $0x63;
	v6 =	vnsel vm2, $0x63, v6  }
0x66a: {  	v7 =	vnsel vm3, $0x63, v7;
	vm2 =	vlt.s32 v8, $0x63;
	v6 =	vshll.u32 v6, $0x4  }
0x66b: {  	v9 =	vnsel vm4, $0x63, v9;
	v7 =	vshll.u32 v7, $0x4;
	v6 =	vadd.s32 v3, v6  }
0x66c: {  	v12 =	vnsel vm5, $0x63, v12;
	v9 =	vshll.u32 v9, $0x4;
	v7 =	vadd.s32 v3, v7  }
0x66d: {  	v10 =	vnsel vm6, $0x63, v10;
	v12 =	vshll.u32 v12, $0x4;
	v9 =	vadd.s32 v3, v9  }
0x66e: {  	[tilespmem:v4+s1+$0x0] =	vst.idx.add.s32.msk $0xffff, v2;
	v4 =	vnsel vm7, $0x63, v11;
	v10 =	vshll.u32 v10, $0x4;
	v11 =	vadd.s32 v3, v12  }
0x66f: {  	[tilespmem:v5+s1+$0x0] =	vst.idx.add.s32.msk $0xffff, v2;
	v5 =	vnsel vm2, $0x63, v8;
	v4 =	vshll.u32 v4, $0x4;
	v8 =	vadd.s32 v3, v10  }
0x670: {  	v5 =	vshll.u32 v5, $0x4;
	v4 =	vadd.s32 v3, v4;
	[tilespmem:v6+s1+$0x0] =	vst.idx.add.s32.msk $0xffff, v2  }
0x671: {  	v5 =	vadd.s32 v3, v5;
	[tilespmem:v7+s1+$0x0] =	vst.idx.add.s32.msk $0xffff, v2  }
0x672: {  	[tilespmem:v9+s1+$0x0] =	vst.idx.add.s32.msk $0xffff, v2  }
0x673: {  	[tilespmem:v11+s1+$0x0] =	vst.idx.add.s32.msk $0xffff, v2  }
0x674: {  	[tilespmem:v8+s1+$0x0] =	vst.idx.add.s32.msk $0xffff, v2  }
0x675: {  	[tilespmem:v4+s1+$0x0] =	vst.idx.add.s32.msk $0xffff, v2  }
0x676: {  	s5 =	simm.s32 $0x0;
	[tilespmem:v5+s1+$0x0] =	vst.idx.add.s32.msk $0xffff, v2  }
0x677: {  	s25 =	simm.s32 $0x0;
	s7 =	simm.s32 $0x0;
	s6 =	rddreg [dreg:$0x19]  }
0x678: {  	[tilespmem:s30], [sflag:$0x2] =	stream.linear.gather [hbm4b:s6+s5], $0x8000, $0x38;
	[tilespmem:$0x11880] =	vst v63  }
0x679: {  	s6 =	sand.u32 $0x7000, s25;
	s5 =	sand.u32 $0xC00, s5;
	_ =	swait.ge [sflag:s31], $0x8000  }
0x67a: {  	s7 =	sand.u32 $0x380, s7;
	s5 =	sor.u32 s5, s6;
	[sflag:s31] =	ssyncset.done $0x0  }
0x67b: {  	s5 =	sor.u32 s7, s5;
	[sflag:s31] =	ssyncadd.s32 $0xFFFF8000  }
0x67c: {  	v4 =	vld [tilespmem:s5+$0x70]  }
0x67d: {  	v5 =	vld [tilespmem:s5+$0x0]  }
0x67e: {  	v6 =	vld [tilespmem:s5+$0x10]  }
0x67f: {  	v7 =	vld [tilespmem:s5+$0x20]  }
0x680: {  	v8 =	vld [tilespmem:s5+$0x30]  }
0x681: {  	v9 =	vld [tilespmem:s5+$0x40]  }
0x682: {  	v10 =	vld [tilespmem:s5+$0x50]  }
0x683: {  	v11 =	vld [tilespmem:s5+$0x60]  }
0x684: {  	v4 =	vadd.f32 $1.280000000e+02, v4;
	v5 =	vadd.f32 $1.280000000e+02, v5  }
0x685: {  	v6 =	vadd.f32 $1.280000000e+02, v6;
	v7 =	vadd.f32 $1.280000000e+02, v7  }
0x686: {  	v8 =	vadd.f32 $1.280000000e+02, v8;
	v9 =	vadd.f32 $1.280000000e+02, v9;
	v4 =	vmul.f32 $3.921568690e-01, v4  }
0x687: {  	s26 =	simm.s32 $0x80;
	s5 =	simm.s32 $0x400;
	v10 =	vadd.f32 $1.280000000e+02, v10;
	v5 =	vmul.f32 $3.921568690e-01, v5;
	v6 =	vmul.f32 $3.921568690e-01, v6  }
0x688: {  	s8 =	simm.s32 $0x20;
	s6 =	sand.u32 $0x7000, s26;
	s28 =	sand.u32 $0xC00, s5;
	v11 =	vadd.f32 $1.280000000e+02, v11;
	v7 =	vmul.f32 $3.921568690e-01, v7;
	v8 =	vmul.f32 $3.921568690e-01, v8  }
0x689: {  	s8 =	sand.u32 $0x380, s8;
	s6 =	sor.u32 s28, s6;
	v9 =	vmul.f32 $3.921568690e-01, v9;
	v10 =	vmul.f32 $3.921568690e-01, v10  }
0x68a: {  	s6 =	sor.u32 s8, s6;
	v11 =	vmul.f32 $3.921568690e-01, v11;
	v4 =	vtrunc.f32 v4  }
0x68b: {  	v12 =	vld [tilespmem:s6+$0x70];
	v5 =	vtrunc.f32 v5;
	v6 =	vtrunc.f32 v6  }
0x68c: {  	v14 =	vld [tilespmem:s6+$0x10];
	v7 =	vtrunc.f32 v7;
	v8 =	vtrunc.f32 v8  }
0x68d: {  	v9 =	vtrunc.f32 v9;
	v10 =	vtrunc.f32 v10  }
0x68e: {  	v11 =	vtrunc.f32 v11;
	v4 =	vcvt.f32.s32 v4  }
0x68f: {  	v5 =	vcvt.f32.s32 v5;
	v6 =	vcvt.f32.s32 v6  }
0x690: {  	v12 =	vadd.f32 $1.280000000e+02, v12;
	v7 =	vcvt.f32.s32 v7;
	v8 =	vcvt.f32.s32 v8  }
0x691: {  	v14 =	vadd.f32 $1.280000000e+02, v14;
	v9 =	vcvt.f32.s32 v9;
	v10 =	vcvt.f32.s32 v10  }
0x692: {  	v11 =	vcvt.f32.s32 v11;
	v12 =	vmul.f32 $3.921568690e-01, v12;
	vm2 =	vlt.s32 v4, $0x63  }
0x693: {  	vm3 =	vlt.s32 v6, $0x63;
	vm12 =	vlt.s32 v7, $0x63;
	vm13 =	vlt.s32 v8, $0x63  }
0x694: {  	vm14 =	vlt.s32 v9, $0x63;
	vm15 =	vlt.s32 v10, $0x63;
	v4 =	vnsel vm2, $0x63, v4  }
0x695: {  	vm2 =	vlt.s32 v5, $0x63;
	v6 =	vnsel vm3, $0x63, v6;
	v7 =	vnsel vm12, $0x63, v7  }
0x696: {  	v13 =	vld [tilespmem:s6+$0x0];
	v8 =	vnsel vm13, $0x63, v8;
	v9 =	vnsel vm14, $0x63, v9;
	v10 =	vnsel vm15, $0x63, v10  }
0x697: {  	v12 =	vtrunc.f32 v12;
	v4 =	vshll.u32 v4, $0x4;
	v5 =	vnsel vm2, $0x63, v5  }
0x698: {  	v15 =	vld [tilespmem:s6+$0x20];
	vm2 =	vlt.s32 v11, $0x63;
	v6 =	vshll.u32 v6, $0x4;
	v7 =	vshll.u32 v7, $0x4  }
0x699: {  	v16 =	vld [tilespmem:s6+$0x30];
	v8 =	vshll.u32 v8, $0x4;
	v9 =	vshll.u32 v9, $0x4;
	v11 =	vnsel vm2, $0x63, v11  }
0x69a: {  	v4 =	vadd.s32 v3, v4;
	v5 =	vshll.u32 v5, $0x4;
	v17 =	vshll.u32 v11, $0x4;
	v11 =	vld [tilespmem:s6+$0x40]  }
0x69b: {  	v18 =	vadd.s32 v3, v6;
	v6 =	vadd.f32 $1.280000000e+02, v13;
	v13 =	vld [tilespmem:s6+$0x50];
	v7 =	vadd.s32 v3, v7  }
0x69c: {  	v19 =	vld [tilespmem:s6+$0x60];
	v10 =	vshll.u32 v10, $0x4;
	v8 =	vadd.s32 v3, v8;
	v5 =	vadd.s32 v3, v5  }
0x69d: {  	v20 =	vadd.s32 v3, v9;
	v9 =	vadd.f32 $1.280000000e+02, v15;
	v15 =	vadd.s32 v3, v10  }
0x69e: {  	v10 =	vmul.f32 $3.921568690e-01, v14;
	v14 =	vadd.f32 $1.280000000e+02, v16;
	v6 =	vmul.f32 $3.921568690e-01, v6  }
0x69f: {  	[tilespmem:v4+s1+$0x0] =	vst.idx.add.s32.msk $0xffff, v2;
	v4 =	vmul.f32 $3.921568690e-01, v9;
	v9 =	vadd.f32 $1.280000000e+02, v11;
	v11 =	vcvt.f32.s32 v12  }
0x6a0: {  	v6 =	vtrunc.f32 v6;
	[tilespmem:v7+s1+$0x0] =	vst.idx.add.s32.msk $0xffff, v2;
	v7 =	vtrunc.f32 v10;
	v12 =	vadd.f32 $1.280000000e+02, v13  }
0x6a1: {  	[tilespmem:v5+s1+$0x0] =	vst.idx.add.s32.msk $0xffff, v2;
	v5 =	vmul.f32 $3.921568690e-01, v14;
	v14 =	vadd.f32 $1.280000000e+02, v19;
	vm2 =	vlt.s32 v11, $0x63  }
0x6a2: {  	[tilespmem:v18+s1+$0x0] =	vst.idx.add.s32.msk $0xffff, v2;
	v13 =	vmul.f32 $3.921568690e-01, v9;
	v63 =	vmul.f32 $3.921568690e-01, v12;
	v10 =	vnsel vm2, $0x63, v11  }
0x6a3: {  	[tilespmem:v8+s1+$0x0] =	vst.idx.add.s32.msk $0xffff, v2;
	v9 =	vtrunc.f32 v4;
	v8 =	vmul.f32 $3.921568690e-01, v14;
	v4 =	vshll.u32 v10, $0x4  }
0x6a4: {  	[tilespmem:v20+s1+$0x0] =	vst.idx.add.s32.msk $0xffff, v2;
	v12 =	vtrunc.f32 v5;
	v10 =	vtrunc.f32 v13;
	v4 =	vadd.s32 v3, v4  }
0x6a5: {  	s6 =	simm.s32 $0x8;
	[tilespmem:v15+s1+$0x0] =	vst.idx.add.s32.msk $0xffff, v2;
	v5 =	vadd.s32 v3, v17;
	v11 =	vtrunc.f32 v63;
	v8 =	vtrunc.f32 v8  }
.LBB2_44:
0x6a6: {  	s6 =	sadd.s32 $0x8, s6;
	v6 =	vcvt.f32.s32 v6;
	v7 =	vcvt.f32.s32 v7  }
0x6a7: {  	v9 =	vcvt.f32.s32 v9;
	v12 =	vcvt.f32.s32 v12;
	s5 =	sadd.s32 $0x400, s5;
	s7 =	sshll.u32 s6, $0x4;
	p0 =	slt.u32 s6, $0x7F8  }
0x6a8: {  	v10 =	vcvt.f32.s32 v10;
	v11 =	vcvt.f32.s32 v11;
	s8 =	sand.u32 $0xC00, s5;
	s9 =	sshll.u32 s6, $0x2;
	s7 =	sand.u32 $0x7000, s7;
	vm2 =	vlt.s32 v6, $0x63  }
0x6a9: {  	v8 =	vcvt.f32.s32 v8;
	s9 =	sand.u32 $0x380, s9;
	vm3 =	vlt.s32 v7, $0x63;
	vm4 =	vlt.s32 v9, $0x63;
	s7 =	sor.u32 s8, s7;
	[tilespmem:v4+s1+$0x0] =	vst.idx.add.s32.msk $0xffff, v2  }
0x6aa: {  	vm5 =	vlt.s32 v12, $0x63;
	vm6 =	vlt.s32 v10, $0x63;
	vm7 =	vlt.s32 v11, $0x63;
	s7 =	sor.u32 s9, s7;
	[tilespmem:v5+s1+$0x0] =	vst.idx.add.s32.msk $0xffff, v2  }
0x6ab: {  	v5 =	vnsel vm2, $0x63, v6;
	v6 =	vnsel vm3, $0x63, v7;
	vm2 =	vlt.s32 v8, $0x63;
	v4 =	vld [tilespmem:s7+$0x70]  }
0x6ac: {  	v9 =	vnsel vm4, $0x63, v9;
	v12 =	vnsel vm5, $0x63, v12;
	v10 =	vnsel vm6, $0x63, v10;
	v7 =	vld [tilespmem:s7+$0x0]  }
0x6ad: {  	v11 =	vnsel vm7, $0x63, v11;
	v5 =	vshll.u32 v5, $0x4;
	v8 =	vnsel vm2, $0x63, v8;
	v13 =	vld [tilespmem:s7+$0x10]  }
0x6ae: {  	v9 =	vshll.u32 v9, $0x4;
	v12 =	vshll.u32 v12, $0x4;
	v6 =	vshll.u32 v6, $0x4;
	v14 =	vld [tilespmem:s7+$0x20]  }
0x6af: {  	v10 =	vshll.u32 v10, $0x4;
	v11 =	vshll.u32 v11, $0x4;
	v16 =	vshll.u32 v8, $0x4;
	v15 =	vld [tilespmem:s7+$0x30]  }
0x6b0: {  	v5 =	vadd.s32 v3, v5;
	v17 =	vadd.s32 v3, v6;
	v8 =	vld [tilespmem:s7+$0x40];
	v4 =	vadd.f32 $1.280000000e+02, v4  }
0x6b1: {  	v9 =	vadd.s32 v3, v9;
	v12 =	vadd.s32 v3, v12;
	v6 =	vadd.f32 $1.280000000e+02, v7;
	v7 =	vld [tilespmem:s7+$0x50]  }
0x6b2: {  	v10 =	vadd.s32 v3, v10;
	v13 =	vadd.f32 $1.280000000e+02, v13;
	v18 =	vld [tilespmem:s7+$0x60];
	v4 =	vmul.f32 $3.921568690e-01, v4  }
0x6b3: {  	v11 =	vadd.s32 v3, v11;
	v6 =	vmul.f32 $3.921568690e-01, v6;
	v14 =	vadd.f32 $1.280000000e+02, v14  }
0x6b4: {  	v13 =	vmul.f32 $3.921568690e-01, v13;
	v15 =	vadd.f32 $1.280000000e+02, v15;
	v4 =	vtrunc.f32 v4  }
0x6b5: {  	v14 =	vmul.f32 $3.921568690e-01, v14;
	v8 =	vadd.f32 $1.280000000e+02, v8;
	v4 =	vcvt.f32.s32 v4;
	[tilespmem:v5+s1+$0x0] =	vst.idx.add.s32.msk $0xffff, v2  }
0x6b6: {  	v6 =	vtrunc.f32 v6;
	v5 =	vmul.f32 $3.921568690e-01, v15;
	v15 =	vadd.f32 $1.280000000e+02, v7;
	[tilespmem:v17+s1+$0x0] =	vst.idx.add.s32.msk $0xffff, v2  }
.Ltmp21:
0x6b7: {  	v8 =	vmul.f32 $3.921568690e-01, v8;
	v17 =	vadd.f32 $1.280000000e+02, v18;
	vm2 =	vlt.s32 v4, $0x63;
	[tilespmem:v9+s1+$0x0] =	vst.idx.add.s32.msk $0xffff, v2;
	(pc) =	sbr.rel @p0 .LBB2_44-.Ltmp21, $4  }
0x6b8: {  	v7 =	vtrunc.f32 v13;
	v13 =	vmul.f32 $3.921568690e-01, v15;
	v4 =	vnsel vm2, $0x63, v4;
	[tilespmem:v12+s1+$0x0] =	vst.idx.add.s32.msk $0xffff, v2  }
0x6b9: {  	v9 =	vtrunc.f32 v14;
	v14 =	vmul.f32 $3.921568690e-01, v17;
	v4 =	vshll.u32 v4, $0x4;
	[tilespmem:v10+s1+$0x0] =	vst.idx.add.s32.msk $0xffff, v2  }
0x6ba: {  	v12 =	vtrunc.f32 v5;
	v10 =	vtrunc.f32 v8;
	v4 =	vadd.s32 v3, v4;
	[tilespmem:v11+s1+$0x0] =	vst.idx.add.s32.msk $0xffff, v2  }
0x6bb: {  	v5 =	vadd.s32 v3, v16;
	v11 =	vtrunc.f32 v13;
	v8 =	vtrunc.f32 v14  }
0x6bc: {  	v6 =	vcvt.f32.s32 v6  }
0x6bd: {  	v7 =	vcvt.f32.s32 v7;
	v9 =	vcvt.f32.s32 v9  }
0x6be: {  	v12 =	vcvt.f32.s32 v12;
	v10 =	vcvt.f32.s32 v10  }
0x6bf: {  	v11 =	vcvt.f32.s32 v11;
	v8 =	vcvt.f32.s32 v8;
	vm2 =	vlt.s32 v6, $0x63  }
0x6c0: {  	vm3 =	vlt.s32 v7, $0x63;
	vm4 =	vlt.s32 v9, $0x63;
	vm5 =	vlt.s32 v12, $0x63  }
0x6c1: {  	vm6 =	vlt.s32 v10, $0x63;
	vm7 =	vlt.s32 v11, $0x63;
	v6 =	vnsel vm2, $0x63, v6  }
0x6c2: {  	v7 =	vnsel vm3, $0x63, v7;
	vm2 =	vlt.s32 v8, $0x63;
	v6 =	vshll.u32 v6, $0x4  }
0x6c3: {  	v9 =	vnsel vm4, $0x63, v9;
	v7 =	vshll.u32 v7, $0x4;
	v6 =	vadd.s32 v3, v6  }
0x6c4: {  	v12 =	vnsel vm5, $0x63, v12;
	v9 =	vshll.u32 v9, $0x4;
	v7 =	vadd.s32 v3, v7  }
0x6c5: {  	v10 =	vnsel vm6, $0x63, v10;
	v12 =	vshll.u32 v12, $0x4;
	v9 =	vadd.s32 v3, v9  }
0x6c6: {  	[tilespmem:v4+s1+$0x0] =	vst.idx.add.s32.msk $0xffff, v2;
	v4 =	vnsel vm7, $0x63, v11;
	v10 =	vshll.u32 v10, $0x4;
	v11 =	vadd.s32 v3, v12  }
0x6c7: {  	[tilespmem:v5+s1+$0x0] =	vst.idx.add.s32.msk $0xffff, v2;
	v5 =	vnsel vm2, $0x63, v8;
	v4 =	vshll.u32 v4, $0x4;
	v8 =	vadd.s32 v3, v10  }
0x6c8: {  	v5 =	vshll.u32 v5, $0x4;
	v4 =	vadd.s32 v3, v4;
	[tilespmem:v6+s1+$0x0] =	vst.idx.add.s32.msk $0xffff, v2  }
0x6c9: {  	v5 =	vadd.s32 v3, v5;
	[tilespmem:v7+s1+$0x0] =	vst.idx.add.s32.msk $0xffff, v2  }
0x6ca: {  	[tilespmem:v9+s1+$0x0] =	vst.idx.add.s32.msk $0xffff, v2  }
0x6cb: {  	[tilespmem:v11+s1+$0x0] =	vst.idx.add.s32.msk $0xffff, v2  }
0x6cc: {  	[tilespmem:v8+s1+$0x0] =	vst.idx.add.s32.msk $0xffff, v2  }
0x6cd: {  	[tilespmem:v4+s1+$0x0] =	vst.idx.add.s32.msk $0xffff, v2  }
0x6ce: {  	s5 =	simm.s32 $0x0;
	[tilespmem:v5+s1+$0x0] =	vst.idx.add.s32.msk $0xffff, v2  }
0x6cf: {  	s25 =	simm.s32 $0x0;
	s7 =	simm.s32 $0x0;
	s6 =	rddreg [dreg:$0x1a]  }
0x6d0: {  	[tilespmem:s5], [sflag:$0x1] =	stream.linear.gather [hbm4b:s6+s5], $0x8000, $0x38;
	[tilespmem:$0x11880] =	vst v63  }
0x6d1: {  	s6 =	sand.u32 $0x7000, s25;
	s5 =	sand.u32 $0xC00, s5;
	_ =	swait.ge [sflag:s0], $0x8000  }
0x6d2: {  	s7 =	sand.u32 $0x380, s7;
	s5 =	sor.u32 s5, s6;
	[sflag:s0] =	ssyncset.done $0x0  }
0x6d3: {  	s5 =	sor.u32 s7, s5;
	[sflag:s0] =	ssyncadd.s32 $0xFFFF8000  }
0x6d4: {  	v4 =	vld [tilespmem:s5+$0x8070]  }
0x6d5: {  	v5 =	vld [tilespmem:s5+$0x8000]  }
0x6d6: {  	v6 =	vld [tilespmem:s5+$0x8010]  }
0x6d7: {  	v7 =	vld [tilespmem:s5+$0x8020]  }
0x6d8: {  	v8 =	vld [tilespmem:s5+$0x8030]  }
0x6d9: {  	v9 =	vld [tilespmem:s5+$0x8040]  }
0x6da: {  	v10 =	vld [tilespmem:s5+$0x8050]  }
0x6db: {  	v11 =	vld [tilespmem:s5+$0x8060]  }
0x6dc: {  	v4 =	vadd.f32 $1.280000000e+02, v4;
	v5 =	vadd.f32 $1.280000000e+02, v5  }
0x6dd: {  	v6 =	vadd.f32 $1.280000000e+02, v6;
	v7 =	vadd.f32 $1.280000000e+02, v7  }
0x6de: {  	v8 =	vadd.f32 $1.280000000e+02, v8;
	v9 =	vadd.f32 $1.280000000e+02, v9;
	v4 =	vmul.f32 $3.921568690e-01, v4  }
0x6df: {  	s26 =	simm.s32 $0x80;
	s5 =	simm.s32 $0x400;
	v10 =	vadd.f32 $1.280000000e+02, v10;
	v5 =	vmul.f32 $3.921568690e-01, v5;
	v6 =	vmul.f32 $3.921568690e-01, v6  }
0x6e0: {  	s8 =	simm.s32 $0x20;
	s6 =	sand.u32 $0x7000, s26;
	s28 =	sand.u32 $0xC00, s5;
	v11 =	vadd.f32 $1.280000000e+02, v11;
	v7 =	vmul.f32 $3.921568690e-01, v7;
	v8 =	vmul.f32 $3.921568690e-01, v8  }
0x6e1: {  	s8 =	sand.u32 $0x380, s8;
	s6 =	sor.u32 s28, s6;
	v9 =	vmul.f32 $3.921568690e-01, v9;
	v10 =	vmul.f32 $3.921568690e-01, v10  }
0x6e2: {  	s6 =	sor.u32 s8, s6;
	v11 =	vmul.f32 $3.921568690e-01, v11;
	v4 =	vtrunc.f32 v4  }
0x6e3: {  	v12 =	vld [tilespmem:s6+$0x8070];
	v5 =	vtrunc.f32 v5;
	v6 =	vtrunc.f32 v6  }
0x6e4: {  	v14 =	vld [tilespmem:s6+$0x8010];
	v7 =	vtrunc.f32 v7;
	v8 =	vtrunc.f32 v8  }
0x6e5: {  	v9 =	vtrunc.f32 v9;
	v10 =	vtrunc.f32 v10  }
0x6e6: {  	v11 =	vtrunc.f32 v11;
	v4 =	vcvt.f32.s32 v4  }
0x6e7: {  	v5 =	vcvt.f32.s32 v5;
	v6 =	vcvt.f32.s32 v6  }
0x6e8: {  	v12 =	vadd.f32 $1.280000000e+02, v12;
	v7 =	vcvt.f32.s32 v7;
	v8 =	vcvt.f32.s32 v8  }
0x6e9: {  	v14 =	vadd.f32 $1.280000000e+02, v14;
	v9 =	vcvt.f32.s32 v9;
	v10 =	vcvt.f32.s32 v10  }
0x6ea: {  	v11 =	vcvt.f32.s32 v11;
	v12 =	vmul.f32 $3.921568690e-01, v12;
	vm2 =	vlt.s32 v4, $0x63  }
0x6eb: {  	vm3 =	vlt.s32 v6, $0x63;
	vm12 =	vlt.s32 v7, $0x63;
	vm13 =	vlt.s32 v8, $0x63  }
0x6ec: {  	vm14 =	vlt.s32 v9, $0x63;
	vm15 =	vlt.s32 v10, $0x63;
	v4 =	vnsel vm2, $0x63, v4  }
0x6ed: {  	vm2 =	vlt.s32 v5, $0x63;
	v6 =	vnsel vm3, $0x63, v6;
	v7 =	vnsel vm12, $0x63, v7  }
0x6ee: {  	v13 =	vld [tilespmem:s6+$0x8000];
	v8 =	vnsel vm13, $0x63, v8;
	v9 =	vnsel vm14, $0x63, v9;
	v10 =	vnsel vm15, $0x63, v10  }
0x6ef: {  	v12 =	vtrunc.f32 v12;
	v4 =	vshll.u32 v4, $0x4;
	v5 =	vnsel vm2, $0x63, v5  }
0x6f0: {  	v15 =	vld [tilespmem:s6+$0x8020];
	vm2 =	vlt.s32 v11, $0x63;
	v6 =	vshll.u32 v6, $0x4;
	v7 =	vshll.u32 v7, $0x4  }
0x6f1: {  	v16 =	vld [tilespmem:s6+$0x8030];
	v8 =	vshll.u32 v8, $0x4;
	v9 =	vshll.u32 v9, $0x4;
	v11 =	vnsel vm2, $0x63, v11  }
0x6f2: {  	v4 =	vadd.s32 v3, v4;
	v5 =	vshll.u32 v5, $0x4;
	v17 =	vshll.u32 v11, $0x4;
	v11 =	vld [tilespmem:s6+$0x8040]  }
0x6f3: {  	v18 =	vadd.s32 v3, v6;
	v6 =	vadd.f32 $1.280000000e+02, v13;
	v13 =	vld [tilespmem:s6+$0x8050];
	v7 =	vadd.s32 v3, v7  }
0x6f4: {  	v19 =	vld [tilespmem:s6+$0x8060];
	v10 =	vshll.u32 v10, $0x4;
	v8 =	vadd.s32 v3, v8;
	v5 =	vadd.s32 v3, v5  }
0x6f5: {  	v20 =	vadd.s32 v3, v9;
	v9 =	vadd.f32 $1.280000000e+02, v15;
	v15 =	vadd.s32 v3, v10  }
0x6f6: {  	v10 =	vmul.f32 $3.921568690e-01, v14;
	v14 =	vadd.f32 $1.280000000e+02, v16;
	v6 =	vmul.f32 $3.921568690e-01, v6  }
0x6f7: {  	[tilespmem:v4+s1+$0x0] =	vst.idx.add.s32.msk $0xffff, v2;
	v4 =	vmul.f32 $3.921568690e-01, v9;
	v9 =	vadd.f32 $1.280000000e+02, v11;
	v11 =	vcvt.f32.s32 v12  }
0x6f8: {  	v6 =	vtrunc.f32 v6;
	[tilespmem:v7+s1+$0x0] =	vst.idx.add.s32.msk $0xffff, v2;
	v7 =	vtrunc.f32 v10;
	v12 =	vadd.f32 $1.280000000e+02, v13  }
0x6f9: {  	[tilespmem:v5+s1+$0x0] =	vst.idx.add.s32.msk $0xffff, v2;
	v5 =	vmul.f32 $3.921568690e-01, v14;
	v14 =	vadd.f32 $1.280000000e+02, v19;
	vm2 =	vlt.s32 v11, $0x63  }
0x6fa: {  	[tilespmem:v18+s1+$0x0] =	vst.idx.add.s32.msk $0xffff, v2;
	v13 =	vmul.f32 $3.921568690e-01, v9;
	v63 =	vmul.f32 $3.921568690e-01, v12;
	v10 =	vnsel vm2, $0x63, v11  }
0x6fb: {  	[tilespmem:v8+s1+$0x0] =	vst.idx.add.s32.msk $0xffff, v2;
	v9 =	vtrunc.f32 v4;
	v8 =	vmul.f32 $3.921568690e-01, v14;
	v4 =	vshll.u32 v10, $0x4  }
0x6fc: {  	[tilespmem:v20+s1+$0x0] =	vst.idx.add.s32.msk $0xffff, v2;
	v12 =	vtrunc.f32 v5;
	v10 =	vtrunc.f32 v13;
	v4 =	vadd.s32 v3, v4  }
0x6fd: {  	s6 =	simm.s32 $0x8;
	[tilespmem:v15+s1+$0x0] =	vst.idx.add.s32.msk $0xffff, v2;
	v5 =	vadd.s32 v3, v17;
	v11 =	vtrunc.f32 v63;
	v8 =	vtrunc.f32 v8  }
.LBB2_46:
0x6fe: {  	s6 =	sadd.s32 $0x8, s6;
	v6 =	vcvt.f32.s32 v6;
	v7 =	vcvt.f32.s32 v7  }
0x6ff: {  	v9 =	vcvt.f32.s32 v9;
	v12 =	vcvt.f32.s32 v12;
	s5 =	sadd.s32 $0x400, s5;
	s7 =	sshll.u32 s6, $0x4;
	p0 =	slt.u32 s6, $0x7F8  }
0x700: {  	v10 =	vcvt.f32.s32 v10;
	v11 =	vcvt.f32.s32 v11;
	s8 =	sand.u32 $0xC00, s5;
	s9 =	sshll.u32 s6, $0x2;
	s7 =	sand.u32 $0x7000, s7;
	vm2 =	vlt.s32 v6, $0x63  }
0x701: {  	v8 =	vcvt.f32.s32 v8;
	s9 =	sand.u32 $0x380, s9;
	vm3 =	vlt.s32 v7, $0x63;
	vm4 =	vlt.s32 v9, $0x63;
	s7 =	sor.u32 s8, s7;
	[tilespmem:v4+s1+$0x0] =	vst.idx.add.s32.msk $0xffff, v2  }
0x702: {  	vm5 =	vlt.s32 v12, $0x63;
	vm6 =	vlt.s32 v10, $0x63;
	vm7 =	vlt.s32 v11, $0x63;
	s7 =	sor.u32 s9, s7;
	[tilespmem:v5+s1+$0x0] =	vst.idx.add.s32.msk $0xffff, v2  }
0x703: {  	v5 =	vnsel vm2, $0x63, v6;
	v6 =	vnsel vm3, $0x63, v7;
	vm2 =	vlt.s32 v8, $0x63;
	v4 =	vld [tilespmem:s7+$0x8070]  }
0x704: {  	v9 =	vnsel vm4, $0x63, v9;
	v12 =	vnsel vm5, $0x63, v12;
	v10 =	vnsel vm6, $0x63, v10;
	v7 =	vld [tilespmem:s7+$0x8000]  }
0x705: {  	v11 =	vnsel vm7, $0x63, v11;
	v5 =	vshll.u32 v5, $0x4;
	v8 =	vnsel vm2, $0x63, v8;
	v13 =	vld [tilespmem:s7+$0x8010]  }
0x706: {  	v9 =	vshll.u32 v9, $0x4;
	v12 =	vshll.u32 v12, $0x4;
	v6 =	vshll.u32 v6, $0x4;
	v14 =	vld [tilespmem:s7+$0x8020]  }
0x707: {  	v10 =	vshll.u32 v10, $0x4;
	v11 =	vshll.u32 v11, $0x4;
	v16 =	vshll.u32 v8, $0x4;
	v15 =	vld [tilespmem:s7+$0x8030]  }
0x708: {  	v5 =	vadd.s32 v3, v5;
	v17 =	vadd.s32 v3, v6;
	v8 =	vld [tilespmem:s7+$0x8040];
	v4 =	vadd.f32 $1.280000000e+02, v4  }
0x709: {  	v9 =	vadd.s32 v3, v9;
	v12 =	vadd.s32 v3, v12;
	v6 =	vadd.f32 $1.280000000e+02, v7;
	v7 =	vld [tilespmem:s7+$0x8050]  }
0x70a: {  	v10 =	vadd.s32 v3, v10;
	v13 =	vadd.f32 $1.280000000e+02, v13;
	v18 =	vld [tilespmem:s7+$0x8060];
	v4 =	vmul.f32 $3.921568690e-01, v4  }
0x70b: {  	v11 =	vadd.s32 v3, v11;
	v6 =	vmul.f32 $3.921568690e-01, v6;
	v14 =	vadd.f32 $1.280000000e+02, v14  }
0x70c: {  	v13 =	vmul.f32 $3.921568690e-01, v13;
	v15 =	vadd.f32 $1.280000000e+02, v15;
	v4 =	vtrunc.f32 v4  }
0x70d: {  	v14 =	vmul.f32 $3.921568690e-01, v14;
	v8 =	vadd.f32 $1.280000000e+02, v8;
	v4 =	vcvt.f32.s32 v4;
	[tilespmem:v5+s1+$0x0] =	vst.idx.add.s32.msk $0xffff, v2  }
0x70e: {  	v6 =	vtrunc.f32 v6;
	v5 =	vmul.f32 $3.921568690e-01, v15;
	v15 =	vadd.f32 $1.280000000e+02, v7;
	[tilespmem:v17+s1+$0x0] =	vst.idx.add.s32.msk $0xffff, v2  }
.Ltmp22:
0x70f: {  	v8 =	vmul.f32 $3.921568690e-01, v8;
	v17 =	vadd.f32 $1.280000000e+02, v18;
	vm2 =	vlt.s32 v4, $0x63;
	[tilespmem:v9+s1+$0x0] =	vst.idx.add.s32.msk $0xffff, v2;
	(pc) =	sbr.rel @p0 .LBB2_46-.Ltmp22, $4  }
0x710: {  	v7 =	vtrunc.f32 v13;
	v13 =	vmul.f32 $3.921568690e-01, v15;
	v4 =	vnsel vm2, $0x63, v4;
	[tilespmem:v12+s1+$0x0] =	vst.idx.add.s32.msk $0xffff, v2  }
0x711: {  	v9 =	vtrunc.f32 v14;
	v14 =	vmul.f32 $3.921568690e-01, v17;
	v4 =	vshll.u32 v4, $0x4;
	[tilespmem:v10+s1+$0x0] =	vst.idx.add.s32.msk $0xffff, v2  }
0x712: {  	v12 =	vtrunc.f32 v5;
	v10 =	vtrunc.f32 v8;
	v4 =	vadd.s32 v3, v4;
	[tilespmem:v11+s1+$0x0] =	vst.idx.add.s32.msk $0xffff, v2  }
0x713: {  	v5 =	vadd.s32 v3, v16;
	v11 =	vtrunc.f32 v13;
	v8 =	vtrunc.f32 v14  }
0x714: {  	v6 =	vcvt.f32.s32 v6  }
0x715: {  	v7 =	vcvt.f32.s32 v7;
	v9 =	vcvt.f32.s32 v9  }
0x716: {  	v12 =	vcvt.f32.s32 v12;
	v10 =	vcvt.f32.s32 v10  }
0x717: {  	v11 =	vcvt.f32.s32 v11;
	v8 =	vcvt.f32.s32 v8;
	vm2 =	vlt.s32 v6, $0x63  }
0x718: {  	vm3 =	vlt.s32 v7, $0x63;
	vm4 =	vlt.s32 v9, $0x63;
	vm5 =	vlt.s32 v12, $0x63  }
0x719: {  	vm6 =	vlt.s32 v10, $0x63;
	vm7 =	vlt.s32 v11, $0x63;
	v6 =	vnsel vm2, $0x63, v6  }
0x71a: {  	v7 =	vnsel vm3, $0x63, v7;
	vm2 =	vlt.s32 v8, $0x63;
	v6 =	vshll.u32 v6, $0x4  }
0x71b: {  	v9 =	vnsel vm4, $0x63, v9;
	v7 =	vshll.u32 v7, $0x4;
	v6 =	vadd.s32 v3, v6  }
0x71c: {  	v12 =	vnsel vm5, $0x63, v12;
	v9 =	vshll.u32 v9, $0x4;
	v7 =	vadd.s32 v3, v7  }
0x71d: {  	v10 =	vnsel vm6, $0x63, v10;
	v12 =	vshll.u32 v12, $0x4;
	v9 =	vadd.s32 v3, v9  }
0x71e: {  	[tilespmem:v4+s1+$0x0] =	vst.idx.add.s32.msk $0xffff, v2;
	v4 =	vnsel vm7, $0x63, v11;
	v10 =	vshll.u32 v10, $0x4;
	v11 =	vadd.s32 v3, v12  }
0x71f: {  	[tilespmem:v5+s1+$0x0] =	vst.idx.add.s32.msk $0xffff, v2;
	v5 =	vnsel vm2, $0x63, v8;
	v4 =	vshll.u32 v4, $0x4;
	v8 =	vadd.s32 v3, v10  }
0x720: {  	v5 =	vshll.u32 v5, $0x4;
	v4 =	vadd.s32 v3, v4;
	[tilespmem:v6+s1+$0x0] =	vst.idx.add.s32.msk $0xffff, v2  }
0x721: {  	v5 =	vadd.s32 v3, v5;
	[tilespmem:v7+s1+$0x0] =	vst.idx.add.s32.msk $0xffff, v2  }
0x722: {  	[tilespmem:v9+s1+$0x0] =	vst.idx.add.s32.msk $0xffff, v2  }
0x723: {  	[tilespmem:v11+s1+$0x0] =	vst.idx.add.s32.msk $0xffff, v2  }
0x724: {  	[tilespmem:v8+s1+$0x0] =	vst.idx.add.s32.msk $0xffff, v2  }
0x725: {  	[tilespmem:v4+s1+$0x0] =	vst.idx.add.s32.msk $0xffff, v2  }
0x726: {  	s5 =	simm.s32 $0x0;
	s6 =	simm.s32 $0x0;
	s7 =	simm.s32 $0x0;
	[tilespmem:v5+s1+$0x0] =	vst.idx.add.s32.msk $0xffff, v2  }
0x727: {  	[tilespmem:s30], [sflag:$0x2] =	stream.linear.gather [hbm4b:s29+s5], $0x8000, $0x38;
	[tilespmem:$0x11880] =	vst v63  }
0x728: {  	s6 =	sand.u32 $0x7000, s6;
	s5 =	sand.u32 $0xC00, s5;
	_ =	swait.ge [sflag:s31], $0x8000  }
0x729: {  	s7 =	sand.u32 $0x380, s7;
	s5 =	sor.u32 s5, s6;
	[sflag:s31] =	ssyncset.done $0x0  }
0x72a: {  	s5 =	sor.u32 s7, s5;
	[sflag:s31] =	ssyncadd.s32 $0xFFFF8000  }
0x72b: {  	v4 =	vld [tilespmem:s5+$0x70]  }
0x72c: {  	v5 =	vld [tilespmem:s5+$0x0]  }
0x72d: {  	v6 =	vld [tilespmem:s5+$0x10]  }
0x72e: {  	v7 =	vld [tilespmem:s5+$0x20]  }
0x72f: {  	v8 =	vld [tilespmem:s5+$0x30]  }
0x730: {  	v9 =	vld [tilespmem:s5+$0x40]  }
0x731: {  	v10 =	vld [tilespmem:s5+$0x50]  }
0x732: {  	v11 =	vld [tilespmem:s5+$0x60]  }
0x733: {  	v4 =	vadd.f32 $1.280000000e+02, v4;
	v5 =	vadd.f32 $1.280000000e+02, v5  }
0x734: {  	v6 =	vadd.f32 $1.280000000e+02, v6;
	v7 =	vadd.f32 $1.280000000e+02, v7  }
0x735: {  	v8 =	vadd.f32 $1.280000000e+02, v8;
	v9 =	vadd.f32 $1.280000000e+02, v9;
	v4 =	vmul.f32 $3.921568690e-01, v4  }
0x736: {  	s26 =	simm.s32 $0x80;
	s5 =	simm.s32 $0x400;
	v10 =	vadd.f32 $1.280000000e+02, v10;
	v5 =	vmul.f32 $3.921568690e-01, v5;
	v6 =	vmul.f32 $3.921568690e-01, v6  }
0x737: {  	s8 =	simm.s32 $0x20;
	s6 =	sand.u32 $0x7000, s26;
	s28 =	sand.u32 $0xC00, s5;
	v11 =	vadd.f32 $1.280000000e+02, v11;
	v7 =	vmul.f32 $3.921568690e-01, v7;
	v8 =	vmul.f32 $3.921568690e-01, v8  }
0x738: {  	s8 =	sand.u32 $0x380, s8;
	s6 =	sor.u32 s28, s6;
	v9 =	vmul.f32 $3.921568690e-01, v9;
	v10 =	vmul.f32 $3.921568690e-01, v10  }
0x739: {  	s6 =	sor.u32 s8, s6;
	v11 =	vmul.f32 $3.921568690e-01, v11;
	v4 =	vtrunc.f32 v4  }
0x73a: {  	v12 =	vld [tilespmem:s6+$0x70];
	v5 =	vtrunc.f32 v5;
	v6 =	vtrunc.f32 v6  }
0x73b: {  	v14 =	vld [tilespmem:s6+$0x10];
	v7 =	vtrunc.f32 v7;
	v8 =	vtrunc.f32 v8  }
0x73c: {  	v9 =	vtrunc.f32 v9;
	v10 =	vtrunc.f32 v10  }
0x73d: {  	v11 =	vtrunc.f32 v11;
	v4 =	vcvt.f32.s32 v4  }
0x73e: {  	v5 =	vcvt.f32.s32 v5;
	v6 =	vcvt.f32.s32 v6  }
0x73f: {  	v12 =	vadd.f32 $1.280000000e+02, v12;
	v7 =	vcvt.f32.s32 v7;
	v8 =	vcvt.f32.s32 v8  }
0x740: {  	v14 =	vadd.f32 $1.280000000e+02, v14;
	v9 =	vcvt.f32.s32 v9;
	v10 =	vcvt.f32.s32 v10  }
0x741: {  	v11 =	vcvt.f32.s32 v11;
	v12 =	vmul.f32 $3.921568690e-01, v12;
	vm2 =	vlt.s32 v4, $0x63  }
0x742: {  	vm3 =	vlt.s32 v6, $0x63;
	vm12 =	vlt.s32 v7, $0x63;
	vm13 =	vlt.s32 v8, $0x63  }
0x743: {  	vm14 =	vlt.s32 v9, $0x63;
	vm15 =	vlt.s32 v10, $0x63;
	v4 =	vnsel vm2, $0x63, v4  }
0x744: {  	vm2 =	vlt.s32 v5, $0x63;
	v6 =	vnsel vm3, $0x63, v6;
	v7 =	vnsel vm12, $0x63, v7  }
0x745: {  	v13 =	vld [tilespmem:s6+$0x0];
	v8 =	vnsel vm13, $0x63, v8;
	v9 =	vnsel vm14, $0x63, v9;
	v10 =	vnsel vm15, $0x63, v10  }
0x746: {  	v12 =	vtrunc.f32 v12;
	v4 =	vshll.u32 v4, $0x4;
	v5 =	vnsel vm2, $0x63, v5  }
0x747: {  	v15 =	vld [tilespmem:s6+$0x20];
	vm2 =	vlt.s32 v11, $0x63;
	v6 =	vshll.u32 v6, $0x4;
	v7 =	vshll.u32 v7, $0x4  }
0x748: {  	v16 =	vld [tilespmem:s6+$0x30];
	v8 =	vshll.u32 v8, $0x4;
	v9 =	vshll.u32 v9, $0x4;
	v11 =	vnsel vm2, $0x63, v11  }
0x749: {  	v4 =	vadd.s32 v3, v4;
	v5 =	vshll.u32 v5, $0x4;
	v17 =	vshll.u32 v11, $0x4;
	v11 =	vld [tilespmem:s6+$0x40]  }
0x74a: {  	v18 =	vadd.s32 v3, v6;
	v6 =	vadd.f32 $1.280000000e+02, v13;
	v13 =	vld [tilespmem:s6+$0x50];
	v7 =	vadd.s32 v3, v7  }
0x74b: {  	v19 =	vld [tilespmem:s6+$0x60];
	v10 =	vshll.u32 v10, $0x4;
	v8 =	vadd.s32 v3, v8;
	v5 =	vadd.s32 v3, v5  }
0x74c: {  	v20 =	vadd.s32 v3, v9;
	v9 =	vadd.f32 $1.280000000e+02, v15;
	v15 =	vadd.s32 v3, v10  }
0x74d: {  	v10 =	vmul.f32 $3.921568690e-01, v14;
	v14 =	vadd.f32 $1.280000000e+02, v16;
	v6 =	vmul.f32 $3.921568690e-01, v6  }
0x74e: {  	[tilespmem:v4+s1+$0x0] =	vst.idx.add.s32.msk $0xffff, v2;
	v4 =	vmul.f32 $3.921568690e-01, v9;
	v9 =	vadd.f32 $1.280000000e+02, v11;
	v11 =	vcvt.f32.s32 v12  }
0x74f: {  	v6 =	vtrunc.f32 v6;
	[tilespmem:v7+s1+$0x0] =	vst.idx.add.s32.msk $0xffff, v2;
	v7 =	vtrunc.f32 v10;
	v12 =	vadd.f32 $1.280000000e+02, v13  }
0x750: {  	[tilespmem:v5+s1+$0x0] =	vst.idx.add.s32.msk $0xffff, v2;
	v5 =	vmul.f32 $3.921568690e-01, v14;
	v14 =	vadd.f32 $1.280000000e+02, v19;
	vm2 =	vlt.s32 v11, $0x63  }
0x751: {  	[tilespmem:v18+s1+$0x0] =	vst.idx.add.s32.msk $0xffff, v2;
	v13 =	vmul.f32 $3.921568690e-01, v9;
	v63 =	vmul.f32 $3.921568690e-01, v12;
	v10 =	vnsel vm2, $0x63, v11  }
0x752: {  	[tilespmem:v8+s1+$0x0] =	vst.idx.add.s32.msk $0xffff, v2;
	v9 =	vtrunc.f32 v4;
	v8 =	vmul.f32 $3.921568690e-01, v14;
	v4 =	vshll.u32 v10, $0x4  }
0x753: {  	[tilespmem:v20+s1+$0x0] =	vst.idx.add.s32.msk $0xffff, v2;
	v12 =	vtrunc.f32 v5;
	v10 =	vtrunc.f32 v13;
	v4 =	vadd.s32 v3, v4  }
0x754: {  	s6 =	simm.s32 $0x8;
	[tilespmem:v15+s1+$0x0] =	vst.idx.add.s32.msk $0xffff, v2;
	v5 =	vadd.s32 v3, v17;
	v11 =	vtrunc.f32 v63;
	v8 =	vtrunc.f32 v8  }
.LBB2_48:
0x755: {  	s6 =	sadd.s32 $0x8, s6;
	v6 =	vcvt.f32.s32 v6;
	v7 =	vcvt.f32.s32 v7  }
0x756: {  	v9 =	vcvt.f32.s32 v9;
	v12 =	vcvt.f32.s32 v12;
	s5 =	sadd.s32 $0x400, s5;
	s7 =	sshll.u32 s6, $0x4;
	p0 =	slt.u32 s6, $0x7F8  }
0x757: {  	v10 =	vcvt.f32.s32 v10;
	v11 =	vcvt.f32.s32 v11;
	s8 =	sand.u32 $0xC00, s5;
	s9 =	sshll.u32 s6, $0x2;
	s7 =	sand.u32 $0x7000, s7;
	vm2 =	vlt.s32 v6, $0x63  }
0x758: {  	v8 =	vcvt.f32.s32 v8;
	s9 =	sand.u32 $0x380, s9;
	vm3 =	vlt.s32 v7, $0x63;
	vm4 =	vlt.s32 v9, $0x63;
	s7 =	sor.u32 s8, s7;
	[tilespmem:v4+s1+$0x0] =	vst.idx.add.s32.msk $0xffff, v2  }
0x759: {  	vm5 =	vlt.s32 v12, $0x63;
	vm6 =	vlt.s32 v10, $0x63;
	vm7 =	vlt.s32 v11, $0x63;
	s7 =	sor.u32 s9, s7;
	[tilespmem:v5+s1+$0x0] =	vst.idx.add.s32.msk $0xffff, v2  }
0x75a: {  	v5 =	vnsel vm2, $0x63, v6;
	v6 =	vnsel vm3, $0x63, v7;
	vm2 =	vlt.s32 v8, $0x63;
	v4 =	vld [tilespmem:s7+$0x70]  }
0x75b: {  	v9 =	vnsel vm4, $0x63, v9;
	v12 =	vnsel vm5, $0x63, v12;
	v10 =	vnsel vm6, $0x63, v10;
	v7 =	vld [tilespmem:s7+$0x0]  }
0x75c: {  	v11 =	vnsel vm7, $0x63, v11;
	v5 =	vshll.u32 v5, $0x4;
	v8 =	vnsel vm2, $0x63, v8;
	v13 =	vld [tilespmem:s7+$0x10]  }
0x75d: {  	v9 =	vshll.u32 v9, $0x4;
	v12 =	vshll.u32 v12, $0x4;
	v6 =	vshll.u32 v6, $0x4;
	v14 =	vld [tilespmem:s7+$0x20]  }
0x75e: {  	v10 =	vshll.u32 v10, $0x4;
	v11 =	vshll.u32 v11, $0x4;
	v16 =	vshll.u32 v8, $0x4;
	v15 =	vld [tilespmem:s7+$0x30]  }
0x75f: {  	v5 =	vadd.s32 v3, v5;
	v17 =	vadd.s32 v3, v6;
	v8 =	vld [tilespmem:s7+$0x40];
	v4 =	vadd.f32 $1.280000000e+02, v4  }
0x760: {  	v9 =	vadd.s32 v3, v9;
	v12 =	vadd.s32 v3, v12;
	v6 =	vadd.f32 $1.280000000e+02, v7;
	v7 =	vld [tilespmem:s7+$0x50]  }
0x761: {  	v10 =	vadd.s32 v3, v10;
	v13 =	vadd.f32 $1.280000000e+02, v13;
	v18 =	vld [tilespmem:s7+$0x60];
	v4 =	vmul.f32 $3.921568690e-01, v4  }
0x762: {  	v11 =	vadd.s32 v3, v11;
	v6 =	vmul.f32 $3.921568690e-01, v6;
	v14 =	vadd.f32 $1.280000000e+02, v14  }
0x763: {  	v13 =	vmul.f32 $3.921568690e-01, v13;
	v15 =	vadd.f32 $1.280000000e+02, v15;
	v4 =	vtrunc.f32 v4  }
0x764: {  	v14 =	vmul.f32 $3.921568690e-01, v14;
	v8 =	vadd.f32 $1.280000000e+02, v8;
	v4 =	vcvt.f32.s32 v4;
	[tilespmem:v5+s1+$0x0] =	vst.idx.add.s32.msk $0xffff, v2  }
0x765: {  	v6 =	vtrunc.f32 v6;
	v5 =	vmul.f32 $3.921568690e-01, v15;
	v15 =	vadd.f32 $1.280000000e+02, v7;
	[tilespmem:v17+s1+$0x0] =	vst.idx.add.s32.msk $0xffff, v2  }
.Ltmp23:
0x766: {  	v8 =	vmul.f32 $3.921568690e-01, v8;
	v17 =	vadd.f32 $1.280000000e+02, v18;
	vm2 =	vlt.s32 v4, $0x63;
	[tilespmem:v9+s1+$0x0] =	vst.idx.add.s32.msk $0xffff, v2;
	(pc) =	sbr.rel @p0 .LBB2_48-.Ltmp23, $4  }
0x767: {  	v7 =	vtrunc.f32 v13;
	v13 =	vmul.f32 $3.921568690e-01, v15;
	v4 =	vnsel vm2, $0x63, v4;
	[tilespmem:v12+s1+$0x0] =	vst.idx.add.s32.msk $0xffff, v2  }
0x768: {  	v9 =	vtrunc.f32 v14;
	v14 =	vmul.f32 $3.921568690e-01, v17;
	v4 =	vshll.u32 v4, $0x4;
	[tilespmem:v10+s1+$0x0] =	vst.idx.add.s32.msk $0xffff, v2  }
0x769: {  	v12 =	vtrunc.f32 v5;
	v10 =	vtrunc.f32 v8;
	v4 =	vadd.s32 v3, v4;
	[tilespmem:v11+s1+$0x0] =	vst.idx.add.s32.msk $0xffff, v2  }
0x76a: {  	v5 =	vadd.s32 v3, v16;
	v11 =	vtrunc.f32 v13;
	v8 =	vtrunc.f32 v14  }
0x76b: {  	v6 =	vcvt.f32.s32 v6  }
0x76c: {  	v7 =	vcvt.f32.s32 v7;
	v9 =	vcvt.f32.s32 v9  }
0x76d: {  	v12 =	vcvt.f32.s32 v12;
	v10 =	vcvt.f32.s32 v10  }
0x76e: {  	v11 =	vcvt.f32.s32 v11;
	v8 =	vcvt.f32.s32 v8;
	vm2 =	vlt.s32 v6, $0x63  }
0x76f: {  	vm3 =	vlt.s32 v7, $0x63;
	vm4 =	vlt.s32 v9, $0x63;
	vm5 =	vlt.s32 v12, $0x63  }
0x770: {  	vm6 =	vlt.s32 v10, $0x63;
	vm7 =	vlt.s32 v11, $0x63;
	v6 =	vnsel vm2, $0x63, v6  }
0x771: {  	v7 =	vnsel vm3, $0x63, v7;
	vm2 =	vlt.s32 v8, $0x63;
	v6 =	vshll.u32 v6, $0x4  }
0x772: {  	v9 =	vnsel vm4, $0x63, v9;
	v7 =	vshll.u32 v7, $0x4;
	v6 =	vadd.s32 v3, v6  }
0x773: {  	v12 =	vnsel vm5, $0x63, v12;
	v9 =	vshll.u32 v9, $0x4;
	v7 =	vadd.s32 v3, v7  }
0x774: {  	v10 =	vnsel vm6, $0x63, v10;
	v12 =	vshll.u32 v12, $0x4;
	v9 =	vadd.s32 v3, v9  }
0x775: {  	[tilespmem:v4+s1+$0x0] =	vst.idx.add.s32.msk $0xffff, v2;
	v4 =	vnsel vm7, $0x63, v11;
	v10 =	vshll.u32 v10, $0x4;
	v11 =	vadd.s32 v3, v12  }
0x776: {  	[tilespmem:v5+s1+$0x0] =	vst.idx.add.s32.msk $0xffff, v2;
	v5 =	vnsel vm2, $0x63, v8;
	v4 =	vshll.u32 v4, $0x4;
	v8 =	vadd.s32 v3, v10  }
0x777: {  	v5 =	vshll.u32 v5, $0x4;
	v4 =	vadd.s32 v3, v4;
	[tilespmem:v6+s1+$0x0] =	vst.idx.add.s32.msk $0xffff, v2  }
0x778: {  	v5 =	vadd.s32 v3, v5;
	[tilespmem:v7+s1+$0x0] =	vst.idx.add.s32.msk $0xffff, v2  }
0x779: {  	[tilespmem:v9+s1+$0x0] =	vst.idx.add.s32.msk $0xffff, v2  }
0x77a: {  	[tilespmem:v11+s1+$0x0] =	vst.idx.add.s32.msk $0xffff, v2  }
0x77b: {  	[tilespmem:v8+s1+$0x0] =	vst.idx.add.s32.msk $0xffff, v2  }
0x77c: {  	[tilespmem:v4+s1+$0x0] =	vst.idx.add.s32.msk $0xffff, v2  }
0x77d: {  	s5 =	simm.s32 $0x0;
	s6 =	simm.s32 $0x0;
	s8 =	simm.s32 $0x0;
	[tilespmem:v5+s1+$0x0] =	vst.idx.add.s32.msk $0xffff, v2  }
0x77e: {  	s6 =	sand.u32 $0x7000, s6;
	s7 =	sand.u32 $0xC00, s5;
	_ =	swait.ge [sflag:s0], $0x8000  }
0x77f: {  	s8 =	sand.u32 $0x380, s8;
	s6 =	sor.u32 s7, s6;
	[sflag:s0] =	ssyncset.done $0x0  }
0x780: {  	s6 =	sor.u32 s8, s6;
	[sflag:s0] =	ssyncadd.s32 $0xFFFF8000  }
0x781: {  	v4 =	vld [tilespmem:s6+$0x8070]  }
0x782: {  	v5 =	vld [tilespmem:s6+$0x8000]  }
0x783: {  	v6 =	vld [tilespmem:s6+$0x8010]  }
0x784: {  	v7 =	vld [tilespmem:s6+$0x8020]  }
0x785: {  	v8 =	vld [tilespmem:s6+$0x8030]  }
0x786: {  	v9 =	vld [tilespmem:s6+$0x8040]  }
0x787: {  	v10 =	vld [tilespmem:s6+$0x8050]  }
0x788: {  	v11 =	vld [tilespmem:s6+$0x8060]  }
0x789: {  	v4 =	vadd.f32 $1.280000000e+02, v4;
	v5 =	vadd.f32 $1.280000000e+02, v5  }
0x78a: {  	v6 =	vadd.f32 $1.280000000e+02, v6;
	v7 =	vadd.f32 $1.280000000e+02, v7  }
0x78b: {  	v8 =	vadd.f32 $1.280000000e+02, v8;
	v9 =	vadd.f32 $1.280000000e+02, v9;
	v4 =	vmul.f32 $3.921568690e-01, v4  }
0x78c: {  	s26 =	simm.s32 $0x80;
	s6 =	simm.s32 $0x400;
	v10 =	vadd.f32 $1.280000000e+02, v10;
	v5 =	vmul.f32 $3.921568690e-01, v5;
	v6 =	vmul.f32 $3.921568690e-01, v6  }
0x78d: {  	s9 =	simm.s32 $0x20;
	s7 =	sand.u32 $0x7000, s26;
	s28 =	sand.u32 $0xC00, s6;
	v11 =	vadd.f32 $1.280000000e+02, v11;
	v7 =	vmul.f32 $3.921568690e-01, v7;
	v8 =	vmul.f32 $3.921568690e-01, v8  }
0x78e: {  	s9 =	sand.u32 $0x380, s9;
	s7 =	sor.u32 s28, s7;
	v9 =	vmul.f32 $3.921568690e-01, v9;
	v10 =	vmul.f32 $3.921568690e-01, v10  }
0x78f: {  	s7 =	sor.u32 s9, s7;
	v11 =	vmul.f32 $3.921568690e-01, v11;
	v4 =	vtrunc.f32 v4  }
0x790: {  	v12 =	vld [tilespmem:s7+$0x8070];
	v5 =	vtrunc.f32 v5;
	v6 =	vtrunc.f32 v6  }
0x791: {  	v14 =	vld [tilespmem:s7+$0x8010];
	v7 =	vtrunc.f32 v7;
	v8 =	vtrunc.f32 v8  }
0x792: {  	v9 =	vtrunc.f32 v9;
	v10 =	vtrunc.f32 v10  }
0x793: {  	v11 =	vtrunc.f32 v11;
	v4 =	vcvt.f32.s32 v4  }
0x794: {  	v5 =	vcvt.f32.s32 v5;
	v6 =	vcvt.f32.s32 v6  }
0x795: {  	v12 =	vadd.f32 $1.280000000e+02, v12;
	v7 =	vcvt.f32.s32 v7;
	v8 =	vcvt.f32.s32 v8  }
0x796: {  	v14 =	vadd.f32 $1.280000000e+02, v14;
	v9 =	vcvt.f32.s32 v9;
	v10 =	vcvt.f32.s32 v10  }
0x797: {  	v11 =	vcvt.f32.s32 v11;
	v12 =	vmul.f32 $3.921568690e-01, v12;
	vm2 =	vlt.s32 v4, $0x63  }
0x798: {  	vm3 =	vlt.s32 v6, $0x63;
	vm12 =	vlt.s32 v7, $0x63;
	vm13 =	vlt.s32 v8, $0x63  }
0x799: {  	vm14 =	vlt.s32 v9, $0x63;
	vm15 =	vlt.s32 v10, $0x63;
	v4 =	vnsel vm2, $0x63, v4  }
0x79a: {  	vm2 =	vlt.s32 v5, $0x63;
	v6 =	vnsel vm3, $0x63, v6;
	v7 =	vnsel vm12, $0x63, v7  }
0x79b: {  	v13 =	vld [tilespmem:s7+$0x8000];
	v8 =	vnsel vm13, $0x63, v8;
	v9 =	vnsel vm14, $0x63, v9;
	v10 =	vnsel vm15, $0x63, v10  }
0x79c: {  	v12 =	vtrunc.f32 v12;
	v4 =	vshll.u32 v4, $0x4;
	v5 =	vnsel vm2, $0x63, v5  }
0x79d: {  	v15 =	vld [tilespmem:s7+$0x8020];
	vm2 =	vlt.s32 v11, $0x63;
	v6 =	vshll.u32 v6, $0x4;
	v7 =	vshll.u32 v7, $0x4  }
0x79e: {  	v16 =	vld [tilespmem:s7+$0x8030];
	v8 =	vshll.u32 v8, $0x4;
	v9 =	vshll.u32 v9, $0x4;
	v11 =	vnsel vm2, $0x63, v11  }
0x79f: {  	v4 =	vadd.s32 v3, v4;
	v5 =	vshll.u32 v5, $0x4;
	v17 =	vshll.u32 v11, $0x4;
	v11 =	vld [tilespmem:s7+$0x8040]  }
0x7a0: {  	v18 =	vadd.s32 v3, v6;
	v6 =	vadd.f32 $1.280000000e+02, v13;
	v13 =	vld [tilespmem:s7+$0x8050];
	v7 =	vadd.s32 v3, v7  }
0x7a1: {  	v19 =	vld [tilespmem:s7+$0x8060];
	v10 =	vshll.u32 v10, $0x4;
	v8 =	vadd.s32 v3, v8;
	v5 =	vadd.s32 v3, v5  }
0x7a2: {  	v20 =	vadd.s32 v3, v9;
	v9 =	vadd.f32 $1.280000000e+02, v15;
	v15 =	vadd.s32 v3, v10  }
0x7a3: {  	v10 =	vmul.f32 $3.921568690e-01, v14;
	v14 =	vadd.f32 $1.280000000e+02, v16;
	s7 =	simm.s32 $0x10000;
	v6 =	vmul.f32 $3.921568690e-01, v6  }
0x7a4: {  	[tilespmem:v4+s7+$0x0] =	vst.idx.add.s32.msk $0xffff, v2;
	v4 =	vmul.f32 $3.921568690e-01, v9;
	v9 =	vadd.f32 $1.280000000e+02, v11;
	v11 =	vcvt.f32.s32 v12  }
0x7a5: {  	v6 =	vtrunc.f32 v6;
	[tilespmem:v7+s7+$0x0] =	vst.idx.add.s32.msk $0xffff, v2;
	v7 =	vtrunc.f32 v10;
	v12 =	vadd.f32 $1.280000000e+02, v13  }
0x7a6: {  	[tilespmem:v5+s7+$0x0] =	vst.idx.add.s32.msk $0xffff, v2;
	v5 =	vmul.f32 $3.921568690e-01, v14;
	v14 =	vadd.f32 $1.280000000e+02, v19;
	vm2 =	vlt.s32 v11, $0x63  }
0x7a7: {  	[tilespmem:v18+s7+$0x0] =	vst.idx.add.s32.msk $0xffff, v2;
	v13 =	vmul.f32 $3.921568690e-01, v9;
	v63 =	vmul.f32 $3.921568690e-01, v12;
	v10 =	vnsel vm2, $0x63, v11  }
0x7a8: {  	[tilespmem:v8+s7+$0x0] =	vst.idx.add.s32.msk $0xffff, v2;
	v9 =	vtrunc.f32 v4;
	v8 =	vmul.f32 $3.921568690e-01, v14;
	v4 =	vshll.u32 v10, $0x4  }
0x7a9: {  	[tilespmem:v20+s7+$0x0] =	vst.idx.add.s32.msk $0xffff, v2;
	v12 =	vtrunc.f32 v5;
	v10 =	vtrunc.f32 v13;
	v4 =	vadd.s32 v3, v4  }
0x7aa: {  	s8 =	simm.s32 $0x10000;
	s9 =	simm.s32 $0x8;
	[tilespmem:v15+s7+$0x0] =	vst.idx.add.s32.msk $0xffff, v2;
	v5 =	vadd.s32 v3, v17;
	v11 =	vtrunc.f32 v63;
	v8 =	vtrunc.f32 v8  }
.LBB2_50:
0x7ab: {  	s9 =	sadd.s32 $0x8, s9;
	v6 =	vcvt.f32.s32 v6;
	v7 =	vcvt.f32.s32 v7  }
0x7ac: {  	v9 =	vcvt.f32.s32 v9;
	v12 =	vcvt.f32.s32 v12;
	s6 =	sadd.s32 $0x400, s6;
	s10 =	sshll.u32 s9, $0x4  }
0x7ad: {  	v10 =	vcvt.f32.s32 v10;
	v11 =	vcvt.f32.s32 v11;
	s11 =	sand.u32 $0xC00, s6;
	s12 =	sshll.u32 s9, $0x2;
	s10 =	sand.u32 $0x7000, s10;
	vm2 =	vlt.s32 v6, $0x63  }
0x7ae: {  	v8 =	vcvt.f32.s32 v8;
	p0 =	slt.u32 s9, $0x7F8;
	s12 =	sand.u32 $0x380, s12;
	vm3 =	vlt.s32 v7, $0x63;
	vm4 =	vlt.s32 v9, $0x63;
	s10 =	sor.u32 s11, s10;
	[tilespmem:v4+s7+$0x0] =	vst.idx.add.s32.msk $0xffff, v2  }
0x7af: {  	vm5 =	vlt.s32 v12, $0x63;
	vm6 =	vlt.s32 v10, $0x63;
	vm7 =	vlt.s32 v11, $0x63;
	s10 =	sor.u32 s12, s10;
	[tilespmem:v5+s8+$0x0] =	vst.idx.add.s32.msk $0xffff, v2;
	s8 =	smov.u32 s7  }
0x7b0: {  	v5 =	vnsel vm2, $0x63, v6;
	v6 =	vnsel vm3, $0x63, v7;
	vm2 =	vlt.s32 v8, $0x63;
	v4 =	vld [tilespmem:s10+$0x8070]  }
0x7b1: {  	v9 =	vnsel vm4, $0x63, v9;
	v12 =	vnsel vm5, $0x63, v12;
	v10 =	vnsel vm6, $0x63, v10;
	v7 =	vld [tilespmem:s10+$0x8000]  }
0x7b2: {  	v11 =	vnsel vm7, $0x63, v11;
	v5 =	vshll.u32 v5, $0x4;
	v8 =	vnsel vm2, $0x63, v8;
	v13 =	vld [tilespmem:s10+$0x8010]  }
0x7b3: {  	v9 =	vshll.u32 v9, $0x4;
	v12 =	vshll.u32 v12, $0x4;
	v6 =	vshll.u32 v6, $0x4;
	v14 =	vld [tilespmem:s10+$0x8020]  }
0x7b4: {  	v10 =	vshll.u32 v10, $0x4;
	v11 =	vshll.u32 v11, $0x4;
	v16 =	vshll.u32 v8, $0x4;
	v15 =	vld [tilespmem:s10+$0x8030]  }
0x7b5: {  	v5 =	vadd.s32 v3, v5;
	v17 =	vadd.s32 v3, v6;
	v8 =	vld [tilespmem:s10+$0x8040];
	v4 =	vadd.f32 $1.280000000e+02, v4  }
0x7b6: {  	v9 =	vadd.s32 v3, v9;
	v12 =	vadd.s32 v3, v12;
	v6 =	vadd.f32 $1.280000000e+02, v7;
	v7 =	vld [tilespmem:s10+$0x8050]  }
0x7b7: {  	v10 =	vadd.s32 v3, v10;
	v13 =	vadd.f32 $1.280000000e+02, v13;
	v18 =	vld [tilespmem:s10+$0x8060];
	v4 =	vmul.f32 $3.921568690e-01, v4  }
0x7b8: {  	v11 =	vadd.s32 v3, v11;
	v6 =	vmul.f32 $3.921568690e-01, v6;
	v14 =	vadd.f32 $1.280000000e+02, v14  }
0x7b9: {  	v13 =	vmul.f32 $3.921568690e-01, v13;
	v15 =	vadd.f32 $1.280000000e+02, v15;
	v4 =	vtrunc.f32 v4  }
0x7ba: {  	v14 =	vmul.f32 $3.921568690e-01, v14;
	v8 =	vadd.f32 $1.280000000e+02, v8;
	v4 =	vcvt.f32.s32 v4;
	[tilespmem:v5+s8+$0x0] =	vst.idx.add.s32.msk $0xffff, v2  }
0x7bb: {  	v6 =	vtrunc.f32 v6;
	v5 =	vmul.f32 $3.921568690e-01, v15;
	v15 =	vadd.f32 $1.280000000e+02, v7;
	[tilespmem:v17+s8+$0x0] =	vst.idx.add.s32.msk $0xffff, v2  }
.Ltmp24:
0x7bc: {  	v8 =	vmul.f32 $3.921568690e-01, v8;
	v17 =	vadd.f32 $1.280000000e+02, v18;
	vm2 =	vlt.s32 v4, $0x63;
	[tilespmem:v9+s8+$0x0] =	vst.idx.add.s32.msk $0xffff, v2;
	(pc) =	sbr.rel @p0 .LBB2_50-.Ltmp24, $4  }
0x7bd: {  	v7 =	vtrunc.f32 v13;
	v13 =	vmul.f32 $3.921568690e-01, v15;
	v4 =	vnsel vm2, $0x63, v4;
	[tilespmem:v12+s8+$0x0] =	vst.idx.add.s32.msk $0xffff, v2  }
0x7be: {  	v9 =	vtrunc.f32 v14;
	v14 =	vmul.f32 $3.921568690e-01, v17;
	v4 =	vshll.u32 v4, $0x4;
	[tilespmem:v10+s8+$0x0] =	vst.idx.add.s32.msk $0xffff, v2  }
0x7bf: {  	v12 =	vtrunc.f32 v5;
	v10 =	vtrunc.f32 v8;
	v4 =	vadd.s32 v3, v4;
	[tilespmem:v11+s8+$0x0] =	vst.idx.add.s32.msk $0xffff, v2  }
0x7c0: {  	v5 =	vadd.s32 v3, v16;
	v11 =	vtrunc.f32 v13;
	v8 =	vtrunc.f32 v14  }
0x7c1: {  	v6 =	vcvt.f32.s32 v6  }
0x7c2: {  	v7 =	vcvt.f32.s32 v7;
	v9 =	vcvt.f32.s32 v9  }
0x7c3: {  	v12 =	vcvt.f32.s32 v12;
	v10 =	vcvt.f32.s32 v10  }
0x7c4: {  	v11 =	vcvt.f32.s32 v11;
	v8 =	vcvt.f32.s32 v8;
	vm2 =	vlt.s32 v6, $0x63  }
0x7c5: {  	vm3 =	vlt.s32 v7, $0x63;
	vm4 =	vlt.s32 v9, $0x63;
	vm5 =	vlt.s32 v12, $0x63  }
0x7c6: {  	vm6 =	vlt.s32 v10, $0x63;
	v6 =	vnsel vm2, $0x63, v6;
	vm2 =	vlt.s32 v11, $0x63  }
0x7c7: {  	v7 =	vnsel vm3, $0x63, v7;
	vm3 =	vlt.s32 v8, $0x63;
	v6 =	vshll.u32 v6, $0x4  }
0x7c8: {  	v9 =	vnsel vm4, $0x63, v9;
	v7 =	vshll.u32 v7, $0x4;
	v6 =	vadd.s32 v3, v6  }
0x7c9: {  	v12 =	vnsel vm5, $0x63, v12;
	v9 =	vshll.u32 v9, $0x4;
	v7 =	vadd.s32 v3, v7  }
0x7ca: {  	s6 =	simm.s32 $0x10000;
	v10 =	vnsel vm6, $0x63, v10;
	v12 =	vshll.u32 v12, $0x4;
	v9 =	vadd.s32 v3, v9  }
0x7cb: {  	[tilespmem:v4+s6+$0x0] =	vst.idx.add.s32.msk $0xffff, v2;
	v4 =	vnsel vm2, $0x63, v11;
	v10 =	vshll.u32 v10, $0x4;
	v62 =	vadd.s32 v3, v12  }
0x7cc: {  	[tilespmem:v5+s8+$0x0] =	vst.idx.add.s32.msk $0xffff, v2;
	v5 =	vnsel vm3, $0x63, v8;
	v4 =	vshll.u32 v4, $0x4;
	v63 =	vadd.s32 v3, v10  }
0x7cd: {  	v5 =	vshll.u32 v5, $0x4;
	v4 =	vadd.s32 v3, v4;
	[tilespmem:v6+s6+$0x0] =	vst.idx.add.s32.msk $0xffff, v2  }
0x7ce: {  	v3 =	vadd.s32 v3, v5;
	[tilespmem:v7+s6+$0x0] =	vst.idx.add.s32.msk $0xffff, v2  }
0x7cf: {  	[tilespmem:v9+s6+$0x0] =	vst.idx.add.s32.msk $0xffff, v2  }
0x7d0: {  	[tilespmem:v62+s6+$0x0] =	vst.idx.add.s32.msk $0xffff, v2  }
0x7d1: {  	[tilespmem:v63+s6+$0x0] =	vst.idx.add.s32.msk $0xffff, v2  }
0x7d2: {  	[tilespmem:v4+s6+$0x0] =	vst.idx.add.s32.msk $0xffff, v2  }
0x7d3: {  	[tilespmem:v3+s6+$0x0] =	vst.idx.add.s32.msk $0xffff, v2  }
0x7d4: {  	v3 =	vld [tilespmem:s6+$0x0];
	_ =	sdelay $0x4  }
0x7d5: {  	(xrf0) =	vadd.scan.msk.s32 $0xffff, v3;
	_ =	sdelay $0x5  }
0x7d6: {  	v3, _, _ =	vpop (xrf0)  }
0x7d7: {  	(v2sf) =	vpush v3, $0xF;
	_ =	sdelay $0x1  }
0x7d8: {  	s25 =	simm.s32 $0x10010  }
0x7d9: {  	s26 =	simm.s32 $0x10020;
	v3 =	vld [tilespmem:s25+$0x0]  }
0x7da: {  	v4 =	vld [tilespmem:s26+$0x0];
	_ =	sdelay $0x3  }
0x7db: {  	(xrf0) =	vadd.scan.msk.s32 $0xffff, v3  }
0x7dc: {  	(xrf0) =	vadd.scan.msk.s32 $0xffff, v4;
	_ =	sdelay $0x4  }
0x7dd: {  	v4, _, _ =	vpop (xrf0)  }
0x7de: {  	s17 =	spop (v2sf);
	(v2sf) =	vpush v4, $0xF;
	v4, _, _ =	vpop (xrf0)  }
0x7df: {  	s28 =	simm.s32 $0x10030;
	(v2sf) =	vpush v4, $0xF  }
0x7e0: {  	v3 =	vld [tilespmem:s28+$0x0];
	_ =	sdelay $0x1  }
0x7e1: {  	s7 =	simm.s32 $0xFFFFFFFF  }
0x7e2: {  	s15 =	simm.s32 $0x1;
	s12 =	simm.s32 $0x2;
	s9 =	simm.s32 $0x3  }
0x7e3: {  	s8 =	simm.s32 $0x4;
	s13 =	simm.s32 $0x5;
	s10 =	simm.s32 $0xFFFFFFFF  }
0x7e4: {  	s14 =	simm.s32 $0xFFFFFFFF;
	s16 =	simm.s32 $0x0;
	s6 =	simm.s32 $0x10040;
	(xrf0) =	vadd.scan.msk.s32 $0xffff, v3  }
0x7e5: {  	s11 =	simm.s32 $0x0;
	v3 =	vld [tilespmem:s6+$0x0];
	p1 =	sle.s32 s17, $0xFFFFFFFF;
	p2 =	sgt.s32 s17, $0xFFFFFFFF  }
.LBB2_52:
0x7e6: {  	p0 =	sne.s32 s13, $0x63;
	p1 =	por !p1, !p2;
	s18 =	smov.u32 s12  }
0x7e7: {  	s12 =	smov.u32 s9;
	s9 =	smov.u32 s8;
	s8 =	smov.u32 s13  }
0x7e8: {  	p2 =	sgt.s32 s17, s10;
	p1 =	por !p1, !p1  }
.Ltmp25:
0x7e9: {  	s14 =	smov.u32 @p1 s17;
	s5 =	smov.u32 @p1 s16;
	(pc) =	sbr.rel @p0 .LBB2_52-.Ltmp25, $4  }
0x7ea: {  	v4, _, _ =	vpop (xrf0);
	s14 =	smov.u32 @p2 s10;
	s5 =	smov.u32 @p2 s11  }
0x7eb: {  	s10 =	smov.u32 @p2 s17;
	s11 =	smov.u32 @p2 s16;
	s16 =	smov.u32 s15;
	(xrf0) =	vadd.scan.msk.s32 $0xffff, v3;
	(v2sf) =	vpush v4, $0xF  }
0x7ec: {  	s6 =	sadd.s32 $0x10, s6;
	s15 =	smov.u32 s18;
	s17 =	spop (v2sf)  }
0x7ed: {  	s13 =	sadd.s32 $0x1, s13;
	v3 =	vld [tilespmem:s6+$0x0];
	p1 =	sle.s32 s17, s10;
	p2 =	sgt.s32 s17, s14  }
0x7ee: {  	_ =	sdelay $0x2  }
0x7ef: {  	s6 =	simm.s32 $0x0  }
0x7f0: {  	s13 =	sand.u32 $0x7F0, s6;
	(xrf0) =	vadd.scan.msk.s32 $0xffff, v3  }
0x7f1: {  	v3 =	vld [tilespmem:s13+$0x10800];
	_ =	sdelay $0x2  }
0x7f2: {  	v4, _, _ =	vpop (xrf0)  }
0x7f3: {  	p0 =	por !p1, !p2;
	(v2sf) =	vpush v4, $0xF  }
0x7f4: {  	p1 =	por !p0, !p0;
	v4, _, _ =	vpop (xrf0);
	(xrf0) =	vadd.scan.msk.s32 $0xffff, v3  }
0x7f5: {  	p0 =	sgt.s32 s17, s10;
	s14 =	smov.u32 @p1 s17  }
0x7f6: {  	s14 =	smov.u32 @p0 s10;
	s10 =	smov.u32 @p0 s17;
	s17 =	spop (v2sf)  }
0x7f7: {  	s23 =	simm.s32 $0x10;
	p5 =	sle.s32 s17, s10;
	p3 =	sgt.s32 s17, s14  }
0x7f8: {  	s24 =	simm.s32 $0x20;
	s5 =	smov.u32 @p1 s16;
	p2 =	por !p5, !p3  }
0x7f9: {  	s5 =	smov.u32 @p0 s11;
	s11 =	smov.u32 @p0 s16;
	p3 =	por !p2, !p2;
	(v2sf) =	vpush v4, $0xF  }
0x7fa: {  	p2 =	sgt.s32 s17, s10;
	s14 =	smov.u32 @p3 s17;
	s5 =	smov.u32 @p3 s15;
	v3, _, _ =	vpop (xrf0)  }
0x7fb: {  	s14 =	smov.u32 @p2 s10;
	s10 =	smov.u32 @p2 s17;
	s17 =	spop (v2sf);
	(v2sf) =	vpush v3, $0xF  }
0x7fc: {  	s5 =	smov.u32 @p2 s11;
	s11 =	smov.u32 @p2 s15;
	s15 =	sand.u32 $0x7F0, s23  }
0x7fd: {  	s16 =	sand.u32 $0x7F0, s24;
	v3 =	vld [tilespmem:s15+$0x10800]  }
0x7fe: {  	v4 =	vld [tilespmem:s16+$0x10800];
	p6 =	sle.s32 s17, s10;
	p4 =	sgt.s32 s17, s14  }
0x7ff: {  	p1 =	por !p6, !p4  }
0x800: {  	p1 =	por !p1, !p1  }
0x801: {  	p0 =	sgt.s32 s17, s10;
	s14 =	smov.u32 @p1 s17  }
0x802: {  	s14 =	smov.u32 @p0 s10;
	s10 =	smov.u32 @p0 s17;
	s17 =	spop (v2sf);
	(xrf0) =	vadd.scan.msk.s32 $0xffff, v3  }
0x803: {  	p3 =	sle.s32 s17, s10;
	p4 =	sgt.s32 s17, s14;
	(xrf0) =	vadd.scan.msk.s32 $0xffff, v4  }
0x804: {  	p2 =	por !p3, !p4  }
0x805: {  	s5 =	smov.u32 @p1 s12;
	p1 =	por !p2, !p2  }
0x806: {  	p2 =	sgt.s32 s17, s10;
	s14 =	smov.u32 @p1 s17  }
0x807: {  	s26 =	simm.s32 $0x30;
	s5 =	smov.u32 @p0 s11;
	s14 =	smov.u32 @p2 s10  }
0x808: {  	s10 =	smov.u32 @p2 s17;
	s17 =	sand.u32 $0x7F0, s26;
	s25 =	spop (v2sf);
	v4, _, _ =	vpop (xrf0)  }
0x809: {  	s5 =	smov.u32 @p1 s9;
	v3 =	vld [tilespmem:s17+$0x10800];
	p5 =	sle.s32 s25, s10;
	(v2sf) =	vpush v4, $0xF;
	v4, _, _ =	vpop (xrf0)  }
0x80a: {  	p6 =	sgt.s32 s25, s14;
	p1 =	sgt.s32 s25, s10;
	s25 =	spop (v2sf);
	(v2sf) =	vpush v4, $0xF  }
0x80b: {  	s28 =	simm.s32 $0x40;
	s22 =	simm.s32 $0x0;
	s20 =	simm.s32 $0x1  }
0x80c: {  	s21 =	simm.s32 $0x2;
	s19 =	simm.s32 $0x3;
	s18 =	simm.s32 $0x4  }
0x80d: {  	s24 =	simm.s32 $0x50;
	s23 =	simm.s32 $0x5;
	s11 =	smov.u32 @p0 s12  }
0x80e: {  	s12 =	simm.s32 $0x0;
	s14 =	sand.u32 $0x7F0, s28;
	p0 =	por !p5, !p6;
	(xrf0) =	vadd.scan.msk.s32 $0xffff, v3  }
0x80f: {  	s5 =	smov.u32 @p2 s11;
	s11 =	smov.u32 @p2 s9;
	p0 =	por !p0, !p0;
	v3 =	vld [tilespmem:s14+$0x10800]  }
0x810: {  	s9 =	simm.s32 $0x3;
	s10 =	simm.s32 $0x2;
	s5 =	smov.u32 @p0 s8  }
0x811: {  	s8 =	simm.s32 $0x4;
	s5 =	smov.u32 @p1 s11;
	s11 =	simm.s32 $0x1  }
.LBB2_54:
0x812: {  	s26 =	sand.u32 $0x7F0, s24  }
0x813: {  	p1 =	sgt.s32 s25, s7;
	s28 =	smov.u32 s23;
	p0 =	sne.s32 s23, $0x63  }
.Ltmp26:
0x814: {  	s23 =	sadd.s32 $0x1, s23;
	(xrf0) =	vadd.scan.msk.s32 $0xffff, v3;
	v4, _, _ =	vpop (xrf0);
	s7 =	smov.u32 @p1 s25;
	(pc) =	sbr.rel @p0 .LBB2_54-.Ltmp26, $4  }
0x815: {  	s12 =	smov.u32 @p1 s22;
	s22 =	smov.u32 s20;
	s20 =	smov.u32 s21;
	v3 =	vld [tilespmem:s26+$0x10800];
	(v2sf) =	vpush v4, $0xF  }
0x816: {  	s21 =	smov.u32 s19;
	s19 =	smov.u32 s18;
	s18 =	smov.u32 s28  }
0x817: {  	_ = 	snop  }
0x818: {  	s24 =	sadd.s32 $0x10, s24;
	s25 =	spop (v2sf)  }
0x819: {  	_ = 	snop  }
0x81a: {  	v4 =	vld [tilespmem:s13+$0x11000];
	_ =	sdelay $0x3  }
0x81b: {  	(xrf0) =	vadd.scan.msk.s32 $0xffff, v3  }
0x81c: {  	(xrf0) =	vadd.scan.msk.s32 $0xffff, v4;
	_ =	sdelay $0x3  }
0x81d: {  	v3, _, _ =	vpop (xrf0)  }
0x81e: {  	(v2sf) =	vpush v3, $0xF;
	v3, _, _ =	vpop (xrf0)  }
0x81f: {  	(v2sf) =	vpush v3, $0xF;
	v3, _, _ =	vpop (xrf0)  }
0x820: {  	(v2sf) =	vpush v3, $0xF;
	v3 =	vld [tilespmem:s15+$0x11000]  }
0x821: {  	v4 =	vld [tilespmem:s16+$0x11000];
	_ =	sdelay $0x3  }
0x822: {  	(xrf0) =	vadd.scan.msk.s32 $0xffff, v3  }
0x823: {  	(xrf0) =	vadd.scan.msk.s32 $0xffff, v4;
	_ =	sdelay $0x4  }
0x824: {  	p0 =	sgt.s32 s25, s7;
	v4, _, _ =	vpop (xrf0)  }
0x825: {  	s13 =	spop (v2sf);
	s7 =	smov.u32 @p0 s25;
	v3 =	vld [tilespmem:s17+$0x11000];
	(v2sf) =	vpush v4, $0xF;
	v4, _, _ =	vpop (xrf0)  }
0x826: {  	s12 =	smov.u32 @p0 s22;
	p0 =	sgt.s32 s13, s7;
	s15 =	spop (v2sf);
	(v2sf) =	vpush v4, $0xF  }
0x827: {  	s7 =	smov.u32 @p0 s13  }
0x828: {  	s12 =	smov.u32 @p0 s20;
	p0 =	sgt.s32 s15, s7  }
0x829: {  	s7 =	smov.u32 @p0 s15;
	s13 =	spop (v2sf)  }
0x82a: {  	s12 =	smov.u32 @p0 s21;
	s15 =	simm.s32 $0x5;
	p0 =	sgt.s32 s13, s7;
	(xrf0) =	vadd.scan.msk.s32 $0xffff, v3  }
0x82b: {  	s7 =	smov.u32 @p0 s13;
	s12 =	smov.u32 @p0 s19;
	s28 =	spop (v2sf);
	v3 =	vld [tilespmem:s14+$0x11000]  }
0x82c: {  	s13 =	simm.s32 $0x0;
	p0 =	sgt.s32 s28, s7;
	s7 =	simm.s32 $0xFFFFFFFF  }
0x82d: {  	s14 =	simm.s32 $0x50;
	s12 =	smov.u32 @p0 s18;
	s16 =	spop (v2sf)  }
.LBB2_56:
0x82e: {  	s17 =	sand.u32 $0x7F0, s14  }
0x82f: {  	p1 =	sgt.s32 s16, s7;
	s18 =	smov.u32 s15;
	p0 =	sne.s32 s15, $0x63  }
.Ltmp27:
0x830: {  	s15 =	sadd.s32 $0x1, s15;
	(xrf0) =	vadd.scan.msk.s32 $0xffff, v3;
	v4, _, _ =	vpop (xrf0);
	s7 =	smov.u32 @p1 s16;
	(pc) =	sbr.rel @p0 .LBB2_56-.Ltmp27, $4  }
0x831: {  	s6 =	smov.u32 @p1 s13;
	s13 =	smov.u32 s11;
	s11 =	smov.u32 s10;
	v3 =	vld [tilespmem:s17+$0x11000];
	(v2sf) =	vpush v4, $0xF  }
0x832: {  	s10 =	smov.u32 s9;
	s9 =	smov.u32 s8;
	s8 =	smov.u32 s18  }
0x833: {  	_ = 	snop  }
0x834: {  	s14 =	sadd.s32 $0x10, s14;
	s16 =	spop (v2sf)  }
0x835: {  	_ = 	snop  }
0x836: {  	(xrf0) =	vadd.scan.msk.s32 $0xffff, v3;
	_ =	sdelay $0x3  }
0x837: {  	v3, _, _ =	vpop (xrf0)  }
0x838: {  	(v2sf) =	vpush v3, $0xF  }
0x839: {  	v3, _, _ =	vpop (xrf0)  }
0x83a: {  	(v2sf) =	vpush v3, $0xF;
	_ =	sdelay $0x7  }
0x83b: {  	p0 =	sgt.s32 s16, s7  }
0x83c: {  	s14 =	spop (v2sf);
	s7 =	smov.u32 @p0 s16  }
0x83d: {  	s6 =	smov.u32 @p0 s13;
	p0 =	sgt.s32 s14, s7  }
0x83e: {  	s7 =	smov.u32 @p0 s14;
	s13 =	spop (v2sf)  }
0x83f: {  	s6 =	smov.u32 @p0 s11;
	p0 =	sgt.s32 s13, s7  }
0x840: {  	s7 =	smov.u32 @p0 s13;
	s11 =	spop (v2sf)  }
0x841: {  	s6 =	smov.u32 @p0 s10;
	p0 =	sgt.s32 s11, s7  }
0x842: {  	s7 =	smov.u32 @p0 s11;
	s23 =	spop (v2sf)  }
0x843: {  	s6 =	smov.u32 @p0 s9;
	p0 =	sgt.s32 s23, s7  }
0x844: {  	s6 =	smov.u32 @p0 s8  }
0x845: {  	v3 =	vmov s6  }
0x846: {  	v4 =	vmov s12;
	v3 =	vcvt.s32.f32 v3  }
0x847: {  	v4 =	vcvt.s32.f32 v4  }
0x848: {  	v3 =	vadd.f32 $5.000000000e-01, v3  }
0x849: {  	v4 =	vadd.f32 $5.000000000e-01, v4  }
0x84a: {  	v3 =	vmul.f32 $2.549999950e+00, v3  }
0x84b: {  	v5 =	vmov s5;
	v4 =	vmul.f32 $2.549999950e+00, v4  }
0x84c: {  	v5 =	vcvt.s32.f32 v5;
	v3 =	vadd.f32 $-1.280000000e+02, v3  }
0x84d: {  	v4 =	vadd.f32 $-1.280000000e+02, v4  }
0x84e: {  	v5 =	vadd.f32 $5.000000000e-01, v5;
	v3 =	vsel vm0, $0x0, v3  }
0x84f: {  	vm2 =	vmmov $0x1;
	v3 =	vsel vm1, v3, v4  }
0x850: {  	v3 =	vsel vm2, v5, v3  }
0x851: {  	s24 =	simm.s32 $0x0;
	s25 =	rddreg [dreg:$0x17];
	s26 =	simm.s32 $0x11800;
	[tilespmem:$0x11800] =	vst v3  }
0x852: {  	[hbm4b:s25+s24] =	stream.linear.scatter [tilespmem:s26], [sflag:$0x3], $0x80, $0x38;
	[tilespmem:$0x11880] =	vst v63  }
0x853: {  	_ =	swait.ge [sflag:s2], $0x80  }
0x854: {  	s4 =	sadd.s32 $0x1, s4;
	s28 =	rddreg [dreg:$0x18]  }
0x855: {  	p0 =	sne.s32 s4, s28  }
.Ltmp28:
0x856: {  	_ = 	snop;
	(pc) =	sbr.rel @p0 .LBB2_1-.Ltmp28, $3  }
0x857: {  	_ =	sdelay $0x1  }
0x858: {  	[sflag:s2] =	ssyncset.done $0x0  }
0x859: {  	[sflag:s2] =	ssyncadd.s32 $0xFFFFFF80  }
0x85a: {  	_ =	sfence.sel $0x180000  }
0x85b: {  	[bflag:$0x0] =	sbarrier.arrive $0xFFFF  }
0x85c: {  	_ =	strace $0x90000047  }
0x85d: {  	s0 =	stileid.u32;
	[bflag:$0x2] =	sbarrier.arrive $0xFFFF  }
0x85e: {  	p0 =	sne.s32 s0, $0x0;
	s0 =	rddreg [dreg:$0x2]  }
0x85f: {  	s0 =	sadd.s32 @!p0 $0x100000, s0  }
0x860: {  	[sflag:s0] =	ssyncadd.tile.s32 @!p0 $0x1;
	_ =	shalt  }
.Lfunc_end2:
_tile_overlayer_lowered:
.L_overlay_start_2:
0x861: {  	(tag) =	ssettag $0x2  }
0x862: {  	s0 =	rddreg [dreg:$0x0];
	s2 =	stileid.u32  }
0x863: {  	s1 =	rddreg [dreg:$0x1];
	p0 =	sne.s32 s2, $0x0  }
0x864: {  	s3 =	rddreg [dreg:$0x2];
	[bflag:$0x3] =	sbarrier.arrive $0xFFFF;
	s2 =	simm.s32 @!p0 $0x1C03  }
0x865: {  	[timem:s3], [sflag:s2] =	dma.local @!p0 [hbm:s0], s1  }
0x866: {  	s0 =	simm.s32 @!p0 $0x3  }
0x867: {  	_ =	swait.ge @!p0 [sflag:s0], s1  }
0x868: {  	s1 =	ssub.s32 @!p0 $0x0, s1;
	[sflag:s0] =	ssyncset.done @!p0 $0x0  }
0x869: {  	[sflag:s0] =	ssyncadd.s32 @!p0 s1  }
0x86a: {  	[bflag:$0x3] =	sbarrier.arrive $0xFFFF  }
0x86b: {  	_ =	shalt  }

</sc_bundles>
